<compile_context>
chip_gen: v7x
topology: tpu7x:2x2x1
jax: 0.10.2.dev20260603
libtpu: 0.0.44.dev20260713+nightly
codegen_flags: <defaults>
</compile_context>

<pallas_src>
import jax
import jax.numpy as jnp
from jax import lax
from jax.experimental import pallas as pl
from jax.experimental.pallas import tpu as pltpu
from jax.experimental.pallas import tpu_sc as plsc

_D = 128
_T = 8192
_H = 8
_VOCAB = 100000
_TOTAL = _H * _VOCAB
_B = _T * _H
_NC, _NS = 2, 16
_NW = _NC * _NS
_BPW = _B // _NW
_CH = 128
_NCHUNK = _BPW // _CH
_NBUF = 6
_LAG = 4


def _engram_body(ids_hbm, table_hbm, out_hbm, idx_v, rows_v, *sems):
    wid = lax.axis_index("s") * _NC + lax.axis_index("c")
    base = wid * _BPW

    pltpu.sync_copy(ids_hbm.at[pl.ds(wid * _NCHUNK, _NCHUNK)], idx_v)

    off_vec = (lax.iota(jnp.int32, 16) & (_H - 1)) * _VOCAB

    gh = [None] * _NCHUNK
    wh = [None] * _NCHUNK
    for j in range(_NCHUNK):
        b = j % _NBUF
        if j >= _NBUF:
            wh[j - _NBUF].wait()
        for i in range(_CH // 16):
            sl = pl.ds(i * 16, 16)
            v = idx_v[j, sl] + off_vec
            idx_v[j, sl] = jnp.minimum(jnp.maximum(v, 0), _TOTAL - 1)
        gh[j] = pltpu.async_copy(table_hbm.at[idx_v.at[j]], rows_v.at[b], sems[b])
        jd = j - _LAG
        if jd >= 0:
            gh[jd].wait()
            wh[jd] = pltpu.async_copy(
                rows_v.at[jd % _NBUF],
                out_hbm.at[pl.ds(base + jd * _CH, _CH)],
                sems[jd % _NBUF],
            )
    for jd in range(_NCHUNK - _LAG, _NCHUNK):
        gh[jd].wait()
        wh[jd] = pltpu.async_copy(
            rows_v.at[jd % _NBUF],
            out_hbm.at[pl.ds(base + jd * _CH, _CH)],
            sems[jd % _NBUF],
        )
    for jd in range(_NCHUNK - _NBUF, _NCHUNK):
        wh[jd].wait()


def kernel(input_ids, table):
    ids2d = input_ids.reshape(_B // _CH, _CH)
    mesh = plsc.VectorSubcoreMesh(core_axis_name="c", subcore_axis_name="s")
    out = pl.kernel(
        _engram_body,
        out_type=jax.ShapeDtypeStruct((_B, _D), jnp.float32),
        mesh=mesh,
        scratch_types=[
            pltpu.VMEM((_NCHUNK, _CH), jnp.int32),
            pltpu.VMEM((_NBUF, _CH, _D), jnp.float32),
        ] + [pltpu.SemaphoreType.DMA] * _NBUF,
    )(ids2d, table)
    return out.reshape(_T, _H, _D)

# --- scband reference (transcript-rebuilt; emitter-appended) ---
"""Pipeline reference for scband-engram-36112085025012 (READ-ONLY COPY).

The authoritative reference and input builder live on the scoring server;
editing this copy changes nothing except your own understanding.
"""

import jax, jax.numpy as jnp
import numpy as np

LIST_OF_N = [100000] * 8
D = 128
TOTAL_N = sum(LIST_OF_N)
T = 8192
NUM_HEADS = len(LIST_OF_N)


def setup_inputs(seed: int = 0) -> dict:
    key = jax.random.key(seed)
    k1, k2 = jax.random.split(key)
    input_ids = jax.random.randint(k1, (T, NUM_HEADS), 0, 100000, dtype=jnp.int32)
    table = jax.random.normal(k2, (TOTAL_N, D), dtype=jnp.float32)
    return {"input_ids": input_ids, "table": table}


def reference(input_ids, table):
    # per-head offsets: cumulative sums of vocab sizes, starting at 0
    offs = [0]
    for n in LIST_OF_N[:-1]:
        offs.append(offs[-1] + n)
    offsets = jnp.asarray(offs, dtype=input_ids.dtype)  # [num_heads]
    shifted = input_ids + offsets  # [T, num_heads]
    shifted = jnp.clip(shifted, 0, TOTAL_N - 1)
    out = jnp.take(table, shifted, axis=0)  # [T, num_heads, D]
    return out

if __name__ == "__main__":
    import jax
    _d = setup_inputs()
    print(jax.jit(kernel)(*tuple(_d.values())))

</pallas_src>

<mosaic_0001>
#map = affine_map<(d0, d1) -> (0, 0)>
module attributes {stable_mosaic.version = 14 : i64} {
  func.func @_engram_body(%arg0: i32, %arg1: i32, %arg2: memref<512x128xi32, #tpu.memory_space<hbm>>, %arg3: memref<800000x128xf32, #tpu.memory_space<hbm>>, %arg4: memref<65536x128xf32, #tpu.memory_space<hbm>>, %arg5: memref<16x128xi32, #tpu.memory_space<vmem>>, %arg6: memref<6x128x128xf32, #tpu.memory_space<vmem>>, %arg7: memref<!tpu.dma_semaphore, #tpu.memory_space<semaphore_mem>>, %arg8: memref<!tpu.dma_semaphore, #tpu.memory_space<semaphore_mem>>, %arg9: memref<!tpu.dma_semaphore, #tpu.memory_space<semaphore_mem>>, %arg10: memref<!tpu.dma_semaphore, #tpu.memory_space<semaphore_mem>>, %arg11: memref<!tpu.dma_semaphore, #tpu.memory_space<semaphore_mem>>, %arg12: memref<!tpu.dma_semaphore, #tpu.memory_space<semaphore_mem>>) attributes {dimension_semantics = [#tpu.dimension_semantics<core_parallel>, #tpu.dimension_semantics<subcore_parallel>], iteration_bounds = array<i64: 2, 16>, scalar_prefetch = 0 : i64, scratch_operands = 8 : i64, tpu.core_type = #tpu.core_type<sc_vector_subcore>, window_params = [{transform_indices = #map}, {transform_indices = #map}, {transform_indices = #map}]} {
    %mul3A = arith.constant 2 : i32
    %mul3A_0 = arith.muli %arg1, %mul3A : i32
    %add3A = arith.addi %mul3A_0, %arg0 : i32
    %mul3A_1 = arith.constant 2048 : i32
    %mul3A_2 = arith.muli %add3A, %mul3A_1 : i32
    %mul3A_3 = arith.constant 16 : i32
    %mul3A_4 = arith.muli %add3A, %mul3A_3 : i32
    "tpu.region"() ({
      %run_scoped3A = tpu.sem_alloc : memref<!tpu.dma_semaphore, #tpu.memory_space<semaphore_mem>>
      %dma_start3A_3140 = arith.constant 0 : i32
      %dma_start3A_3141 = tpu.memref_slice %arg2[%mul3A_4, %dma_start3A_3140] : memref<512x128xi32, #tpu.memory_space<hbm>> -> memref<16x128xi32, #tpu.memory_space<hbm>>
      %dma_start3A_3142 = arith.constant 0 : i32
      %dma_start3A_3143 = tpu.memref_slice %arg2[%mul3A_4, %dma_start3A_3142] : memref<512x128xi32, #tpu.memory_space<hbm>> -> memref<16x128xi32, #tpu.memory_space<hbm>>
      tpu.enqueue_dma source(%dma_start3A_3143 : memref<16x128xi32, #tpu.memory_space<hbm>>) target(%arg5 : memref<16x128xi32, #tpu.memory_space<vmem>>) target_semaphore(%run_scoped3A : memref<!tpu.dma_semaphore, #tpu.memory_space<semaphore_mem>>)
      %dma_wait3A_3144 = arith.constant 0 : i32
      %dma_wait3A_3145 = tpu.memref_slice %arg2[%mul3A_4, %dma_wait3A_3144] : memref<512x128xi32, #tpu.memory_space<hbm>> -> memref<16x128xi32, #tpu.memory_space<hbm>>
      %dma_wait3A_3146 = arith.constant 0 : i32
      %dma_wait3A_3147 = tpu.memref_slice %arg2[%mul3A_4, %dma_wait3A_3146] : memref<512x128xi32, #tpu.memory_space<hbm>> -> memref<16x128xi32, #tpu.memory_space<hbm>>
      tpu.wait_dma2 semaphore(%run_scoped3A : memref<!tpu.dma_semaphore, #tpu.memory_space<semaphore_mem>>) src(%dma_wait3A_3147 : memref<16x128xi32, #tpu.memory_space<hbm>>) dst(%arg5 : memref<16x128xi32, #tpu.memory_space<vmem>>)
      tpu.yield
    }) : () -> ()
    %iota3A = tpu.iota {dimensions = array<i32: 0>} : vector<16xi32>
    %and3A = arith.constant 7 : i32
    %and3A_5 = vector.broadcast %and3A : i32 to vector<16xi32>
    %and3A_6 = arith.andi %iota3A, %and3A_5 : vector<16xi32>
    %mul3A_7 = arith.constant 100000 : i32
    %mul3A_8 = vector.broadcast %mul3A_7 : i32 to vector<16xi32>
    %mul3A_9 = arith.muli %and3A_6, %mul3A_8 : vector<16xi32>
    %get3A = arith.constant 0 : i32
    %get3A_10 = arith.index_cast %get3A : i32 to index
    %get3A_11 = arith.constant 0 : index
    %get3A_12 = tpu.vector_load %arg5[%get3A_10, %get3A_11] {strides = array<i32>} : memref<16x128xi32, #tpu.memory_space<vmem>>, vector<1x16xi32>,
    %get3A_13 = vector.shape_cast %get3A_12 : vector<1x16xi32> to vector<16xi32>
    %add3A_14 = arith.addi %get3A_13, %mul3A_9 : vector<16xi32>
    %max3A = arith.constant 0 : i32
    %max3A_15 = vector.broadcast %max3A : i32 to vector<16xi32>
    %max3A_16 = arith.maxsi %add3A_14, %max3A_15 : vector<16xi32>
    %min3A = arith.constant 799999 : i32
    %min3A_17 = vector.broadcast %min3A : i32 to vector<16xi32>
    %min3A_18 = arith.minsi %max3A_16, %min3A_17 : vector<16xi32>
    %swap3A = arith.constant 0 : i32
    %swap3A_19 = arith.index_cast %swap3A : i32 to index
    %swap3A_20 = arith.constant 0 : index
    %swap3A_21 = tpu.vector_load %arg5[%swap3A_19, %swap3A_20] {strides = array<i32>} : memref<16x128xi32, #tpu.memory_space<vmem>>, vector<1x16xi32>,
    %swap3A_22 = vector.shape_cast %swap3A_21 : vector<1x16xi32> to vector<16xi32>
    %swap3A_23 = vector.shape_cast %min3A_18 : vector<16xi32> to vector<1x16xi32>
    tpu.vector_store %arg5[%swap3A_19, %swap3A_20], %swap3A_23 {strides = array<i32>} : memref<16x128xi32, #tpu.memory_space<vmem>>, vector<1x16xi32>,
    %get3A_24 = arith.constant 0 : i32
    %get3A_25 = arith.index_cast %get3A_24 : i32 to index
    %get3A_26 = arith.constant 16 : index
    %get3A_27 = tpu.vector_load %arg5[%get3A_25, %get3A_26] {strides = array<i32>} : memref<16x128xi32, #tpu.memory_space<vmem>>, vector<1x16xi32>,
    %get3A_28 = vector.shape_cast %get3A_27 : vector<1x16xi32> to vector<16xi32>
    %add3A_29 = arith.addi %get3A_28, %mul3A_9 : vector<16xi32>
    %max3A_30 = arith.constant 0 : i32
    %max3A_31 = vector.broadcast %max3A_30 : i32 to vector<16xi32>
    %max3A_32 = arith.maxsi %add3A_29, %max3A_31 : vector<16xi32>
    %min3A_33 = arith.constant 799999 : i32
    %min3A_34 = vector.broadcast %min3A_33 : i32 to vector<16xi32>
    %min3A_35 = arith.minsi %max3A_32, %min3A_34 : vector<16xi32>
    %swap3A_36 = arith.constant 0 : i32
    %swap3A_37 = arith.index_cast %swap3A_36 : i32 to index
    %swap3A_38 = arith.constant 16 : index
    %swap3A_39 = tpu.vector_load %arg5[%swap3A_37, %swap3A_38] {strides = array<i32>} : memref<16x128xi32, #tpu.memory_space<vmem>>, vector<1x16xi32>,
    %swap3A_40 = vector.shape_cast %swap3A_39 : vector<1x16xi32> to vector<16xi32>
    %swap3A_41 = vector.shape_cast %min3A_35 : vector<16xi32> to vector<1x16xi32>
    tpu.vector_store %arg5[%swap3A_37, %swap3A_38], %swap3A_41 {strides = array<i32>} : memref<16x128xi32, #tpu.memory_space<vmem>>, vector<1x16xi32>,
    %get3A_42 = arith.constant 0 : i32
    %get3A_43 = arith.index_cast %get3A_42 : i32 to index
    %get3A_44 = arith.constant 32 : index
    %get3A_45 = tpu.vector_load %arg5[%get3A_43, %get3A_44] {strides = array<i32>} : memref<16x128xi32, #tpu.memory_space<vmem>>, vector<1x16xi32>,
    %get3A_46 = vector.shape_cast %get3A_45 : vector<1x16xi32> to vector<16xi32>
    %add3A_47 = arith.addi %get3A_46, %mul3A_9 : vector<16xi32>
    %max3A_48 = arith.constant 0 : i32
    %max3A_49 = vector.broadcast %max3A_48 : i32 to vector<16xi32>
    %max3A_50 = arith.maxsi %add3A_47, %max3A_49 : vector<16xi32>
    %min3A_51 = arith.constant 799999 : i32
    %min3A_52 = vector.broadcast %min3A_51 : i32 to vector<16xi32>
    %min3A_53 = arith.minsi %max3A_50, %min3A_52 : vector<16xi32>
    %swap3A_54 = arith.constant 0 : i32
    %swap3A_55 = arith.index_cast %swap3A_54 : i32 to index
    %swap3A_56 = arith.constant 32 : index
    %swap3A_57 = tpu.vector_load %arg5[%swap3A_55, %swap3A_56] {strides = array<i32>} : memref<16x128xi32, #tpu.memory_space<vmem>>, vector<1x16xi32>,
    %swap3A_58 = vector.shape_cast %swap3A_57 : vector<1x16xi32> to vector<16xi32>
    %swap3A_59 = vector.shape_cast %min3A_53 : vector<16xi32> to vector<1x16xi32>
    tpu.vector_store %arg5[%swap3A_55, %swap3A_56], %swap3A_59 {strides = array<i32>} : memref<16x128xi32, #tpu.memory_space<vmem>>, vector<1x16xi32>,
    %get3A_60 = arith.constant 0 : i32
    %get3A_61 = arith.index_cast %get3A_60 : i32 to index
    %get3A_62 = arith.constant 48 : index
    %get3A_63 = tpu.vector_load %arg5[%get3A_61, %get3A_62] {strides = array<i32>} : memref<16x128xi32, #tpu.memory_space<vmem>>, vector<1x16xi32>,
    %get3A_64 = vector.shape_cast %get3A_63 : vector<1x16xi32> to vector<16xi32>
    %add3A_65 = arith.addi %get3A_64, %mul3A_9 : vector<16xi32>
    %max3A_66 = arith.constant 0 : i32
    %max3A_67 = vector.broadcast %max3A_66 : i32 to vector<16xi32>
    %max3A_68 = arith.maxsi %add3A_65, %max3A_67 : vector<16xi32>
    %min3A_69 = arith.constant 799999 : i32
    %min3A_70 = vector.broadcast %min3A_69 : i32 to vector<16xi32>
    %min3A_71 = arith.minsi %max3A_68, %min3A_70 : vector<16xi32>
    %swap3A_72 = arith.constant 0 : i32
    %swap3A_73 = arith.index_cast %swap3A_72 : i32 to index
    %swap3A_74 = arith.constant 48 : index
    %swap3A_75 = tpu.vector_load %arg5[%swap3A_73, %swap3A_74] {strides = array<i32>} : memref<16x128xi32, #tpu.memory_space<vmem>>, vector<1x16xi32>,
    %swap3A_76 = vector.shape_cast %swap3A_75 : vector<1x16xi32> to vector<16xi32>
    %swap3A_77 = vector.shape_cast %min3A_71 : vector<16xi32> to vector<1x16xi32>
    tpu.vector_store %arg5[%swap3A_73, %swap3A_74], %swap3A_77 {strides = array<i32>} : memref<16x128xi32, #tpu.memory_space<vmem>>, vector<1x16xi32>,
    %get3A_78 = arith.constant 0 : i32
    %get3A_79 = arith.index_cast %get3A_78 : i32 to index
    %get3A_80 = arith.constant 64 : index
    %get3A_81 = tpu.vector_load %arg5[%get3A_79, %get3A_80] {strides = array<i32>} : memref<16x128xi32, #tpu.memory_space<vmem>>, vector<1x16xi32>,
    %get3A_82 = vector.shape_cast %get3A_81 : vector<1x16xi32> to vector<16xi32>
    %add3A_83 = arith.addi %get3A_82, %mul3A_9 : vector<16xi32>
    %max3A_84 = arith.constant 0 : i32
    %max3A_85 = vector.broadcast %max3A_84 : i32 to vector<16xi32>
    %max3A_86 = arith.maxsi %add3A_83, %max3A_85 : vector<16xi32>
    %min3A_87 = arith.constant 799999 : i32
    %min3A_88 = vector.broadcast %min3A_87 : i32 to vector<16xi32>
    %min3A_89 = arith.minsi %max3A_86, %min3A_88 : vector<16xi32>
    %swap3A_90 = arith.constant 0 : i32
    %swap3A_91 = arith.index_cast %swap3A_90 : i32 to index
    %swap3A_92 = arith.constant 64 : index
    %swap3A_93 = tpu.vector_load %arg5[%swap3A_91, %swap3A_92] {strides = array<i32>} : memref<16x128xi32, #tpu.memory_space<vmem>>, vector<1x16xi32>,
    %swap3A_94 = vector.shape_cast %swap3A_93 : vector<1x16xi32> to vector<16xi32>
    %swap3A_95 = vector.shape_cast %min3A_89 : vector<16xi32> to vector<1x16xi32>
    tpu.vector_store %arg5[%swap3A_91, %swap3A_92], %swap3A_95 {strides = array<i32>} : memref<16x128xi32, #tpu.memory_space<vmem>>, vector<1x16xi32>,
    %get3A_96 = arith.constant 0 : i32
    %get3A_97 = arith.index_cast %get3A_96 : i32 to index
    %get3A_98 = arith.constant 80 : index
    %get3A_99 = tpu.vector_load %arg5[%get3A_97, %get3A_98] {strides = array<i32>} : memref<16x128xi32, #tpu.memory_space<vmem>>, vector<1x16xi32>,
    %get3A_100 = vector.shape_cast %get3A_99 : vector<1x16xi32> to vector<16xi32>
    %add3A_101 = arith.addi %get3A_100, %mul3A_9 : vector<16xi32>
    %max3A_102 = arith.constant 0 : i32
    %max3A_103 = vector.broadcast %max3A_102 : i32 to vector<16xi32>
    %max3A_104 = arith.maxsi %add3A_101, %max3A_103 : vector<16xi32>
    %min3A_105 = arith.constant 799999 : i32
    %min3A_106 = vector.broadcast %min3A_105 : i32 to vector<16xi32>
    %min3A_107 = arith.minsi %max3A_104, %min3A_106 : vector<16xi32>
    %swap3A_108 = arith.constant 0 : i32
    %swap3A_109 = arith.index_cast %swap3A_108 : i32 to index
    %swap3A_110 = arith.constant 80 : index
    %swap3A_111 = tpu.vector_load %arg5[%swap3A_109, %swap3A_110] {strides = array<i32>} : memref<16x128xi32, #tpu.memory_space<vmem>>, vector<1x16xi32>,
    %swap3A_112 = vector.shape_cast %swap3A_111 : vector<1x16xi32> to vector<16xi32>
    %swap3A_113 = vector.shape_cast %min3A_107 : vector<16xi32> to vector<1x16xi32>
    tpu.vector_store %arg5[%swap3A_109, %swap3A_110], %swap3A_113 {strides = array<i32>} : memref<16x128xi32, #tpu.memory_space<vmem>>, vector<1x16xi32>,
    %get3A_114 = arith.constant 0 : i32
    %get3A_115 = arith.index_cast %get3A_114 : i32 to index
    %get3A_116 = arith.constant 96 : index
    %get3A_117 = tpu.vector_load %arg5[%get3A_115, %get3A_116] {strides = array<i32>} : memref<16x128xi32, #tpu.memory_space<vmem>>, vector<1x16xi32>,
    %get3A_118 = vector.shape_cast %get3A_117 : vector<1x16xi32> to vector<16xi32>
    %add3A_119 = arith.addi %get3A_118, %mul3A_9 : vector<16xi32>
    %max3A_120 = arith.constant 0 : i32
    %max3A_121 = vector.broadcast %max3A_120 : i32 to vector<16xi32>
    %max3A_122 = arith.maxsi %add3A_119, %max3A_121 : vector<16xi32>
    %min3A_123 = arith.constant 799999 : i32
    %min3A_124 = vector.broadcast %min3A_123 : i32 to vector<16xi32>
    %min3A_125 = arith.minsi %max3A_122, %min3A_124 : vector<16xi32>
    %swap3A_126 = arith.constant 0 : i32
    %swap3A_127 = arith.index_cast %swap3A_126 : i32 to index
    %swap3A_128 = arith.constant 96 : index
    %swap3A_129 = tpu.vector_load %arg5[%swap3A_127, %swap3A_128] {strides = array<i32>} : memref<16x128xi32, #tpu.memory_space<vmem>>, vector<1x16xi32>,
    %swap3A_130 = vector.shape_cast %swap3A_129 : vector<1x16xi32> to vector<16xi32>
    %swap3A_131 = vector.shape_cast %min3A_125 : vector<16xi32> to vector<1x16xi32>
    tpu.vector_store %arg5[%swap3A_127, %swap3A_128], %swap3A_131 {strides = array<i32>} : memref<16x128xi32, #tpu.memory_space<vmem>>, vector<1x16xi32>,
    %get3A_132 = arith.constant 0 : i32
    %get3A_133 = arith.index_cast %get3A_132 : i32 to index
    %get3A_134 = arith.constant 112 : index
    %get3A_135 = tpu.vector_load %arg5[%get3A_133, %get3A_134] {strides = array<i32>} : memref<16x128xi32, #tpu.memory_space<vmem>>, vector<1x16xi32>,
    %get3A_136 = vector.shape_cast %get3A_135 : vector<1x16xi32> to vector<16xi32>
    %add3A_137 = arith.addi %get3A_136, %mul3A_9 : vector<16xi32>
    %max3A_138 = arith.constant 0 : i32
    %max3A_139 = vector.broadcast %max3A_138 : i32 to vector<16xi32>
    %max3A_140 = arith.maxsi %add3A_137, %max3A_139 : vector<16xi32>
    %min3A_141 = arith.constant 799999 : i32
    %min3A_142 = vector.broadcast %min3A_141 : i32 to vector<16xi32>
    %min3A_143 = arith.minsi %max3A_140, %min3A_142 : vector<16xi32>
    %swap3A_144 = arith.constant 0 : i32
    %swap3A_145 = arith.index_cast %swap3A_144 : i32 to index
    %swap3A_146 = arith.constant 112 : index
    %swap3A_147 = tpu.vector_load %arg5[%swap3A_145, %swap3A_146] {strides = array<i32>} : memref<16x128xi32, #tpu.memory_space<vmem>>, vector<1x16xi32>,
    %swap3A_148 = vector.shape_cast %swap3A_147 : vector<1x16xi32> to vector<16xi32>
    %swap3A_149 = vector.shape_cast %min3A_143 : vector<16xi32> to vector<1x16xi32>
    tpu.vector_store %arg5[%swap3A_145, %swap3A_146], %swap3A_149 {strides = array<i32>} : memref<16x128xi32, #tpu.memory_space<vmem>>, vector<1x16xi32>,
    %dma_start3A = arith.constant 0 : i32
    %dma_start3A_150 = arith.constant 0 : i32
    %dma_start3A_151 = arith.constant 0 : i32
    %dma_start3A_152 = arith.constant 0 : i32
    %dma_start3A_153 = tpu.memref_slice %arg6[%dma_start3A_150, %dma_start3A_151, %dma_start3A_152] : memref<6x128x128xf32, #tpu.memory_space<vmem>> -> memref<1x128x128xf32, #tpu.memory_space<vmem>>
    %dma_start3A_154 = tpu.memref_squeeze %dma_start3A_153 : memref<1x128x128xf32, #tpu.memory_space<vmem>> -> memref<128x128xf32, #tpu.memory_space<vmem>>
    %dma_start3A_155 = arith.constant 0 : i32
    %dma_start3A_156 = tpu.memref_slice %arg5[%dma_start3A, %dma_start3A_155] : memref<16x128xi32, #tpu.memory_space<vmem>> -> memref<1x128xi32, #tpu.memory_space<vmem>>
    %dma_start3A_157 = tpu.memref_squeeze %dma_start3A_156 : memref<1x128xi32, #tpu.memory_space<vmem>> -> memref<128xi32, #tpu.memory_space<vmem>>
    %dma_start3A_158 = arith.constant 0 : i32
    %dma_start3A_159 = arith.constant 0 : i32
    %dma_start3A_160 = tpu.memref_slice %arg3[%dma_start3A_158, %dma_start3A_159] : memref<800000x128xf32, #tpu.memory_space<hbm>> -> memref<800000x128xf32, #tpu.memory_space<hbm>>
    tpu.enqueue_indirect_dma source(%dma_start3A_160 : memref<800000x128xf32, #tpu.memory_space<hbm>>) target(%dma_start3A_154 : memref<128x128xf32, #tpu.memory_space<vmem>>) offsets(%dma_start3A_157 : memref<128xi32, #tpu.memory_space<vmem>>) semaphore(%arg7 : memref<!tpu.dma_semaphore, #tpu.memory_space<semaphore_mem>>)
    %get3A_161 = arith.constant 1 : i32
    %get3A_162 = arith.index_cast %get3A_161 : i32 to index
    %get3A_163 = arith.constant 0 : index
    %get3A_164 = tpu.vector_load %arg5[%get3A_162, %get3A_163] {strides = array<i32>} : memref<16x128xi32, #tpu.memory_space<vmem>>, vector<1x16xi32>,
    %get3A_165 = vector.shape_cast %get3A_164 : vector<1x16xi32> to vector<16xi32>
    %add3A_166 = arith.addi %get3A_165, %mul3A_9 : vector<16xi32>
    %max3A_167 = arith.constant 0 : i32
    %max3A_168 = vector.broadcast %max3A_167 : i32 to vector<16xi32>
    %max3A_169 = arith.maxsi %add3A_166, %max3A_168 : vector<16xi32>
    %min3A_170 = arith.constant 799999 : i32
    %min3A_171 = vector.broadcast %min3A_170 : i32 to vector<16xi32>
    %min3A_172 = arith.minsi %max3A_169, %min3A_171 : vector<16xi32>
    %swap3A_173 = arith.constant 1 : i32
    %swap3A_174 = arith.index_cast %swap3A_173 : i32 to index
    %swap3A_175 = arith.constant 0 : index
    %swap3A_176 = tpu.vector_load %arg5[%swap3A_174, %swap3A_175] {strides = array<i32>} : memref<16x128xi32, #tpu.memory_space<vmem>>, vector<1x16xi32>,
    %swap3A_177 = vector.shape_cast %swap3A_176 : vector<1x16xi32> to vector<16xi32>
    %swap3A_178 = vector.shape_cast %min3A_172 : vector<16xi32> to vector<1x16xi32>
    tpu.vector_store %arg5[%swap3A_174, %swap3A_175], %swap3A_178 {strides = array<i32>} : memref<16x128xi32, #tpu.memory_space<vmem>>, vector<1x16xi32>,
    %get3A_179 = arith.constant 1 : i32
    %get3A_180 = arith.index_cast %get3A_179 : i32 to index
    %get3A_181 = arith.constant 16 : index
    %get3A_182 = tpu.vector_load %arg5[%get3A_180, %get3A_181] {strides = array<i32>} : memref<16x128xi32, #tpu.memory_space<vmem>>, vector<1x16xi32>,
    %get3A_183 = vector.shape_cast %get3A_182 : vector<1x16xi32> to vector<16xi32>
    %add3A_184 = arith.addi %get3A_183, %mul3A_9 : vector<16xi32>
    %max3A_185 = arith.constant 0 : i32
    %max3A_186 = vector.broadcast %max3A_185 : i32 to vector<16xi32>
    %max3A_187 = arith.maxsi %add3A_184, %max3A_186 : vector<16xi32>
    %min3A_188 = arith.constant 799999 : i32
    %min3A_189 = vector.broadcast %min3A_188 : i32 to vector<16xi32>
    %min3A_190 = arith.minsi %max3A_187, %min3A_189 : vector<16xi32>
    %swap3A_191 = arith.constant 1 : i32
    %swap3A_192 = arith.index_cast %swap3A_191 : i32 to index
    %swap3A_193 = arith.constant 16 : index
    %swap3A_194 = tpu.vector_load %arg5[%swap3A_192, %swap3A_193] {strides = array<i32>} : memref<16x128xi32, #tpu.memory_space<vmem>>, vector<1x16xi32>,
    %swap3A_195 = vector.shape_cast %swap3A_194 : vector<1x16xi32> to vector<16xi32>
    %swap3A_196 = vector.shape_cast %min3A_190 : vector<16xi32> to vector<1x16xi32>
    tpu.vector_store %arg5[%swap3A_192, %swap3A_193], %swap3A_196 {strides = array<i32>} : memref<16x128xi32, #tpu.memory_space<vmem>>, vector<1x16xi32>,
    %get3A_197 = arith.constant 1 : i32
    %get3A_198 = arith.index_cast %get3A_197 : i32 to index
    %get3A_199 = arith.constant 32 : index
    %get3A_200 = tpu.vector_load %arg5[%get3A_198, %get3A_199] {strides = array<i32>} : memref<16x128xi32, #tpu.memory_space<vmem>>, vector<1x16xi32>,
    %get3A_201 = vector.shape_cast %get3A_200 : vector<1x16xi32> to vector<16xi32>
    %add3A_202 = arith.addi %get3A_201, %mul3A_9 : vector<16xi32>
    %max3A_203 = arith.constant 0 : i32
    %max3A_204 = vector.broadcast %max3A_203 : i32 to vector<16xi32>
    %max3A_205 = arith.maxsi %add3A_202, %max3A_204 : vector<16xi32>
    %min3A_206 = arith.constant 799999 : i32
    %min3A_207 = vector.broadcast %min3A_206 : i32 to vector<16xi32>
    %min3A_208 = arith.minsi %max3A_205, %min3A_207 : vector<16xi32>
    %swap3A_209 = arith.constant 1 : i32
    %swap3A_210 = arith.index_cast %swap3A_209 : i32 to index
    %swap3A_211 = arith.constant 32 : index
    %swap3A_212 = tpu.vector_load %arg5[%swap3A_210, %swap3A_211] {strides = array<i32>} : memref<16x128xi32, #tpu.memory_space<vmem>>, vector<1x16xi32>,
    %swap3A_213 = vector.shape_cast %swap3A_212 : vector<1x16xi32> to vector<16xi32>
    %swap3A_214 = vector.shape_cast %min3A_208 : vector<16xi32> to vector<1x16xi32>
    tpu.vector_store %arg5[%swap3A_210, %swap3A_211], %swap3A_214 {strides = array<i32>} : memref<16x128xi32, #tpu.memory_space<vmem>>, vector<1x16xi32>,
    %get3A_215 = arith.constant 1 : i32
    %get3A_216 = arith.index_cast %get3A_215 : i32 to index
    %get3A_217 = arith.constant 48 : index
    %get3A_218 = tpu.vector_load %arg5[%get3A_216, %get3A_217] {strides = array<i32>} : memref<16x128xi32, #tpu.memory_space<vmem>>, vector<1x16xi32>,
    %get3A_219 = vector.shape_cast %get3A_218 : vector<1x16xi32> to vector<16xi32>
    %add3A_220 = arith.addi %get3A_219, %mul3A_9 : vector<16xi32>
    %max3A_221 = arith.constant 0 : i32
    %max3A_222 = vector.broadcast %max3A_221 : i32 to vector<16xi32>
    %max3A_223 = arith.maxsi %add3A_220, %max3A_222 : vector<16xi32>
    %min3A_224 = arith.constant 799999 : i32
    %min3A_225 = vector.broadcast %min3A_224 : i32 to vector<16xi32>
    %min3A_226 = arith.minsi %max3A_223, %min3A_225 : vector<16xi32>
    %swap3A_227 = arith.constant 1 : i32
    %swap3A_228 = arith.index_cast %swap3A_227 : i32 to index
    %swap3A_229 = arith.constant 48 : index
    %swap3A_230 = tpu.vector_load %arg5[%swap3A_228, %swap3A_229] {strides = array<i32>} : memref<16x128xi32, #tpu.memory_space<vmem>>, vector<1x16xi32>,
    %swap3A_231 = vector.shape_cast %swap3A_230 : vector<1x16xi32> to vector<16xi32>
    %swap3A_232 = vector.shape_cast %min3A_226 : vector<16xi32> to vector<1x16xi32>
    tpu.vector_store %arg5[%swap3A_228, %swap3A_229], %swap3A_232 {strides = array<i32>} : memref<16x128xi32, #tpu.memory_space<vmem>>, vector<1x16xi32>,
    %get3A_233 = arith.constant 1 : i32
    %get3A_234 = arith.index_cast %get3A_233 : i32 to index
    %get3A_235 = arith.constant 64 : index
    %get3A_236 = tpu.vector_load %arg5[%get3A_234, %get3A_235] {strides = array<i32>} : memref<16x128xi32, #tpu.memory_space<vmem>>, vector<1x16xi32>,
    %get3A_237 = vector.shape_cast %get3A_236 : vector<1x16xi32> to vector<16xi32>
    %add3A_238 = arith.addi %get3A_237, %mul3A_9 : vector<16xi32>
    %max3A_239 = arith.constant 0 : i32
    %max3A_240 = vector.broadcast %max3A_239 : i32 to vector<16xi32>
    %max3A_241 = arith.maxsi %add3A_238, %max3A_240 : vector<16xi32>
    %min3A_242 = arith.constant 799999 : i32
    %min3A_243 = vector.broadcast %min3A_242 : i32 to vector<16xi32>
    %min3A_244 = arith.minsi %max3A_241, %min3A_243 : vector<16xi32>
    %swap3A_245 = arith.constant 1 : i32
    %swap3A_246 = arith.index_cast %swap3A_245 : i32 to index
    %swap3A_247 = arith.constant 64 : index
    %swap3A_248 = tpu.vector_load %arg5[%swap3A_246, %swap3A_247] {strides = array<i32>} : memref<16x128xi32, #tpu.memory_space<vmem>>, vector<1x16xi32>,
    %swap3A_249 = vector.shape_cast %swap3A_248 : vector<1x16xi32> to vector<16xi32>
    %swap3A_250 = vector.shape_cast %min3A_244 : vector<16xi32> to vector<1x16xi32>
    tpu.vector_store %arg5[%swap3A_246, %swap3A_247], %swap3A_250 {strides = array<i32>} : memref<16x128xi32, #tpu.memory_space<vmem>>, vector<1x16xi32>,
    %get3A_251 = arith.constant 1 : i32
    %get3A_252 = arith.index_cast %get3A_251 : i32 to index
    %get3A_253 = arith.constant 80 : index
    %get3A_254 = tpu.vector_load %arg5[%get3A_252, %get3A_253] {strides = array<i32>} : memref<16x128xi32, #tpu.memory_space<vmem>>, vector<1x16xi32>,
    %get3A_255 = vector.shape_cast %get3A_254 : vector<1x16xi32> to vector<16xi32>
    %add3A_256 = arith.addi %get3A_255, %mul3A_9 : vector<16xi32>
    %max3A_257 = arith.constant 0 : i32
    %max3A_258 = vector.broadcast %max3A_257 : i32 to vector<16xi32>
    %max3A_259 = arith.maxsi %add3A_256, %max3A_258 : vector<16xi32>
    %min3A_260 = arith.constant 799999 : i32
    %min3A_261 = vector.broadcast %min3A_260 : i32 to vector<16xi32>
    %min3A_262 = arith.minsi %max3A_259, %min3A_261 : vector<16xi32>
    %swap3A_263 = arith.constant 1 : i32
    %swap3A_264 = arith.index_cast %swap3A_263 : i32 to index
    %swap3A_265 = arith.constant 80 : index
    %swap3A_266 = tpu.vector_load %arg5[%swap3A_264, %swap3A_265] {strides = array<i32>} : memref<16x128xi32, #tpu.memory_space<vmem>>, vector<1x16xi32>,
    %swap3A_267 = vector.shape_cast %swap3A_266 : vector<1x16xi32> to vector<16xi32>
    %swap3A_268 = vector.shape_cast %min3A_262 : vector<16xi32> to vector<1x16xi32>
    tpu.vector_store %arg5[%swap3A_264, %swap3A_265], %swap3A_268 {strides = array<i32>} : memref<16x128xi32, #tpu.memory_space<vmem>>, vector<1x16xi32>,
    %get3A_269 = arith.constant 1 : i32
    %get3A_270 = arith.index_cast %get3A_269 : i32 to index
    %get3A_271 = arith.constant 96 : index
    %get3A_272 = tpu.vector_load %arg5[%get3A_270, %get3A_271] {strides = array<i32>} : memref<16x128xi32, #tpu.memory_space<vmem>>, vector<1x16xi32>,
    %get3A_273 = vector.shape_cast %get3A_272 : vector<1x16xi32> to vector<16xi32>
    %add3A_274 = arith.addi %get3A_273, %mul3A_9 : vector<16xi32>
    %max3A_275 = arith.constant 0 : i32
    %max3A_276 = vector.broadcast %max3A_275 : i32 to vector<16xi32>
    %max3A_277 = arith.maxsi %add3A_274, %max3A_276 : vector<16xi32>
    %min3A_278 = arith.constant 799999 : i32
    %min3A_279 = vector.broadcast %min3A_278 : i32 to vector<16xi32>
    %min3A_280 = arith.minsi %max3A_277, %min3A_279 : vector<16xi32>
    %swap3A_281 = arith.constant 1 : i32
    %swap3A_282 = arith.index_cast %swap3A_281 : i32 to index
    %swap3A_283 = arith.constant 96 : index
    %swap3A_284 = tpu.vector_load %arg5[%swap3A_282, %swap3A_283] {strides = array<i32>} : memref<16x128xi32, #tpu.memory_space<vmem>>, vector<1x16xi32>,
    %swap3A_285 = vector.shape_cast %swap3A_284 : vector<1x16xi32> to vector<16xi32>
    %swap3A_286 = vector.shape_cast %min3A_280 : vector<16xi32> to vector<1x16xi32>
    tpu.vector_store %arg5[%swap3A_282, %swap3A_283], %swap3A_286 {strides = array<i32>} : memref<16x128xi32, #tpu.memory_space<vmem>>, vector<1x16xi32>,
    %get3A_287 = arith.constant 1 : i32
    %get3A_288 = arith.index_cast %get3A_287 : i32 to index
    %get3A_289 = arith.constant 112 : index
    %get3A_290 = tpu.vector_load %arg5[%get3A_288, %get3A_289] {strides = array<i32>} : memref<16x128xi32, #tpu.memory_space<vmem>>, vector<1x16xi32>,
    %get3A_291 = vector.shape_cast %get3A_290 : vector<1x16xi32> to vector<16xi32>
    %add3A_292 = arith.addi %get3A_291, %mul3A_9 : vector<16xi32>
    %max3A_293 = arith.constant 0 : i32
    %max3A_294 = vector.broadcast %max3A_293 : i32 to vector<16xi32>
    %max3A_295 = arith.maxsi %add3A_292, %max3A_294 : vector<16xi32>
    %min3A_296 = arith.constant 799999 : i32
    %min3A_297 = vector.broadcast %min3A_296 : i32 to vector<16xi32>
    %min3A_298 = arith.minsi %max3A_295, %min3A_297 : vector<16xi32>
    %swap3A_299 = arith.constant 1 : i32
    %swap3A_300 = arith.index_cast %swap3A_299 : i32 to index
    %swap3A_301 = arith.constant 112 : index
    %swap3A_302 = tpu.vector_load %arg5[%swap3A_300, %swap3A_301] {strides = array<i32>} : memref<16x128xi32, #tpu.memory_space<vmem>>, vector<1x16xi32>,
    %swap3A_303 = vector.shape_cast %swap3A_302 : vector<1x16xi32> to vector<16xi32>
    %swap3A_304 = vector.shape_cast %min3A_298 : vector<16xi32> to vector<1x16xi32>
    tpu.vector_store %arg5[%swap3A_300, %swap3A_301], %swap3A_304 {strides = array<i32>} : memref<16x128xi32, #tpu.memory_space<vmem>>, vector<1x16xi32>,
    %dma_start3A_305 = arith.constant 1 : i32
    %dma_start3A_306 = arith.constant 1 : i32
    %dma_start3A_307 = arith.constant 0 : i32
    %dma_start3A_308 = arith.constant 0 : i32
    %dma_start3A_309 = tpu.memref_slice %arg6[%dma_start3A_306, %dma_start3A_307, %dma_start3A_308] : memref<6x128x128xf32, #tpu.memory_space<vmem>> -> memref<1x128x128xf32, #tpu.memory_space<vmem>>
    %dma_start3A_310 = tpu.memref_squeeze %dma_start3A_309 : memref<1x128x128xf32, #tpu.memory_space<vmem>> -> memref<128x128xf32, #tpu.memory_space<vmem>>
    %dma_start3A_311 = arith.constant 0 : i32
    %dma_start3A_312 = tpu.memref_slice %arg5[%dma_start3A_305, %dma_start3A_311] : memref<16x128xi32, #tpu.memory_space<vmem>> -> memref<1x128xi32, #tpu.memory_space<vmem>>
    %dma_start3A_313 = tpu.memref_squeeze %dma_start3A_312 : memref<1x128xi32, #tpu.memory_space<vmem>> -> memref<128xi32, #tpu.memory_space<vmem>>
    %dma_start3A_314 = arith.constant 0 : i32
    %dma_start3A_315 = arith.constant 0 : i32
    %dma_start3A_316 = tpu.memref_slice %arg3[%dma_start3A_314, %dma_start3A_315] : memref<800000x128xf32, #tpu.memory_space<hbm>> -> memref<800000x128xf32, #tpu.memory_space<hbm>>
    tpu.enqueue_indirect_dma source(%dma_start3A_316 : memref<800000x128xf32, #tpu.memory_space<hbm>>) target(%dma_start3A_310 : memref<128x128xf32, #tpu.memory_space<vmem>>) offsets(%dma_start3A_313 : memref<128xi32, #tpu.memory_space<vmem>>) semaphore(%arg8 : memref<!tpu.dma_semaphore, #tpu.memory_space<semaphore_mem>>)
    %get3A_317 = arith.constant 2 : i32
    %get3A_318 = arith.index_cast %get3A_317 : i32 to index
    %get3A_319 = arith.constant 0 : index
    %get3A_320 = tpu.vector_load %arg5[%get3A_318, %get3A_319] {strides = array<i32>} : memref<16x128xi32, #tpu.memory_space<vmem>>, vector<1x16xi32>,
    %get3A_321 = vector.shape_cast %get3A_320 : vector<1x16xi32> to vector<16xi32>
    %add3A_322 = arith.addi %get3A_321, %mul3A_9 : vector<16xi32>
    %max3A_323 = arith.constant 0 : i32
    %max3A_324 = vector.broadcast %max3A_323 : i32 to vector<16xi32>
    %max3A_325 = arith.maxsi %add3A_322, %max3A_324 : vector<16xi32>
    %min3A_326 = arith.constant 799999 : i32
    %min3A_327 = vector.broadcast %min3A_326 : i32 to vector<16xi32>
    %min3A_328 = arith.minsi %max3A_325, %min3A_327 : vector<16xi32>
    %swap3A_329 = arith.constant 2 : i32
    %swap3A_330 = arith.index_cast %swap3A_329 : i32 to index
    %swap3A_331 = arith.constant 0 : index
    %swap3A_332 = tpu.vector_load %arg5[%swap3A_330, %swap3A_331] {strides = array<i32>} : memref<16x128xi32, #tpu.memory_space<vmem>>, vector<1x16xi32>,
    %swap3A_333 = vector.shape_cast %swap3A_332 : vector<1x16xi32> to vector<16xi32>
    %swap3A_334 = vector.shape_cast %min3A_328 : vector<16xi32> to vector<1x16xi32>
    tpu.vector_store %arg5[%swap3A_330, %swap3A_331], %swap3A_334 {strides = array<i32>} : memref<16x128xi32, #tpu.memory_space<vmem>>, vector<1x16xi32>,
    %get3A_335 = arith.constant 2 : i32
    %get3A_336 = arith.index_cast %get3A_335 : i32 to index
    %get3A_337 = arith.constant 16 : index
    %get3A_338 = tpu.vector_load %arg5[%get3A_336, %get3A_337] {strides = array<i32>} : memref<16x128xi32, #tpu.memory_space<vmem>>, vector<1x16xi32>,
    %get3A_339 = vector.shape_cast %get3A_338 : vector<1x16xi32> to vector<16xi32>
    %add3A_340 = arith.addi %get3A_339, %mul3A_9 : vector<16xi32>
    %max3A_341 = arith.constant 0 : i32
    %max3A_342 = vector.broadcast %max3A_341 : i32 to vector<16xi32>
    %max3A_343 = arith.maxsi %add3A_340, %max3A_342 : vector<16xi32>
    %min3A_344 = arith.constant 799999 : i32
    %min3A_345 = vector.broadcast %min3A_344 : i32 to vector<16xi32>
    %min3A_346 = arith.minsi %max3A_343, %min3A_345 : vector<16xi32>
    %swap3A_347 = arith.constant 2 : i32
    %swap3A_348 = arith.index_cast %swap3A_347 : i32 to index
    %swap3A_349 = arith.constant 16 : index
    %swap3A_350 = tpu.vector_load %arg5[%swap3A_348, %swap3A_349] {strides = array<i32>} : memref<16x128xi32, #tpu.memory_space<vmem>>, vector<1x16xi32>,
    %swap3A_351 = vector.shape_cast %swap3A_350 : vector<1x16xi32> to vector<16xi32>
    %swap3A_352 = vector.shape_cast %min3A_346 : vector<16xi32> to vector<1x16xi32>
    tpu.vector_store %arg5[%swap3A_348, %swap3A_349], %swap3A_352 {strides = array<i32>} : memref<16x128xi32, #tpu.memory_space<vmem>>, vector<1x16xi32>,
    %get3A_353 = arith.constant 2 : i32
    %get3A_354 = arith.index_cast %get3A_353 : i32 to index
    %get3A_355 = arith.constant 32 : index
    %get3A_356 = tpu.vector_load %arg5[%get3A_354, %get3A_355] {strides = array<i32>} : memref<16x128xi32, #tpu.memory_space<vmem>>, vector<1x16xi32>,
    %get3A_357 = vector.shape_cast %get3A_356 : vector<1x16xi32> to vector<16xi32>
    %add3A_358 = arith.addi %get3A_357, %mul3A_9 : vector<16xi32>
    %max3A_359 = arith.constant 0 : i32
    %max3A_360 = vector.broadcast %max3A_359 : i32 to vector<16xi32>
    %max3A_361 = arith.maxsi %add3A_358, %max3A_360 : vector<16xi32>
    %min3A_362 = arith.constant 799999 : i32
    %min3A_363 = vector.broadcast %min3A_362 : i32 to vector<16xi32>
    %min3A_364 = arith.minsi %max3A_361, %min3A_363 : vector<16xi32>
    %swap3A_365 = arith.constant 2 : i32
    %swap3A_366 = arith.index_cast %swap3A_365 : i32 to index
    %swap3A_367 = arith.constant 32 : index
    %swap3A_368 = tpu.vector_load %arg5[%swap3A_366, %swap3A_367] {strides = array<i32>} : memref<16x128xi32, #tpu.memory_space<vmem>>, vector<1x16xi32>,
    %swap3A_369 = vector.shape_cast %swap3A_368 : vector<1x16xi32> to vector<16xi32>
    %swap3A_370 = vector.shape_cast %min3A_364 : vector<16xi32> to vector<1x16xi32>
    tpu.vector_store %arg5[%swap3A_366, %swap3A_367], %swap3A_370 {strides = array<i32>} : memref<16x128xi32, #tpu.memory_space<vmem>>, vector<1x16xi32>,
    %get3A_371 = arith.constant 2 : i32
    %get3A_372 = arith.index_cast %get3A_371 : i32 to index
    %get3A_373 = arith.constant 48 : index
    %get3A_374 = tpu.vector_load %arg5[%get3A_372, %get3A_373] {strides = array<i32>} : memref<16x128xi32, #tpu.memory_space<vmem>>, vector<1x16xi32>,
    %get3A_375 = vector.shape_cast %get3A_374 : vector<1x16xi32> to vector<16xi32>
    %add3A_376 = arith.addi %get3A_375, %mul3A_9 : vector<16xi32>
    %max3A_377 = arith.constant 0 : i32
    %max3A_378 = vector.broadcast %max3A_377 : i32 to vector<16xi32>
    %max3A_379 = arith.maxsi %add3A_376, %max3A_378 : vector<16xi32>
    %min3A_380 = arith.constant 799999 : i32
    %min3A_381 = vector.broadcast %min3A_380 : i32 to vector<16xi32>
    %min3A_382 = arith.minsi %max3A_379, %min3A_381 : vector<16xi32>
    %swap3A_383 = arith.constant 2 : i32
    %swap3A_384 = arith.index_cast %swap3A_383 : i32 to index
    %swap3A_385 = arith.constant 48 : index
    %swap3A_386 = tpu.vector_load %arg5[%swap3A_384, %swap3A_385] {strides = array<i32>} : memref<16x128xi32, #tpu.memory_space<vmem>>, vector<1x16xi32>,
    %swap3A_387 = vector.shape_cast %swap3A_386 : vector<1x16xi32> to vector<16xi32>
    %swap3A_388 = vector.shape_cast %min3A_382 : vector<16xi32> to vector<1x16xi32>
    tpu.vector_store %arg5[%swap3A_384, %swap3A_385], %swap3A_388 {strides = array<i32>} : memref<16x128xi32, #tpu.memory_space<vmem>>, vector<1x16xi32>,
    %get3A_389 = arith.constant 2 : i32
    %get3A_390 = arith.index_cast %get3A_389 : i32 to index
    %get3A_391 = arith.constant 64 : index
    %get3A_392 = tpu.vector_load %arg5[%get3A_390, %get3A_391] {strides = array<i32>} : memref<16x128xi32, #tpu.memory_space<vmem>>, vector<1x16xi32>,
    %get3A_393 = vector.shape_cast %get3A_392 : vector<1x16xi32> to vector<16xi32>
    %add3A_394 = arith.addi %get3A_393, %mul3A_9 : vector<16xi32>
    %max3A_395 = arith.constant 0 : i32
    %max3A_396 = vector.broadcast %max3A_395 : i32 to vector<16xi32>
    %max3A_397 = arith.maxsi %add3A_394, %max3A_396 : vector<16xi32>
    %min3A_398 = arith.constant 799999 : i32
    %min3A_399 = vector.broadcast %min3A_398 : i32 to vector<16xi32>
    %min3A_400 = arith.minsi %max3A_397, %min3A_399 : vector<16xi32>
    %swap3A_401 = arith.constant 2 : i32
    %swap3A_402 = arith.index_cast %swap3A_401 : i32 to index
    %swap3A_403 = arith.constant 64 : index
    %swap3A_404 = tpu.vector_load %arg5[%swap3A_402, %swap3A_403] {strides = array<i32>} : memref<16x128xi32, #tpu.memory_space<vmem>>, vector<1x16xi32>,
    %swap3A_405 = vector.shape_cast %swap3A_404 : vector<1x16xi32> to vector<16xi32>
    %swap3A_406 = vector.shape_cast %min3A_400 : vector<16xi32> to vector<1x16xi32>
    tpu.vector_store %arg5[%swap3A_402, %swap3A_403], %swap3A_406 {strides = array<i32>} : memref<16x128xi32, #tpu.memory_space<vmem>>, vector<1x16xi32>,
    %get3A_407 = arith.constant 2 : i32
    %get3A_408 = arith.index_cast %get3A_407 : i32 to index
    %get3A_409 = arith.constant 80 : index
    %get3A_410 = tpu.vector_load %arg5[%get3A_408, %get3A_409] {strides = array<i32>} : memref<16x128xi32, #tpu.memory_space<vmem>>, vector<1x16xi32>,
    %get3A_411 = vector.shape_cast %get3A_410 : vector<1x16xi32> to vector<16xi32>
    %add3A_412 = arith.addi %get3A_411, %mul3A_9 : vector<16xi32>
    %max3A_413 = arith.constant 0 : i32
    %max3A_414 = vector.broadcast %max3A_413 : i32 to vector<16xi32>
    %max3A_415 = arith.maxsi %add3A_412, %max3A_414 : vector<16xi32>
    %min3A_416 = arith.constant 799999 : i32
    %min3A_417 = vector.broadcast %min3A_416 : i32 to vector<16xi32>
    %min3A_418 = arith.minsi %max3A_415, %min3A_417 : vector<16xi32>
    %swap3A_419 = arith.constant 2 : i32
    %swap3A_420 = arith.index_cast %swap3A_419 : i32 to index
    %swap3A_421 = arith.constant 80 : index
    %swap3A_422 = tpu.vector_load %arg5[%swap3A_420, %swap3A_421] {strides = array<i32>} : memref<16x128xi32, #tpu.memory_space<vmem>>, vector<1x16xi32>,
    %swap3A_423 = vector.shape_cast %swap3A_422 : vector<1x16xi32> to vector<16xi32>
    %swap3A_424 = vector.shape_cast %min3A_418 : vector<16xi32> to vector<1x16xi32>
    tpu.vector_store %arg5[%swap3A_420, %swap3A_421], %swap3A_424 {strides = array<i32>} : memref<16x128xi32, #tpu.memory_space<vmem>>, vector<1x16xi32>,
    %get3A_425 = arith.constant 2 : i32
    %get3A_426 = arith.index_cast %get3A_425 : i32 to index
    %get3A_427 = arith.constant 96 : index
    %get3A_428 = tpu.vector_load %arg5[%get3A_426, %get3A_427] {strides = array<i32>} : memref<16x128xi32, #tpu.memory_space<vmem>>, vector<1x16xi32>,
    %get3A_429 = vector.shape_cast %get3A_428 : vector<1x16xi32> to vector<16xi32>
    %add3A_430 = arith.addi %get3A_429, %mul3A_9 : vector<16xi32>
    %max3A_431 = arith.constant 0 : i32
    %max3A_432 = vector.broadcast %max3A_431 : i32 to vector<16xi32>
    %max3A_433 = arith.maxsi %add3A_430, %max3A_432 : vector<16xi32>
    %min3A_434 = arith.constant 799999 : i32
    %min3A_435 = vector.broadcast %min3A_434 : i32 to vector<16xi32>
    %min3A_436 = arith.minsi %max3A_433, %min3A_435 : vector<16xi32>
    %swap3A_437 = arith.constant 2 : i32
    %swap3A_438 = arith.index_cast %swap3A_437 : i32 to index
    %swap3A_439 = arith.constant 96 : index
    %swap3A_440 = tpu.vector_load %arg5[%swap3A_438, %swap3A_439] {strides = array<i32>} : memref<16x128xi32, #tpu.memory_space<vmem>>, vector<1x16xi32>,
    %swap3A_441 = vector.shape_cast %swap3A_440 : vector<1x16xi32> to vector<16xi32>
    %swap3A_442 = vector.shape_cast %min3A_436 : vector<16xi32> to vector<1x16xi32>
    tpu.vector_store %arg5[%swap3A_438, %swap3A_439], %swap3A_442 {strides = array<i32>} : memref<16x128xi32, #tpu.memory_space<vmem>>, vector<1x16xi32>,
    %get3A_443 = arith.constant 2 : i32
    %get3A_444 = arith.index_cast %get3A_443 : i32 to index
    %get3A_445 = arith.constant 112 : index
    %get3A_446 = tpu.vector_load %arg5[%get3A_444, %get3A_445] {strides = array<i32>} : memref<16x128xi32, #tpu.memory_space<vmem>>, vector<1x16xi32>,
    %get3A_447 = vector.shape_cast %get3A_446 : vector<1x16xi32> to vector<16xi32>
    %add3A_448 = arith.addi %get3A_447, %mul3A_9 : vector<16xi32>
    %max3A_449 = arith.constant 0 : i32
    %max3A_450 = vector.broadcast %max3A_449 : i32 to vector<16xi32>
    %max3A_451 = arith.maxsi %add3A_448, %max3A_450 : vector<16xi32>
    %min3A_452 = arith.constant 799999 : i32
    %min3A_453 = vector.broadcast %min3A_452 : i32 to vector<16xi32>
    %min3A_454 = arith.minsi %max3A_451, %min3A_453 : vector<16xi32>
    %swap3A_455 = arith.constant 2 : i32
    %swap3A_456 = arith.index_cast %swap3A_455 : i32 to index
    %swap3A_457 = arith.constant 112 : index
    %swap3A_458 = tpu.vector_load %arg5[%swap3A_456, %swap3A_457] {strides = array<i32>} : memref<16x128xi32, #tpu.memory_space<vmem>>, vector<1x16xi32>,
    %swap3A_459 = vector.shape_cast %swap3A_458 : vector<1x16xi32> to vector<16xi32>
    %swap3A_460 = vector.shape_cast %min3A_454 : vector<16xi32> to vector<1x16xi32>
    tpu.vector_store %arg5[%swap3A_456, %swap3A_457], %swap3A_460 {strides = array<i32>} : memref<16x128xi32, #tpu.memory_space<vmem>>, vector<1x16xi32>,
    %dma_start3A_461 = arith.constant 2 : i32
    %dma_start3A_462 = arith.constant 2 : i32
    %dma_start3A_463 = arith.constant 0 : i32
    %dma_start3A_464 = arith.constant 0 : i32
    %dma_start3A_465 = tpu.memref_slice %arg6[%dma_start3A_462, %dma_start3A_463, %dma_start3A_464] : memref<6x128x128xf32, #tpu.memory_space<vmem>> -> memref<1x128x128xf32, #tpu.memory_space<vmem>>
    %dma_start3A_466 = tpu.memref_squeeze %dma_start3A_465 : memref<1x128x128xf32, #tpu.memory_space<vmem>> -> memref<128x128xf32, #tpu.memory_space<vmem>>
    %dma_start3A_467 = arith.constant 0 : i32
    %dma_start3A_468 = tpu.memref_slice %arg5[%dma_start3A_461, %dma_start3A_467] : memref<16x128xi32, #tpu.memory_space<vmem>> -> memref<1x128xi32, #tpu.memory_space<vmem>>
    %dma_start3A_469 = tpu.memref_squeeze %dma_start3A_468 : memref<1x128xi32, #tpu.memory_space<vmem>> -> memref<128xi32, #tpu.memory_space<vmem>>
    %dma_start3A_470 = arith.constant 0 : i32
    %dma_start3A_471 = arith.constant 0 : i32
    %dma_start3A_472 = tpu.memref_slice %arg3[%dma_start3A_470, %dma_start3A_471] : memref<800000x128xf32, #tpu.memory_space<hbm>> -> memref<800000x128xf32, #tpu.memory_space<hbm>>
    tpu.enqueue_indirect_dma source(%dma_start3A_472 : memref<800000x128xf32, #tpu.memory_space<hbm>>) target(%dma_start3A_466 : memref<128x128xf32, #tpu.memory_space<vmem>>) offsets(%dma_start3A_469 : memref<128xi32, #tpu.memory_space<vmem>>) semaphore(%arg9 : memref<!tpu.dma_semaphore, #tpu.memory_space<semaphore_mem>>)
    %get3A_473 = arith.constant 3 : i32
    %get3A_474 = arith.index_cast %get3A_473 : i32 to index
    %get3A_475 = arith.constant 0 : index
    %get3A_476 = tpu.vector_load %arg5[%get3A_474, %get3A_475] {strides = array<i32>} : memref<16x128xi32, #tpu.memory_space<vmem>>, vector<1x16xi32>,
    %get3A_477 = vector.shape_cast %get3A_476 : vector<1x16xi32> to vector<16xi32>
    %add3A_478 = arith.addi %get3A_477, %mul3A_9 : vector<16xi32>
    %max3A_479 = arith.constant 0 : i32
    %max3A_480 = vector.broadcast %max3A_479 : i32 to vector<16xi32>
    %max3A_481 = arith.maxsi %add3A_478, %max3A_480 : vector<16xi32>
    %min3A_482 = arith.constant 799999 : i32
    %min3A_483 = vector.broadcast %min3A_482 : i32 to vector<16xi32>
    %min3A_484 = arith.minsi %max3A_481, %min3A_483 : vector<16xi32>
    %swap3A_485 = arith.constant 3 : i32
    %swap3A_486 = arith.index_cast %swap3A_485 : i32 to index
    %swap3A_487 = arith.constant 0 : index
    %swap3A_488 = tpu.vector_load %arg5[%swap3A_486, %swap3A_487] {strides = array<i32>} : memref<16x128xi32, #tpu.memory_space<vmem>>, vector<1x16xi32>,
    %swap3A_489 = vector.shape_cast %swap3A_488 : vector<1x16xi32> to vector<16xi32>
    %swap3A_490 = vector.shape_cast %min3A_484 : vector<16xi32> to vector<1x16xi32>
    tpu.vector_store %arg5[%swap3A_486, %swap3A_487], %swap3A_490 {strides = array<i32>} : memref<16x128xi32, #tpu.memory_space<vmem>>, vector<1x16xi32>,
    %get3A_491 = arith.constant 3 : i32
    %get3A_492 = arith.index_cast %get3A_491 : i32 to index
    %get3A_493 = arith.constant 16 : index
    %get3A_494 = tpu.vector_load %arg5[%get3A_492, %get3A_493] {strides = array<i32>} : memref<16x128xi32, #tpu.memory_space<vmem>>, vector<1x16xi32>,
    %get3A_495 = vector.shape_cast %get3A_494 : vector<1x16xi32> to vector<16xi32>
    %add3A_496 = arith.addi %get3A_495, %mul3A_9 : vector<16xi32>
    %max3A_497 = arith.constant 0 : i32
    %max3A_498 = vector.broadcast %max3A_497 : i32 to vector<16xi32>
    %max3A_499 = arith.maxsi %add3A_496, %max3A_498 : vector<16xi32>
    %min3A_500 = arith.constant 799999 : i32
    %min3A_501 = vector.broadcast %min3A_500 : i32 to vector<16xi32>
    %min3A_502 = arith.minsi %max3A_499, %min3A_501 : vector<16xi32>
    %swap3A_503 = arith.constant 3 : i32
    %swap3A_504 = arith.index_cast %swap3A_503 : i32 to index
    %swap3A_505 = arith.constant 16 : index
    %swap3A_506 = tpu.vector_load %arg5[%swap3A_504, %swap3A_505] {strides = array<i32>} : memref<16x128xi32, #tpu.memory_space<vmem>>, vector<1x16xi32>,
    %swap3A_507 = vector.shape_cast %swap3A_506 : vector<1x16xi32> to vector<16xi32>
    %swap3A_508 = vector.shape_cast %min3A_502 : vector<16xi32> to vector<1x16xi32>
    tpu.vector_store %arg5[%swap3A_504, %swap3A_505], %swap3A_508 {strides = array<i32>} : memref<16x128xi32, #tpu.memory_space<vmem>>, vector<1x16xi32>,
    %get3A_509 = arith.constant 3 : i32
    %get3A_510 = arith.index_cast %get3A_509 : i32 to index
    %get3A_511 = arith.constant 32 : index
    %get3A_512 = tpu.vector_load %arg5[%get3A_510, %get3A_511] {strides = array<i32>} : memref<16x128xi32, #tpu.memory_space<vmem>>, vector<1x16xi32>,
    %get3A_513 = vector.shape_cast %get3A_512 : vector<1x16xi32> to vector<16xi32>
    %add3A_514 = arith.addi %get3A_513, %mul3A_9 : vector<16xi32>
    %max3A_515 = arith.constant 0 : i32
    %max3A_516 = vector.broadcast %max3A_515 : i32 to vector<16xi32>
    %max3A_517 = arith.maxsi %add3A_514, %max3A_516 : vector<16xi32>
    %min3A_518 = arith.constant 799999 : i32
    %min3A_519 = vector.broadcast %min3A_518 : i32 to vector<16xi32>
    %min3A_520 = arith.minsi %max3A_517, %min3A_519 : vector<16xi32>
    %swap3A_521 = arith.constant 3 : i32
    %swap3A_522 = arith.index_cast %swap3A_521 : i32 to index
    %swap3A_523 = arith.constant 32 : index
    %swap3A_524 = tpu.vector_load %arg5[%swap3A_522, %swap3A_523] {strides = array<i32>} : memref<16x128xi32, #tpu.memory_space<vmem>>, vector<1x16xi32>,
    %swap3A_525 = vector.shape_cast %swap3A_524 : vector<1x16xi32> to vector<16xi32>
    %swap3A_526 = vector.shape_cast %min3A_520 : vector<16xi32> to vector<1x16xi32>
    tpu.vector_store %arg5[%swap3A_522, %swap3A_523], %swap3A_526 {strides = array<i32>} : memref<16x128xi32, #tpu.memory_space<vmem>>, vector<1x16xi32>,
    %get3A_527 = arith.constant 3 : i32
    %get3A_528 = arith.index_cast %get3A_527 : i32 to index
    %get3A_529 = arith.constant 48 : index
    %get3A_530 = tpu.vector_load %arg5[%get3A_528, %get3A_529] {strides = array<i32>} : memref<16x128xi32, #tpu.memory_space<vmem>>, vector<1x16xi32>,
    %get3A_531 = vector.shape_cast %get3A_530 : vector<1x16xi32> to vector<16xi32>
    %add3A_532 = arith.addi %get3A_531, %mul3A_9 : vector<16xi32>
    %max3A_533 = arith.constant 0 : i32
    %max3A_534 = vector.broadcast %max3A_533 : i32 to vector<16xi32>
    %max3A_535 = arith.maxsi %add3A_532, %max3A_534 : vector<16xi32>
    %min3A_536 = arith.constant 799999 : i32
    %min3A_537 = vector.broadcast %min3A_536 : i32 to vector<16xi32>
    %min3A_538 = arith.minsi %max3A_535, %min3A_537 : vector<16xi32>
    %swap3A_539 = arith.constant 3 : i32
    %swap3A_540 = arith.index_cast %swap3A_539 : i32 to index
    %swap3A_541 = arith.constant 48 : index
    %swap3A_542 = tpu.vector_load %arg5[%swap3A_540, %swap3A_541] {strides = array<i32>} : memref<16x128xi32, #tpu.memory_space<vmem>>, vector<1x16xi32>,
    %swap3A_543 = vector.shape_cast %swap3A_542 : vector<1x16xi32> to vector<16xi32>
    %swap3A_544 = vector.shape_cast %min3A_538 : vector<16xi32> to vector<1x16xi32>
    tpu.vector_store %arg5[%swap3A_540, %swap3A_541], %swap3A_544 {strides = array<i32>} : memref<16x128xi32, #tpu.memory_space<vmem>>, vector<1x16xi32>,
    %get3A_545 = arith.constant 3 : i32
    %get3A_546 = arith.index_cast %get3A_545 : i32 to index
    %get3A_547 = arith.constant 64 : index
    %get3A_548 = tpu.vector_load %arg5[%get3A_546, %get3A_547] {strides = array<i32>} : memref<16x128xi32, #tpu.memory_space<vmem>>, vector<1x16xi32>,
    %get3A_549 = vector.shape_cast %get3A_548 : vector<1x16xi32> to vector<16xi32>
    %add3A_550 = arith.addi %get3A_549, %mul3A_9 : vector<16xi32>
    %max3A_551 = arith.constant 0 : i32
    %max3A_552 = vector.broadcast %max3A_551 : i32 to vector<16xi32>
    %max3A_553 = arith.maxsi %add3A_550, %max3A_552 : vector<16xi32>
    %min3A_554 = arith.constant 799999 : i32
    %min3A_555 = vector.broadcast %min3A_554 : i32 to vector<16xi32>
    %min3A_556 = arith.minsi %max3A_553, %min3A_555 : vector<16xi32>
    %swap3A_557 = arith.constant 3 : i32
    %swap3A_558 = arith.index_cast %swap3A_557 : i32 to index
    %swap3A_559 = arith.constant 64 : index
    %swap3A_560 = tpu.vector_load %arg5[%swap3A_558, %swap3A_559] {strides = array<i32>} : memref<16x128xi32, #tpu.memory_space<vmem>>, vector<1x16xi32>,
    %swap3A_561 = vector.shape_cast %swap3A_560 : vector<1x16xi32> to vector<16xi32>
    %swap3A_562 = vector.shape_cast %min3A_556 : vector<16xi32> to vector<1x16xi32>
    tpu.vector_store %arg5[%swap3A_558, %swap3A_559], %swap3A_562 {strides = array<i32>} : memref<16x128xi32, #tpu.memory_space<vmem>>, vector<1x16xi32>,
    %get3A_563 = arith.constant 3 : i32
    %get3A_564 = arith.index_cast %get3A_563 : i32 to index
    %get3A_565 = arith.constant 80 : index
    %get3A_566 = tpu.vector_load %arg5[%get3A_564, %get3A_565] {strides = array<i32>} : memref<16x128xi32, #tpu.memory_space<vmem>>, vector<1x16xi32>,
    %get3A_567 = vector.shape_cast %get3A_566 : vector<1x16xi32> to vector<16xi32>
    %add3A_568 = arith.addi %get3A_567, %mul3A_9 : vector<16xi32>
    %max3A_569 = arith.constant 0 : i32
    %max3A_570 = vector.broadcast %max3A_569 : i32 to vector<16xi32>
    %max3A_571 = arith.maxsi %add3A_568, %max3A_570 : vector<16xi32>
    %min3A_572 = arith.constant 799999 : i32
    %min3A_573 = vector.broadcast %min3A_572 : i32 to vector<16xi32>
    %min3A_574 = arith.minsi %max3A_571, %min3A_573 : vector<16xi32>
    %swap3A_575 = arith.constant 3 : i32
    %swap3A_576 = arith.index_cast %swap3A_575 : i32 to index
    %swap3A_577 = arith.constant 80 : index
    %swap3A_578 = tpu.vector_load %arg5[%swap3A_576, %swap3A_577] {strides = array<i32>} : memref<16x128xi32, #tpu.memory_space<vmem>>, vector<1x16xi32>,
    %swap3A_579 = vector.shape_cast %swap3A_578 : vector<1x16xi32> to vector<16xi32>
    %swap3A_580 = vector.shape_cast %min3A_574 : vector<16xi32> to vector<1x16xi32>
    tpu.vector_store %arg5[%swap3A_576, %swap3A_577], %swap3A_580 {strides = array<i32>} : memref<16x128xi32, #tpu.memory_space<vmem>>, vector<1x16xi32>,
    %get3A_581 = arith.constant 3 : i32
    %get3A_582 = arith.index_cast %get3A_581 : i32 to index
    %get3A_583 = arith.constant 96 : index
    %get3A_584 = tpu.vector_load %arg5[%get3A_582, %get3A_583] {strides = array<i32>} : memref<16x128xi32, #tpu.memory_space<vmem>>, vector<1x16xi32>,
    %get3A_585 = vector.shape_cast %get3A_584 : vector<1x16xi32> to vector<16xi32>
    %add3A_586 = arith.addi %get3A_585, %mul3A_9 : vector<16xi32>
    %max3A_587 = arith.constant 0 : i32
    %max3A_588 = vector.broadcast %max3A_587 : i32 to vector<16xi32>
    %max3A_589 = arith.maxsi %add3A_586, %max3A_588 : vector<16xi32>
    %min3A_590 = arith.constant 799999 : i32
    %min3A_591 = vector.broadcast %min3A_590 : i32 to vector<16xi32>
    %min3A_592 = arith.minsi %max3A_589, %min3A_591 : vector<16xi32>
    %swap3A_593 = arith.constant 3 : i32
    %swap3A_594 = arith.index_cast %swap3A_593 : i32 to index
    %swap3A_595 = arith.constant 96 : index
    %swap3A_596 = tpu.vector_load %arg5[%swap3A_594, %swap3A_595] {strides = array<i32>} : memref<16x128xi32, #tpu.memory_space<vmem>>, vector<1x16xi32>,
    %swap3A_597 = vector.shape_cast %swap3A_596 : vector<1x16xi32> to vector<16xi32>
    %swap3A_598 = vector.shape_cast %min3A_592 : vector<16xi32> to vector<1x16xi32>
    tpu.vector_store %arg5[%swap3A_594, %swap3A_595], %swap3A_598 {strides = array<i32>} : memref<16x128xi32, #tpu.memory_space<vmem>>, vector<1x16xi32>,
    %get3A_599 = arith.constant 3 : i32
    %get3A_600 = arith.index_cast %get3A_599 : i32 to index
    %get3A_601 = arith.constant 112 : index
    %get3A_602 = tpu.vector_load %arg5[%get3A_600, %get3A_601] {strides = array<i32>} : memref<16x128xi32, #tpu.memory_space<vmem>>, vector<1x16xi32>,
    %get3A_603 = vector.shape_cast %get3A_602 : vector<1x16xi32> to vector<16xi32>
    %add3A_604 = arith.addi %get3A_603, %mul3A_9 : vector<16xi32>
    %max3A_605 = arith.constant 0 : i32
    %max3A_606 = vector.broadcast %max3A_605 : i32 to vector<16xi32>
    %max3A_607 = arith.maxsi %add3A_604, %max3A_606 : vector<16xi32>
    %min3A_608 = arith.constant 799999 : i32
    %min3A_609 = vector.broadcast %min3A_608 : i32 to vector<16xi32>
    %min3A_610 = arith.minsi %max3A_607, %min3A_609 : vector<16xi32>
    %swap3A_611 = arith.constant 3 : i32
    %swap3A_612 = arith.index_cast %swap3A_611 : i32 to index
    %swap3A_613 = arith.constant 112 : index
    %swap3A_614 = tpu.vector_load %arg5[%swap3A_612, %swap3A_613] {strides = array<i32>} : memref<16x128xi32, #tpu.memory_space<vmem>>, vector<1x16xi32>,
    %swap3A_615 = vector.shape_cast %swap3A_614 : vector<1x16xi32> to vector<16xi32>
    %swap3A_616 = vector.shape_cast %min3A_610 : vector<16xi32> to vector<1x16xi32>
    tpu.vector_store %arg5[%swap3A_612, %swap3A_613], %swap3A_616 {strides = array<i32>} : memref<16x128xi32, #tpu.memory_space<vmem>>, vector<1x16xi32>,
    %dma_start3A_617 = arith.constant 3 : i32
    %dma_start3A_618 = arith.constant 3 : i32
    %dma_start3A_619 = arith.constant 0 : i32
    %dma_start3A_620 = arith.constant 0 : i32
    %dma_start3A_621 = tpu.memref_slice %arg6[%dma_start3A_618, %dma_start3A_619, %dma_start3A_620] : memref<6x128x128xf32, #tpu.memory_space<vmem>> -> memref<1x128x128xf32, #tpu.memory_space<vmem>>
    %dma_start3A_622 = tpu.memref_squeeze %dma_start3A_621 : memref<1x128x128xf32, #tpu.memory_space<vmem>> -> memref<128x128xf32, #tpu.memory_space<vmem>>
    %dma_start3A_623 = arith.constant 0 : i32
    %dma_start3A_624 = tpu.memref_slice %arg5[%dma_start3A_617, %dma_start3A_623] : memref<16x128xi32, #tpu.memory_space<vmem>> -> memref<1x128xi32, #tpu.memory_space<vmem>>
    %dma_start3A_625 = tpu.memref_squeeze %dma_start3A_624 : memref<1x128xi32, #tpu.memory_space<vmem>> -> memref<128xi32, #tpu.memory_space<vmem>>
    %dma_start3A_626 = arith.constant 0 : i32
    %dma_start3A_627 = arith.constant 0 : i32
    %dma_start3A_628 = tpu.memref_slice %arg3[%dma_start3A_626, %dma_start3A_627] : memref<800000x128xf32, #tpu.memory_space<hbm>> -> memref<800000x128xf32, #tpu.memory_space<hbm>>
    tpu.enqueue_indirect_dma source(%dma_start3A_628 : memref<800000x128xf32, #tpu.memory_space<hbm>>) target(%dma_start3A_622 : memref<128x128xf32, #tpu.memory_space<vmem>>) offsets(%dma_start3A_625 : memref<128xi32, #tpu.memory_space<vmem>>) semaphore(%arg10 : memref<!tpu.dma_semaphore, #tpu.memory_space<semaphore_mem>>)
    %get3A_629 = arith.constant 4 : i32
    %get3A_630 = arith.index_cast %get3A_629 : i32 to index
    %get3A_631 = arith.constant 0 : index
    %get3A_632 = tpu.vector_load %arg5[%get3A_630, %get3A_631] {strides = array<i32>} : memref<16x128xi32, #tpu.memory_space<vmem>>, vector<1x16xi32>,
    %get3A_633 = vector.shape_cast %get3A_632 : vector<1x16xi32> to vector<16xi32>
    %add3A_634 = arith.addi %get3A_633, %mul3A_9 : vector<16xi32>
    %max3A_635 = arith.constant 0 : i32
    %max3A_636 = vector.broadcast %max3A_635 : i32 to vector<16xi32>
    %max3A_637 = arith.maxsi %add3A_634, %max3A_636 : vector<16xi32>
    %min3A_638 = arith.constant 799999 : i32
    %min3A_639 = vector.broadcast %min3A_638 : i32 to vector<16xi32>
    %min3A_640 = arith.minsi %max3A_637, %min3A_639 : vector<16xi32>
    %swap3A_641 = arith.constant 4 : i32
    %swap3A_642 = arith.index_cast %swap3A_641 : i32 to index
    %swap3A_643 = arith.constant 0 : index
    %swap3A_644 = tpu.vector_load %arg5[%swap3A_642, %swap3A_643] {strides = array<i32>} : memref<16x128xi32, #tpu.memory_space<vmem>>, vector<1x16xi32>,
    %swap3A_645 = vector.shape_cast %swap3A_644 : vector<1x16xi32> to vector<16xi32>
    %swap3A_646 = vector.shape_cast %min3A_640 : vector<16xi32> to vector<1x16xi32>
    tpu.vector_store %arg5[%swap3A_642, %swap3A_643], %swap3A_646 {strides = array<i32>} : memref<16x128xi32, #tpu.memory_space<vmem>>, vector<1x16xi32>,
    %get3A_647 = arith.constant 4 : i32
    %get3A_648 = arith.index_cast %get3A_647 : i32 to index
    %get3A_649 = arith.constant 16 : index
    %get3A_650 = tpu.vector_load %arg5[%get3A_648, %get3A_649] {strides = array<i32>} : memref<16x128xi32, #tpu.memory_space<vmem>>, vector<1x16xi32>,
    %get3A_651 = vector.shape_cast %get3A_650 : vector<1x16xi32> to vector<16xi32>
    %add3A_652 = arith.addi %get3A_651, %mul3A_9 : vector<16xi32>
    %max3A_653 = arith.constant 0 : i32
    %max3A_654 = vector.broadcast %max3A_653 : i32 to vector<16xi32>
    %max3A_655 = arith.maxsi %add3A_652, %max3A_654 : vector<16xi32>
    %min3A_656 = arith.constant 799999 : i32
    %min3A_657 = vector.broadcast %min3A_656 : i32 to vector<16xi32>
    %min3A_658 = arith.minsi %max3A_655, %min3A_657 : vector<16xi32>
    %swap3A_659 = arith.constant 4 : i32
    %swap3A_660 = arith.index_cast %swap3A_659 : i32 to index
    %swap3A_661 = arith.constant 16 : index
    %swap3A_662 = tpu.vector_load %arg5[%swap3A_660, %swap3A_661] {strides = array<i32>} : memref<16x128xi32, #tpu.memory_space<vmem>>, vector<1x16xi32>,
    %swap3A_663 = vector.shape_cast %swap3A_662 : vector<1x16xi32> to vector<16xi32>
    %swap3A_664 = vector.shape_cast %min3A_658 : vector<16xi32> to vector<1x16xi32>
    tpu.vector_store %arg5[%swap3A_660, %swap3A_661], %swap3A_664 {strides = array<i32>} : memref<16x128xi32, #tpu.memory_space<vmem>>, vector<1x16xi32>,
    %get3A_665 = arith.constant 4 : i32
    %get3A_666 = arith.index_cast %get3A_665 : i32 to index
    %get3A_667 = arith.constant 32 : index
    %get3A_668 = tpu.vector_load %arg5[%get3A_666, %get3A_667] {strides = array<i32>} : memref<16x128xi32, #tpu.memory_space<vmem>>, vector<1x16xi32>,
    %get3A_669 = vector.shape_cast %get3A_668 : vector<1x16xi32> to vector<16xi32>
    %add3A_670 = arith.addi %get3A_669, %mul3A_9 : vector<16xi32>
    %max3A_671 = arith.constant 0 : i32
    %max3A_672 = vector.broadcast %max3A_671 : i32 to vector<16xi32>
    %max3A_673 = arith.maxsi %add3A_670, %max3A_672 : vector<16xi32>
    %min3A_674 = arith.constant 799999 : i32
    %min3A_675 = vector.broadcast %min3A_674 : i32 to vector<16xi32>
    %min3A_676 = arith.minsi %max3A_673, %min3A_675 : vector<16xi32>
    %swap3A_677 = arith.constant 4 : i32
    %swap3A_678 = arith.index_cast %swap3A_677 : i32 to index
    %swap3A_679 = arith.constant 32 : index
    %swap3A_680 = tpu.vector_load %arg5[%swap3A_678, %swap3A_679] {strides = array<i32>} : memref<16x128xi32, #tpu.memory_space<vmem>>, vector<1x16xi32>,
    %swap3A_681 = vector.shape_cast %swap3A_680 : vector<1x16xi32> to vector<16xi32>
    %swap3A_682 = vector.shape_cast %min3A_676 : vector<16xi32> to vector<1x16xi32>
    tpu.vector_store %arg5[%swap3A_678, %swap3A_679], %swap3A_682 {strides = array<i32>} : memref<16x128xi32, #tpu.memory_space<vmem>>, vector<1x16xi32>,
    %get3A_683 = arith.constant 4 : i32
    %get3A_684 = arith.index_cast %get3A_683 : i32 to index
    %get3A_685 = arith.constant 48 : index
    %get3A_686 = tpu.vector_load %arg5[%get3A_684, %get3A_685] {strides = array<i32>} : memref<16x128xi32, #tpu.memory_space<vmem>>, vector<1x16xi32>,
    %get3A_687 = vector.shape_cast %get3A_686 : vector<1x16xi32> to vector<16xi32>
    %add3A_688 = arith.addi %get3A_687, %mul3A_9 : vector<16xi32>
    %max3A_689 = arith.constant 0 : i32
    %max3A_690 = vector.broadcast %max3A_689 : i32 to vector<16xi32>
    %max3A_691 = arith.maxsi %add3A_688, %max3A_690 : vector<16xi32>
    %min3A_692 = arith.constant 799999 : i32
    %min3A_693 = vector.broadcast %min3A_692 : i32 to vector<16xi32>
    %min3A_694 = arith.minsi %max3A_691, %min3A_693 : vector<16xi32>
    %swap3A_695 = arith.constant 4 : i32
    %swap3A_696 = arith.index_cast %swap3A_695 : i32 to index
    %swap3A_697 = arith.constant 48 : index
    %swap3A_698 = tpu.vector_load %arg5[%swap3A_696, %swap3A_697] {strides = array<i32>} : memref<16x128xi32, #tpu.memory_space<vmem>>, vector<1x16xi32>,
    %swap3A_699 = vector.shape_cast %swap3A_698 : vector<1x16xi32> to vector<16xi32>
    %swap3A_700 = vector.shape_cast %min3A_694 : vector<16xi32> to vector<1x16xi32>
    tpu.vector_store %arg5[%swap3A_696, %swap3A_697], %swap3A_700 {strides = array<i32>} : memref<16x128xi32, #tpu.memory_space<vmem>>, vector<1x16xi32>,
    %get3A_701 = arith.constant 4 : i32
    %get3A_702 = arith.index_cast %get3A_701 : i32 to index
    %get3A_703 = arith.constant 64 : index
    %get3A_704 = tpu.vector_load %arg5[%get3A_702, %get3A_703] {strides = array<i32>} : memref<16x128xi32, #tpu.memory_space<vmem>>, vector<1x16xi32>,
    %get3A_705 = vector.shape_cast %get3A_704 : vector<1x16xi32> to vector<16xi32>
    %add3A_706 = arith.addi %get3A_705, %mul3A_9 : vector<16xi32>
    %max3A_707 = arith.constant 0 : i32
    %max3A_708 = vector.broadcast %max3A_707 : i32 to vector<16xi32>
    %max3A_709 = arith.maxsi %add3A_706, %max3A_708 : vector<16xi32>
    %min3A_710 = arith.constant 799999 : i32
    %min3A_711 = vector.broadcast %min3A_710 : i32 to vector<16xi32>
    %min3A_712 = arith.minsi %max3A_709, %min3A_711 : vector<16xi32>
    %swap3A_713 = arith.constant 4 : i32
    %swap3A_714 = arith.index_cast %swap3A_713 : i32 to index
    %swap3A_715 = arith.constant 64 : index
    %swap3A_716 = tpu.vector_load %arg5[%swap3A_714, %swap3A_715] {strides = array<i32>} : memref<16x128xi32, #tpu.memory_space<vmem>>, vector<1x16xi32>,
    %swap3A_717 = vector.shape_cast %swap3A_716 : vector<1x16xi32> to vector<16xi32>
    %swap3A_718 = vector.shape_cast %min3A_712 : vector<16xi32> to vector<1x16xi32>
    tpu.vector_store %arg5[%swap3A_714, %swap3A_715], %swap3A_718 {strides = array<i32>} : memref<16x128xi32, #tpu.memory_space<vmem>>, vector<1x16xi32>,
    %get3A_719 = arith.constant 4 : i32
    %get3A_720 = arith.index_cast %get3A_719 : i32 to index
    %get3A_721 = arith.constant 80 : index
    %get3A_722 = tpu.vector_load %arg5[%get3A_720, %get3A_721] {strides = array<i32>} : memref<16x128xi32, #tpu.memory_space<vmem>>, vector<1x16xi32>,
    %get3A_723 = vector.shape_cast %get3A_722 : vector<1x16xi32> to vector<16xi32>
    %add3A_724 = arith.addi %get3A_723, %mul3A_9 : vector<16xi32>
    %max3A_725 = arith.constant 0 : i32
    %max3A_726 = vector.broadcast %max3A_725 : i32 to vector<16xi32>
    %max3A_727 = arith.maxsi %add3A_724, %max3A_726 : vector<16xi32>
    %min3A_728 = arith.constant 799999 : i32
    %min3A_729 = vector.broadcast %min3A_728 : i32 to vector<16xi32>
    %min3A_730 = arith.minsi %max3A_727, %min3A_729 : vector<16xi32>
    %swap3A_731 = arith.constant 4 : i32
    %swap3A_732 = arith.index_cast %swap3A_731 : i32 to index
    %swap3A_733 = arith.constant 80 : index
    %swap3A_734 = tpu.vector_load %arg5[%swap3A_732, %swap3A_733] {strides = array<i32>} : memref<16x128xi32, #tpu.memory_space<vmem>>, vector<1x16xi32>,
    %swap3A_735 = vector.shape_cast %swap3A_734 : vector<1x16xi32> to vector<16xi32>
    %swap3A_736 = vector.shape_cast %min3A_730 : vector<16xi32> to vector<1x16xi32>
    tpu.vector_store %arg5[%swap3A_732, %swap3A_733], %swap3A_736 {strides = array<i32>} : memref<16x128xi32, #tpu.memory_space<vmem>>, vector<1x16xi32>,
    %get3A_737 = arith.constant 4 : i32
    %get3A_738 = arith.index_cast %get3A_737 : i32 to index
    %get3A_739 = arith.constant 96 : index
    %get3A_740 = tpu.vector_load %arg5[%get3A_738, %get3A_739] {strides = array<i32>} : memref<16x128xi32, #tpu.memory_space<vmem>>, vector<1x16xi32>,
    %get3A_741 = vector.shape_cast %get3A_740 : vector<1x16xi32> to vector<16xi32>
    %add3A_742 = arith.addi %get3A_741, %mul3A_9 : vector<16xi32>
    %max3A_743 = arith.constant 0 : i32
    %max3A_744 = vector.broadcast %max3A_743 : i32 to vector<16xi32>
    %max3A_745 = arith.maxsi %add3A_742, %max3A_744 : vector<16xi32>
    %min3A_746 = arith.constant 799999 : i32
    %min3A_747 = vector.broadcast %min3A_746 : i32 to vector<16xi32>
    %min3A_748 = arith.minsi %max3A_745, %min3A_747 : vector<16xi32>
    %swap3A_749 = arith.constant 4 : i32
    %swap3A_750 = arith.index_cast %swap3A_749 : i32 to index
    %swap3A_751 = arith.constant 96 : index
    %swap3A_752 = tpu.vector_load %arg5[%swap3A_750, %swap3A_751] {strides = array<i32>} : memref<16x128xi32, #tpu.memory_space<vmem>>, vector<1x16xi32>,
    %swap3A_753 = vector.shape_cast %swap3A_752 : vector<1x16xi32> to vector<16xi32>
    %swap3A_754 = vector.shape_cast %min3A_748 : vector<16xi32> to vector<1x16xi32>
    tpu.vector_store %arg5[%swap3A_750, %swap3A_751], %swap3A_754 {strides = array<i32>} : memref<16x128xi32, #tpu.memory_space<vmem>>, vector<1x16xi32>,
    %get3A_755 = arith.constant 4 : i32
    %get3A_756 = arith.index_cast %get3A_755 : i32 to index
    %get3A_757 = arith.constant 112 : index
    %get3A_758 = tpu.vector_load %arg5[%get3A_756, %get3A_757] {strides = array<i32>} : memref<16x128xi32, #tpu.memory_space<vmem>>, vector<1x16xi32>,
    %get3A_759 = vector.shape_cast %get3A_758 : vector<1x16xi32> to vector<16xi32>
    %add3A_760 = arith.addi %get3A_759, %mul3A_9 : vector<16xi32>
    %max3A_761 = arith.constant 0 : i32
    %max3A_762 = vector.broadcast %max3A_761 : i32 to vector<16xi32>
    %max3A_763 = arith.maxsi %add3A_760, %max3A_762 : vector<16xi32>
    %min3A_764 = arith.constant 799999 : i32
    %min3A_765 = vector.broadcast %min3A_764 : i32 to vector<16xi32>
    %min3A_766 = arith.minsi %max3A_763, %min3A_765 : vector<16xi32>
    %swap3A_767 = arith.constant 4 : i32
    %swap3A_768 = arith.index_cast %swap3A_767 : i32 to index
    %swap3A_769 = arith.constant 112 : index
    %swap3A_770 = tpu.vector_load %arg5[%swap3A_768, %swap3A_769] {strides = array<i32>} : memref<16x128xi32, #tpu.memory_space<vmem>>, vector<1x16xi32>,
    %swap3A_771 = vector.shape_cast %swap3A_770 : vector<1x16xi32> to vector<16xi32>
    %swap3A_772 = vector.shape_cast %min3A_766 : vector<16xi32> to vector<1x16xi32>
    tpu.vector_store %arg5[%swap3A_768, %swap3A_769], %swap3A_772 {strides = array<i32>} : memref<16x128xi32, #tpu.memory_space<vmem>>, vector<1x16xi32>,
    %dma_start3A_773 = arith.constant 4 : i32
    %dma_start3A_774 = arith.constant 4 : i32
    %dma_start3A_775 = arith.constant 0 : i32
    %dma_start3A_776 = arith.constant 0 : i32
    %dma_start3A_777 = tpu.memref_slice %arg6[%dma_start3A_774, %dma_start3A_775, %dma_start3A_776] : memref<6x128x128xf32, #tpu.memory_space<vmem>> -> memref<1x128x128xf32, #tpu.memory_space<vmem>>
    %dma_start3A_778 = tpu.memref_squeeze %dma_start3A_777 : memref<1x128x128xf32, #tpu.memory_space<vmem>> -> memref<128x128xf32, #tpu.memory_space<vmem>>
    %dma_start3A_779 = arith.constant 0 : i32
    %dma_start3A_780 = tpu.memref_slice %arg5[%dma_start3A_773, %dma_start3A_779] : memref<16x128xi32, #tpu.memory_space<vmem>> -> memref<1x128xi32, #tpu.memory_space<vmem>>
    %dma_start3A_781 = tpu.memref_squeeze %dma_start3A_780 : memref<1x128xi32, #tpu.memory_space<vmem>> -> memref<128xi32, #tpu.memory_space<vmem>>
    %dma_start3A_782 = arith.constant 0 : i32
    %dma_start3A_783 = arith.constant 0 : i32
    %dma_start3A_784 = tpu.memref_slice %arg3[%dma_start3A_782, %dma_start3A_783] : memref<800000x128xf32, #tpu.memory_space<hbm>> -> memref<800000x128xf32, #tpu.memory_space<hbm>>
    tpu.enqueue_indirect_dma source(%dma_start3A_784 : memref<800000x128xf32, #tpu.memory_space<hbm>>) target(%dma_start3A_778 : memref<128x128xf32, #tpu.memory_space<vmem>>) offsets(%dma_start3A_781 : memref<128xi32, #tpu.memory_space<vmem>>) semaphore(%arg11 : memref<!tpu.dma_semaphore, #tpu.memory_space<semaphore_mem>>)
    %dma_wait3A = arith.constant 0 : i32
    %dma_wait3A_785 = arith.constant 0 : i32
    %dma_wait3A_786 = arith.constant 0 : i32
    %dma_wait3A_787 = arith.constant 0 : i32
    %dma_wait3A_788 = tpu.memref_slice %arg6[%dma_wait3A_785, %dma_wait3A_786, %dma_wait3A_787] : memref<6x128x128xf32, #tpu.memory_space<vmem>> -> memref<1x128x128xf32, #tpu.memory_space<vmem>>
    %dma_wait3A_789 = tpu.memref_squeeze %dma_wait3A_788 : memref<1x128x128xf32, #tpu.memory_space<vmem>> -> memref<128x128xf32, #tpu.memory_space<vmem>>
    %dma_wait3A_790 = arith.constant 0 : i32
    %dma_wait3A_791 = tpu.memref_slice %arg5[%dma_wait3A, %dma_wait3A_790] : memref<16x128xi32, #tpu.memory_space<vmem>> -> memref<1x128xi32, #tpu.memory_space<vmem>>
    %dma_wait3A_792 = tpu.memref_squeeze %dma_wait3A_791 : memref<1x128xi32, #tpu.memory_space<vmem>> -> memref<128xi32, #tpu.memory_space<vmem>>
    %dma_wait3A_793 = arith.constant 0 : i32
    %dma_wait3A_794 = arith.constant 0 : i32
    %dma_wait3A_795 = tpu.memref_slice %arg3[%dma_wait3A_793, %dma_wait3A_794] : memref<800000x128xf32, #tpu.memory_space<hbm>> -> memref<800000x128xf32, #tpu.memory_space<hbm>>
    tpu.wait_indirect_dma semaphore(%arg7 : memref<!tpu.dma_semaphore, #tpu.memory_space<semaphore_mem>>) src(%dma_wait3A_795 : memref<800000x128xf32, #tpu.memory_space<hbm>>) dst(%dma_wait3A_789 : memref<128x128xf32, #tpu.memory_space<vmem>>)
    %add3A_796 = arith.constant 0 : i32
    %add3A_797 = arith.addi %mul3A_2, %add3A_796 : i32
    %dma_start3A_798 = arith.constant 0 : i32
    %dma_start3A_799 = arith.constant 0 : i32
    %dma_start3A_800 = arith.constant 0 : i32
    %dma_start3A_801 = tpu.memref_slice %arg6[%dma_start3A_798, %dma_start3A_799, %dma_start3A_800] : memref<6x128x128xf32, #tpu.memory_space<vmem>> -> memref<1x128x128xf32, #tpu.memory_space<vmem>>
    %dma_start3A_802 = tpu.memref_squeeze %dma_start3A_801 : memref<1x128x128xf32, #tpu.memory_space<vmem>> -> memref<128x128xf32, #tpu.memory_space<vmem>>
    %dma_start3A_803 = arith.constant 0 : i32
    %dma_start3A_804 = tpu.memref_slice %arg4[%add3A_797, %dma_start3A_803] : memref<65536x128xf32, #tpu.memory_space<hbm>> -> memref<128x128xf32, #tpu.memory_space<hbm>>
    %dma_start3A_805 = arith.constant 0 : i32
    %dma_start3A_806 = tpu.memref_slice %arg4[%add3A_797, %dma_start3A_805] : memref<65536x128xf32, #tpu.memory_space<hbm>> -> memref<128x128xf32, #tpu.memory_space<hbm>>
    %dma_start3A_807 = arith.constant 0 : i32
    %dma_start3A_808 = arith.constant 0 : i32
    %dma_start3A_809 = tpu.memref_slice %arg6[%dma_start3A_798, %dma_start3A_807, %dma_start3A_808] : memref<6x128x128xf32, #tpu.memory_space<vmem>> -> memref<1x128x128xf32, #tpu.memory_space<vmem>>
    %dma_start3A_810 = tpu.memref_squeeze %dma_start3A_809 : memref<1x128x128xf32, #tpu.memory_space<vmem>> -> memref<128x128xf32, #tpu.memory_space<vmem>>
    tpu.enqueue_dma source(%dma_start3A_810 : memref<128x128xf32, #tpu.memory_space<vmem>>) target(%dma_start3A_806 : memref<128x128xf32, #tpu.memory_space<hbm>>) target_semaphore(%arg7 : memref<!tpu.dma_semaphore, #tpu.memory_space<semaphore_mem>>)
    %get3A_811 = arith.constant 5 : i32
    %get3A_812 = arith.index_cast %get3A_811 : i32 to index
    %get3A_813 = arith.constant 0 : index
    %get3A_814 = tpu.vector_load %arg5[%get3A_812, %get3A_813] {strides = array<i32>} : memref<16x128xi32, #tpu.memory_space<vmem>>, vector<1x16xi32>,
    %get3A_815 = vector.shape_cast %get3A_814 : vector<1x16xi32> to vector<16xi32>
    %add3A_816 = arith.addi %get3A_815, %mul3A_9 : vector<16xi32>
    %max3A_817 = arith.constant 0 : i32
    %max3A_818 = vector.broadcast %max3A_817 : i32 to vector<16xi32>
    %max3A_819 = arith.maxsi %add3A_816, %max3A_818 : vector<16xi32>
    %min3A_820 = arith.constant 799999 : i32
    %min3A_821 = vector.broadcast %min3A_820 : i32 to vector<16xi32>
    %min3A_822 = arith.minsi %max3A_819, %min3A_821 : vector<16xi32>
    %swap3A_823 = arith.constant 5 : i32
    %swap3A_824 = arith.index_cast %swap3A_823 : i32 to index
    %swap3A_825 = arith.constant 0 : index
    %swap3A_826 = tpu.vector_load %arg5[%swap3A_824, %swap3A_825] {strides = array<i32>} : memref<16x128xi32, #tpu.memory_space<vmem>>, vector<1x16xi32>,
    %swap3A_827 = vector.shape_cast %swap3A_826 : vector<1x16xi32> to vector<16xi32>
    %swap3A_828 = vector.shape_cast %min3A_822 : vector<16xi32> to vector<1x16xi32>
    tpu.vector_store %arg5[%swap3A_824, %swap3A_825], %swap3A_828 {strides = array<i32>} : memref<16x128xi32, #tpu.memory_space<vmem>>, vector<1x16xi32>,
    %get3A_829 = arith.constant 5 : i32
    %get3A_830 = arith.index_cast %get3A_829 : i32 to index
    %get3A_831 = arith.constant 16 : index
    %get3A_832 = tpu.vector_load %arg5[%get3A_830, %get3A_831] {strides = array<i32>} : memref<16x128xi32, #tpu.memory_space<vmem>>, vector<1x16xi32>,
    %get3A_833 = vector.shape_cast %get3A_832 : vector<1x16xi32> to vector<16xi32>
    %add3A_834 = arith.addi %get3A_833, %mul3A_9 : vector<16xi32>
    %max3A_835 = arith.constant 0 : i32
    %max3A_836 = vector.broadcast %max3A_835 : i32 to vector<16xi32>
    %max3A_837 = arith.maxsi %add3A_834, %max3A_836 : vector<16xi32>
    %min3A_838 = arith.constant 799999 : i32
    %min3A_839 = vector.broadcast %min3A_838 : i32 to vector<16xi32>
    %min3A_840 = arith.minsi %max3A_837, %min3A_839 : vector<16xi32>
    %swap3A_841 = arith.constant 5 : i32
    %swap3A_842 = arith.index_cast %swap3A_841 : i32 to index
    %swap3A_843 = arith.constant 16 : index
    %swap3A_844 = tpu.vector_load %arg5[%swap3A_842, %swap3A_843] {strides = array<i32>} : memref<16x128xi32, #tpu.memory_space<vmem>>, vector<1x16xi32>,
    %swap3A_845 = vector.shape_cast %swap3A_844 : vector<1x16xi32> to vector<16xi32>
    %swap3A_846 = vector.shape_cast %min3A_840 : vector<16xi32> to vector<1x16xi32>
    tpu.vector_store %arg5[%swap3A_842, %swap3A_843], %swap3A_846 {strides = array<i32>} : memref<16x128xi32, #tpu.memory_space<vmem>>, vector<1x16xi32>,
    %get3A_847 = arith.constant 5 : i32
    %get3A_848 = arith.index_cast %get3A_847 : i32 to index
    %get3A_849 = arith.constant 32 : index
    %get3A_850 = tpu.vector_load %arg5[%get3A_848, %get3A_849] {strides = array<i32>} : memref<16x128xi32, #tpu.memory_space<vmem>>, vector<1x16xi32>,
    %get3A_851 = vector.shape_cast %get3A_850 : vector<1x16xi32> to vector<16xi32>
    %add3A_852 = arith.addi %get3A_851, %mul3A_9 : vector<16xi32>
    %max3A_853 = arith.constant 0 : i32
    %max3A_854 = vector.broadcast %max3A_853 : i32 to vector<16xi32>
    %max3A_855 = arith.maxsi %add3A_852, %max3A_854 : vector<16xi32>
    %min3A_856 = arith.constant 799999 : i32
    %min3A_857 = vector.broadcast %min3A_856 : i32 to vector<16xi32>
    %min3A_858 = arith.minsi %max3A_855, %min3A_857 : vector<16xi32>
    %swap3A_859 = arith.constant 5 : i32
    %swap3A_860 = arith.index_cast %swap3A_859 : i32 to index
    %swap3A_861 = arith.constant 32 : index
    %swap3A_862 = tpu.vector_load %arg5[%swap3A_860, %swap3A_861] {strides = array<i32>} : memref<16x128xi32, #tpu.memory_space<vmem>>, vector<1x16xi32>,
    %swap3A_863 = vector.shape_cast %swap3A_862 : vector<1x16xi32> to vector<16xi32>
    %swap3A_864 = vector.shape_cast %min3A_858 : vector<16xi32> to vector<1x16xi32>
    tpu.vector_store %arg5[%swap3A_860, %swap3A_861], %swap3A_864 {strides = array<i32>} : memref<16x128xi32, #tpu.memory_space<vmem>>, vector<1x16xi32>,
    %get3A_865 = arith.constant 5 : i32
    %get3A_866 = arith.index_cast %get3A_865 : i32 to index
    %get3A_867 = arith.constant 48 : index
    %get3A_868 = tpu.vector_load %arg5[%get3A_866, %get3A_867] {strides = array<i32>} : memref<16x128xi32, #tpu.memory_space<vmem>>, vector<1x16xi32>,
    %get3A_869 = vector.shape_cast %get3A_868 : vector<1x16xi32> to vector<16xi32>
    %add3A_870 = arith.addi %get3A_869, %mul3A_9 : vector<16xi32>
    %max3A_871 = arith.constant 0 : i32
    %max3A_872 = vector.broadcast %max3A_871 : i32 to vector<16xi32>
    %max3A_873 = arith.maxsi %add3A_870, %max3A_872 : vector<16xi32>
    %min3A_874 = arith.constant 799999 : i32
    %min3A_875 = vector.broadcast %min3A_874 : i32 to vector<16xi32>
    %min3A_876 = arith.minsi %max3A_873, %min3A_875 : vector<16xi32>
    %swap3A_877 = arith.constant 5 : i32
    %swap3A_878 = arith.index_cast %swap3A_877 : i32 to index
    %swap3A_879 = arith.constant 48 : index
    %swap3A_880 = tpu.vector_load %arg5[%swap3A_878, %swap3A_879] {strides = array<i32>} : memref<16x128xi32, #tpu.memory_space<vmem>>, vector<1x16xi32>,
    %swap3A_881 = vector.shape_cast %swap3A_880 : vector<1x16xi32> to vector<16xi32>
    %swap3A_882 = vector.shape_cast %min3A_876 : vector<16xi32> to vector<1x16xi32>
    tpu.vector_store %arg5[%swap3A_878, %swap3A_879], %swap3A_882 {strides = array<i32>} : memref<16x128xi32, #tpu.memory_space<vmem>>, vector<1x16xi32>,
    %get3A_883 = arith.constant 5 : i32
    %get3A_884 = arith.index_cast %get3A_883 : i32 to index
    %get3A_885 = arith.constant 64 : index
    %get3A_886 = tpu.vector_load %arg5[%get3A_884, %get3A_885] {strides = array<i32>} : memref<16x128xi32, #tpu.memory_space<vmem>>, vector<1x16xi32>,
    %get3A_887 = vector.shape_cast %get3A_886 : vector<1x16xi32> to vector<16xi32>
    %add3A_888 = arith.addi %get3A_887, %mul3A_9 : vector<16xi32>
    %max3A_889 = arith.constant 0 : i32
    %max3A_890 = vector.broadcast %max3A_889 : i32 to vector<16xi32>
    %max3A_891 = arith.maxsi %add3A_888, %max3A_890 : vector<16xi32>
    %min3A_892 = arith.constant 799999 : i32
    %min3A_893 = vector.broadcast %min3A_892 : i32 to vector<16xi32>
    %min3A_894 = arith.minsi %max3A_891, %min3A_893 : vector<16xi32>
    %swap3A_895 = arith.constant 5 : i32
    %swap3A_896 = arith.index_cast %swap3A_895 : i32 to index
    %swap3A_897 = arith.constant 64 : index
    %swap3A_898 = tpu.vector_load %arg5[%swap3A_896, %swap3A_897] {strides = array<i32>} : memref<16x128xi32, #tpu.memory_space<vmem>>, vector<1x16xi32>,
    %swap3A_899 = vector.shape_cast %swap3A_898 : vector<1x16xi32> to vector<16xi32>
    %swap3A_900 = vector.shape_cast %min3A_894 : vector<16xi32> to vector<1x16xi32>
    tpu.vector_store %arg5[%swap3A_896, %swap3A_897], %swap3A_900 {strides = array<i32>} : memref<16x128xi32, #tpu.memory_space<vmem>>, vector<1x16xi32>,
    %get3A_901 = arith.constant 5 : i32
    %get3A_902 = arith.index_cast %get3A_901 : i32 to index
    %get3A_903 = arith.constant 80 : index
    %get3A_904 = tpu.vector_load %arg5[%get3A_902, %get3A_903] {strides = array<i32>} : memref<16x128xi32, #tpu.memory_space<vmem>>, vector<1x16xi32>,
    %get3A_905 = vector.shape_cast %get3A_904 : vector<1x16xi32> to vector<16xi32>
    %add3A_906 = arith.addi %get3A_905, %mul3A_9 : vector<16xi32>
    %max3A_907 = arith.constant 0 : i32
    %max3A_908 = vector.broadcast %max3A_907 : i32 to vector<16xi32>
    %max3A_909 = arith.maxsi %add3A_906, %max3A_908 : vector<16xi32>
    %min3A_910 = arith.constant 799999 : i32
    %min3A_911 = vector.broadcast %min3A_910 : i32 to vector<16xi32>
    %min3A_912 = arith.minsi %max3A_909, %min3A_911 : vector<16xi32>
    %swap3A_913 = arith.constant 5 : i32
    %swap3A_914 = arith.index_cast %swap3A_913 : i32 to index
    %swap3A_915 = arith.constant 80 : index
    %swap3A_916 = tpu.vector_load %arg5[%swap3A_914, %swap3A_915] {strides = array<i32>} : memref<16x128xi32, #tpu.memory_space<vmem>>, vector<1x16xi32>,
    %swap3A_917 = vector.shape_cast %swap3A_916 : vector<1x16xi32> to vector<16xi32>
    %swap3A_918 = vector.shape_cast %min3A_912 : vector<16xi32> to vector<1x16xi32>
    tpu.vector_store %arg5[%swap3A_914, %swap3A_915], %swap3A_918 {strides = array<i32>} : memref<16x128xi32, #tpu.memory_space<vmem>>, vector<1x16xi32>,
    %get3A_919 = arith.constant 5 : i32
    %get3A_920 = arith.index_cast %get3A_919 : i32 to index
    %get3A_921 = arith.constant 96 : index
    %get3A_922 = tpu.vector_load %arg5[%get3A_920, %get3A_921] {strides = array<i32>} : memref<16x128xi32, #tpu.memory_space<vmem>>, vector<1x16xi32>,
    %get3A_923 = vector.shape_cast %get3A_922 : vector<1x16xi32> to vector<16xi32>
    %add3A_924 = arith.addi %get3A_923, %mul3A_9 : vector<16xi32>
    %max3A_925 = arith.constant 0 : i32
    %max3A_926 = vector.broadcast %max3A_925 : i32 to vector<16xi32>
    %max3A_927 = arith.maxsi %add3A_924, %max3A_926 : vector<16xi32>
    %min3A_928 = arith.constant 799999 : i32
    %min3A_929 = vector.broadcast %min3A_928 : i32 to vector<16xi32>
    %min3A_930 = arith.minsi %max3A_927, %min3A_929 : vector<16xi32>
    %swap3A_931 = arith.constant 5 : i32
    %swap3A_932 = arith.index_cast %swap3A_931 : i32 to index
    %swap3A_933 = arith.constant 96 : index
    %swap3A_934 = tpu.vector_load %arg5[%swap3A_932, %swap3A_933] {strides = array<i32>} : memref<16x128xi32, #tpu.memory_space<vmem>>, vector<1x16xi32>,
    %swap3A_935 = vector.shape_cast %swap3A_934 : vector<1x16xi32> to vector<16xi32>
    %swap3A_936 = vector.shape_cast %min3A_930 : vector<16xi32> to vector<1x16xi32>
    tpu.vector_store %arg5[%swap3A_932, %swap3A_933], %swap3A_936 {strides = array<i32>} : memref<16x128xi32, #tpu.memory_space<vmem>>, vector<1x16xi32>,
    %get3A_937 = arith.constant 5 : i32
    %get3A_938 = arith.index_cast %get3A_937 : i32 to index
    %get3A_939 = arith.constant 112 : index
    %get3A_940 = tpu.vector_load %arg5[%get3A_938, %get3A_939] {strides = array<i32>} : memref<16x128xi32, #tpu.memory_space<vmem>>, vector<1x16xi32>,
    %get3A_941 = vector.shape_cast %get3A_940 : vector<1x16xi32> to vector<16xi32>
    %add3A_942 = arith.addi %get3A_941, %mul3A_9 : vector<16xi32>
    %max3A_943 = arith.constant 0 : i32
    %max3A_944 = vector.broadcast %max3A_943 : i32 to vector<16xi32>
    %max3A_945 = arith.maxsi %add3A_942, %max3A_944 : vector<16xi32>
    %min3A_946 = arith.constant 799999 : i32
    %min3A_947 = vector.broadcast %min3A_946 : i32 to vector<16xi32>
    %min3A_948 = arith.minsi %max3A_945, %min3A_947 : vector<16xi32>
    %swap3A_949 = arith.constant 5 : i32
    %swap3A_950 = arith.index_cast %swap3A_949 : i32 to index
    %swap3A_951 = arith.constant 112 : index
    %swap3A_952 = tpu.vector_load %arg5[%swap3A_950, %swap3A_951] {strides = array<i32>} : memref<16x128xi32, #tpu.memory_space<vmem>>, vector<1x16xi32>,
    %swap3A_953 = vector.shape_cast %swap3A_952 : vector<1x16xi32> to vector<16xi32>
    %swap3A_954 = vector.shape_cast %min3A_948 : vector<16xi32> to vector<1x16xi32>
    tpu.vector_store %arg5[%swap3A_950, %swap3A_951], %swap3A_954 {strides = array<i32>} : memref<16x128xi32, #tpu.memory_space<vmem>>, vector<1x16xi32>,
    %dma_start3A_955 = arith.constant 5 : i32
    %dma_start3A_956 = arith.constant 5 : i32
    %dma_start3A_957 = arith.constant 0 : i32
    %dma_start3A_958 = arith.constant 0 : i32
    %dma_start3A_959 = tpu.memref_slice %arg6[%dma_start3A_956, %dma_start3A_957, %dma_start3A_958] : memref<6x128x128xf32, #tpu.memory_space<vmem>> -> memref<1x128x128xf32, #tpu.memory_space<vmem>>
    %dma_start3A_960 = tpu.memref_squeeze %dma_start3A_959 : memref<1x128x128xf32, #tpu.memory_space<vmem>> -> memref<128x128xf32, #tpu.memory_space<vmem>>
    %dma_start3A_961 = arith.constant 0 : i32
    %dma_start3A_962 = tpu.memref_slice %arg5[%dma_start3A_955, %dma_start3A_961] : memref<16x128xi32, #tpu.memory_space<vmem>> -> memref<1x128xi32, #tpu.memory_space<vmem>>
    %dma_start3A_963 = tpu.memref_squeeze %dma_start3A_962 : memref<1x128xi32, #tpu.memory_space<vmem>> -> memref<128xi32, #tpu.memory_space<vmem>>
    %dma_start3A_964 = arith.constant 0 : i32
    %dma_start3A_965 = arith.constant 0 : i32
    %dma_start3A_966 = tpu.memref_slice %arg3[%dma_start3A_964, %dma_start3A_965] : memref<800000x128xf32, #tpu.memory_space<hbm>> -> memref<800000x128xf32, #tpu.memory_space<hbm>>
    tpu.enqueue_indirect_dma source(%dma_start3A_966 : memref<800000x128xf32, #tpu.memory_space<hbm>>) target(%dma_start3A_960 : memref<128x128xf32, #tpu.memory_space<vmem>>) offsets(%dma_start3A_963 : memref<128xi32, #tpu.memory_space<vmem>>) semaphore(%arg12 : memref<!tpu.dma_semaphore, #tpu.memory_space<semaphore_mem>>)
    %dma_wait3A_967 = arith.constant 1 : i32
    %dma_wait3A_968 = arith.constant 1 : i32
    %dma_wait3A_969 = arith.constant 0 : i32
    %dma_wait3A_970 = arith.constant 0 : i32
    %dma_wait3A_971 = tpu.memref_slice %arg6[%dma_wait3A_968, %dma_wait3A_969, %dma_wait3A_970] : memref<6x128x128xf32, #tpu.memory_space<vmem>> -> memref<1x128x128xf32, #tpu.memory_space<vmem>>
    %dma_wait3A_972 = tpu.memref_squeeze %dma_wait3A_971 : memref<1x128x128xf32, #tpu.memory_space<vmem>> -> memref<128x128xf32, #tpu.memory_space<vmem>>
    %dma_wait3A_973 = arith.constant 0 : i32
    %dma_wait3A_974 = tpu.memref_slice %arg5[%dma_wait3A_967, %dma_wait3A_973] : memref<16x128xi32, #tpu.memory_space<vmem>> -> memref<1x128xi32, #tpu.memory_space<vmem>>
    %dma_wait3A_975 = tpu.memref_squeeze %dma_wait3A_974 : memref<1x128xi32, #tpu.memory_space<vmem>> -> memref<128xi32, #tpu.memory_space<vmem>>
    %dma_wait3A_976 = arith.constant 0 : i32
    %dma_wait3A_977 = arith.constant 0 : i32
    %dma_wait3A_978 = tpu.memref_slice %arg3[%dma_wait3A_976, %dma_wait3A_977] : memref<800000x128xf32, #tpu.memory_space<hbm>> -> memref<800000x128xf32, #tpu.memory_space<hbm>>
    tpu.wait_indirect_dma semaphore(%arg8 : memref<!tpu.dma_semaphore, #tpu.memory_space<semaphore_mem>>) src(%dma_wait3A_978 : memref<800000x128xf32, #tpu.memory_space<hbm>>) dst(%dma_wait3A_972 : memref<128x128xf32, #tpu.memory_space<vmem>>)
    %add3A_979 = arith.constant 128 : i32
    %add3A_980 = arith.addi %mul3A_2, %add3A_979 : i32
    %dma_start3A_981 = arith.constant 1 : i32
    %dma_start3A_982 = arith.constant 0 : i32
    %dma_start3A_983 = arith.constant 0 : i32
    %dma_start3A_984 = tpu.memref_slice %arg6[%dma_start3A_981, %dma_start3A_982, %dma_start3A_983] : memref<6x128x128xf32, #tpu.memory_space<vmem>> -> memref<1x128x128xf32, #tpu.memory_space<vmem>>
    %dma_start3A_985 = tpu.memref_squeeze %dma_start3A_984 : memref<1x128x128xf32, #tpu.memory_space<vmem>> -> memref<128x128xf32, #tpu.memory_space<vmem>>
    %dma_start3A_986 = arith.constant 0 : i32
    %dma_start3A_987 = tpu.memref_slice %arg4[%add3A_980, %dma_start3A_986] : memref<65536x128xf32, #tpu.memory_space<hbm>> -> memref<128x128xf32, #tpu.memory_space<hbm>>
    %dma_start3A_988 = arith.constant 0 : i32
    %dma_start3A_989 = tpu.memref_slice %arg4[%add3A_980, %dma_start3A_988] : memref<65536x128xf32, #tpu.memory_space<hbm>> -> memref<128x128xf32, #tpu.memory_space<hbm>>
    %dma_start3A_990 = arith.constant 0 : i32
    %dma_start3A_991 = arith.constant 0 : i32
    %dma_start3A_992 = tpu.memref_slice %arg6[%dma_start3A_981, %dma_start3A_990, %dma_start3A_991] : memref<6x128x128xf32, #tpu.memory_space<vmem>> -> memref<1x128x128xf32, #tpu.memory_space<vmem>>
    %dma_start3A_993 = tpu.memref_squeeze %dma_start3A_992 : memref<1x128x128xf32, #tpu.memory_space<vmem>> -> memref<128x128xf32, #tpu.memory_space<vmem>>
    tpu.enqueue_dma source(%dma_start3A_993 : memref<128x128xf32, #tpu.memory_space<vmem>>) target(%dma_start3A_989 : memref<128x128xf32, #tpu.memory_space<hbm>>) target_semaphore(%arg8 : memref<!tpu.dma_semaphore, #tpu.memory_space<semaphore_mem>>)
    %dma_wait3A_994 = arith.constant 0 : i32
    %dma_wait3A_995 = arith.constant 0 : i32
    %dma_wait3A_996 = arith.constant 0 : i32
    %dma_wait3A_997 = tpu.memref_slice %arg6[%dma_wait3A_994, %dma_wait3A_995, %dma_wait3A_996] : memref<6x128x128xf32, #tpu.memory_space<vmem>> -> memref<1x128x128xf32, #tpu.memory_space<vmem>>
    %dma_wait3A_998 = tpu.memref_squeeze %dma_wait3A_997 : memref<1x128x128xf32, #tpu.memory_space<vmem>> -> memref<128x128xf32, #tpu.memory_space<vmem>>
    %dma_wait3A_999 = arith.constant 0 : i32
    %dma_wait3A_1000 = tpu.memref_slice %arg4[%add3A_797, %dma_wait3A_999] : memref<65536x128xf32, #tpu.memory_space<hbm>> -> memref<128x128xf32, #tpu.memory_space<hbm>>
    %dma_wait3A_1001 = arith.constant 0 : i32
    %dma_wait3A_1002 = tpu.memref_slice %arg4[%add3A_797, %dma_wait3A_1001] : memref<65536x128xf32, #tpu.memory_space<hbm>> -> memref<128x128xf32, #tpu.memory_space<hbm>>
    %dma_wait3A_1003 = arith.constant 0 : i32
    %dma_wait3A_1004 = arith.constant 0 : i32
    %dma_wait3A_1005 = tpu.memref_slice %arg6[%dma_wait3A_994, %dma_wait3A_1003, %dma_wait3A_1004] : memref<6x128x128xf32, #tpu.memory_space<vmem>> -> memref<1x128x128xf32, #tpu.memory_space<vmem>>
    %dma_wait3A_1006 = tpu.memref_squeeze %dma_wait3A_1005 : memref<1x128x128xf32, #tpu.memory_space<vmem>> -> memref<128x128xf32, #tpu.memory_space<vmem>>
    tpu.wait_dma2 semaphore(%arg7 : memref<!tpu.dma_semaphore, #tpu.memory_space<semaphore_mem>>) src(%dma_wait3A_1006 : memref<128x128xf32, #tpu.memory_space<vmem>>) dst(%dma_wait3A_1002 : memref<128x128xf32, #tpu.memory_space<hbm>>)
    %get3A_1007 = arith.constant 6 : i32
    %get3A_1008 = arith.index_cast %get3A_1007 : i32 to index
    %get3A_1009 = arith.constant 0 : index
    %get3A_1010 = tpu.vector_load %arg5[%get3A_1008, %get3A_1009] {strides = array<i32>} : memref<16x128xi32, #tpu.memory_space<vmem>>, vector<1x16xi32>,
    %get3A_1011 = vector.shape_cast %get3A_1010 : vector<1x16xi32> to vector<16xi32>
    %add3A_1012 = arith.addi %get3A_1011, %mul3A_9 : vector<16xi32>
    %max3A_1013 = arith.constant 0 : i32
    %max3A_1014 = vector.broadcast %max3A_1013 : i32 to vector<16xi32>
    %max3A_1015 = arith.maxsi %add3A_1012, %max3A_1014 : vector<16xi32>
    %min3A_1016 = arith.constant 799999 : i32
    %min3A_1017 = vector.broadcast %min3A_1016 : i32 to vector<16xi32>
    %min3A_1018 = arith.minsi %max3A_1015, %min3A_1017 : vector<16xi32>
    %swap3A_1019 = arith.constant 6 : i32
    %swap3A_1020 = arith.index_cast %swap3A_1019 : i32 to index
    %swap3A_1021 = arith.constant 0 : index
    %swap3A_1022 = tpu.vector_load %arg5[%swap3A_1020, %swap3A_1021] {strides = array<i32>} : memref<16x128xi32, #tpu.memory_space<vmem>>, vector<1x16xi32>,
    %swap3A_1023 = vector.shape_cast %swap3A_1022 : vector<1x16xi32> to vector<16xi32>
    %swap3A_1024 = vector.shape_cast %min3A_1018 : vector<16xi32> to vector<1x16xi32>
    tpu.vector_store %arg5[%swap3A_1020, %swap3A_1021], %swap3A_1024 {strides = array<i32>} : memref<16x128xi32, #tpu.memory_space<vmem>>, vector<1x16xi32>,
    %get3A_1025 = arith.constant 6 : i32
    %get3A_1026 = arith.index_cast %get3A_1025 : i32 to index
    %get3A_1027 = arith.constant 16 : index
    %get3A_1028 = tpu.vector_load %arg5[%get3A_1026, %get3A_1027] {strides = array<i32>} : memref<16x128xi32, #tpu.memory_space<vmem>>, vector<1x16xi32>,
    %get3A_1029 = vector.shape_cast %get3A_1028 : vector<1x16xi32> to vector<16xi32>
    %add3A_1030 = arith.addi %get3A_1029, %mul3A_9 : vector<16xi32>
    %max3A_1031 = arith.constant 0 : i32
    %max3A_1032 = vector.broadcast %max3A_1031 : i32 to vector<16xi32>
    %max3A_1033 = arith.maxsi %add3A_1030, %max3A_1032 : vector<16xi32>
    %min3A_1034 = arith.constant 799999 : i32
    %min3A_1035 = vector.broadcast %min3A_1034 : i32 to vector<16xi32>
    %min3A_1036 = arith.minsi %max3A_1033, %min3A_1035 : vector<16xi32>
    %swap3A_1037 = arith.constant 6 : i32
    %swap3A_1038 = arith.index_cast %swap3A_1037 : i32 to index
    %swap3A_1039 = arith.constant 16 : index
    %swap3A_1040 = tpu.vector_load %arg5[%swap3A_1038, %swap3A_1039] {strides = array<i32>} : memref<16x128xi32, #tpu.memory_space<vmem>>, vector<1x16xi32>,
    %swap3A_1041 = vector.shape_cast %swap3A_1040 : vector<1x16xi32> to vector<16xi32>
    %swap3A_1042 = vector.shape_cast %min3A_1036 : vector<16xi32> to vector<1x16xi32>
    tpu.vector_store %arg5[%swap3A_1038, %swap3A_1039], %swap3A_1042 {strides = array<i32>} : memref<16x128xi32, #tpu.memory_space<vmem>>, vector<1x16xi32>,
    %get3A_1043 = arith.constant 6 : i32
    %get3A_1044 = arith.index_cast %get3A_1043 : i32 to index
    %get3A_1045 = arith.constant 32 : index
    %get3A_1046 = tpu.vector_load %arg5[%get3A_1044, %get3A_1045] {strides = array<i32>} : memref<16x128xi32, #tpu.memory_space<vmem>>, vector<1x16xi32>,
    %get3A_1047 = vector.shape_cast %get3A_1046 : vector<1x16xi32> to vector<16xi32>
    %add3A_1048 = arith.addi %get3A_1047, %mul3A_9 : vector<16xi32>
    %max3A_1049 = arith.constant 0 : i32
    %max3A_1050 = vector.broadcast %max3A_1049 : i32 to vector<16xi32>
    %max3A_1051 = arith.maxsi %add3A_1048, %max3A_1050 : vector<16xi32>
    %min3A_1052 = arith.constant 799999 : i32
    %min3A_1053 = vector.broadcast %min3A_1052 : i32 to vector<16xi32>
    %min3A_1054 = arith.minsi %max3A_1051, %min3A_1053 : vector<16xi32>
    %swap3A_1055 = arith.constant 6 : i32
    %swap3A_1056 = arith.index_cast %swap3A_1055 : i32 to index
    %swap3A_1057 = arith.constant 32 : index
    %swap3A_1058 = tpu.vector_load %arg5[%swap3A_1056, %swap3A_1057] {strides = array<i32>} : memref<16x128xi32, #tpu.memory_space<vmem>>, vector<1x16xi32>,
    %swap3A_1059 = vector.shape_cast %swap3A_1058 : vector<1x16xi32> to vector<16xi32>
    %swap3A_1060 = vector.shape_cast %min3A_1054 : vector<16xi32> to vector<1x16xi32>
    tpu.vector_store %arg5[%swap3A_1056, %swap3A_1057], %swap3A_1060 {strides = array<i32>} : memref<16x128xi32, #tpu.memory_space<vmem>>, vector<1x16xi32>,
    %get3A_1061 = arith.constant 6 : i32
    %get3A_1062 = arith.index_cast %get3A_1061 : i32 to index
    %get3A_1063 = arith.constant 48 : index
    %get3A_1064 = tpu.vector_load %arg5[%get3A_1062, %get3A_1063] {strides = array<i32>} : memref<16x128xi32, #tpu.memory_space<vmem>>, vector<1x16xi32>,
    %get3A_1065 = vector.shape_cast %get3A_1064 : vector<1x16xi32> to vector<16xi32>
    %add3A_1066 = arith.addi %get3A_1065, %mul3A_9 : vector<16xi32>
    %max3A_1067 = arith.constant 0 : i32
    %max3A_1068 = vector.broadcast %max3A_1067 : i32 to vector<16xi32>
    %max3A_1069 = arith.maxsi %add3A_1066, %max3A_1068 : vector<16xi32>
    %min3A_1070 = arith.constant 799999 : i32
    %min3A_1071 = vector.broadcast %min3A_1070 : i32 to vector<16xi32>
    %min3A_1072 = arith.minsi %max3A_1069, %min3A_1071 : vector<16xi32>
    %swap3A_1073 = arith.constant 6 : i32
    %swap3A_1074 = arith.index_cast %swap3A_1073 : i32 to index
    %swap3A_1075 = arith.constant 48 : index
    %swap3A_1076 = tpu.vector_load %arg5[%swap3A_1074, %swap3A_1075] {strides = array<i32>} : memref<16x128xi32, #tpu.memory_space<vmem>>, vector<1x16xi32>,
    %swap3A_1077 = vector.shape_cast %swap3A_1076 : vector<1x16xi32> to vector<16xi32>
    %swap3A_1078 = vector.shape_cast %min3A_1072 : vector<16xi32> to vector<1x16xi32>
    tpu.vector_store %arg5[%swap3A_1074, %swap3A_1075], %swap3A_1078 {strides = array<i32>} : memref<16x128xi32, #tpu.memory_space<vmem>>, vector<1x16xi32>,
    %get3A_1079 = arith.constant 6 : i32
    %get3A_1080 = arith.index_cast %get3A_1079 : i32 to index
    %get3A_1081 = arith.constant 64 : index
    %get3A_1082 = tpu.vector_load %arg5[%get3A_1080, %get3A_1081] {strides = array<i32>} : memref<16x128xi32, #tpu.memory_space<vmem>>, vector<1x16xi32>,
    %get3A_1083 = vector.shape_cast %get3A_1082 : vector<1x16xi32> to vector<16xi32>
    %add3A_1084 = arith.addi %get3A_1083, %mul3A_9 : vector<16xi32>
    %max3A_1085 = arith.constant 0 : i32
    %max3A_1086 = vector.broadcast %max3A_1085 : i32 to vector<16xi32>
    %max3A_1087 = arith.maxsi %add3A_1084, %max3A_1086 : vector<16xi32>
    %min3A_1088 = arith.constant 799999 : i32
    %min3A_1089 = vector.broadcast %min3A_1088 : i32 to vector<16xi32>
    %min3A_1090 = arith.minsi %max3A_1087, %min3A_1089 : vector<16xi32>
    %swap3A_1091 = arith.constant 6 : i32
    %swap3A_1092 = arith.index_cast %swap3A_1091 : i32 to index
    %swap3A_1093 = arith.constant 64 : index
    %swap3A_1094 = tpu.vector_load %arg5[%swap3A_1092, %swap3A_1093] {strides = array<i32>} : memref<16x128xi32, #tpu.memory_space<vmem>>, vector<1x16xi32>,
    %swap3A_1095 = vector.shape_cast %swap3A_1094 : vector<1x16xi32> to vector<16xi32>
    %swap3A_1096 = vector.shape_cast %min3A_1090 : vector<16xi32> to vector<1x16xi32>
    tpu.vector_store %arg5[%swap3A_1092, %swap3A_1093], %swap3A_1096 {strides = array<i32>} : memref<16x128xi32, #tpu.memory_space<vmem>>, vector<1x16xi32>,
    %get3A_1097 = arith.constant 6 : i32
    %get3A_1098 = arith.index_cast %get3A_1097 : i32 to index
    %get3A_1099 = arith.constant 80 : index
    %get3A_1100 = tpu.vector_load %arg5[%get3A_1098, %get3A_1099] {strides = array<i32>} : memref<16x128xi32, #tpu.memory_space<vmem>>, vector<1x16xi32>,
    %get3A_1101 = vector.shape_cast %get3A_1100 : vector<1x16xi32> to vector<16xi32>
    %add3A_1102 = arith.addi %get3A_1101, %mul3A_9 : vector<16xi32>
    %max3A_1103 = arith.constant 0 : i32
    %max3A_1104 = vector.broadcast %max3A_1103 : i32 to vector<16xi32>
    %max3A_1105 = arith.maxsi %add3A_1102, %max3A_1104 : vector<16xi32>
    %min3A_1106 = arith.constant 799999 : i32
    %min3A_1107 = vector.broadcast %min3A_1106 : i32 to vector<16xi32>
    %min3A_1108 = arith.minsi %max3A_1105, %min3A_1107 : vector<16xi32>
    %swap3A_1109 = arith.constant 6 : i32
    %swap3A_1110 = arith.index_cast %swap3A_1109 : i32 to index
    %swap3A_1111 = arith.constant 80 : index
    %swap3A_1112 = tpu.vector_load %arg5[%swap3A_1110, %swap3A_1111] {strides = array<i32>} : memref<16x128xi32, #tpu.memory_space<vmem>>, vector<1x16xi32>,
    %swap3A_1113 = vector.shape_cast %swap3A_1112 : vector<1x16xi32> to vector<16xi32>
    %swap3A_1114 = vector.shape_cast %min3A_1108 : vector<16xi32> to vector<1x16xi32>
    tpu.vector_store %arg5[%swap3A_1110, %swap3A_1111], %swap3A_1114 {strides = array<i32>} : memref<16x128xi32, #tpu.memory_space<vmem>>, vector<1x16xi32>,
    %get3A_1115 = arith.constant 6 : i32
    %get3A_1116 = arith.index_cast %get3A_1115 : i32 to index
    %get3A_1117 = arith.constant 96 : index
    %get3A_1118 = tpu.vector_load %arg5[%get3A_1116, %get3A_1117] {strides = array<i32>} : memref<16x128xi32, #tpu.memory_space<vmem>>, vector<1x16xi32>,
    %get3A_1119 = vector.shape_cast %get3A_1118 : vector<1x16xi32> to vector<16xi32>
    %add3A_1120 = arith.addi %get3A_1119, %mul3A_9 : vector<16xi32>
    %max3A_1121 = arith.constant 0 : i32
    %max3A_1122 = vector.broadcast %max3A_1121 : i32 to vector<16xi32>
    %max3A_1123 = arith.maxsi %add3A_1120, %max3A_1122 : vector<16xi32>
    %min3A_1124 = arith.constant 799999 : i32
    %min3A_1125 = vector.broadcast %min3A_1124 : i32 to vector<16xi32>
    %min3A_1126 = arith.minsi %max3A_1123, %min3A_1125 : vector<16xi32>
    %swap3A_1127 = arith.constant 6 : i32
    %swap3A_1128 = arith.index_cast %swap3A_1127 : i32 to index
    %swap3A_1129 = arith.constant 96 : index
    %swap3A_1130 = tpu.vector_load %arg5[%swap3A_1128, %swap3A_1129] {strides = array<i32>} : memref<16x128xi32, #tpu.memory_space<vmem>>, vector<1x16xi32>,
    %swap3A_1131 = vector.shape_cast %swap3A_1130 : vector<1x16xi32> to vector<16xi32>
    %swap3A_1132 = vector.shape_cast %min3A_1126 : vector<16xi32> to vector<1x16xi32>
    tpu.vector_store %arg5[%swap3A_1128, %swap3A_1129], %swap3A_1132 {strides = array<i32>} : memref<16x128xi32, #tpu.memory_space<vmem>>, vector<1x16xi32>,
    %get3A_1133 = arith.constant 6 : i32
    %get3A_1134 = arith.index_cast %get3A_1133 : i32 to index
    %get3A_1135 = arith.constant 112 : index
    %get3A_1136 = tpu.vector_load %arg5[%get3A_1134, %get3A_1135] {strides = array<i32>} : memref<16x128xi32, #tpu.memory_space<vmem>>, vector<1x16xi32>,
    %get3A_1137 = vector.shape_cast %get3A_1136 : vector<1x16xi32> to vector<16xi32>
    %add3A_1138 = arith.addi %get3A_1137, %mul3A_9 : vector<16xi32>
    %max3A_1139 = arith.constant 0 : i32
    %max3A_1140 = vector.broadcast %max3A_1139 : i32 to vector<16xi32>
    %max3A_1141 = arith.maxsi %add3A_1138, %max3A_1140 : vector<16xi32>
    %min3A_1142 = arith.constant 799999 : i32
    %min3A_1143 = vector.broadcast %min3A_1142 : i32 to vector<16xi32>
    %min3A_1144 = arith.minsi %max3A_1141, %min3A_1143 : vector<16xi32>
    %swap3A_1145 = arith.constant 6 : i32
    %swap3A_1146 = arith.index_cast %swap3A_1145 : i32 to index
    %swap3A_1147 = arith.constant 112 : index
    %swap3A_1148 = tpu.vector_load %arg5[%swap3A_1146, %swap3A_1147] {strides = array<i32>} : memref<16x128xi32, #tpu.memory_space<vmem>>, vector<1x16xi32>,
    %swap3A_1149 = vector.shape_cast %swap3A_1148 : vector<1x16xi32> to vector<16xi32>
    %swap3A_1150 = vector.shape_cast %min3A_1144 : vector<16xi32> to vector<1x16xi32>
    tpu.vector_store %arg5[%swap3A_1146, %swap3A_1147], %swap3A_1150 {strides = array<i32>} : memref<16x128xi32, #tpu.memory_space<vmem>>, vector<1x16xi32>,
    %dma_start3A_1151 = arith.constant 6 : i32
    %dma_start3A_1152 = arith.constant 0 : i32
    %dma_start3A_1153 = arith.constant 0 : i32
    %dma_start3A_1154 = arith.constant 0 : i32
    %dma_start3A_1155 = tpu.memref_slice %arg6[%dma_start3A_1152, %dma_start3A_1153, %dma_start3A_1154] : memref<6x128x128xf32, #tpu.memory_space<vmem>> -> memref<1x128x128xf32, #tpu.memory_space<vmem>>
    %dma_start3A_1156 = tpu.memref_squeeze %dma_start3A_1155 : memref<1x128x128xf32, #tpu.memory_space<vmem>> -> memref<128x128xf32, #tpu.memory_space<vmem>>
    %dma_start3A_1157 = arith.constant 0 : i32
    %dma_start3A_1158 = tpu.memref_slice %arg5[%dma_start3A_1151, %dma_start3A_1157] : memref<16x128xi32, #tpu.memory_space<vmem>> -> memref<1x128xi32, #tpu.memory_space<vmem>>
    %dma_start3A_1159 = tpu.memref_squeeze %dma_start3A_1158 : memref<1x128xi32, #tpu.memory_space<vmem>> -> memref<128xi32, #tpu.memory_space<vmem>>
    %dma_start3A_1160 = arith.constant 0 : i32
    %dma_start3A_1161 = arith.constant 0 : i32
    %dma_start3A_1162 = tpu.memref_slice %arg3[%dma_start3A_1160, %dma_start3A_1161] : memref<800000x128xf32, #tpu.memory_space<hbm>> -> memref<800000x128xf32, #tpu.memory_space<hbm>>
    tpu.enqueue_indirect_dma source(%dma_start3A_1162 : memref<800000x128xf32, #tpu.memory_space<hbm>>) target(%dma_start3A_1156 : memref<128x128xf32, #tpu.memory_space<vmem>>) offsets(%dma_start3A_1159 : memref<128xi32, #tpu.memory_space<vmem>>) semaphore(%arg7 : memref<!tpu.dma_semaphore, #tpu.memory_space<semaphore_mem>>)
    %dma_wait3A_1163 = arith.constant 2 : i32
    %dma_wait3A_1164 = arith.constant 2 : i32
    %dma_wait3A_1165 = arith.constant 0 : i32
    %dma_wait3A_1166 = arith.constant 0 : i32
    %dma_wait3A_1167 = tpu.memref_slice %arg6[%dma_wait3A_1164, %dma_wait3A_1165, %dma_wait3A_1166] : memref<6x128x128xf32, #tpu.memory_space<vmem>> -> memref<1x128x128xf32, #tpu.memory_space<vmem>>
    %dma_wait3A_1168 = tpu.memref_squeeze %dma_wait3A_1167 : memref<1x128x128xf32, #tpu.memory_space<vmem>> -> memref<128x128xf32, #tpu.memory_space<vmem>>
    %dma_wait3A_1169 = arith.constant 0 : i32
    %dma_wait3A_1170 = tpu.memref_slice %arg5[%dma_wait3A_1163, %dma_wait3A_1169] : memref<16x128xi32, #tpu.memory_space<vmem>> -> memref<1x128xi32, #tpu.memory_space<vmem>>
    %dma_wait3A_1171 = tpu.memref_squeeze %dma_wait3A_1170 : memref<1x128xi32, #tpu.memory_space<vmem>> -> memref<128xi32, #tpu.memory_space<vmem>>
    %dma_wait3A_1172 = arith.constant 0 : i32
    %dma_wait3A_1173 = arith.constant 0 : i32
    %dma_wait3A_1174 = tpu.memref_slice %arg3[%dma_wait3A_1172, %dma_wait3A_1173] : memref<800000x128xf32, #tpu.memory_space<hbm>> -> memref<800000x128xf32, #tpu.memory_space<hbm>>
    tpu.wait_indirect_dma semaphore(%arg9 : memref<!tpu.dma_semaphore, #tpu.memory_space<semaphore_mem>>) src(%dma_wait3A_1174 : memref<800000x128xf32, #tpu.memory_space<hbm>>) dst(%dma_wait3A_1168 : memref<128x128xf32, #tpu.memory_space<vmem>>)
    %add3A_1175 = arith.constant 256 : i32
    %add3A_1176 = arith.addi %mul3A_2, %add3A_1175 : i32
    %dma_start3A_1177 = arith.constant 2 : i32
    %dma_start3A_1178 = arith.constant 0 : i32
    %dma_start3A_1179 = arith.constant 0 : i32
    %dma_start3A_1180 = tpu.memref_slice %arg6[%dma_start3A_1177, %dma_start3A_1178, %dma_start3A_1179] : memref<6x128x128xf32, #tpu.memory_space<vmem>> -> memref<1x128x128xf32, #tpu.memory_space<vmem>>
    %dma_start3A_1181 = tpu.memref_squeeze %dma_start3A_1180 : memref<1x128x128xf32, #tpu.memory_space<vmem>> -> memref<128x128xf32, #tpu.memory_space<vmem>>
    %dma_start3A_1182 = arith.constant 0 : i32
    %dma_start3A_1183 = tpu.memref_slice %arg4[%add3A_1176, %dma_start3A_1182] : memref<65536x128xf32, #tpu.memory_space<hbm>> -> memref<128x128xf32, #tpu.memory_space<hbm>>
    %dma_start3A_1184 = arith.constant 0 : i32
    %dma_start3A_1185 = tpu.memref_slice %arg4[%add3A_1176, %dma_start3A_1184] : memref<65536x128xf32, #tpu.memory_space<hbm>> -> memref<128x128xf32, #tpu.memory_space<hbm>>
    %dma_start3A_1186 = arith.constant 0 : i32
    %dma_start3A_1187 = arith.constant 0 : i32
    %dma_start3A_1188 = tpu.memref_slice %arg6[%dma_start3A_1177, %dma_start3A_1186, %dma_start3A_1187] : memref<6x128x128xf32, #tpu.memory_space<vmem>> -> memref<1x128x128xf32, #tpu.memory_space<vmem>>
    %dma_start3A_1189 = tpu.memref_squeeze %dma_start3A_1188 : memref<1x128x128xf32, #tpu.memory_space<vmem>> -> memref<128x128xf32, #tpu.memory_space<vmem>>
    tpu.enqueue_dma source(%dma_start3A_1189 : memref<128x128xf32, #tpu.memory_space<vmem>>) target(%dma_start3A_1185 : memref<128x128xf32, #tpu.memory_space<hbm>>) target_semaphore(%arg9 : memref<!tpu.dma_semaphore, #tpu.memory_space<semaphore_mem>>)
    %dma_wait3A_1190 = arith.constant 1 : i32
    %dma_wait3A_1191 = arith.constant 0 : i32
    %dma_wait3A_1192 = arith.constant 0 : i32
    %dma_wait3A_1193 = tpu.memref_slice %arg6[%dma_wait3A_1190, %dma_wait3A_1191, %dma_wait3A_1192] : memref<6x128x128xf32, #tpu.memory_space<vmem>> -> memref<1x128x128xf32, #tpu.memory_space<vmem>>
    %dma_wait3A_1194 = tpu.memref_squeeze %dma_wait3A_1193 : memref<1x128x128xf32, #tpu.memory_space<vmem>> -> memref<128x128xf32, #tpu.memory_space<vmem>>
    %dma_wait3A_1195 = arith.constant 0 : i32
    %dma_wait3A_1196 = tpu.memref_slice %arg4[%add3A_980, %dma_wait3A_1195] : memref<65536x128xf32, #tpu.memory_space<hbm>> -> memref<128x128xf32, #tpu.memory_space<hbm>>
    %dma_wait3A_1197 = arith.constant 0 : i32
    %dma_wait3A_1198 = tpu.memref_slice %arg4[%add3A_980, %dma_wait3A_1197] : memref<65536x128xf32, #tpu.memory_space<hbm>> -> memref<128x128xf32, #tpu.memory_space<hbm>>
    %dma_wait3A_1199 = arith.constant 0 : i32
    %dma_wait3A_1200 = arith.constant 0 : i32
    %dma_wait3A_1201 = tpu.memref_slice %arg6[%dma_wait3A_1190, %dma_wait3A_1199, %dma_wait3A_1200] : memref<6x128x128xf32, #tpu.memory_space<vmem>> -> memref<1x128x128xf32, #tpu.memory_space<vmem>>
    %dma_wait3A_1202 = tpu.memref_squeeze %dma_wait3A_1201 : memref<1x128x128xf32, #tpu.memory_space<vmem>> -> memref<128x128xf32, #tpu.memory_space<vmem>>
    tpu.wait_dma2 semaphore(%arg8 : memref<!tpu.dma_semaphore, #tpu.memory_space<semaphore_mem>>) src(%dma_wait3A_1202 : memref<128x128xf32, #tpu.memory_space<vmem>>) dst(%dma_wait3A_1198 : memref<128x128xf32, #tpu.memory_space<hbm>>)
    %get3A_1203 = arith.constant 7 : i32
    %get3A_1204 = arith.index_cast %get3A_1203 : i32 to index
    %get3A_1205 = arith.constant 0 : index
    %get3A_1206 = tpu.vector_load %arg5[%get3A_1204, %get3A_1205] {strides = array<i32>} : memref<16x128xi32, #tpu.memory_space<vmem>>, vector<1x16xi32>,
    %get3A_1207 = vector.shape_cast %get3A_1206 : vector<1x16xi32> to vector<16xi32>
    %add3A_1208 = arith.addi %get3A_1207, %mul3A_9 : vector<16xi32>
    %max3A_1209 = arith.constant 0 : i32
    %max3A_1210 = vector.broadcast %max3A_1209 : i32 to vector<16xi32>
    %max3A_1211 = arith.maxsi %add3A_1208, %max3A_1210 : vector<16xi32>
    %min3A_1212 = arith.constant 799999 : i32
    %min3A_1213 = vector.broadcast %min3A_1212 : i32 to vector<16xi32>
    %min3A_1214 = arith.minsi %max3A_1211, %min3A_1213 : vector<16xi32>
    %swap3A_1215 = arith.constant 7 : i32
    %swap3A_1216 = arith.index_cast %swap3A_1215 : i32 to index
    %swap3A_1217 = arith.constant 0 : index
    %swap3A_1218 = tpu.vector_load %arg5[%swap3A_1216, %swap3A_1217] {strides = array<i32>} : memref<16x128xi32, #tpu.memory_space<vmem>>, vector<1x16xi32>,
    %swap3A_1219 = vector.shape_cast %swap3A_1218 : vector<1x16xi32> to vector<16xi32>
    %swap3A_1220 = vector.shape_cast %min3A_1214 : vector<16xi32> to vector<1x16xi32>
    tpu.vector_store %arg5[%swap3A_1216, %swap3A_1217], %swap3A_1220 {strides = array<i32>} : memref<16x128xi32, #tpu.memory_space<vmem>>, vector<1x16xi32>,
    %get3A_1221 = arith.constant 7 : i32
    %get3A_1222 = arith.index_cast %get3A_1221 : i32 to index
    %get3A_1223 = arith.constant 16 : index
    %get3A_1224 = tpu.vector_load %arg5[%get3A_1222, %get3A_1223] {strides = array<i32>} : memref<16x128xi32, #tpu.memory_space<vmem>>, vector<1x16xi32>,
    %get3A_1225 = vector.shape_cast %get3A_1224 : vector<1x16xi32> to vector<16xi32>
    %add3A_1226 = arith.addi %get3A_1225, %mul3A_9 : vector<16xi32>
    %max3A_1227 = arith.constant 0 : i32
    %max3A_1228 = vector.broadcast %max3A_1227 : i32 to vector<16xi32>
    %max3A_1229 = arith.maxsi %add3A_1226, %max3A_1228 : vector<16xi32>
    %min3A_1230 = arith.constant 799999 : i32
    %min3A_1231 = vector.broadcast %min3A_1230 : i32 to vector<16xi32>
    %min3A_1232 = arith.minsi %max3A_1229, %min3A_1231 : vector<16xi32>
    %swap3A_1233 = arith.constant 7 : i32
    %swap3A_1234 = arith.index_cast %swap3A_1233 : i32 to index
    %swap3A_1235 = arith.constant 16 : index
    %swap3A_1236 = tpu.vector_load %arg5[%swap3A_1234, %swap3A_1235] {strides = array<i32>} : memref<16x128xi32, #tpu.memory_space<vmem>>, vector<1x16xi32>,
    %swap3A_1237 = vector.shape_cast %swap3A_1236 : vector<1x16xi32> to vector<16xi32>
    %swap3A_1238 = vector.shape_cast %min3A_1232 : vector<16xi32> to vector<1x16xi32>
    tpu.vector_store %arg5[%swap3A_1234, %swap3A_1235], %swap3A_1238 {strides = array<i32>} : memref<16x128xi32, #tpu.memory_space<vmem>>, vector<1x16xi32>,
    %get3A_1239 = arith.constant 7 : i32
    %get3A_1240 = arith.index_cast %get3A_1239 : i32 to index
    %get3A_1241 = arith.constant 32 : index
    %get3A_1242 = tpu.vector_load %arg5[%get3A_1240, %get3A_1241] {strides = array<i32>} : memref<16x128xi32, #tpu.memory_space<vmem>>, vector<1x16xi32>,
    %get3A_1243 = vector.shape_cast %get3A_1242 : vector<1x16xi32> to vector<16xi32>
    %add3A_1244 = arith.addi %get3A_1243, %mul3A_9 : vector<16xi32>
    %max3A_1245 = arith.constant 0 : i32
    %max3A_1246 = vector.broadcast %max3A_1245 : i32 to vector<16xi32>
    %max3A_1247 = arith.maxsi %add3A_1244, %max3A_1246 : vector<16xi32>
    %min3A_1248 = arith.constant 799999 : i32
    %min3A_1249 = vector.broadcast %min3A_1248 : i32 to vector<16xi32>
    %min3A_1250 = arith.minsi %max3A_1247, %min3A_1249 : vector<16xi32>
    %swap3A_1251 = arith.constant 7 : i32
    %swap3A_1252 = arith.index_cast %swap3A_1251 : i32 to index
    %swap3A_1253 = arith.constant 32 : index
    %swap3A_1254 = tpu.vector_load %arg5[%swap3A_1252, %swap3A_1253] {strides = array<i32>} : memref<16x128xi32, #tpu.memory_space<vmem>>, vector<1x16xi32>,
    %swap3A_1255 = vector.shape_cast %swap3A_1254 : vector<1x16xi32> to vector<16xi32>
    %swap3A_1256 = vector.shape_cast %min3A_1250 : vector<16xi32> to vector<1x16xi32>
    tpu.vector_store %arg5[%swap3A_1252, %swap3A_1253], %swap3A_1256 {strides = array<i32>} : memref<16x128xi32, #tpu.memory_space<vmem>>, vector<1x16xi32>,
    %get3A_1257 = arith.constant 7 : i32
    %get3A_1258 = arith.index_cast %get3A_1257 : i32 to index
    %get3A_1259 = arith.constant 48 : index
    %get3A_1260 = tpu.vector_load %arg5[%get3A_1258, %get3A_1259] {strides = array<i32>} : memref<16x128xi32, #tpu.memory_space<vmem>>, vector<1x16xi32>,
    %get3A_1261 = vector.shape_cast %get3A_1260 : vector<1x16xi32> to vector<16xi32>
    %add3A_1262 = arith.addi %get3A_1261, %mul3A_9 : vector<16xi32>
    %max3A_1263 = arith.constant 0 : i32
    %max3A_1264 = vector.broadcast %max3A_1263 : i32 to vector<16xi32>
    %max3A_1265 = arith.maxsi %add3A_1262, %max3A_1264 : vector<16xi32>
    %min3A_1266 = arith.constant 799999 : i32
    %min3A_1267 = vector.broadcast %min3A_1266 : i32 to vector<16xi32>
    %min3A_1268 = arith.minsi %max3A_1265, %min3A_1267 : vector<16xi32>
    %swap3A_1269 = arith.constant 7 : i32
    %swap3A_1270 = arith.index_cast %swap3A_1269 : i32 to index
    %swap3A_1271 = arith.constant 48 : index
    %swap3A_1272 = tpu.vector_load %arg5[%swap3A_1270, %swap3A_1271] {strides = array<i32>} : memref<16x128xi32, #tpu.memory_space<vmem>>, vector<1x16xi32>,
    %swap3A_1273 = vector.shape_cast %swap3A_1272 : vector<1x16xi32> to vector<16xi32>
    %swap3A_1274 = vector.shape_cast %min3A_1268 : vector<16xi32> to vector<1x16xi32>
    tpu.vector_store %arg5[%swap3A_1270, %swap3A_1271], %swap3A_1274 {strides = array<i32>} : memref<16x128xi32, #tpu.memory_space<vmem>>, vector<1x16xi32>,
    %get3A_1275 = arith.constant 7 : i32
    %get3A_1276 = arith.index_cast %get3A_1275 : i32 to index
    %get3A_1277 = arith.constant 64 : index
    %get3A_1278 = tpu.vector_load %arg5[%get3A_1276, %get3A_1277] {strides = array<i32>} : memref<16x128xi32, #tpu.memory_space<vmem>>, vector<1x16xi32>,
    %get3A_1279 = vector.shape_cast %get3A_1278 : vector<1x16xi32> to vector<16xi32>
    %add3A_1280 = arith.addi %get3A_1279, %mul3A_9 : vector<16xi32>
    %max3A_1281 = arith.constant 0 : i32
    %max3A_1282 = vector.broadcast %max3A_1281 : i32 to vector<16xi32>
    %max3A_1283 = arith.maxsi %add3A_1280, %max3A_1282 : vector<16xi32>
    %min3A_1284 = arith.constant 799999 : i32
    %min3A_1285 = vector.broadcast %min3A_1284 : i32 to vector<16xi32>
    %min3A_1286 = arith.minsi %max3A_1283, %min3A_1285 : vector<16xi32>
    %swap3A_1287 = arith.constant 7 : i32
    %swap3A_1288 = arith.index_cast %swap3A_1287 : i32 to index
    %swap3A_1289 = arith.constant 64 : index
    %swap3A_1290 = tpu.vector_load %arg5[%swap3A_1288, %swap3A_1289] {strides = array<i32>} : memref<16x128xi32, #tpu.memory_space<vmem>>, vector<1x16xi32>,
    %swap3A_1291 = vector.shape_cast %swap3A_1290 : vector<1x16xi32> to vector<16xi32>
    %swap3A_1292 = vector.shape_cast %min3A_1286 : vector<16xi32> to vector<1x16xi32>
    tpu.vector_store %arg5[%swap3A_1288, %swap3A_1289], %swap3A_1292 {strides = array<i32>} : memref<16x128xi32, #tpu.memory_space<vmem>>, vector<1x16xi32>,
    %get3A_1293 = arith.constant 7 : i32
    %get3A_1294 = arith.index_cast %get3A_1293 : i32 to index
    %get3A_1295 = arith.constant 80 : index
    %get3A_1296 = tpu.vector_load %arg5[%get3A_1294, %get3A_1295] {strides = array<i32>} : memref<16x128xi32, #tpu.memory_space<vmem>>, vector<1x16xi32>,
    %get3A_1297 = vector.shape_cast %get3A_1296 : vector<1x16xi32> to vector<16xi32>
    %add3A_1298 = arith.addi %get3A_1297, %mul3A_9 : vector<16xi32>
    %max3A_1299 = arith.constant 0 : i32
    %max3A_1300 = vector.broadcast %max3A_1299 : i32 to vector<16xi32>
    %max3A_1301 = arith.maxsi %add3A_1298, %max3A_1300 : vector<16xi32>
    %min3A_1302 = arith.constant 799999 : i32
    %min3A_1303 = vector.broadcast %min3A_1302 : i32 to vector<16xi32>
    %min3A_1304 = arith.minsi %max3A_1301, %min3A_1303 : vector<16xi32>
    %swap3A_1305 = arith.constant 7 : i32
    %swap3A_1306 = arith.index_cast %swap3A_1305 : i32 to index
    %swap3A_1307 = arith.constant 80 : index
    %swap3A_1308 = tpu.vector_load %arg5[%swap3A_1306, %swap3A_1307] {strides = array<i32>} : memref<16x128xi32, #tpu.memory_space<vmem>>, vector<1x16xi32>,
    %swap3A_1309 = vector.shape_cast %swap3A_1308 : vector<1x16xi32> to vector<16xi32>
    %swap3A_1310 = vector.shape_cast %min3A_1304 : vector<16xi32> to vector<1x16xi32>
    tpu.vector_store %arg5[%swap3A_1306, %swap3A_1307], %swap3A_1310 {strides = array<i32>} : memref<16x128xi32, #tpu.memory_space<vmem>>, vector<1x16xi32>,
    %get3A_1311 = arith.constant 7 : i32
    %get3A_1312 = arith.index_cast %get3A_1311 : i32 to index
    %get3A_1313 = arith.constant 96 : index
    %get3A_1314 = tpu.vector_load %arg5[%get3A_1312, %get3A_1313] {strides = array<i32>} : memref<16x128xi32, #tpu.memory_space<vmem>>, vector<1x16xi32>,
    %get3A_1315 = vector.shape_cast %get3A_1314 : vector<1x16xi32> to vector<16xi32>
    %add3A_1316 = arith.addi %get3A_1315, %mul3A_9 : vector<16xi32>
    %max3A_1317 = arith.constant 0 : i32
    %max3A_1318 = vector.broadcast %max3A_1317 : i32 to vector<16xi32>
    %max3A_1319 = arith.maxsi %add3A_1316, %max3A_1318 : vector<16xi32>
    %min3A_1320 = arith.constant 799999 : i32
    %min3A_1321 = vector.broadcast %min3A_1320 : i32 to vector<16xi32>
    %min3A_1322 = arith.minsi %max3A_1319, %min3A_1321 : vector<16xi32>
    %swap3A_1323 = arith.constant 7 : i32
    %swap3A_1324 = arith.index_cast %swap3A_1323 : i32 to index
    %swap3A_1325 = arith.constant 96 : index
    %swap3A_1326 = tpu.vector_load %arg5[%swap3A_1324, %swap3A_1325] {strides = array<i32>} : memref<16x128xi32, #tpu.memory_space<vmem>>, vector<1x16xi32>,
    %swap3A_1327 = vector.shape_cast %swap3A_1326 : vector<1x16xi32> to vector<16xi32>
    %swap3A_1328 = vector.shape_cast %min3A_1322 : vector<16xi32> to vector<1x16xi32>
    tpu.vector_store %arg5[%swap3A_1324, %swap3A_1325], %swap3A_1328 {strides = array<i32>} : memref<16x128xi32, #tpu.memory_space<vmem>>, vector<1x16xi32>,
    %get3A_1329 = arith.constant 7 : i32
    %get3A_1330 = arith.index_cast %get3A_1329 : i32 to index
    %get3A_1331 = arith.constant 112 : index
    %get3A_1332 = tpu.vector_load %arg5[%get3A_1330, %get3A_1331] {strides = array<i32>} : memref<16x128xi32, #tpu.memory_space<vmem>>, vector<1x16xi32>,
    %get3A_1333 = vector.shape_cast %get3A_1332 : vector<1x16xi32> to vector<16xi32>
    %add3A_1334 = arith.addi %get3A_1333, %mul3A_9 : vector<16xi32>
    %max3A_1335 = arith.constant 0 : i32
    %max3A_1336 = vector.broadcast %max3A_1335 : i32 to vector<16xi32>
    %max3A_1337 = arith.maxsi %add3A_1334, %max3A_1336 : vector<16xi32>
    %min3A_1338 = arith.constant 799999 : i32
    %min3A_1339 = vector.broadcast %min3A_1338 : i32 to vector<16xi32>
    %min3A_1340 = arith.minsi %max3A_1337, %min3A_1339 : vector<16xi32>
    %swap3A_1341 = arith.constant 7 : i32
    %swap3A_1342 = arith.index_cast %swap3A_1341 : i32 to index
    %swap3A_1343 = arith.constant 112 : index
    %swap3A_1344 = tpu.vector_load %arg5[%swap3A_1342, %swap3A_1343] {strides = array<i32>} : memref<16x128xi32, #tpu.memory_space<vmem>>, vector<1x16xi32>,
    %swap3A_1345 = vector.shape_cast %swap3A_1344 : vector<1x16xi32> to vector<16xi32>
    %swap3A_1346 = vector.shape_cast %min3A_1340 : vector<16xi32> to vector<1x16xi32>
    tpu.vector_store %arg5[%swap3A_1342, %swap3A_1343], %swap3A_1346 {strides = array<i32>} : memref<16x128xi32, #tpu.memory_space<vmem>>, vector<1x16xi32>,
    %dma_start3A_1347 = arith.constant 7 : i32
    %dma_start3A_1348 = arith.constant 1 : i32
    %dma_start3A_1349 = arith.constant 0 : i32
    %dma_start3A_1350 = arith.constant 0 : i32
    %dma_start3A_1351 = tpu.memref_slice %arg6[%dma_start3A_1348, %dma_start3A_1349, %dma_start3A_1350] : memref<6x128x128xf32, #tpu.memory_space<vmem>> -> memref<1x128x128xf32, #tpu.memory_space<vmem>>
    %dma_start3A_1352 = tpu.memref_squeeze %dma_start3A_1351 : memref<1x128x128xf32, #tpu.memory_space<vmem>> -> memref<128x128xf32, #tpu.memory_space<vmem>>
    %dma_start3A_1353 = arith.constant 0 : i32
    %dma_start3A_1354 = tpu.memref_slice %arg5[%dma_start3A_1347, %dma_start3A_1353] : memref<16x128xi32, #tpu.memory_space<vmem>> -> memref<1x128xi32, #tpu.memory_space<vmem>>
    %dma_start3A_1355 = tpu.memref_squeeze %dma_start3A_1354 : memref<1x128xi32, #tpu.memory_space<vmem>> -> memref<128xi32, #tpu.memory_space<vmem>>
    %dma_start3A_1356 = arith.constant 0 : i32
    %dma_start3A_1357 = arith.constant 0 : i32
    %dma_start3A_1358 = tpu.memref_slice %arg3[%dma_start3A_1356, %dma_start3A_1357] : memref<800000x128xf32, #tpu.memory_space<hbm>> -> memref<800000x128xf32, #tpu.memory_space<hbm>>
    tpu.enqueue_indirect_dma source(%dma_start3A_1358 : memref<800000x128xf32, #tpu.memory_space<hbm>>) target(%dma_start3A_1352 : memref<128x128xf32, #tpu.memory_space<vmem>>) offsets(%dma_start3A_1355 : memref<128xi32, #tpu.memory_space<vmem>>) semaphore(%arg8 : memref<!tpu.dma_semaphore, #tpu.memory_space<semaphore_mem>>)
    %dma_wait3A_1359 = arith.constant 3 : i32
    %dma_wait3A_1360 = arith.constant 3 : i32
    %dma_wait3A_1361 = arith.constant 0 : i32
    %dma_wait3A_1362 = arith.constant 0 : i32
    %dma_wait3A_1363 = tpu.memref_slice %arg6[%dma_wait3A_1360, %dma_wait3A_1361, %dma_wait3A_1362] : memref<6x128x128xf32, #tpu.memory_space<vmem>> -> memref<1x128x128xf32, #tpu.memory_space<vmem>>
    %dma_wait3A_1364 = tpu.memref_squeeze %dma_wait3A_1363 : memref<1x128x128xf32, #tpu.memory_space<vmem>> -> memref<128x128xf32, #tpu.memory_space<vmem>>
    %dma_wait3A_1365 = arith.constant 0 : i32
    %dma_wait3A_1366 = tpu.memref_slice %arg5[%dma_wait3A_1359, %dma_wait3A_1365] : memref<16x128xi32, #tpu.memory_space<vmem>> -> memref<1x128xi32, #tpu.memory_space<vmem>>
    %dma_wait3A_1367 = tpu.memref_squeeze %dma_wait3A_1366 : memref<1x128xi32, #tpu.memory_space<vmem>> -> memref<128xi32, #tpu.memory_space<vmem>>
    %dma_wait3A_1368 = arith.constant 0 : i32
    %dma_wait3A_1369 = arith.constant 0 : i32
    %dma_wait3A_1370 = tpu.memref_slice %arg3[%dma_wait3A_1368, %dma_wait3A_1369] : memref<800000x128xf32, #tpu.memory_space<hbm>> -> memref<800000x128xf32, #tpu.memory_space<hbm>>
    tpu.wait_indirect_dma semaphore(%arg10 : memref<!tpu.dma_semaphore, #tpu.memory_space<semaphore_mem>>) src(%dma_wait3A_1370 : memref<800000x128xf32, #tpu.memory_space<hbm>>) dst(%dma_wait3A_1364 : memref<128x128xf32, #tpu.memory_space<vmem>>)
    %add3A_1371 = arith.constant 384 : i32
    %add3A_1372 = arith.addi %mul3A_2, %add3A_1371 : i32
    %dma_start3A_1373 = arith.constant 3 : i32
    %dma_start3A_1374 = arith.constant 0 : i32
    %dma_start3A_1375 = arith.constant 0 : i32
    %dma_start3A_1376 = tpu.memref_slice %arg6[%dma_start3A_1373, %dma_start3A_1374, %dma_start3A_1375] : memref<6x128x128xf32, #tpu.memory_space<vmem>> -> memref<1x128x128xf32, #tpu.memory_space<vmem>>
    %dma_start3A_1377 = tpu.memref_squeeze %dma_start3A_1376 : memref<1x128x128xf32, #tpu.memory_space<vmem>> -> memref<128x128xf32, #tpu.memory_space<vmem>>
    %dma_start3A_1378 = arith.constant 0 : i32
    %dma_start3A_1379 = tpu.memref_slice %arg4[%add3A_1372, %dma_start3A_1378] : memref<65536x128xf32, #tpu.memory_space<hbm>> -> memref<128x128xf32, #tpu.memory_space<hbm>>
    %dma_start3A_1380 = arith.constant 0 : i32
    %dma_start3A_1381 = tpu.memref_slice %arg4[%add3A_1372, %dma_start3A_1380] : memref<65536x128xf32, #tpu.memory_space<hbm>> -> memref<128x128xf32, #tpu.memory_space<hbm>>
    %dma_start3A_1382 = arith.constant 0 : i32
    %dma_start3A_1383 = arith.constant 0 : i32
    %dma_start3A_1384 = tpu.memref_slice %arg6[%dma_start3A_1373, %dma_start3A_1382, %dma_start3A_1383] : memref<6x128x128xf32, #tpu.memory_space<vmem>> -> memref<1x128x128xf32, #tpu.memory_space<vmem>>
    %dma_start3A_1385 = tpu.memref_squeeze %dma_start3A_1384 : memref<1x128x128xf32, #tpu.memory_space<vmem>> -> memref<128x128xf32, #tpu.memory_space<vmem>>
    tpu.enqueue_dma source(%dma_start3A_1385 : memref<128x128xf32, #tpu.memory_space<vmem>>) target(%dma_start3A_1381 : memref<128x128xf32, #tpu.memory_space<hbm>>) target_semaphore(%arg10 : memref<!tpu.dma_semaphore, #tpu.memory_space<semaphore_mem>>)
    %dma_wait3A_1386 = arith.constant 2 : i32
    %dma_wait3A_1387 = arith.constant 0 : i32
    %dma_wait3A_1388 = arith.constant 0 : i32
    %dma_wait3A_1389 = tpu.memref_slice %arg6[%dma_wait3A_1386, %dma_wait3A_1387, %dma_wait3A_1388] : memref<6x128x128xf32, #tpu.memory_space<vmem>> -> memref<1x128x128xf32, #tpu.memory_space<vmem>>
    %dma_wait3A_1390 = tpu.memref_squeeze %dma_wait3A_1389 : memref<1x128x128xf32, #tpu.memory_space<vmem>> -> memref<128x128xf32, #tpu.memory_space<vmem>>
    %dma_wait3A_1391 = arith.constant 0 : i32
    %dma_wait3A_1392 = tpu.memref_slice %arg4[%add3A_1176, %dma_wait3A_1391] : memref<65536x128xf32, #tpu.memory_space<hbm>> -> memref<128x128xf32, #tpu.memory_space<hbm>>
    %dma_wait3A_1393 = arith.constant 0 : i32
    %dma_wait3A_1394 = tpu.memref_slice %arg4[%add3A_1176, %dma_wait3A_1393] : memref<65536x128xf32, #tpu.memory_space<hbm>> -> memref<128x128xf32, #tpu.memory_space<hbm>>
    %dma_wait3A_1395 = arith.constant 0 : i32
    %dma_wait3A_1396 = arith.constant 0 : i32
    %dma_wait3A_1397 = tpu.memref_slice %arg6[%dma_wait3A_1386, %dma_wait3A_1395, %dma_wait3A_1396] : memref<6x128x128xf32, #tpu.memory_space<vmem>> -> memref<1x128x128xf32, #tpu.memory_space<vmem>>
    %dma_wait3A_1398 = tpu.memref_squeeze %dma_wait3A_1397 : memref<1x128x128xf32, #tpu.memory_space<vmem>> -> memref<128x128xf32, #tpu.memory_space<vmem>>
    tpu.wait_dma2 semaphore(%arg9 : memref<!tpu.dma_semaphore, #tpu.memory_space<semaphore_mem>>) src(%dma_wait3A_1398 : memref<128x128xf32, #tpu.memory_space<vmem>>) dst(%dma_wait3A_1394 : memref<128x128xf32, #tpu.memory_space<hbm>>)
    %get3A_1399 = arith.constant 8 : i32
    %get3A_1400 = arith.index_cast %get3A_1399 : i32 to index
    %get3A_1401 = arith.constant 0 : index
    %get3A_1402 = tpu.vector_load %arg5[%get3A_1400, %get3A_1401] {strides = array<i32>} : memref<16x128xi32, #tpu.memory_space<vmem>>, vector<1x16xi32>,
    %get3A_1403 = vector.shape_cast %get3A_1402 : vector<1x16xi32> to vector<16xi32>
    %add3A_1404 = arith.addi %get3A_1403, %mul3A_9 : vector<16xi32>
    %max3A_1405 = arith.constant 0 : i32
    %max3A_1406 = vector.broadcast %max3A_1405 : i32 to vector<16xi32>
    %max3A_1407 = arith.maxsi %add3A_1404, %max3A_1406 : vector<16xi32>
    %min3A_1408 = arith.constant 799999 : i32
    %min3A_1409 = vector.broadcast %min3A_1408 : i32 to vector<16xi32>
    %min3A_1410 = arith.minsi %max3A_1407, %min3A_1409 : vector<16xi32>
    %swap3A_1411 = arith.constant 8 : i32
    %swap3A_1412 = arith.index_cast %swap3A_1411 : i32 to index
    %swap3A_1413 = arith.constant 0 : index
    %swap3A_1414 = tpu.vector_load %arg5[%swap3A_1412, %swap3A_1413] {strides = array<i32>} : memref<16x128xi32, #tpu.memory_space<vmem>>, vector<1x16xi32>,
    %swap3A_1415 = vector.shape_cast %swap3A_1414 : vector<1x16xi32> to vector<16xi32>
    %swap3A_1416 = vector.shape_cast %min3A_1410 : vector<16xi32> to vector<1x16xi32>
    tpu.vector_store %arg5[%swap3A_1412, %swap3A_1413], %swap3A_1416 {strides = array<i32>} : memref<16x128xi32, #tpu.memory_space<vmem>>, vector<1x16xi32>,
    %get3A_1417 = arith.constant 8 : i32
    %get3A_1418 = arith.index_cast %get3A_1417 : i32 to index
    %get3A_1419 = arith.constant 16 : index
    %get3A_1420 = tpu.vector_load %arg5[%get3A_1418, %get3A_1419] {strides = array<i32>} : memref<16x128xi32, #tpu.memory_space<vmem>>, vector<1x16xi32>,
    %get3A_1421 = vector.shape_cast %get3A_1420 : vector<1x16xi32> to vector<16xi32>
    %add3A_1422 = arith.addi %get3A_1421, %mul3A_9 : vector<16xi32>
    %max3A_1423 = arith.constant 0 : i32
    %max3A_1424 = vector.broadcast %max3A_1423 : i32 to vector<16xi32>
    %max3A_1425 = arith.maxsi %add3A_1422, %max3A_1424 : vector<16xi32>
    %min3A_1426 = arith.constant 799999 : i32
    %min3A_1427 = vector.broadcast %min3A_1426 : i32 to vector<16xi32>
    %min3A_1428 = arith.minsi %max3A_1425, %min3A_1427 : vector<16xi32>
    %swap3A_1429 = arith.constant 8 : i32
    %swap3A_1430 = arith.index_cast %swap3A_1429 : i32 to index
    %swap3A_1431 = arith.constant 16 : index
    %swap3A_1432 = tpu.vector_load %arg5[%swap3A_1430, %swap3A_1431] {strides = array<i32>} : memref<16x128xi32, #tpu.memory_space<vmem>>, vector<1x16xi32>,
    %swap3A_1433 = vector.shape_cast %swap3A_1432 : vector<1x16xi32> to vector<16xi32>
    %swap3A_1434 = vector.shape_cast %min3A_1428 : vector<16xi32> to vector<1x16xi32>
    tpu.vector_store %arg5[%swap3A_1430, %swap3A_1431], %swap3A_1434 {strides = array<i32>} : memref<16x128xi32, #tpu.memory_space<vmem>>, vector<1x16xi32>,
    %get3A_1435 = arith.constant 8 : i32
    %get3A_1436 = arith.index_cast %get3A_1435 : i32 to index
    %get3A_1437 = arith.constant 32 : index
    %get3A_1438 = tpu.vector_load %arg5[%get3A_1436, %get3A_1437] {strides = array<i32>} : memref<16x128xi32, #tpu.memory_space<vmem>>, vector<1x16xi32>,
    %get3A_1439 = vector.shape_cast %get3A_1438 : vector<1x16xi32> to vector<16xi32>
    %add3A_1440 = arith.addi %get3A_1439, %mul3A_9 : vector<16xi32>
    %max3A_1441 = arith.constant 0 : i32
    %max3A_1442 = vector.broadcast %max3A_1441 : i32 to vector<16xi32>
    %max3A_1443 = arith.maxsi %add3A_1440, %max3A_1442 : vector<16xi32>
    %min3A_1444 = arith.constant 799999 : i32
    %min3A_1445 = vector.broadcast %min3A_1444 : i32 to vector<16xi32>
    %min3A_1446 = arith.minsi %max3A_1443, %min3A_1445 : vector<16xi32>
    %swap3A_1447 = arith.constant 8 : i32
    %swap3A_1448 = arith.index_cast %swap3A_1447 : i32 to index
    %swap3A_1449 = arith.constant 32 : index
    %swap3A_1450 = tpu.vector_load %arg5[%swap3A_1448, %swap3A_1449] {strides = array<i32>} : memref<16x128xi32, #tpu.memory_space<vmem>>, vector<1x16xi32>,
    %swap3A_1451 = vector.shape_cast %swap3A_1450 : vector<1x16xi32> to vector<16xi32>
    %swap3A_1452 = vector.shape_cast %min3A_1446 : vector<16xi32> to vector<1x16xi32>
    tpu.vector_store %arg5[%swap3A_1448, %swap3A_1449], %swap3A_1452 {strides = array<i32>} : memref<16x128xi32, #tpu.memory_space<vmem>>, vector<1x16xi32>,
    %get3A_1453 = arith.constant 8 : i32
    %get3A_1454 = arith.index_cast %get3A_1453 : i32 to index
    %get3A_1455 = arith.constant 48 : index
    %get3A_1456 = tpu.vector_load %arg5[%get3A_1454, %get3A_1455] {strides = array<i32>} : memref<16x128xi32, #tpu.memory_space<vmem>>, vector<1x16xi32>,
    %get3A_1457 = vector.shape_cast %get3A_1456 : vector<1x16xi32> to vector<16xi32>
    %add3A_1458 = arith.addi %get3A_1457, %mul3A_9 : vector<16xi32>
    %max3A_1459 = arith.constant 0 : i32
    %max3A_1460 = vector.broadcast %max3A_1459 : i32 to vector<16xi32>
    %max3A_1461 = arith.maxsi %add3A_1458, %max3A_1460 : vector<16xi32>
    %min3A_1462 = arith.constant 799999 : i32
    %min3A_1463 = vector.broadcast %min3A_1462 : i32 to vector<16xi32>
    %min3A_1464 = arith.minsi %max3A_1461, %min3A_1463 : vector<16xi32>
    %swap3A_1465 = arith.constant 8 : i32
    %swap3A_1466 = arith.index_cast %swap3A_1465 : i32 to index
    %swap3A_1467 = arith.constant 48 : index
    %swap3A_1468 = tpu.vector_load %arg5[%swap3A_1466, %swap3A_1467] {strides = array<i32>} : memref<16x128xi32, #tpu.memory_space<vmem>>, vector<1x16xi32>,
    %swap3A_1469 = vector.shape_cast %swap3A_1468 : vector<1x16xi32> to vector<16xi32>
    %swap3A_1470 = vector.shape_cast %min3A_1464 : vector<16xi32> to vector<1x16xi32>
    tpu.vector_store %arg5[%swap3A_1466, %swap3A_1467], %swap3A_1470 {strides = array<i32>} : memref<16x128xi32, #tpu.memory_space<vmem>>, vector<1x16xi32>,
    %get3A_1471 = arith.constant 8 : i32
    %get3A_1472 = arith.index_cast %get3A_1471 : i32 to index
    %get3A_1473 = arith.constant 64 : index
    %get3A_1474 = tpu.vector_load %arg5[%get3A_1472, %get3A_1473] {strides = array<i32>} : memref<16x128xi32, #tpu.memory_space<vmem>>, vector<1x16xi32>,
    %get3A_1475 = vector.shape_cast %get3A_1474 : vector<1x16xi32> to vector<16xi32>
    %add3A_1476 = arith.addi %get3A_1475, %mul3A_9 : vector<16xi32>
    %max3A_1477 = arith.constant 0 : i32
    %max3A_1478 = vector.broadcast %max3A_1477 : i32 to vector<16xi32>
    %max3A_1479 = arith.maxsi %add3A_1476, %max3A_1478 : vector<16xi32>
    %min3A_1480 = arith.constant 799999 : i32
    %min3A_1481 = vector.broadcast %min3A_1480 : i32 to vector<16xi32>
    %min3A_1482 = arith.minsi %max3A_1479, %min3A_1481 : vector<16xi32>
    %swap3A_1483 = arith.constant 8 : i32
    %swap3A_1484 = arith.index_cast %swap3A_1483 : i32 to index
    %swap3A_1485 = arith.constant 64 : index
    %swap3A_1486 = tpu.vector_load %arg5[%swap3A_1484, %swap3A_1485] {strides = array<i32>} : memref<16x128xi32, #tpu.memory_space<vmem>>, vector<1x16xi32>,
    %swap3A_1487 = vector.shape_cast %swap3A_1486 : vector<1x16xi32> to vector<16xi32>
    %swap3A_1488 = vector.shape_cast %min3A_1482 : vector<16xi32> to vector<1x16xi32>
    tpu.vector_store %arg5[%swap3A_1484, %swap3A_1485], %swap3A_1488 {strides = array<i32>} : memref<16x128xi32, #tpu.memory_space<vmem>>, vector<1x16xi32>,
    %get3A_1489 = arith.constant 8 : i32
    %get3A_1490 = arith.index_cast %get3A_1489 : i32 to index
    %get3A_1491 = arith.constant 80 : index
    %get3A_1492 = tpu.vector_load %arg5[%get3A_1490, %get3A_1491] {strides = array<i32>} : memref<16x128xi32, #tpu.memory_space<vmem>>, vector<1x16xi32>,
    %get3A_1493 = vector.shape_cast %get3A_1492 : vector<1x16xi32> to vector<16xi32>
    %add3A_1494 = arith.addi %get3A_1493, %mul3A_9 : vector<16xi32>
    %max3A_1495 = arith.constant 0 : i32
    %max3A_1496 = vector.broadcast %max3A_1495 : i32 to vector<16xi32>
    %max3A_1497 = arith.maxsi %add3A_1494, %max3A_1496 : vector<16xi32>
    %min3A_1498 = arith.constant 799999 : i32
    %min3A_1499 = vector.broadcast %min3A_1498 : i32 to vector<16xi32>
    %min3A_1500 = arith.minsi %max3A_1497, %min3A_1499 : vector<16xi32>
    %swap3A_1501 = arith.constant 8 : i32
    %swap3A_1502 = arith.index_cast %swap3A_1501 : i32 to index
    %swap3A_1503 = arith.constant 80 : index
    %swap3A_1504 = tpu.vector_load %arg5[%swap3A_1502, %swap3A_1503] {strides = array<i32>} : memref<16x128xi32, #tpu.memory_space<vmem>>, vector<1x16xi32>,
    %swap3A_1505 = vector.shape_cast %swap3A_1504 : vector<1x16xi32> to vector<16xi32>
    %swap3A_1506 = vector.shape_cast %min3A_1500 : vector<16xi32> to vector<1x16xi32>
    tpu.vector_store %arg5[%swap3A_1502, %swap3A_1503], %swap3A_1506 {strides = array<i32>} : memref<16x128xi32, #tpu.memory_space<vmem>>, vector<1x16xi32>,
    %get3A_1507 = arith.constant 8 : i32
    %get3A_1508 = arith.index_cast %get3A_1507 : i32 to index
    %get3A_1509 = arith.constant 96 : index
    %get3A_1510 = tpu.vector_load %arg5[%get3A_1508, %get3A_1509] {strides = array<i32>} : memref<16x128xi32, #tpu.memory_space<vmem>>, vector<1x16xi32>,
    %get3A_1511 = vector.shape_cast %get3A_1510 : vector<1x16xi32> to vector<16xi32>
    %add3A_1512 = arith.addi %get3A_1511, %mul3A_9 : vector<16xi32>
    %max3A_1513 = arith.constant 0 : i32
    %max3A_1514 = vector.broadcast %max3A_1513 : i32 to vector<16xi32>
    %max3A_1515 = arith.maxsi %add3A_1512, %max3A_1514 : vector<16xi32>
    %min3A_1516 = arith.constant 799999 : i32
    %min3A_1517 = vector.broadcast %min3A_1516 : i32 to vector<16xi32>
    %min3A_1518 = arith.minsi %max3A_1515, %min3A_1517 : vector<16xi32>
    %swap3A_1519 = arith.constant 8 : i32
    %swap3A_1520 = arith.index_cast %swap3A_1519 : i32 to index
    %swap3A_1521 = arith.constant 96 : index
    %swap3A_1522 = tpu.vector_load %arg5[%swap3A_1520, %swap3A_1521] {strides = array<i32>} : memref<16x128xi32, #tpu.memory_space<vmem>>, vector<1x16xi32>,
    %swap3A_1523 = vector.shape_cast %swap3A_1522 : vector<1x16xi32> to vector<16xi32>
    %swap3A_1524 = vector.shape_cast %min3A_1518 : vector<16xi32> to vector<1x16xi32>
    tpu.vector_store %arg5[%swap3A_1520, %swap3A_1521], %swap3A_1524 {strides = array<i32>} : memref<16x128xi32, #tpu.memory_space<vmem>>, vector<1x16xi32>,
    %get3A_1525 = arith.constant 8 : i32
    %get3A_1526 = arith.index_cast %get3A_1525 : i32 to index
    %get3A_1527 = arith.constant 112 : index
    %get3A_1528 = tpu.vector_load %arg5[%get3A_1526, %get3A_1527] {strides = array<i32>} : memref<16x128xi32, #tpu.memory_space<vmem>>, vector<1x16xi32>,
    %get3A_1529 = vector.shape_cast %get3A_1528 : vector<1x16xi32> to vector<16xi32>
    %add3A_1530 = arith.addi %get3A_1529, %mul3A_9 : vector<16xi32>
    %max3A_1531 = arith.constant 0 : i32
    %max3A_1532 = vector.broadcast %max3A_1531 : i32 to vector<16xi32>
    %max3A_1533 = arith.maxsi %add3A_1530, %max3A_1532 : vector<16xi32>
    %min3A_1534 = arith.constant 799999 : i32
    %min3A_1535 = vector.broadcast %min3A_1534 : i32 to vector<16xi32>
    %min3A_1536 = arith.minsi %max3A_1533, %min3A_1535 : vector<16xi32>
    %swap3A_1537 = arith.constant 8 : i32
    %swap3A_1538 = arith.index_cast %swap3A_1537 : i32 to index
    %swap3A_1539 = arith.constant 112 : index
    %swap3A_1540 = tpu.vector_load %arg5[%swap3A_1538, %swap3A_1539] {strides = array<i32>} : memref<16x128xi32, #tpu.memory_space<vmem>>, vector<1x16xi32>,
    %swap3A_1541 = vector.shape_cast %swap3A_1540 : vector<1x16xi32> to vector<16xi32>
    %swap3A_1542 = vector.shape_cast %min3A_1536 : vector<16xi32> to vector<1x16xi32>
    tpu.vector_store %arg5[%swap3A_1538, %swap3A_1539], %swap3A_1542 {strides = array<i32>} : memref<16x128xi32, #tpu.memory_space<vmem>>, vector<1x16xi32>,
    %dma_start3A_1543 = arith.constant 8 : i32
    %dma_start3A_1544 = arith.constant 2 : i32
    %dma_start3A_1545 = arith.constant 0 : i32
    %dma_start3A_1546 = arith.constant 0 : i32
    %dma_start3A_1547 = tpu.memref_slice %arg6[%dma_start3A_1544, %dma_start3A_1545, %dma_start3A_1546] : memref<6x128x128xf32, #tpu.memory_space<vmem>> -> memref<1x128x128xf32, #tpu.memory_space<vmem>>
    %dma_start3A_1548 = tpu.memref_squeeze %dma_start3A_1547 : memref<1x128x128xf32, #tpu.memory_space<vmem>> -> memref<128x128xf32, #tpu.memory_space<vmem>>
    %dma_start3A_1549 = arith.constant 0 : i32
    %dma_start3A_1550 = tpu.memref_slice %arg5[%dma_start3A_1543, %dma_start3A_1549] : memref<16x128xi32, #tpu.memory_space<vmem>> -> memref<1x128xi32, #tpu.memory_space<vmem>>
    %dma_start3A_1551 = tpu.memref_squeeze %dma_start3A_1550 : memref<1x128xi32, #tpu.memory_space<vmem>> -> memref<128xi32, #tpu.memory_space<vmem>>
    %dma_start3A_1552 = arith.constant 0 : i32
    %dma_start3A_1553 = arith.constant 0 : i32
    %dma_start3A_1554 = tpu.memref_slice %arg3[%dma_start3A_1552, %dma_start3A_1553] : memref<800000x128xf32, #tpu.memory_space<hbm>> -> memref<800000x128xf32, #tpu.memory_space<hbm>>
    tpu.enqueue_indirect_dma source(%dma_start3A_1554 : memref<800000x128xf32, #tpu.memory_space<hbm>>) target(%dma_start3A_1548 : memref<128x128xf32, #tpu.memory_space<vmem>>) offsets(%dma_start3A_1551 : memref<128xi32, #tpu.memory_space<vmem>>) semaphore(%arg9 : memref<!tpu.dma_semaphore, #tpu.memory_space<semaphore_mem>>)
    %dma_wait3A_1555 = arith.constant 4 : i32
    %dma_wait3A_1556 = arith.constant 4 : i32
    %dma_wait3A_1557 = arith.constant 0 : i32
    %dma_wait3A_1558 = arith.constant 0 : i32
    %dma_wait3A_1559 = tpu.memref_slice %arg6[%dma_wait3A_1556, %dma_wait3A_1557, %dma_wait3A_1558] : memref<6x128x128xf32, #tpu.memory_space<vmem>> -> memref<1x128x128xf32, #tpu.memory_space<vmem>>
    %dma_wait3A_1560 = tpu.memref_squeeze %dma_wait3A_1559 : memref<1x128x128xf32, #tpu.memory_space<vmem>> -> memref<128x128xf32, #tpu.memory_space<vmem>>
    %dma_wait3A_1561 = arith.constant 0 : i32
    %dma_wait3A_1562 = tpu.memref_slice %arg5[%dma_wait3A_1555, %dma_wait3A_1561] : memref<16x128xi32, #tpu.memory_space<vmem>> -> memref<1x128xi32, #tpu.memory_space<vmem>>
    %dma_wait3A_1563 = tpu.memref_squeeze %dma_wait3A_1562 : memref<1x128xi32, #tpu.memory_space<vmem>> -> memref<128xi32, #tpu.memory_space<vmem>>
    %dma_wait3A_1564 = arith.constant 0 : i32
    %dma_wait3A_1565 = arith.constant 0 : i32
    %dma_wait3A_1566 = tpu.memref_slice %arg3[%dma_wait3A_1564, %dma_wait3A_1565] : memref<800000x128xf32, #tpu.memory_space<hbm>> -> memref<800000x128xf32, #tpu.memory_space<hbm>>
    tpu.wait_indirect_dma semaphore(%arg11 : memref<!tpu.dma_semaphore, #tpu.memory_space<semaphore_mem>>) src(%dma_wait3A_1566 : memref<800000x128xf32, #tpu.memory_space<hbm>>) dst(%dma_wait3A_1560 : memref<128x128xf32, #tpu.memory_space<vmem>>)
    %add3A_1567 = arith.constant 512 : i32
    %add3A_1568 = arith.addi %mul3A_2, %add3A_1567 : i32
    %dma_start3A_1569 = arith.constant 4 : i32
    %dma_start3A_1570 = arith.constant 0 : i32
    %dma_start3A_1571 = arith.constant 0 : i32
    %dma_start3A_1572 = tpu.memref_slice %arg6[%dma_start3A_1569, %dma_start3A_1570, %dma_start3A_1571] : memref<6x128x128xf32, #tpu.memory_space<vmem>> -> memref<1x128x128xf32, #tpu.memory_space<vmem>>
    %dma_start3A_1573 = tpu.memref_squeeze %dma_start3A_1572 : memref<1x128x128xf32, #tpu.memory_space<vmem>> -> memref<128x128xf32, #tpu.memory_space<vmem>>
    %dma_start3A_1574 = arith.constant 0 : i32
    %dma_start3A_1575 = tpu.memref_slice %arg4[%add3A_1568, %dma_start3A_1574] : memref<65536x128xf32, #tpu.memory_space<hbm>> -> memref<128x128xf32, #tpu.memory_space<hbm>>
    %dma_start3A_1576 = arith.constant 0 : i32
    %dma_start3A_1577 = tpu.memref_slice %arg4[%add3A_1568, %dma_start3A_1576] : memref<65536x128xf32, #tpu.memory_space<hbm>> -> memref<128x128xf32, #tpu.memory_space<hbm>>
    %dma_start3A_1578 = arith.constant 0 : i32
    %dma_start3A_1579 = arith.constant 0 : i32
    %dma_start3A_1580 = tpu.memref_slice %arg6[%dma_start3A_1569, %dma_start3A_1578, %dma_start3A_1579] : memref<6x128x128xf32, #tpu.memory_space<vmem>> -> memref<1x128x128xf32, #tpu.memory_space<vmem>>
    %dma_start3A_1581 = tpu.memref_squeeze %dma_start3A_1580 : memref<1x128x128xf32, #tpu.memory_space<vmem>> -> memref<128x128xf32, #tpu.memory_space<vmem>>
    tpu.enqueue_dma source(%dma_start3A_1581 : memref<128x128xf32, #tpu.memory_space<vmem>>) target(%dma_start3A_1577 : memref<128x128xf32, #tpu.memory_space<hbm>>) target_semaphore(%arg11 : memref<!tpu.dma_semaphore, #tpu.memory_space<semaphore_mem>>)
    %dma_wait3A_1582 = arith.constant 3 : i32
    %dma_wait3A_1583 = arith.constant 0 : i32
    %dma_wait3A_1584 = arith.constant 0 : i32
    %dma_wait3A_1585 = tpu.memref_slice %arg6[%dma_wait3A_1582, %dma_wait3A_1583, %dma_wait3A_1584] : memref<6x128x128xf32, #tpu.memory_space<vmem>> -> memref<1x128x128xf32, #tpu.memory_space<vmem>>
    %dma_wait3A_1586 = tpu.memref_squeeze %dma_wait3A_1585 : memref<1x128x128xf32, #tpu.memory_space<vmem>> -> memref<128x128xf32, #tpu.memory_space<vmem>>
    %dma_wait3A_1587 = arith.constant 0 : i32
    %dma_wait3A_1588 = tpu.memref_slice %arg4[%add3A_1372, %dma_wait3A_1587] : memref<65536x128xf32, #tpu.memory_space<hbm>> -> memref<128x128xf32, #tpu.memory_space<hbm>>
    %dma_wait3A_1589 = arith.constant 0 : i32
    %dma_wait3A_1590 = tpu.memref_slice %arg4[%add3A_1372, %dma_wait3A_1589] : memref<65536x128xf32, #tpu.memory_space<hbm>> -> memref<128x128xf32, #tpu.memory_space<hbm>>
    %dma_wait3A_1591 = arith.constant 0 : i32
    %dma_wait3A_1592 = arith.constant 0 : i32
    %dma_wait3A_1593 = tpu.memref_slice %arg6[%dma_wait3A_1582, %dma_wait3A_1591, %dma_wait3A_1592] : memref<6x128x128xf32, #tpu.memory_space<vmem>> -> memref<1x128x128xf32, #tpu.memory_space<vmem>>
    %dma_wait3A_1594 = tpu.memref_squeeze %dma_wait3A_1593 : memref<1x128x128xf32, #tpu.memory_space<vmem>> -> memref<128x128xf32, #tpu.memory_space<vmem>>
    tpu.wait_dma2 semaphore(%arg10 : memref<!tpu.dma_semaphore, #tpu.memory_space<semaphore_mem>>) src(%dma_wait3A_1594 : memref<128x128xf32, #tpu.memory_space<vmem>>) dst(%dma_wait3A_1590 : memref<128x128xf32, #tpu.memory_space<hbm>>)
    %get3A_1595 = arith.constant 9 : i32
    %get3A_1596 = arith.index_cast %get3A_1595 : i32 to index
    %get3A_1597 = arith.constant 0 : index
    %get3A_1598 = tpu.vector_load %arg5[%get3A_1596, %get3A_1597] {strides = array<i32>} : memref<16x128xi32, #tpu.memory_space<vmem>>, vector<1x16xi32>,
    %get3A_1599 = vector.shape_cast %get3A_1598 : vector<1x16xi32> to vector<16xi32>
    %add3A_1600 = arith.addi %get3A_1599, %mul3A_9 : vector<16xi32>
    %max3A_1601 = arith.constant 0 : i32
    %max3A_1602 = vector.broadcast %max3A_1601 : i32 to vector<16xi32>
    %max3A_1603 = arith.maxsi %add3A_1600, %max3A_1602 : vector<16xi32>
    %min3A_1604 = arith.constant 799999 : i32
    %min3A_1605 = vector.broadcast %min3A_1604 : i32 to vector<16xi32>
    %min3A_1606 = arith.minsi %max3A_1603, %min3A_1605 : vector<16xi32>
    %swap3A_1607 = arith.constant 9 : i32
    %swap3A_1608 = arith.index_cast %swap3A_1607 : i32 to index
    %swap3A_1609 = arith.constant 0 : index
    %swap3A_1610 = tpu.vector_load %arg5[%swap3A_1608, %swap3A_1609] {strides = array<i32>} : memref<16x128xi32, #tpu.memory_space<vmem>>, vector<1x16xi32>,
    %swap3A_1611 = vector.shape_cast %swap3A_1610 : vector<1x16xi32> to vector<16xi32>
    %swap3A_1612 = vector.shape_cast %min3A_1606 : vector<16xi32> to vector<1x16xi32>
    tpu.vector_store %arg5[%swap3A_1608, %swap3A_1609], %swap3A_1612 {strides = array<i32>} : memref<16x128xi32, #tpu.memory_space<vmem>>, vector<1x16xi32>,
    %get3A_1613 = arith.constant 9 : i32
    %get3A_1614 = arith.index_cast %get3A_1613 : i32 to index
    %get3A_1615 = arith.constant 16 : index
    %get3A_1616 = tpu.vector_load %arg5[%get3A_1614, %get3A_1615] {strides = array<i32>} : memref<16x128xi32, #tpu.memory_space<vmem>>, vector<1x16xi32>,
    %get3A_1617 = vector.shape_cast %get3A_1616 : vector<1x16xi32> to vector<16xi32>
    %add3A_1618 = arith.addi %get3A_1617, %mul3A_9 : vector<16xi32>
    %max3A_1619 = arith.constant 0 : i32
    %max3A_1620 = vector.broadcast %max3A_1619 : i32 to vector<16xi32>
    %max3A_1621 = arith.maxsi %add3A_1618, %max3A_1620 : vector<16xi32>
    %min3A_1622 = arith.constant 799999 : i32
    %min3A_1623 = vector.broadcast %min3A_1622 : i32 to vector<16xi32>
    %min3A_1624 = arith.minsi %max3A_1621, %min3A_1623 : vector<16xi32>
    %swap3A_1625 = arith.constant 9 : i32
    %swap3A_1626 = arith.index_cast %swap3A_1625 : i32 to index
    %swap3A_1627 = arith.constant 16 : index
    %swap3A_1628 = tpu.vector_load %arg5[%swap3A_1626, %swap3A_1627] {strides = array<i32>} : memref<16x128xi32, #tpu.memory_space<vmem>>, vector<1x16xi32>,
    %swap3A_1629 = vector.shape_cast %swap3A_1628 : vector<1x16xi32> to vector<16xi32>
    %swap3A_1630 = vector.shape_cast %min3A_1624 : vector<16xi32> to vector<1x16xi32>
    tpu.vector_store %arg5[%swap3A_1626, %swap3A_1627], %swap3A_1630 {strides = array<i32>} : memref<16x128xi32, #tpu.memory_space<vmem>>, vector<1x16xi32>,
    %get3A_1631 = arith.constant 9 : i32
    %get3A_1632 = arith.index_cast %get3A_1631 : i32 to index
    %get3A_1633 = arith.constant 32 : index
    %get3A_1634 = tpu.vector_load %arg5[%get3A_1632, %get3A_1633] {strides = array<i32>} : memref<16x128xi32, #tpu.memory_space<vmem>>, vector<1x16xi32>,
    %get3A_1635 = vector.shape_cast %get3A_1634 : vector<1x16xi32> to vector<16xi32>
    %add3A_1636 = arith.addi %get3A_1635, %mul3A_9 : vector<16xi32>
    %max3A_1637 = arith.constant 0 : i32
    %max3A_1638 = vector.broadcast %max3A_1637 : i32 to vector<16xi32>
    %max3A_1639 = arith.maxsi %add3A_1636, %max3A_1638 : vector<16xi32>
    %min3A_1640 = arith.constant 799999 : i32
    %min3A_1641 = vector.broadcast %min3A_1640 : i32 to vector<16xi32>
    %min3A_1642 = arith.minsi %max3A_1639, %min3A_1641 : vector<16xi32>
    %swap3A_1643 = arith.constant 9 : i32
    %swap3A_1644 = arith.index_cast %swap3A_1643 : i32 to index
    %swap3A_1645 = arith.constant 32 : index
    %swap3A_1646 = tpu.vector_load %arg5[%swap3A_1644, %swap3A_1645] {strides = array<i32>} : memref<16x128xi32, #tpu.memory_space<vmem>>, vector<1x16xi32>,
    %swap3A_1647 = vector.shape_cast %swap3A_1646 : vector<1x16xi32> to vector<16xi32>
    %swap3A_1648 = vector.shape_cast %min3A_1642 : vector<16xi32> to vector<1x16xi32>
    tpu.vector_store %arg5[%swap3A_1644, %swap3A_1645], %swap3A_1648 {strides = array<i32>} : memref<16x128xi32, #tpu.memory_space<vmem>>, vector<1x16xi32>,
    %get3A_1649 = arith.constant 9 : i32
    %get3A_1650 = arith.index_cast %get3A_1649 : i32 to index
    %get3A_1651 = arith.constant 48 : index
    %get3A_1652 = tpu.vector_load %arg5[%get3A_1650, %get3A_1651] {strides = array<i32>} : memref<16x128xi32, #tpu.memory_space<vmem>>, vector<1x16xi32>,
    %get3A_1653 = vector.shape_cast %get3A_1652 : vector<1x16xi32> to vector<16xi32>
    %add3A_1654 = arith.addi %get3A_1653, %mul3A_9 : vector<16xi32>
    %max3A_1655 = arith.constant 0 : i32
    %max3A_1656 = vector.broadcast %max3A_1655 : i32 to vector<16xi32>
    %max3A_1657 = arith.maxsi %add3A_1654, %max3A_1656 : vector<16xi32>
    %min3A_1658 = arith.constant 799999 : i32
    %min3A_1659 = vector.broadcast %min3A_1658 : i32 to vector<16xi32>
    %min3A_1660 = arith.minsi %max3A_1657, %min3A_1659 : vector<16xi32>
    %swap3A_1661 = arith.constant 9 : i32
    %swap3A_1662 = arith.index_cast %swap3A_1661 : i32 to index
    %swap3A_1663 = arith.constant 48 : index
    %swap3A_1664 = tpu.vector_load %arg5[%swap3A_1662, %swap3A_1663] {strides = array<i32>} : memref<16x128xi32, #tpu.memory_space<vmem>>, vector<1x16xi32>,
    %swap3A_1665 = vector.shape_cast %swap3A_1664 : vector<1x16xi32> to vector<16xi32>
    %swap3A_1666 = vector.shape_cast %min3A_1660 : vector<16xi32> to vector<1x16xi32>
    tpu.vector_store %arg5[%swap3A_1662, %swap3A_1663], %swap3A_1666 {strides = array<i32>} : memref<16x128xi32, #tpu.memory_space<vmem>>, vector<1x16xi32>,
    %get3A_1667 = arith.constant 9 : i32
    %get3A_1668 = arith.index_cast %get3A_1667 : i32 to index
    %get3A_1669 = arith.constant 64 : index
    %get3A_1670 = tpu.vector_load %arg5[%get3A_1668, %get3A_1669] {strides = array<i32>} : memref<16x128xi32, #tpu.memory_space<vmem>>, vector<1x16xi32>,
    %get3A_1671 = vector.shape_cast %get3A_1670 : vector<1x16xi32> to vector<16xi32>
    %add3A_1672 = arith.addi %get3A_1671, %mul3A_9 : vector<16xi32>
    %max3A_1673 = arith.constant 0 : i32
    %max3A_1674 = vector.broadcast %max3A_1673 : i32 to vector<16xi32>
    %max3A_1675 = arith.maxsi %add3A_1672, %max3A_1674 : vector<16xi32>
    %min3A_1676 = arith.constant 799999 : i32
    %min3A_1677 = vector.broadcast %min3A_1676 : i32 to vector<16xi32>
    %min3A_1678 = arith.minsi %max3A_1675, %min3A_1677 : vector<16xi32>
    %swap3A_1679 = arith.constant 9 : i32
    %swap3A_1680 = arith.index_cast %swap3A_1679 : i32 to index
    %swap3A_1681 = arith.constant 64 : index
    %swap3A_1682 = tpu.vector_load %arg5[%swap3A_1680, %swap3A_1681] {strides = array<i32>} : memref<16x128xi32, #tpu.memory_space<vmem>>, vector<1x16xi32>,
    %swap3A_1683 = vector.shape_cast %swap3A_1682 : vector<1x16xi32> to vector<16xi32>
    %swap3A_1684 = vector.shape_cast %min3A_1678 : vector<16xi32> to vector<1x16xi32>
    tpu.vector_store %arg5[%swap3A_1680, %swap3A_1681], %swap3A_1684 {strides = array<i32>} : memref<16x128xi32, #tpu.memory_space<vmem>>, vector<1x16xi32>,
    %get3A_1685 = arith.constant 9 : i32
    %get3A_1686 = arith.index_cast %get3A_1685 : i32 to index
    %get3A_1687 = arith.constant 80 : index
    %get3A_1688 = tpu.vector_load %arg5[%get3A_1686, %get3A_1687] {strides = array<i32>} : memref<16x128xi32, #tpu.memory_space<vmem>>, vector<1x16xi32>,
    %get3A_1689 = vector.shape_cast %get3A_1688 : vector<1x16xi32> to vector<16xi32>
    %add3A_1690 = arith.addi %get3A_1689, %mul3A_9 : vector<16xi32>
    %max3A_1691 = arith.constant 0 : i32
    %max3A_1692 = vector.broadcast %max3A_1691 : i32 to vector<16xi32>
    %max3A_1693 = arith.maxsi %add3A_1690, %max3A_1692 : vector<16xi32>
    %min3A_1694 = arith.constant 799999 : i32
    %min3A_1695 = vector.broadcast %min3A_1694 : i32 to vector<16xi32>
    %min3A_1696 = arith.minsi %max3A_1693, %min3A_1695 : vector<16xi32>
    %swap3A_1697 = arith.constant 9 : i32
    %swap3A_1698 = arith.index_cast %swap3A_1697 : i32 to index
    %swap3A_1699 = arith.constant 80 : index
    %swap3A_1700 = tpu.vector_load %arg5[%swap3A_1698, %swap3A_1699] {strides = array<i32>} : memref<16x128xi32, #tpu.memory_space<vmem>>, vector<1x16xi32>,
    %swap3A_1701 = vector.shape_cast %swap3A_1700 : vector<1x16xi32> to vector<16xi32>
    %swap3A_1702 = vector.shape_cast %min3A_1696 : vector<16xi32> to vector<1x16xi32>
    tpu.vector_store %arg5[%swap3A_1698, %swap3A_1699], %swap3A_1702 {strides = array<i32>} : memref<16x128xi32, #tpu.memory_space<vmem>>, vector<1x16xi32>,
    %get3A_1703 = arith.constant 9 : i32
    %get3A_1704 = arith.index_cast %get3A_1703 : i32 to index
    %get3A_1705 = arith.constant 96 : index
    %get3A_1706 = tpu.vector_load %arg5[%get3A_1704, %get3A_1705] {strides = array<i32>} : memref<16x128xi32, #tpu.memory_space<vmem>>, vector<1x16xi32>,
    %get3A_1707 = vector.shape_cast %get3A_1706 : vector<1x16xi32> to vector<16xi32>
    %add3A_1708 = arith.addi %get3A_1707, %mul3A_9 : vector<16xi32>
    %max3A_1709 = arith.constant 0 : i32
    %max3A_1710 = vector.broadcast %max3A_1709 : i32 to vector<16xi32>
    %max3A_1711 = arith.maxsi %add3A_1708, %max3A_1710 : vector<16xi32>
    %min3A_1712 = arith.constant 799999 : i32
    %min3A_1713 = vector.broadcast %min3A_1712 : i32 to vector<16xi32>
    %min3A_1714 = arith.minsi %max3A_1711, %min3A_1713 : vector<16xi32>
    %swap3A_1715 = arith.constant 9 : i32
    %swap3A_1716 = arith.index_cast %swap3A_1715 : i32 to index
    %swap3A_1717 = arith.constant 96 : index
    %swap3A_1718 = tpu.vector_load %arg5[%swap3A_1716, %swap3A_1717] {strides = array<i32>} : memref<16x128xi32, #tpu.memory_space<vmem>>, vector<1x16xi32>,
    %swap3A_1719 = vector.shape_cast %swap3A_1718 : vector<1x16xi32> to vector<16xi32>
    %swap3A_1720 = vector.shape_cast %min3A_1714 : vector<16xi32> to vector<1x16xi32>
    tpu.vector_store %arg5[%swap3A_1716, %swap3A_1717], %swap3A_1720 {strides = array<i32>} : memref<16x128xi32, #tpu.memory_space<vmem>>, vector<1x16xi32>,
    %get3A_1721 = arith.constant 9 : i32
    %get3A_1722 = arith.index_cast %get3A_1721 : i32 to index
    %get3A_1723 = arith.constant 112 : index
    %get3A_1724 = tpu.vector_load %arg5[%get3A_1722, %get3A_1723] {strides = array<i32>} : memref<16x128xi32, #tpu.memory_space<vmem>>, vector<1x16xi32>,
    %get3A_1725 = vector.shape_cast %get3A_1724 : vector<1x16xi32> to vector<16xi32>
    %add3A_1726 = arith.addi %get3A_1725, %mul3A_9 : vector<16xi32>
    %max3A_1727 = arith.constant 0 : i32
    %max3A_1728 = vector.broadcast %max3A_1727 : i32 to vector<16xi32>
    %max3A_1729 = arith.maxsi %add3A_1726, %max3A_1728 : vector<16xi32>
    %min3A_1730 = arith.constant 799999 : i32
    %min3A_1731 = vector.broadcast %min3A_1730 : i32 to vector<16xi32>
    %min3A_1732 = arith.minsi %max3A_1729, %min3A_1731 : vector<16xi32>
    %swap3A_1733 = arith.constant 9 : i32
    %swap3A_1734 = arith.index_cast %swap3A_1733 : i32 to index
    %swap3A_1735 = arith.constant 112 : index
    %swap3A_1736 = tpu.vector_load %arg5[%swap3A_1734, %swap3A_1735] {strides = array<i32>} : memref<16x128xi32, #tpu.memory_space<vmem>>, vector<1x16xi32>,
    %swap3A_1737 = vector.shape_cast %swap3A_1736 : vector<1x16xi32> to vector<16xi32>
    %swap3A_1738 = vector.shape_cast %min3A_1732 : vector<16xi32> to vector<1x16xi32>
    tpu.vector_store %arg5[%swap3A_1734, %swap3A_1735], %swap3A_1738 {strides = array<i32>} : memref<16x128xi32, #tpu.memory_space<vmem>>, vector<1x16xi32>,
    %dma_start3A_1739 = arith.constant 9 : i32
    %dma_start3A_1740 = arith.constant 3 : i32
    %dma_start3A_1741 = arith.constant 0 : i32
    %dma_start3A_1742 = arith.constant 0 : i32
    %dma_start3A_1743 = tpu.memref_slice %arg6[%dma_start3A_1740, %dma_start3A_1741, %dma_start3A_1742] : memref<6x128x128xf32, #tpu.memory_space<vmem>> -> memref<1x128x128xf32, #tpu.memory_space<vmem>>
    %dma_start3A_1744 = tpu.memref_squeeze %dma_start3A_1743 : memref<1x128x128xf32, #tpu.memory_space<vmem>> -> memref<128x128xf32, #tpu.memory_space<vmem>>
    %dma_start3A_1745 = arith.constant 0 : i32
    %dma_start3A_1746 = tpu.memref_slice %arg5[%dma_start3A_1739, %dma_start3A_1745] : memref<16x128xi32, #tpu.memory_space<vmem>> -> memref<1x128xi32, #tpu.memory_space<vmem>>
    %dma_start3A_1747 = tpu.memref_squeeze %dma_start3A_1746 : memref<1x128xi32, #tpu.memory_space<vmem>> -> memref<128xi32, #tpu.memory_space<vmem>>
    %dma_start3A_1748 = arith.constant 0 : i32
    %dma_start3A_1749 = arith.constant 0 : i32
    %dma_start3A_1750 = tpu.memref_slice %arg3[%dma_start3A_1748, %dma_start3A_1749] : memref<800000x128xf32, #tpu.memory_space<hbm>> -> memref<800000x128xf32, #tpu.memory_space<hbm>>
    tpu.enqueue_indirect_dma source(%dma_start3A_1750 : memref<800000x128xf32, #tpu.memory_space<hbm>>) target(%dma_start3A_1744 : memref<128x128xf32, #tpu.memory_space<vmem>>) offsets(%dma_start3A_1747 : memref<128xi32, #tpu.memory_space<vmem>>) semaphore(%arg10 : memref<!tpu.dma_semaphore, #tpu.memory_space<semaphore_mem>>)
    %dma_wait3A_1751 = arith.constant 5 : i32
    %dma_wait3A_1752 = arith.constant 5 : i32
    %dma_wait3A_1753 = arith.constant 0 : i32
    %dma_wait3A_1754 = arith.constant 0 : i32
    %dma_wait3A_1755 = tpu.memref_slice %arg6[%dma_wait3A_1752, %dma_wait3A_1753, %dma_wait3A_1754] : memref<6x128x128xf32, #tpu.memory_space<vmem>> -> memref<1x128x128xf32, #tpu.memory_space<vmem>>
    %dma_wait3A_1756 = tpu.memref_squeeze %dma_wait3A_1755 : memref<1x128x128xf32, #tpu.memory_space<vmem>> -> memref<128x128xf32, #tpu.memory_space<vmem>>
    %dma_wait3A_1757 = arith.constant 0 : i32
    %dma_wait3A_1758 = tpu.memref_slice %arg5[%dma_wait3A_1751, %dma_wait3A_1757] : memref<16x128xi32, #tpu.memory_space<vmem>> -> memref<1x128xi32, #tpu.memory_space<vmem>>
    %dma_wait3A_1759 = tpu.memref_squeeze %dma_wait3A_1758 : memref<1x128xi32, #tpu.memory_space<vmem>> -> memref<128xi32, #tpu.memory_space<vmem>>
    %dma_wait3A_1760 = arith.constant 0 : i32
    %dma_wait3A_1761 = arith.constant 0 : i32
    %dma_wait3A_1762 = tpu.memref_slice %arg3[%dma_wait3A_1760, %dma_wait3A_1761] : memref<800000x128xf32, #tpu.memory_space<hbm>> -> memref<800000x128xf32, #tpu.memory_space<hbm>>
    tpu.wait_indirect_dma semaphore(%arg12 : memref<!tpu.dma_semaphore, #tpu.memory_space<semaphore_mem>>) src(%dma_wait3A_1762 : memref<800000x128xf32, #tpu.memory_space<hbm>>) dst(%dma_wait3A_1756 : memref<128x128xf32, #tpu.memory_space<vmem>>)
    %add3A_1763 = arith.constant 640 : i32
    %add3A_1764 = arith.addi %mul3A_2, %add3A_1763 : i32
    %dma_start3A_1765 = arith.constant 5 : i32
    %dma_start3A_1766 = arith.constant 0 : i32
    %dma_start3A_1767 = arith.constant 0 : i32
    %dma_start3A_1768 = tpu.memref_slice %arg6[%dma_start3A_1765, %dma_start3A_1766, %dma_start3A_1767] : memref<6x128x128xf32, #tpu.memory_space<vmem>> -> memref<1x128x128xf32, #tpu.memory_space<vmem>>
    %dma_start3A_1769 = tpu.memref_squeeze %dma_start3A_1768 : memref<1x128x128xf32, #tpu.memory_space<vmem>> -> memref<128x128xf32, #tpu.memory_space<vmem>>
    %dma_start3A_1770 = arith.constant 0 : i32
    %dma_start3A_1771 = tpu.memref_slice %arg4[%add3A_1764, %dma_start3A_1770] : memref<65536x128xf32, #tpu.memory_space<hbm>> -> memref<128x128xf32, #tpu.memory_space<hbm>>
    %dma_start3A_1772 = arith.constant 0 : i32
    %dma_start3A_1773 = tpu.memref_slice %arg4[%add3A_1764, %dma_start3A_1772] : memref<65536x128xf32, #tpu.memory_space<hbm>> -> memref<128x128xf32, #tpu.memory_space<hbm>>
    %dma_start3A_1774 = arith.constant 0 : i32
    %dma_start3A_1775 = arith.constant 0 : i32
    %dma_start3A_1776 = tpu.memref_slice %arg6[%dma_start3A_1765, %dma_start3A_1774, %dma_start3A_1775] : memref<6x128x128xf32, #tpu.memory_space<vmem>> -> memref<1x128x128xf32, #tpu.memory_space<vmem>>
    %dma_start3A_1777 = tpu.memref_squeeze %dma_start3A_1776 : memref<1x128x128xf32, #tpu.memory_space<vmem>> -> memref<128x128xf32, #tpu.memory_space<vmem>>
    tpu.enqueue_dma source(%dma_start3A_1777 : memref<128x128xf32, #tpu.memory_space<vmem>>) target(%dma_start3A_1773 : memref<128x128xf32, #tpu.memory_space<hbm>>) target_semaphore(%arg12 : memref<!tpu.dma_semaphore, #tpu.memory_space<semaphore_mem>>)
    %dma_wait3A_1778 = arith.constant 4 : i32
    %dma_wait3A_1779 = arith.constant 0 : i32
    %dma_wait3A_1780 = arith.constant 0 : i32
    %dma_wait3A_1781 = tpu.memref_slice %arg6[%dma_wait3A_1778, %dma_wait3A_1779, %dma_wait3A_1780] : memref<6x128x128xf32, #tpu.memory_space<vmem>> -> memref<1x128x128xf32, #tpu.memory_space<vmem>>
    %dma_wait3A_1782 = tpu.memref_squeeze %dma_wait3A_1781 : memref<1x128x128xf32, #tpu.memory_space<vmem>> -> memref<128x128xf32, #tpu.memory_space<vmem>>
    %dma_wait3A_1783 = arith.constant 0 : i32
    %dma_wait3A_1784 = tpu.memref_slice %arg4[%add3A_1568, %dma_wait3A_1783] : memref<65536x128xf32, #tpu.memory_space<hbm>> -> memref<128x128xf32, #tpu.memory_space<hbm>>
    %dma_wait3A_1785 = arith.constant 0 : i32
    %dma_wait3A_1786 = tpu.memref_slice %arg4[%add3A_1568, %dma_wait3A_1785] : memref<65536x128xf32, #tpu.memory_space<hbm>> -> memref<128x128xf32, #tpu.memory_space<hbm>>
    %dma_wait3A_1787 = arith.constant 0 : i32
    %dma_wait3A_1788 = arith.constant 0 : i32
    %dma_wait3A_1789 = tpu.memref_slice %arg6[%dma_wait3A_1778, %dma_wait3A_1787, %dma_wait3A_1788] : memref<6x128x128xf32, #tpu.memory_space<vmem>> -> memref<1x128x128xf32, #tpu.memory_space<vmem>>
    %dma_wait3A_1790 = tpu.memref_squeeze %dma_wait3A_1789 : memref<1x128x128xf32, #tpu.memory_space<vmem>> -> memref<128x128xf32, #tpu.memory_space<vmem>>
    tpu.wait_dma2 semaphore(%arg11 : memref<!tpu.dma_semaphore, #tpu.memory_space<semaphore_mem>>) src(%dma_wait3A_1790 : memref<128x128xf32, #tpu.memory_space<vmem>>) dst(%dma_wait3A_1786 : memref<128x128xf32, #tpu.memory_space<hbm>>)
    %get3A_1791 = arith.constant 10 : i32
    %get3A_1792 = arith.index_cast %get3A_1791 : i32 to index
    %get3A_1793 = arith.constant 0 : index
    %get3A_1794 = tpu.vector_load %arg5[%get3A_1792, %get3A_1793] {strides = array<i32>} : memref<16x128xi32, #tpu.memory_space<vmem>>, vector<1x16xi32>,
    %get3A_1795 = vector.shape_cast %get3A_1794 : vector<1x16xi32> to vector<16xi32>
    %add3A_1796 = arith.addi %get3A_1795, %mul3A_9 : vector<16xi32>
    %max3A_1797 = arith.constant 0 : i32
    %max3A_1798 = vector.broadcast %max3A_1797 : i32 to vector<16xi32>
    %max3A_1799 = arith.maxsi %add3A_1796, %max3A_1798 : vector<16xi32>
    %min3A_1800 = arith.constant 799999 : i32
    %min3A_1801 = vector.broadcast %min3A_1800 : i32 to vector<16xi32>
    %min3A_1802 = arith.minsi %max3A_1799, %min3A_1801 : vector<16xi32>
    %swap3A_1803 = arith.constant 10 : i32
    %swap3A_1804 = arith.index_cast %swap3A_1803 : i32 to index
    %swap3A_1805 = arith.constant 0 : index
    %swap3A_1806 = tpu.vector_load %arg5[%swap3A_1804, %swap3A_1805] {strides = array<i32>} : memref<16x128xi32, #tpu.memory_space<vmem>>, vector<1x16xi32>,
    %swap3A_1807 = vector.shape_cast %swap3A_1806 : vector<1x16xi32> to vector<16xi32>
    %swap3A_1808 = vector.shape_cast %min3A_1802 : vector<16xi32> to vector<1x16xi32>
    tpu.vector_store %arg5[%swap3A_1804, %swap3A_1805], %swap3A_1808 {strides = array<i32>} : memref<16x128xi32, #tpu.memory_space<vmem>>, vector<1x16xi32>,
    %get3A_1809 = arith.constant 10 : i32
    %get3A_1810 = arith.index_cast %get3A_1809 : i32 to index
    %get3A_1811 = arith.constant 16 : index
    %get3A_1812 = tpu.vector_load %arg5[%get3A_1810, %get3A_1811] {strides = array<i32>} : memref<16x128xi32, #tpu.memory_space<vmem>>, vector<1x16xi32>,
    %get3A_1813 = vector.shape_cast %get3A_1812 : vector<1x16xi32> to vector<16xi32>
    %add3A_1814 = arith.addi %get3A_1813, %mul3A_9 : vector<16xi32>
    %max3A_1815 = arith.constant 0 : i32
    %max3A_1816 = vector.broadcast %max3A_1815 : i32 to vector<16xi32>
    %max3A_1817 = arith.maxsi %add3A_1814, %max3A_1816 : vector<16xi32>
    %min3A_1818 = arith.constant 799999 : i32
    %min3A_1819 = vector.broadcast %min3A_1818 : i32 to vector<16xi32>
    %min3A_1820 = arith.minsi %max3A_1817, %min3A_1819 : vector<16xi32>
    %swap3A_1821 = arith.constant 10 : i32
    %swap3A_1822 = arith.index_cast %swap3A_1821 : i32 to index
    %swap3A_1823 = arith.constant 16 : index
    %swap3A_1824 = tpu.vector_load %arg5[%swap3A_1822, %swap3A_1823] {strides = array<i32>} : memref<16x128xi32, #tpu.memory_space<vmem>>, vector<1x16xi32>,
    %swap3A_1825 = vector.shape_cast %swap3A_1824 : vector<1x16xi32> to vector<16xi32>
    %swap3A_1826 = vector.shape_cast %min3A_1820 : vector<16xi32> to vector<1x16xi32>
    tpu.vector_store %arg5[%swap3A_1822, %swap3A_1823], %swap3A_1826 {strides = array<i32>} : memref<16x128xi32, #tpu.memory_space<vmem>>, vector<1x16xi32>,
    %get3A_1827 = arith.constant 10 : i32
    %get3A_1828 = arith.index_cast %get3A_1827 : i32 to index
    %get3A_1829 = arith.constant 32 : index
    %get3A_1830 = tpu.vector_load %arg5[%get3A_1828, %get3A_1829] {strides = array<i32>} : memref<16x128xi32, #tpu.memory_space<vmem>>, vector<1x16xi32>,
    %get3A_1831 = vector.shape_cast %get3A_1830 : vector<1x16xi32> to vector<16xi32>
    %add3A_1832 = arith.addi %get3A_1831, %mul3A_9 : vector<16xi32>
    %max3A_1833 = arith.constant 0 : i32
    %max3A_1834 = vector.broadcast %max3A_1833 : i32 to vector<16xi32>
    %max3A_1835 = arith.maxsi %add3A_1832, %max3A_1834 : vector<16xi32>
    %min3A_1836 = arith.constant 799999 : i32
    %min3A_1837 = vector.broadcast %min3A_1836 : i32 to vector<16xi32>
    %min3A_1838 = arith.minsi %max3A_1835, %min3A_1837 : vector<16xi32>
    %swap3A_1839 = arith.constant 10 : i32
    %swap3A_1840 = arith.index_cast %swap3A_1839 : i32 to index
    %swap3A_1841 = arith.constant 32 : index
    %swap3A_1842 = tpu.vector_load %arg5[%swap3A_1840, %swap3A_1841] {strides = array<i32>} : memref<16x128xi32, #tpu.memory_space<vmem>>, vector<1x16xi32>,
    %swap3A_1843 = vector.shape_cast %swap3A_1842 : vector<1x16xi32> to vector<16xi32>
    %swap3A_1844 = vector.shape_cast %min3A_1838 : vector<16xi32> to vector<1x16xi32>
    tpu.vector_store %arg5[%swap3A_1840, %swap3A_1841], %swap3A_1844 {strides = array<i32>} : memref<16x128xi32, #tpu.memory_space<vmem>>, vector<1x16xi32>,
    %get3A_1845 = arith.constant 10 : i32
    %get3A_1846 = arith.index_cast %get3A_1845 : i32 to index
    %get3A_1847 = arith.constant 48 : index
    %get3A_1848 = tpu.vector_load %arg5[%get3A_1846, %get3A_1847] {strides = array<i32>} : memref<16x128xi32, #tpu.memory_space<vmem>>, vector<1x16xi32>,
    %get3A_1849 = vector.shape_cast %get3A_1848 : vector<1x16xi32> to vector<16xi32>
    %add3A_1850 = arith.addi %get3A_1849, %mul3A_9 : vector<16xi32>
    %max3A_1851 = arith.constant 0 : i32
    %max3A_1852 = vector.broadcast %max3A_1851 : i32 to vector<16xi32>
    %max3A_1853 = arith.maxsi %add3A_1850, %max3A_1852 : vector<16xi32>
    %min3A_1854 = arith.constant 799999 : i32
    %min3A_1855 = vector.broadcast %min3A_1854 : i32 to vector<16xi32>
    %min3A_1856 = arith.minsi %max3A_1853, %min3A_1855 : vector<16xi32>
    %swap3A_1857 = arith.constant 10 : i32
    %swap3A_1858 = arith.index_cast %swap3A_1857 : i32 to index
    %swap3A_1859 = arith.constant 48 : index
    %swap3A_1860 = tpu.vector_load %arg5[%swap3A_1858, %swap3A_1859] {strides = array<i32>} : memref<16x128xi32, #tpu.memory_space<vmem>>, vector<1x16xi32>,
    %swap3A_1861 = vector.shape_cast %swap3A_1860 : vector<1x16xi32> to vector<16xi32>
    %swap3A_1862 = vector.shape_cast %min3A_1856 : vector<16xi32> to vector<1x16xi32>
    tpu.vector_store %arg5[%swap3A_1858, %swap3A_1859], %swap3A_1862 {strides = array<i32>} : memref<16x128xi32, #tpu.memory_space<vmem>>, vector<1x16xi32>,
    %get3A_1863 = arith.constant 10 : i32
    %get3A_1864 = arith.index_cast %get3A_1863 : i32 to index
    %get3A_1865 = arith.constant 64 : index
    %get3A_1866 = tpu.vector_load %arg5[%get3A_1864, %get3A_1865] {strides = array<i32>} : memref<16x128xi32, #tpu.memory_space<vmem>>, vector<1x16xi32>,
    %get3A_1867 = vector.shape_cast %get3A_1866 : vector<1x16xi32> to vector<16xi32>
    %add3A_1868 = arith.addi %get3A_1867, %mul3A_9 : vector<16xi32>
    %max3A_1869 = arith.constant 0 : i32
    %max3A_1870 = vector.broadcast %max3A_1869 : i32 to vector<16xi32>
    %max3A_1871 = arith.maxsi %add3A_1868, %max3A_1870 : vector<16xi32>
    %min3A_1872 = arith.constant 799999 : i32
    %min3A_1873 = vector.broadcast %min3A_1872 : i32 to vector<16xi32>
    %min3A_1874 = arith.minsi %max3A_1871, %min3A_1873 : vector<16xi32>
    %swap3A_1875 = arith.constant 10 : i32
    %swap3A_1876 = arith.index_cast %swap3A_1875 : i32 to index
    %swap3A_1877 = arith.constant 64 : index
    %swap3A_1878 = tpu.vector_load %arg5[%swap3A_1876, %swap3A_1877] {strides = array<i32>} : memref<16x128xi32, #tpu.memory_space<vmem>>, vector<1x16xi32>,
    %swap3A_1879 = vector.shape_cast %swap3A_1878 : vector<1x16xi32> to vector<16xi32>
    %swap3A_1880 = vector.shape_cast %min3A_1874 : vector<16xi32> to vector<1x16xi32>
    tpu.vector_store %arg5[%swap3A_1876, %swap3A_1877], %swap3A_1880 {strides = array<i32>} : memref<16x128xi32, #tpu.memory_space<vmem>>, vector<1x16xi32>,
    %get3A_1881 = arith.constant 10 : i32
    %get3A_1882 = arith.index_cast %get3A_1881 : i32 to index
    %get3A_1883 = arith.constant 80 : index
    %get3A_1884 = tpu.vector_load %arg5[%get3A_1882, %get3A_1883] {strides = array<i32>} : memref<16x128xi32, #tpu.memory_space<vmem>>, vector<1x16xi32>,
    %get3A_1885 = vector.shape_cast %get3A_1884 : vector<1x16xi32> to vector<16xi32>
    %add3A_1886 = arith.addi %get3A_1885, %mul3A_9 : vector<16xi32>
    %max3A_1887 = arith.constant 0 : i32
    %max3A_1888 = vector.broadcast %max3A_1887 : i32 to vector<16xi32>
    %max3A_1889 = arith.maxsi %add3A_1886, %max3A_1888 : vector<16xi32>
    %min3A_1890 = arith.constant 799999 : i32
    %min3A_1891 = vector.broadcast %min3A_1890 : i32 to vector<16xi32>
    %min3A_1892 = arith.minsi %max3A_1889, %min3A_1891 : vector<16xi32>
    %swap3A_1893 = arith.constant 10 : i32
    %swap3A_1894 = arith.index_cast %swap3A_1893 : i32 to index
    %swap3A_1895 = arith.constant 80 : index
    %swap3A_1896 = tpu.vector_load %arg5[%swap3A_1894, %swap3A_1895] {strides = array<i32>} : memref<16x128xi32, #tpu.memory_space<vmem>>, vector<1x16xi32>,
    %swap3A_1897 = vector.shape_cast %swap3A_1896 : vector<1x16xi32> to vector<16xi32>
    %swap3A_1898 = vector.shape_cast %min3A_1892 : vector<16xi32> to vector<1x16xi32>
    tpu.vector_store %arg5[%swap3A_1894, %swap3A_1895], %swap3A_1898 {strides = array<i32>} : memref<16x128xi32, #tpu.memory_space<vmem>>, vector<1x16xi32>,
    %get3A_1899 = arith.constant 10 : i32
    %get3A_1900 = arith.index_cast %get3A_1899 : i32 to index
    %get3A_1901 = arith.constant 96 : index
    %get3A_1902 = tpu.vector_load %arg5[%get3A_1900, %get3A_1901] {strides = array<i32>} : memref<16x128xi32, #tpu.memory_space<vmem>>, vector<1x16xi32>,
    %get3A_1903 = vector.shape_cast %get3A_1902 : vector<1x16xi32> to vector<16xi32>
    %add3A_1904 = arith.addi %get3A_1903, %mul3A_9 : vector<16xi32>
    %max3A_1905 = arith.constant 0 : i32
    %max3A_1906 = vector.broadcast %max3A_1905 : i32 to vector<16xi32>
    %max3A_1907 = arith.maxsi %add3A_1904, %max3A_1906 : vector<16xi32>
    %min3A_1908 = arith.constant 799999 : i32
    %min3A_1909 = vector.broadcast %min3A_1908 : i32 to vector<16xi32>
    %min3A_1910 = arith.minsi %max3A_1907, %min3A_1909 : vector<16xi32>
    %swap3A_1911 = arith.constant 10 : i32
    %swap3A_1912 = arith.index_cast %swap3A_1911 : i32 to index
    %swap3A_1913 = arith.constant 96 : index
    %swap3A_1914 = tpu.vector_load %arg5[%swap3A_1912, %swap3A_1913] {strides = array<i32>} : memref<16x128xi32, #tpu.memory_space<vmem>>, vector<1x16xi32>,
    %swap3A_1915 = vector.shape_cast %swap3A_1914 : vector<1x16xi32> to vector<16xi32>
    %swap3A_1916 = vector.shape_cast %min3A_1910 : vector<16xi32> to vector<1x16xi32>
    tpu.vector_store %arg5[%swap3A_1912, %swap3A_1913], %swap3A_1916 {strides = array<i32>} : memref<16x128xi32, #tpu.memory_space<vmem>>, vector<1x16xi32>,
    %get3A_1917 = arith.constant 10 : i32
    %get3A_1918 = arith.index_cast %get3A_1917 : i32 to index
    %get3A_1919 = arith.constant 112 : index
    %get3A_1920 = tpu.vector_load %arg5[%get3A_1918, %get3A_1919] {strides = array<i32>} : memref<16x128xi32, #tpu.memory_space<vmem>>, vector<1x16xi32>,
    %get3A_1921 = vector.shape_cast %get3A_1920 : vector<1x16xi32> to vector<16xi32>
    %add3A_1922 = arith.addi %get3A_1921, %mul3A_9 : vector<16xi32>
    %max3A_1923 = arith.constant 0 : i32
    %max3A_1924 = vector.broadcast %max3A_1923 : i32 to vector<16xi32>
    %max3A_1925 = arith.maxsi %add3A_1922, %max3A_1924 : vector<16xi32>
    %min3A_1926 = arith.constant 799999 : i32
    %min3A_1927 = vector.broadcast %min3A_1926 : i32 to vector<16xi32>
    %min3A_1928 = arith.minsi %max3A_1925, %min3A_1927 : vector<16xi32>
    %swap3A_1929 = arith.constant 10 : i32
    %swap3A_1930 = arith.index_cast %swap3A_1929 : i32 to index
    %swap3A_1931 = arith.constant 112 : index
    %swap3A_1932 = tpu.vector_load %arg5[%swap3A_1930, %swap3A_1931] {strides = array<i32>} : memref<16x128xi32, #tpu.memory_space<vmem>>, vector<1x16xi32>,
    %swap3A_1933 = vector.shape_cast %swap3A_1932 : vector<1x16xi32> to vector<16xi32>
    %swap3A_1934 = vector.shape_cast %min3A_1928 : vector<16xi32> to vector<1x16xi32>
    tpu.vector_store %arg5[%swap3A_1930, %swap3A_1931], %swap3A_1934 {strides = array<i32>} : memref<16x128xi32, #tpu.memory_space<vmem>>, vector<1x16xi32>,
    %dma_start3A_1935 = arith.constant 10 : i32
    %dma_start3A_1936 = arith.constant 4 : i32
    %dma_start3A_1937 = arith.constant 0 : i32
    %dma_start3A_1938 = arith.constant 0 : i32
    %dma_start3A_1939 = tpu.memref_slice %arg6[%dma_start3A_1936, %dma_start3A_1937, %dma_start3A_1938] : memref<6x128x128xf32, #tpu.memory_space<vmem>> -> memref<1x128x128xf32, #tpu.memory_space<vmem>>
    %dma_start3A_1940 = tpu.memref_squeeze %dma_start3A_1939 : memref<1x128x128xf32, #tpu.memory_space<vmem>> -> memref<128x128xf32, #tpu.memory_space<vmem>>
    %dma_start3A_1941 = arith.constant 0 : i32
    %dma_start3A_1942 = tpu.memref_slice %arg5[%dma_start3A_1935, %dma_start3A_1941] : memref<16x128xi32, #tpu.memory_space<vmem>> -> memref<1x128xi32, #tpu.memory_space<vmem>>
    %dma_start3A_1943 = tpu.memref_squeeze %dma_start3A_1942 : memref<1x128xi32, #tpu.memory_space<vmem>> -> memref<128xi32, #tpu.memory_space<vmem>>
    %dma_start3A_1944 = arith.constant 0 : i32
    %dma_start3A_1945 = arith.constant 0 : i32
    %dma_start3A_1946 = tpu.memref_slice %arg3[%dma_start3A_1944, %dma_start3A_1945] : memref<800000x128xf32, #tpu.memory_space<hbm>> -> memref<800000x128xf32, #tpu.memory_space<hbm>>
    tpu.enqueue_indirect_dma source(%dma_start3A_1946 : memref<800000x128xf32, #tpu.memory_space<hbm>>) target(%dma_start3A_1940 : memref<128x128xf32, #tpu.memory_space<vmem>>) offsets(%dma_start3A_1943 : memref<128xi32, #tpu.memory_space<vmem>>) semaphore(%arg11 : memref<!tpu.dma_semaphore, #tpu.memory_space<semaphore_mem>>)
    %dma_wait3A_1947 = arith.constant 6 : i32
    %dma_wait3A_1948 = arith.constant 0 : i32
    %dma_wait3A_1949 = arith.constant 0 : i32
    %dma_wait3A_1950 = arith.constant 0 : i32
    %dma_wait3A_1951 = tpu.memref_slice %arg6[%dma_wait3A_1948, %dma_wait3A_1949, %dma_wait3A_1950] : memref<6x128x128xf32, #tpu.memory_space<vmem>> -> memref<1x128x128xf32, #tpu.memory_space<vmem>>
    %dma_wait3A_1952 = tpu.memref_squeeze %dma_wait3A_1951 : memref<1x128x128xf32, #tpu.memory_space<vmem>> -> memref<128x128xf32, #tpu.memory_space<vmem>>
    %dma_wait3A_1953 = arith.constant 0 : i32
    %dma_wait3A_1954 = tpu.memref_slice %arg5[%dma_wait3A_1947, %dma_wait3A_1953] : memref<16x128xi32, #tpu.memory_space<vmem>> -> memref<1x128xi32, #tpu.memory_space<vmem>>
    %dma_wait3A_1955 = tpu.memref_squeeze %dma_wait3A_1954 : memref<1x128xi32, #tpu.memory_space<vmem>> -> memref<128xi32, #tpu.memory_space<vmem>>
    %dma_wait3A_1956 = arith.constant 0 : i32
    %dma_wait3A_1957 = arith.constant 0 : i32
    %dma_wait3A_1958 = tpu.memref_slice %arg3[%dma_wait3A_1956, %dma_wait3A_1957] : memref<800000x128xf32, #tpu.memory_space<hbm>> -> memref<800000x128xf32, #tpu.memory_space<hbm>>
    tpu.wait_indirect_dma semaphore(%arg7 : memref<!tpu.dma_semaphore, #tpu.memory_space<semaphore_mem>>) src(%dma_wait3A_1958 : memref<800000x128xf32, #tpu.memory_space<hbm>>) dst(%dma_wait3A_1952 : memref<128x128xf32, #tpu.memory_space<vmem>>)
    %add3A_1959 = arith.constant 768 : i32
    %add3A_1960 = arith.addi %mul3A_2, %add3A_1959 : i32
    %dma_start3A_1961 = arith.constant 0 : i32
    %dma_start3A_1962 = arith.constant 0 : i32
    %dma_start3A_1963 = arith.constant 0 : i32
    %dma_start3A_1964 = tpu.memref_slice %arg6[%dma_start3A_1961, %dma_start3A_1962, %dma_start3A_1963] : memref<6x128x128xf32, #tpu.memory_space<vmem>> -> memref<1x128x128xf32, #tpu.memory_space<vmem>>
    %dma_start3A_1965 = tpu.memref_squeeze %dma_start3A_1964 : memref<1x128x128xf32, #tpu.memory_space<vmem>> -> memref<128x128xf32, #tpu.memory_space<vmem>>
    %dma_start3A_1966 = arith.constant 0 : i32
    %dma_start3A_1967 = tpu.memref_slice %arg4[%add3A_1960, %dma_start3A_1966] : memref<65536x128xf32, #tpu.memory_space<hbm>> -> memref<128x128xf32, #tpu.memory_space<hbm>>
    %dma_start3A_1968 = arith.constant 0 : i32
    %dma_start3A_1969 = tpu.memref_slice %arg4[%add3A_1960, %dma_start3A_1968] : memref<65536x128xf32, #tpu.memory_space<hbm>> -> memref<128x128xf32, #tpu.memory_space<hbm>>
    %dma_start3A_1970 = arith.constant 0 : i32
    %dma_start3A_1971 = arith.constant 0 : i32
    %dma_start3A_1972 = tpu.memref_slice %arg6[%dma_start3A_1961, %dma_start3A_1970, %dma_start3A_1971] : memref<6x128x128xf32, #tpu.memory_space<vmem>> -> memref<1x128x128xf32, #tpu.memory_space<vmem>>
    %dma_start3A_1973 = tpu.memref_squeeze %dma_start3A_1972 : memref<1x128x128xf32, #tpu.memory_space<vmem>> -> memref<128x128xf32, #tpu.memory_space<vmem>>
    tpu.enqueue_dma source(%dma_start3A_1973 : memref<128x128xf32, #tpu.memory_space<vmem>>) target(%dma_start3A_1969 : memref<128x128xf32, #tpu.memory_space<hbm>>) target_semaphore(%arg7 : memref<!tpu.dma_semaphore, #tpu.memory_space<semaphore_mem>>)
    %dma_wait3A_1974 = arith.constant 5 : i32
    %dma_wait3A_1975 = arith.constant 0 : i32
    %dma_wait3A_1976 = arith.constant 0 : i32
    %dma_wait3A_1977 = tpu.memref_slice %arg6[%dma_wait3A_1974, %dma_wait3A_1975, %dma_wait3A_1976] : memref<6x128x128xf32, #tpu.memory_space<vmem>> -> memref<1x128x128xf32, #tpu.memory_space<vmem>>
    %dma_wait3A_1978 = tpu.memref_squeeze %dma_wait3A_1977 : memref<1x128x128xf32, #tpu.memory_space<vmem>> -> memref<128x128xf32, #tpu.memory_space<vmem>>
    %dma_wait3A_1979 = arith.constant 0 : i32
    %dma_wait3A_1980 = tpu.memref_slice %arg4[%add3A_1764, %dma_wait3A_1979] : memref<65536x128xf32, #tpu.memory_space<hbm>> -> memref<128x128xf32, #tpu.memory_space<hbm>>
    %dma_wait3A_1981 = arith.constant 0 : i32
    %dma_wait3A_1982 = tpu.memref_slice %arg4[%add3A_1764, %dma_wait3A_1981] : memref<65536x128xf32, #tpu.memory_space<hbm>> -> memref<128x128xf32, #tpu.memory_space<hbm>>
    %dma_wait3A_1983 = arith.constant 0 : i32
    %dma_wait3A_1984 = arith.constant 0 : i32
    %dma_wait3A_1985 = tpu.memref_slice %arg6[%dma_wait3A_1974, %dma_wait3A_1983, %dma_wait3A_1984] : memref<6x128x128xf32, #tpu.memory_space<vmem>> -> memref<1x128x128xf32, #tpu.memory_space<vmem>>
    %dma_wait3A_1986 = tpu.memref_squeeze %dma_wait3A_1985 : memref<1x128x128xf32, #tpu.memory_space<vmem>> -> memref<128x128xf32, #tpu.memory_space<vmem>>
    tpu.wait_dma2 semaphore(%arg12 : memref<!tpu.dma_semaphore, #tpu.memory_space<semaphore_mem>>) src(%dma_wait3A_1986 : memref<128x128xf32, #tpu.memory_space<vmem>>) dst(%dma_wait3A_1982 : memref<128x128xf32, #tpu.memory_space<hbm>>)
    %get3A_1987 = arith.constant 11 : i32
    %get3A_1988 = arith.index_cast %get3A_1987 : i32 to index
    %get3A_1989 = arith.constant 0 : index
    %get3A_1990 = tpu.vector_load %arg5[%get3A_1988, %get3A_1989] {strides = array<i32>} : memref<16x128xi32, #tpu.memory_space<vmem>>, vector<1x16xi32>,
    %get3A_1991 = vector.shape_cast %get3A_1990 : vector<1x16xi32> to vector<16xi32>
    %add3A_1992 = arith.addi %get3A_1991, %mul3A_9 : vector<16xi32>
    %max3A_1993 = arith.constant 0 : i32
    %max3A_1994 = vector.broadcast %max3A_1993 : i32 to vector<16xi32>
    %max3A_1995 = arith.maxsi %add3A_1992, %max3A_1994 : vector<16xi32>
    %min3A_1996 = arith.constant 799999 : i32
    %min3A_1997 = vector.broadcast %min3A_1996 : i32 to vector<16xi32>
    %min3A_1998 = arith.minsi %max3A_1995, %min3A_1997 : vector<16xi32>
    %swap3A_1999 = arith.constant 11 : i32
    %swap3A_2000 = arith.index_cast %swap3A_1999 : i32 to index
    %swap3A_2001 = arith.constant 0 : index
    %swap3A_2002 = tpu.vector_load %arg5[%swap3A_2000, %swap3A_2001] {strides = array<i32>} : memref<16x128xi32, #tpu.memory_space<vmem>>, vector<1x16xi32>,
    %swap3A_2003 = vector.shape_cast %swap3A_2002 : vector<1x16xi32> to vector<16xi32>
    %swap3A_2004 = vector.shape_cast %min3A_1998 : vector<16xi32> to vector<1x16xi32>
    tpu.vector_store %arg5[%swap3A_2000, %swap3A_2001], %swap3A_2004 {strides = array<i32>} : memref<16x128xi32, #tpu.memory_space<vmem>>, vector<1x16xi32>,
    %get3A_2005 = arith.constant 11 : i32
    %get3A_2006 = arith.index_cast %get3A_2005 : i32 to index
    %get3A_2007 = arith.constant 16 : index
    %get3A_2008 = tpu.vector_load %arg5[%get3A_2006, %get3A_2007] {strides = array<i32>} : memref<16x128xi32, #tpu.memory_space<vmem>>, vector<1x16xi32>,
    %get3A_2009 = vector.shape_cast %get3A_2008 : vector<1x16xi32> to vector<16xi32>
    %add3A_2010 = arith.addi %get3A_2009, %mul3A_9 : vector<16xi32>
    %max3A_2011 = arith.constant 0 : i32
    %max3A_2012 = vector.broadcast %max3A_2011 : i32 to vector<16xi32>
    %max3A_2013 = arith.maxsi %add3A_2010, %max3A_2012 : vector<16xi32>
    %min3A_2014 = arith.constant 799999 : i32
    %min3A_2015 = vector.broadcast %min3A_2014 : i32 to vector<16xi32>
    %min3A_2016 = arith.minsi %max3A_2013, %min3A_2015 : vector<16xi32>
    %swap3A_2017 = arith.constant 11 : i32
    %swap3A_2018 = arith.index_cast %swap3A_2017 : i32 to index
    %swap3A_2019 = arith.constant 16 : index
    %swap3A_2020 = tpu.vector_load %arg5[%swap3A_2018, %swap3A_2019] {strides = array<i32>} : memref<16x128xi32, #tpu.memory_space<vmem>>, vector<1x16xi32>,
    %swap3A_2021 = vector.shape_cast %swap3A_2020 : vector<1x16xi32> to vector<16xi32>
    %swap3A_2022 = vector.shape_cast %min3A_2016 : vector<16xi32> to vector<1x16xi32>
    tpu.vector_store %arg5[%swap3A_2018, %swap3A_2019], %swap3A_2022 {strides = array<i32>} : memref<16x128xi32, #tpu.memory_space<vmem>>, vector<1x16xi32>,
    %get3A_2023 = arith.constant 11 : i32
    %get3A_2024 = arith.index_cast %get3A_2023 : i32 to index
    %get3A_2025 = arith.constant 32 : index
    %get3A_2026 = tpu.vector_load %arg5[%get3A_2024, %get3A_2025] {strides = array<i32>} : memref<16x128xi32, #tpu.memory_space<vmem>>, vector<1x16xi32>,
    %get3A_2027 = vector.shape_cast %get3A_2026 : vector<1x16xi32> to vector<16xi32>
    %add3A_2028 = arith.addi %get3A_2027, %mul3A_9 : vector<16xi32>
    %max3A_2029 = arith.constant 0 : i32
    %max3A_2030 = vector.broadcast %max3A_2029 : i32 to vector<16xi32>
    %max3A_2031 = arith.maxsi %add3A_2028, %max3A_2030 : vector<16xi32>
    %min3A_2032 = arith.constant 799999 : i32
    %min3A_2033 = vector.broadcast %min3A_2032 : i32 to vector<16xi32>
    %min3A_2034 = arith.minsi %max3A_2031, %min3A_2033 : vector<16xi32>
    %swap3A_2035 = arith.constant 11 : i32
    %swap3A_2036 = arith.index_cast %swap3A_2035 : i32 to index
    %swap3A_2037 = arith.constant 32 : index
    %swap3A_2038 = tpu.vector_load %arg5[%swap3A_2036, %swap3A_2037] {strides = array<i32>} : memref<16x128xi32, #tpu.memory_space<vmem>>, vector<1x16xi32>,
    %swap3A_2039 = vector.shape_cast %swap3A_2038 : vector<1x16xi32> to vector<16xi32>
    %swap3A_2040 = vector.shape_cast %min3A_2034 : vector<16xi32> to vector<1x16xi32>
    tpu.vector_store %arg5[%swap3A_2036, %swap3A_2037], %swap3A_2040 {strides = array<i32>} : memref<16x128xi32, #tpu.memory_space<vmem>>, vector<1x16xi32>,
    %get3A_2041 = arith.constant 11 : i32
    %get3A_2042 = arith.index_cast %get3A_2041 : i32 to index
    %get3A_2043 = arith.constant 48 : index
    %get3A_2044 = tpu.vector_load %arg5[%get3A_2042, %get3A_2043] {strides = array<i32>} : memref<16x128xi32, #tpu.memory_space<vmem>>, vector<1x16xi32>,
    %get3A_2045 = vector.shape_cast %get3A_2044 : vector<1x16xi32> to vector<16xi32>
    %add3A_2046 = arith.addi %get3A_2045, %mul3A_9 : vector<16xi32>
    %max3A_2047 = arith.constant 0 : i32
    %max3A_2048 = vector.broadcast %max3A_2047 : i32 to vector<16xi32>
    %max3A_2049 = arith.maxsi %add3A_2046, %max3A_2048 : vector<16xi32>
    %min3A_2050 = arith.constant 799999 : i32
    %min3A_2051 = vector.broadcast %min3A_2050 : i32 to vector<16xi32>
    %min3A_2052 = arith.minsi %max3A_2049, %min3A_2051 : vector<16xi32>
    %swap3A_2053 = arith.constant 11 : i32
    %swap3A_2054 = arith.index_cast %swap3A_2053 : i32 to index
    %swap3A_2055 = arith.constant 48 : index
    %swap3A_2056 = tpu.vector_load %arg5[%swap3A_2054, %swap3A_2055] {strides = array<i32>} : memref<16x128xi32, #tpu.memory_space<vmem>>, vector<1x16xi32>,
    %swap3A_2057 = vector.shape_cast %swap3A_2056 : vector<1x16xi32> to vector<16xi32>
    %swap3A_2058 = vector.shape_cast %min3A_2052 : vector<16xi32> to vector<1x16xi32>
    tpu.vector_store %arg5[%swap3A_2054, %swap3A_2055], %swap3A_2058 {strides = array<i32>} : memref<16x128xi32, #tpu.memory_space<vmem>>, vector<1x16xi32>,
    %get3A_2059 = arith.constant 11 : i32
    %get3A_2060 = arith.index_cast %get3A_2059 : i32 to index
    %get3A_2061 = arith.constant 64 : index
    %get3A_2062 = tpu.vector_load %arg5[%get3A_2060, %get3A_2061] {strides = array<i32>} : memref<16x128xi32, #tpu.memory_space<vmem>>, vector<1x16xi32>,
    %get3A_2063 = vector.shape_cast %get3A_2062 : vector<1x16xi32> to vector<16xi32>
    %add3A_2064 = arith.addi %get3A_2063, %mul3A_9 : vector<16xi32>
    %max3A_2065 = arith.constant 0 : i32
    %max3A_2066 = vector.broadcast %max3A_2065 : i32 to vector<16xi32>
    %max3A_2067 = arith.maxsi %add3A_2064, %max3A_2066 : vector<16xi32>
    %min3A_2068 = arith.constant 799999 : i32
    %min3A_2069 = vector.broadcast %min3A_2068 : i32 to vector<16xi32>
    %min3A_2070 = arith.minsi %max3A_2067, %min3A_2069 : vector<16xi32>
    %swap3A_2071 = arith.constant 11 : i32
    %swap3A_2072 = arith.index_cast %swap3A_2071 : i32 to index
    %swap3A_2073 = arith.constant 64 : index
    %swap3A_2074 = tpu.vector_load %arg5[%swap3A_2072, %swap3A_2073] {strides = array<i32>} : memref<16x128xi32, #tpu.memory_space<vmem>>, vector<1x16xi32>,
    %swap3A_2075 = vector.shape_cast %swap3A_2074 : vector<1x16xi32> to vector<16xi32>
    %swap3A_2076 = vector.shape_cast %min3A_2070 : vector<16xi32> to vector<1x16xi32>
    tpu.vector_store %arg5[%swap3A_2072, %swap3A_2073], %swap3A_2076 {strides = array<i32>} : memref<16x128xi32, #tpu.memory_space<vmem>>, vector<1x16xi32>,
    %get3A_2077 = arith.constant 11 : i32
    %get3A_2078 = arith.index_cast %get3A_2077 : i32 to index
    %get3A_2079 = arith.constant 80 : index
    %get3A_2080 = tpu.vector_load %arg5[%get3A_2078, %get3A_2079] {strides = array<i32>} : memref<16x128xi32, #tpu.memory_space<vmem>>, vector<1x16xi32>,
    %get3A_2081 = vector.shape_cast %get3A_2080 : vector<1x16xi32> to vector<16xi32>
    %add3A_2082 = arith.addi %get3A_2081, %mul3A_9 : vector<16xi32>
    %max3A_2083 = arith.constant 0 : i32
    %max3A_2084 = vector.broadcast %max3A_2083 : i32 to vector<16xi32>
    %max3A_2085 = arith.maxsi %add3A_2082, %max3A_2084 : vector<16xi32>
    %min3A_2086 = arith.constant 799999 : i32
    %min3A_2087 = vector.broadcast %min3A_2086 : i32 to vector<16xi32>
    %min3A_2088 = arith.minsi %max3A_2085, %min3A_2087 : vector<16xi32>
    %swap3A_2089 = arith.constant 11 : i32
    %swap3A_2090 = arith.index_cast %swap3A_2089 : i32 to index
    %swap3A_2091 = arith.constant 80 : index
    %swap3A_2092 = tpu.vector_load %arg5[%swap3A_2090, %swap3A_2091] {strides = array<i32>} : memref<16x128xi32, #tpu.memory_space<vmem>>, vector<1x16xi32>,
    %swap3A_2093 = vector.shape_cast %swap3A_2092 : vector<1x16xi32> to vector<16xi32>
    %swap3A_2094 = vector.shape_cast %min3A_2088 : vector<16xi32> to vector<1x16xi32>
    tpu.vector_store %arg5[%swap3A_2090, %swap3A_2091], %swap3A_2094 {strides = array<i32>} : memref<16x128xi32, #tpu.memory_space<vmem>>, vector<1x16xi32>,
    %get3A_2095 = arith.constant 11 : i32
    %get3A_2096 = arith.index_cast %get3A_2095 : i32 to index
    %get3A_2097 = arith.constant 96 : index
    %get3A_2098 = tpu.vector_load %arg5[%get3A_2096, %get3A_2097] {strides = array<i32>} : memref<16x128xi32, #tpu.memory_space<vmem>>, vector<1x16xi32>,
    %get3A_2099 = vector.shape_cast %get3A_2098 : vector<1x16xi32> to vector<16xi32>
    %add3A_2100 = arith.addi %get3A_2099, %mul3A_9 : vector<16xi32>
    %max3A_2101 = arith.constant 0 : i32
    %max3A_2102 = vector.broadcast %max3A_2101 : i32 to vector<16xi32>
    %max3A_2103 = arith.maxsi %add3A_2100, %max3A_2102 : vector<16xi32>
    %min3A_2104 = arith.constant 799999 : i32
    %min3A_2105 = vector.broadcast %min3A_2104 : i32 to vector<16xi32>
    %min3A_2106 = arith.minsi %max3A_2103, %min3A_2105 : vector<16xi32>
    %swap3A_2107 = arith.constant 11 : i32
    %swap3A_2108 = arith.index_cast %swap3A_2107 : i32 to index
    %swap3A_2109 = arith.constant 96 : index
    %swap3A_2110 = tpu.vector_load %arg5[%swap3A_2108, %swap3A_2109] {strides = array<i32>} : memref<16x128xi32, #tpu.memory_space<vmem>>, vector<1x16xi32>,
    %swap3A_2111 = vector.shape_cast %swap3A_2110 : vector<1x16xi32> to vector<16xi32>
    %swap3A_2112 = vector.shape_cast %min3A_2106 : vector<16xi32> to vector<1x16xi32>
    tpu.vector_store %arg5[%swap3A_2108, %swap3A_2109], %swap3A_2112 {strides = array<i32>} : memref<16x128xi32, #tpu.memory_space<vmem>>, vector<1x16xi32>,
    %get3A_2113 = arith.constant 11 : i32
    %get3A_2114 = arith.index_cast %get3A_2113 : i32 to index
    %get3A_2115 = arith.constant 112 : index
    %get3A_2116 = tpu.vector_load %arg5[%get3A_2114, %get3A_2115] {strides = array<i32>} : memref<16x128xi32, #tpu.memory_space<vmem>>, vector<1x16xi32>,
    %get3A_2117 = vector.shape_cast %get3A_2116 : vector<1x16xi32> to vector<16xi32>
    %add3A_2118 = arith.addi %get3A_2117, %mul3A_9 : vector<16xi32>
    %max3A_2119 = arith.constant 0 : i32
    %max3A_2120 = vector.broadcast %max3A_2119 : i32 to vector<16xi32>
    %max3A_2121 = arith.maxsi %add3A_2118, %max3A_2120 : vector<16xi32>
    %min3A_2122 = arith.constant 799999 : i32
    %min3A_2123 = vector.broadcast %min3A_2122 : i32 to vector<16xi32>
    %min3A_2124 = arith.minsi %max3A_2121, %min3A_2123 : vector<16xi32>
    %swap3A_2125 = arith.constant 11 : i32
    %swap3A_2126 = arith.index_cast %swap3A_2125 : i32 to index
    %swap3A_2127 = arith.constant 112 : index
    %swap3A_2128 = tpu.vector_load %arg5[%swap3A_2126, %swap3A_2127] {strides = array<i32>} : memref<16x128xi32, #tpu.memory_space<vmem>>, vector<1x16xi32>,
    %swap3A_2129 = vector.shape_cast %swap3A_2128 : vector<1x16xi32> to vector<16xi32>
    %swap3A_2130 = vector.shape_cast %min3A_2124 : vector<16xi32> to vector<1x16xi32>
    tpu.vector_store %arg5[%swap3A_2126, %swap3A_2127], %swap3A_2130 {strides = array<i32>} : memref<16x128xi32, #tpu.memory_space<vmem>>, vector<1x16xi32>,
    %dma_start3A_2131 = arith.constant 11 : i32
    %dma_start3A_2132 = arith.constant 5 : i32
    %dma_start3A_2133 = arith.constant 0 : i32
    %dma_start3A_2134 = arith.constant 0 : i32
    %dma_start3A_2135 = tpu.memref_slice %arg6[%dma_start3A_2132, %dma_start3A_2133, %dma_start3A_2134] : memref<6x128x128xf32, #tpu.memory_space<vmem>> -> memref<1x128x128xf32, #tpu.memory_space<vmem>>
    %dma_start3A_2136 = tpu.memref_squeeze %dma_start3A_2135 : memref<1x128x128xf32, #tpu.memory_space<vmem>> -> memref<128x128xf32, #tpu.memory_space<vmem>>
    %dma_start3A_2137 = arith.constant 0 : i32
    %dma_start3A_2138 = tpu.memref_slice %arg5[%dma_start3A_2131, %dma_start3A_2137] : memref<16x128xi32, #tpu.memory_space<vmem>> -> memref<1x128xi32, #tpu.memory_space<vmem>>
    %dma_start3A_2139 = tpu.memref_squeeze %dma_start3A_2138 : memref<1x128xi32, #tpu.memory_space<vmem>> -> memref<128xi32, #tpu.memory_space<vmem>>
    %dma_start3A_2140 = arith.constant 0 : i32
    %dma_start3A_2141 = arith.constant 0 : i32
    %dma_start3A_2142 = tpu.memref_slice %arg3[%dma_start3A_2140, %dma_start3A_2141] : memref<800000x128xf32, #tpu.memory_space<hbm>> -> memref<800000x128xf32, #tpu.memory_space<hbm>>
    tpu.enqueue_indirect_dma source(%dma_start3A_2142 : memref<800000x128xf32, #tpu.memory_space<hbm>>) target(%dma_start3A_2136 : memref<128x128xf32, #tpu.memory_space<vmem>>) offsets(%dma_start3A_2139 : memref<128xi32, #tpu.memory_space<vmem>>) semaphore(%arg12 : memref<!tpu.dma_semaphore, #tpu.memory_space<semaphore_mem>>)
    %dma_wait3A_2143 = arith.constant 7 : i32
    %dma_wait3A_2144 = arith.constant 1 : i32
    %dma_wait3A_2145 = arith.constant 0 : i32
    %dma_wait3A_2146 = arith.constant 0 : i32
    %dma_wait3A_2147 = tpu.memref_slice %arg6[%dma_wait3A_2144, %dma_wait3A_2145, %dma_wait3A_2146] : memref<6x128x128xf32, #tpu.memory_space<vmem>> -> memref<1x128x128xf32, #tpu.memory_space<vmem>>
    %dma_wait3A_2148 = tpu.memref_squeeze %dma_wait3A_2147 : memref<1x128x128xf32, #tpu.memory_space<vmem>> -> memref<128x128xf32, #tpu.memory_space<vmem>>
    %dma_wait3A_2149 = arith.constant 0 : i32
    %dma_wait3A_2150 = tpu.memref_slice %arg5[%dma_wait3A_2143, %dma_wait3A_2149] : memref<16x128xi32, #tpu.memory_space<vmem>> -> memref<1x128xi32, #tpu.memory_space<vmem>>
    %dma_wait3A_2151 = tpu.memref_squeeze %dma_wait3A_2150 : memref<1x128xi32, #tpu.memory_space<vmem>> -> memref<128xi32, #tpu.memory_space<vmem>>
    %dma_wait3A_2152 = arith.constant 0 : i32
    %dma_wait3A_2153 = arith.constant 0 : i32
    %dma_wait3A_2154 = tpu.memref_slice %arg3[%dma_wait3A_2152, %dma_wait3A_2153] : memref<800000x128xf32, #tpu.memory_space<hbm>> -> memref<800000x128xf32, #tpu.memory_space<hbm>>
    tpu.wait_indirect_dma semaphore(%arg8 : memref<!tpu.dma_semaphore, #tpu.memory_space<semaphore_mem>>) src(%dma_wait3A_2154 : memref<800000x128xf32, #tpu.memory_space<hbm>>) dst(%dma_wait3A_2148 : memref<128x128xf32, #tpu.memory_space<vmem>>)
    %add3A_2155 = arith.constant 896 : i32
    %add3A_2156 = arith.addi %mul3A_2, %add3A_2155 : i32
    %dma_start3A_2157 = arith.constant 1 : i32
    %dma_start3A_2158 = arith.constant 0 : i32
    %dma_start3A_2159 = arith.constant 0 : i32
    %dma_start3A_2160 = tpu.memref_slice %arg6[%dma_start3A_2157, %dma_start3A_2158, %dma_start3A_2159] : memref<6x128x128xf32, #tpu.memory_space<vmem>> -> memref<1x128x128xf32, #tpu.memory_space<vmem>>
    %dma_start3A_2161 = tpu.memref_squeeze %dma_start3A_2160 : memref<1x128x128xf32, #tpu.memory_space<vmem>> -> memref<128x128xf32, #tpu.memory_space<vmem>>
    %dma_start3A_2162 = arith.constant 0 : i32
    %dma_start3A_2163 = tpu.memref_slice %arg4[%add3A_2156, %dma_start3A_2162] : memref<65536x128xf32, #tpu.memory_space<hbm>> -> memref<128x128xf32, #tpu.memory_space<hbm>>
    %dma_start3A_2164 = arith.constant 0 : i32
    %dma_start3A_2165 = tpu.memref_slice %arg4[%add3A_2156, %dma_start3A_2164] : memref<65536x128xf32, #tpu.memory_space<hbm>> -> memref<128x128xf32, #tpu.memory_space<hbm>>
    %dma_start3A_2166 = arith.constant 0 : i32
    %dma_start3A_2167 = arith.constant 0 : i32
    %dma_start3A_2168 = tpu.memref_slice %arg6[%dma_start3A_2157, %dma_start3A_2166, %dma_start3A_2167] : memref<6x128x128xf32, #tpu.memory_space<vmem>> -> memref<1x128x128xf32, #tpu.memory_space<vmem>>
    %dma_start3A_2169 = tpu.memref_squeeze %dma_start3A_2168 : memref<1x128x128xf32, #tpu.memory_space<vmem>> -> memref<128x128xf32, #tpu.memory_space<vmem>>
    tpu.enqueue_dma source(%dma_start3A_2169 : memref<128x128xf32, #tpu.memory_space<vmem>>) target(%dma_start3A_2165 : memref<128x128xf32, #tpu.memory_space<hbm>>) target_semaphore(%arg8 : memref<!tpu.dma_semaphore, #tpu.memory_space<semaphore_mem>>)
    %dma_wait3A_2170 = arith.constant 0 : i32
    %dma_wait3A_2171 = arith.constant 0 : i32
    %dma_wait3A_2172 = arith.constant 0 : i32
    %dma_wait3A_2173 = tpu.memref_slice %arg6[%dma_wait3A_2170, %dma_wait3A_2171, %dma_wait3A_2172] : memref<6x128x128xf32, #tpu.memory_space<vmem>> -> memref<1x128x128xf32, #tpu.memory_space<vmem>>
    %dma_wait3A_2174 = tpu.memref_squeeze %dma_wait3A_2173 : memref<1x128x128xf32, #tpu.memory_space<vmem>> -> memref<128x128xf32, #tpu.memory_space<vmem>>
    %dma_wait3A_2175 = arith.constant 0 : i32
    %dma_wait3A_2176 = tpu.memref_slice %arg4[%add3A_1960, %dma_wait3A_2175] : memref<65536x128xf32, #tpu.memory_space<hbm>> -> memref<128x128xf32, #tpu.memory_space<hbm>>
    %dma_wait3A_2177 = arith.constant 0 : i32
    %dma_wait3A_2178 = tpu.memref_slice %arg4[%add3A_1960, %dma_wait3A_2177] : memref<65536x128xf32, #tpu.memory_space<hbm>> -> memref<128x128xf32, #tpu.memory_space<hbm>>
    %dma_wait3A_2179 = arith.constant 0 : i32
    %dma_wait3A_2180 = arith.constant 0 : i32
    %dma_wait3A_2181 = tpu.memref_slice %arg6[%dma_wait3A_2170, %dma_wait3A_2179, %dma_wait3A_2180] : memref<6x128x128xf32, #tpu.memory_space<vmem>> -> memref<1x128x128xf32, #tpu.memory_space<vmem>>
    %dma_wait3A_2182 = tpu.memref_squeeze %dma_wait3A_2181 : memref<1x128x128xf32, #tpu.memory_space<vmem>> -> memref<128x128xf32, #tpu.memory_space<vmem>>
    tpu.wait_dma2 semaphore(%arg7 : memref<!tpu.dma_semaphore, #tpu.memory_space<semaphore_mem>>) src(%dma_wait3A_2182 : memref<128x128xf32, #tpu.memory_space<vmem>>) dst(%dma_wait3A_2178 : memref<128x128xf32, #tpu.memory_space<hbm>>)
    %get3A_2183 = arith.constant 12 : i32
    %get3A_2184 = arith.index_cast %get3A_2183 : i32 to index
    %get3A_2185 = arith.constant 0 : index
    %get3A_2186 = tpu.vector_load %arg5[%get3A_2184, %get3A_2185] {strides = array<i32>} : memref<16x128xi32, #tpu.memory_space<vmem>>, vector<1x16xi32>,
    %get3A_2187 = vector.shape_cast %get3A_2186 : vector<1x16xi32> to vector<16xi32>
    %add3A_2188 = arith.addi %get3A_2187, %mul3A_9 : vector<16xi32>
    %max3A_2189 = arith.constant 0 : i32
    %max3A_2190 = vector.broadcast %max3A_2189 : i32 to vector<16xi32>
    %max3A_2191 = arith.maxsi %add3A_2188, %max3A_2190 : vector<16xi32>
    %min3A_2192 = arith.constant 799999 : i32
    %min3A_2193 = vector.broadcast %min3A_2192 : i32 to vector<16xi32>
    %min3A_2194 = arith.minsi %max3A_2191, %min3A_2193 : vector<16xi32>
    %swap3A_2195 = arith.constant 12 : i32
    %swap3A_2196 = arith.index_cast %swap3A_2195 : i32 to index
    %swap3A_2197 = arith.constant 0 : index
    %swap3A_2198 = tpu.vector_load %arg5[%swap3A_2196, %swap3A_2197] {strides = array<i32>} : memref<16x128xi32, #tpu.memory_space<vmem>>, vector<1x16xi32>,
    %swap3A_2199 = vector.shape_cast %swap3A_2198 : vector<1x16xi32> to vector<16xi32>
    %swap3A_2200 = vector.shape_cast %min3A_2194 : vector<16xi32> to vector<1x16xi32>
    tpu.vector_store %arg5[%swap3A_2196, %swap3A_2197], %swap3A_2200 {strides = array<i32>} : memref<16x128xi32, #tpu.memory_space<vmem>>, vector<1x16xi32>,
    %get3A_2201 = arith.constant 12 : i32
    %get3A_2202 = arith.index_cast %get3A_2201 : i32 to index
    %get3A_2203 = arith.constant 16 : index
    %get3A_2204 = tpu.vector_load %arg5[%get3A_2202, %get3A_2203] {strides = array<i32>} : memref<16x128xi32, #tpu.memory_space<vmem>>, vector<1x16xi32>,
    %get3A_2205 = vector.shape_cast %get3A_2204 : vector<1x16xi32> to vector<16xi32>
    %add3A_2206 = arith.addi %get3A_2205, %mul3A_9 : vector<16xi32>
    %max3A_2207 = arith.constant 0 : i32
    %max3A_2208 = vector.broadcast %max3A_2207 : i32 to vector<16xi32>
    %max3A_2209 = arith.maxsi %add3A_2206, %max3A_2208 : vector<16xi32>
    %min3A_2210 = arith.constant 799999 : i32
    %min3A_2211 = vector.broadcast %min3A_2210 : i32 to vector<16xi32>
    %min3A_2212 = arith.minsi %max3A_2209, %min3A_2211 : vector<16xi32>
    %swap3A_2213 = arith.constant 12 : i32
    %swap3A_2214 = arith.index_cast %swap3A_2213 : i32 to index
    %swap3A_2215 = arith.constant 16 : index
    %swap3A_2216 = tpu.vector_load %arg5[%swap3A_2214, %swap3A_2215] {strides = array<i32>} : memref<16x128xi32, #tpu.memory_space<vmem>>, vector<1x16xi32>,
    %swap3A_2217 = vector.shape_cast %swap3A_2216 : vector<1x16xi32> to vector<16xi32>
    %swap3A_2218 = vector.shape_cast %min3A_2212 : vector<16xi32> to vector<1x16xi32>
    tpu.vector_store %arg5[%swap3A_2214, %swap3A_2215], %swap3A_2218 {strides = array<i32>} : memref<16x128xi32, #tpu.memory_space<vmem>>, vector<1x16xi32>,
    %get3A_2219 = arith.constant 12 : i32
    %get3A_2220 = arith.index_cast %get3A_2219 : i32 to index
    %get3A_2221 = arith.constant 32 : index
    %get3A_2222 = tpu.vector_load %arg5[%get3A_2220, %get3A_2221] {strides = array<i32>} : memref<16x128xi32, #tpu.memory_space<vmem>>, vector<1x16xi32>,
    %get3A_2223 = vector.shape_cast %get3A_2222 : vector<1x16xi32> to vector<16xi32>
    %add3A_2224 = arith.addi %get3A_2223, %mul3A_9 : vector<16xi32>
    %max3A_2225 = arith.constant 0 : i32
    %max3A_2226 = vector.broadcast %max3A_2225 : i32 to vector<16xi32>
    %max3A_2227 = arith.maxsi %add3A_2224, %max3A_2226 : vector<16xi32>
    %min3A_2228 = arith.constant 799999 : i32
    %min3A_2229 = vector.broadcast %min3A_2228 : i32 to vector<16xi32>
    %min3A_2230 = arith.minsi %max3A_2227, %min3A_2229 : vector<16xi32>
    %swap3A_2231 = arith.constant 12 : i32
    %swap3A_2232 = arith.index_cast %swap3A_2231 : i32 to index
    %swap3A_2233 = arith.constant 32 : index
    %swap3A_2234 = tpu.vector_load %arg5[%swap3A_2232, %swap3A_2233] {strides = array<i32>} : memref<16x128xi32, #tpu.memory_space<vmem>>, vector<1x16xi32>,
    %swap3A_2235 = vector.shape_cast %swap3A_2234 : vector<1x16xi32> to vector<16xi32>
    %swap3A_2236 = vector.shape_cast %min3A_2230 : vector<16xi32> to vector<1x16xi32>
    tpu.vector_store %arg5[%swap3A_2232, %swap3A_2233], %swap3A_2236 {strides = array<i32>} : memref<16x128xi32, #tpu.memory_space<vmem>>, vector<1x16xi32>,
    %get3A_2237 = arith.constant 12 : i32
    %get3A_2238 = arith.index_cast %get3A_2237 : i32 to index
    %get3A_2239 = arith.constant 48 : index
    %get3A_2240 = tpu.vector_load %arg5[%get3A_2238, %get3A_2239] {strides = array<i32>} : memref<16x128xi32, #tpu.memory_space<vmem>>, vector<1x16xi32>,
    %get3A_2241 = vector.shape_cast %get3A_2240 : vector<1x16xi32> to vector<16xi32>
    %add3A_2242 = arith.addi %get3A_2241, %mul3A_9 : vector<16xi32>
    %max3A_2243 = arith.constant 0 : i32
    %max3A_2244 = vector.broadcast %max3A_2243 : i32 to vector<16xi32>
    %max3A_2245 = arith.maxsi %add3A_2242, %max3A_2244 : vector<16xi32>
    %min3A_2246 = arith.constant 799999 : i32
    %min3A_2247 = vector.broadcast %min3A_2246 : i32 to vector<16xi32>
    %min3A_2248 = arith.minsi %max3A_2245, %min3A_2247 : vector<16xi32>
    %swap3A_2249 = arith.constant 12 : i32
    %swap3A_2250 = arith.index_cast %swap3A_2249 : i32 to index
    %swap3A_2251 = arith.constant 48 : index
    %swap3A_2252 = tpu.vector_load %arg5[%swap3A_2250, %swap3A_2251] {strides = array<i32>} : memref<16x128xi32, #tpu.memory_space<vmem>>, vector<1x16xi32>,
    %swap3A_2253 = vector.shape_cast %swap3A_2252 : vector<1x16xi32> to vector<16xi32>
    %swap3A_2254 = vector.shape_cast %min3A_2248 : vector<16xi32> to vector<1x16xi32>
    tpu.vector_store %arg5[%swap3A_2250, %swap3A_2251], %swap3A_2254 {strides = array<i32>} : memref<16x128xi32, #tpu.memory_space<vmem>>, vector<1x16xi32>,
    %get3A_2255 = arith.constant 12 : i32
    %get3A_2256 = arith.index_cast %get3A_2255 : i32 to index
    %get3A_2257 = arith.constant 64 : index
    %get3A_2258 = tpu.vector_load %arg5[%get3A_2256, %get3A_2257] {strides = array<i32>} : memref<16x128xi32, #tpu.memory_space<vmem>>, vector<1x16xi32>,
    %get3A_2259 = vector.shape_cast %get3A_2258 : vector<1x16xi32> to vector<16xi32>
    %add3A_2260 = arith.addi %get3A_2259, %mul3A_9 : vector<16xi32>
    %max3A_2261 = arith.constant 0 : i32
    %max3A_2262 = vector.broadcast %max3A_2261 : i32 to vector<16xi32>
    %max3A_2263 = arith.maxsi %add3A_2260, %max3A_2262 : vector<16xi32>
    %min3A_2264 = arith.constant 799999 : i32
    %min3A_2265 = vector.broadcast %min3A_2264 : i32 to vector<16xi32>
    %min3A_2266 = arith.minsi %max3A_2263, %min3A_2265 : vector<16xi32>
    %swap3A_2267 = arith.constant 12 : i32
    %swap3A_2268 = arith.index_cast %swap3A_2267 : i32 to index
    %swap3A_2269 = arith.constant 64 : index
    %swap3A_2270 = tpu.vector_load %arg5[%swap3A_2268, %swap3A_2269] {strides = array<i32>} : memref<16x128xi32, #tpu.memory_space<vmem>>, vector<1x16xi32>,
    %swap3A_2271 = vector.shape_cast %swap3A_2270 : vector<1x16xi32> to vector<16xi32>
    %swap3A_2272 = vector.shape_cast %min3A_2266 : vector<16xi32> to vector<1x16xi32>
    tpu.vector_store %arg5[%swap3A_2268, %swap3A_2269], %swap3A_2272 {strides = array<i32>} : memref<16x128xi32, #tpu.memory_space<vmem>>, vector<1x16xi32>,
    %get3A_2273 = arith.constant 12 : i32
    %get3A_2274 = arith.index_cast %get3A_2273 : i32 to index
    %get3A_2275 = arith.constant 80 : index
    %get3A_2276 = tpu.vector_load %arg5[%get3A_2274, %get3A_2275] {strides = array<i32>} : memref<16x128xi32, #tpu.memory_space<vmem>>, vector<1x16xi32>,
    %get3A_2277 = vector.shape_cast %get3A_2276 : vector<1x16xi32> to vector<16xi32>
    %add3A_2278 = arith.addi %get3A_2277, %mul3A_9 : vector<16xi32>
    %max3A_2279 = arith.constant 0 : i32
    %max3A_2280 = vector.broadcast %max3A_2279 : i32 to vector<16xi32>
    %max3A_2281 = arith.maxsi %add3A_2278, %max3A_2280 : vector<16xi32>
    %min3A_2282 = arith.constant 799999 : i32
    %min3A_2283 = vector.broadcast %min3A_2282 : i32 to vector<16xi32>
    %min3A_2284 = arith.minsi %max3A_2281, %min3A_2283 : vector<16xi32>
    %swap3A_2285 = arith.constant 12 : i32
    %swap3A_2286 = arith.index_cast %swap3A_2285 : i32 to index
    %swap3A_2287 = arith.constant 80 : index
    %swap3A_2288 = tpu.vector_load %arg5[%swap3A_2286, %swap3A_2287] {strides = array<i32>} : memref<16x128xi32, #tpu.memory_space<vmem>>, vector<1x16xi32>,
    %swap3A_2289 = vector.shape_cast %swap3A_2288 : vector<1x16xi32> to vector<16xi32>
    %swap3A_2290 = vector.shape_cast %min3A_2284 : vector<16xi32> to vector<1x16xi32>
    tpu.vector_store %arg5[%swap3A_2286, %swap3A_2287], %swap3A_2290 {strides = array<i32>} : memref<16x128xi32, #tpu.memory_space<vmem>>, vector<1x16xi32>,
    %get3A_2291 = arith.constant 12 : i32
    %get3A_2292 = arith.index_cast %get3A_2291 : i32 to index
    %get3A_2293 = arith.constant 96 : index
    %get3A_2294 = tpu.vector_load %arg5[%get3A_2292, %get3A_2293] {strides = array<i32>} : memref<16x128xi32, #tpu.memory_space<vmem>>, vector<1x16xi32>,
    %get3A_2295 = vector.shape_cast %get3A_2294 : vector<1x16xi32> to vector<16xi32>
    %add3A_2296 = arith.addi %get3A_2295, %mul3A_9 : vector<16xi32>
    %max3A_2297 = arith.constant 0 : i32
    %max3A_2298 = vector.broadcast %max3A_2297 : i32 to vector<16xi32>
    %max3A_2299 = arith.maxsi %add3A_2296, %max3A_2298 : vector<16xi32>
    %min3A_2300 = arith.constant 799999 : i32
    %min3A_2301 = vector.broadcast %min3A_2300 : i32 to vector<16xi32>
    %min3A_2302 = arith.minsi %max3A_2299, %min3A_2301 : vector<16xi32>
    %swap3A_2303 = arith.constant 12 : i32
    %swap3A_2304 = arith.index_cast %swap3A_2303 : i32 to index
    %swap3A_2305 = arith.constant 96 : index
    %swap3A_2306 = tpu.vector_load %arg5[%swap3A_2304, %swap3A_2305] {strides = array<i32>} : memref<16x128xi32, #tpu.memory_space<vmem>>, vector<1x16xi32>,
    %swap3A_2307 = vector.shape_cast %swap3A_2306 : vector<1x16xi32> to vector<16xi32>
    %swap3A_2308 = vector.shape_cast %min3A_2302 : vector<16xi32> to vector<1x16xi32>
    tpu.vector_store %arg5[%swap3A_2304, %swap3A_2305], %swap3A_2308 {strides = array<i32>} : memref<16x128xi32, #tpu.memory_space<vmem>>, vector<1x16xi32>,
    %get3A_2309 = arith.constant 12 : i32
    %get3A_2310 = arith.index_cast %get3A_2309 : i32 to index
    %get3A_2311 = arith.constant 112 : index
    %get3A_2312 = tpu.vector_load %arg5[%get3A_2310, %get3A_2311] {strides = array<i32>} : memref<16x128xi32, #tpu.memory_space<vmem>>, vector<1x16xi32>,
    %get3A_2313 = vector.shape_cast %get3A_2312 : vector<1x16xi32> to vector<16xi32>
    %add3A_2314 = arith.addi %get3A_2313, %mul3A_9 : vector<16xi32>
    %max3A_2315 = arith.constant 0 : i32
    %max3A_2316 = vector.broadcast %max3A_2315 : i32 to vector<16xi32>
    %max3A_2317 = arith.maxsi %add3A_2314, %max3A_2316 : vector<16xi32>
    %min3A_2318 = arith.constant 799999 : i32
    %min3A_2319 = vector.broadcast %min3A_2318 : i32 to vector<16xi32>
    %min3A_2320 = arith.minsi %max3A_2317, %min3A_2319 : vector<16xi32>
    %swap3A_2321 = arith.constant 12 : i32
    %swap3A_2322 = arith.index_cast %swap3A_2321 : i32 to index
    %swap3A_2323 = arith.constant 112 : index
    %swap3A_2324 = tpu.vector_load %arg5[%swap3A_2322, %swap3A_2323] {strides = array<i32>} : memref<16x128xi32, #tpu.memory_space<vmem>>, vector<1x16xi32>,
    %swap3A_2325 = vector.shape_cast %swap3A_2324 : vector<1x16xi32> to vector<16xi32>
    %swap3A_2326 = vector.shape_cast %min3A_2320 : vector<16xi32> to vector<1x16xi32>
    tpu.vector_store %arg5[%swap3A_2322, %swap3A_2323], %swap3A_2326 {strides = array<i32>} : memref<16x128xi32, #tpu.memory_space<vmem>>, vector<1x16xi32>,
    %dma_start3A_2327 = arith.constant 12 : i32
    %dma_start3A_2328 = arith.constant 0 : i32
    %dma_start3A_2329 = arith.constant 0 : i32
    %dma_start3A_2330 = arith.constant 0 : i32
    %dma_start3A_2331 = tpu.memref_slice %arg6[%dma_start3A_2328, %dma_start3A_2329, %dma_start3A_2330] : memref<6x128x128xf32, #tpu.memory_space<vmem>> -> memref<1x128x128xf32, #tpu.memory_space<vmem>>
    %dma_start3A_2332 = tpu.memref_squeeze %dma_start3A_2331 : memref<1x128x128xf32, #tpu.memory_space<vmem>> -> memref<128x128xf32, #tpu.memory_space<vmem>>
    %dma_start3A_2333 = arith.constant 0 : i32
    %dma_start3A_2334 = tpu.memref_slice %arg5[%dma_start3A_2327, %dma_start3A_2333] : memref<16x128xi32, #tpu.memory_space<vmem>> -> memref<1x128xi32, #tpu.memory_space<vmem>>
    %dma_start3A_2335 = tpu.memref_squeeze %dma_start3A_2334 : memref<1x128xi32, #tpu.memory_space<vmem>> -> memref<128xi32, #tpu.memory_space<vmem>>
    %dma_start3A_2336 = arith.constant 0 : i32
    %dma_start3A_2337 = arith.constant 0 : i32
    %dma_start3A_2338 = tpu.memref_slice %arg3[%dma_start3A_2336, %dma_start3A_2337] : memref<800000x128xf32, #tpu.memory_space<hbm>> -> memref<800000x128xf32, #tpu.memory_space<hbm>>
    tpu.enqueue_indirect_dma source(%dma_start3A_2338 : memref<800000x128xf32, #tpu.memory_space<hbm>>) target(%dma_start3A_2332 : memref<128x128xf32, #tpu.memory_space<vmem>>) offsets(%dma_start3A_2335 : memref<128xi32, #tpu.memory_space<vmem>>) semaphore(%arg7 : memref<!tpu.dma_semaphore, #tpu.memory_space<semaphore_mem>>)
    %dma_wait3A_2339 = arith.constant 8 : i32
    %dma_wait3A_2340 = arith.constant 2 : i32
    %dma_wait3A_2341 = arith.constant 0 : i32
    %dma_wait3A_2342 = arith.constant 0 : i32
    %dma_wait3A_2343 = tpu.memref_slice %arg6[%dma_wait3A_2340, %dma_wait3A_2341, %dma_wait3A_2342] : memref<6x128x128xf32, #tpu.memory_space<vmem>> -> memref<1x128x128xf32, #tpu.memory_space<vmem>>
    %dma_wait3A_2344 = tpu.memref_squeeze %dma_wait3A_2343 : memref<1x128x128xf32, #tpu.memory_space<vmem>> -> memref<128x128xf32, #tpu.memory_space<vmem>>
    %dma_wait3A_2345 = arith.constant 0 : i32
    %dma_wait3A_2346 = tpu.memref_slice %arg5[%dma_wait3A_2339, %dma_wait3A_2345] : memref<16x128xi32, #tpu.memory_space<vmem>> -> memref<1x128xi32, #tpu.memory_space<vmem>>
    %dma_wait3A_2347 = tpu.memref_squeeze %dma_wait3A_2346 : memref<1x128xi32, #tpu.memory_space<vmem>> -> memref<128xi32, #tpu.memory_space<vmem>>
    %dma_wait3A_2348 = arith.constant 0 : i32
    %dma_wait3A_2349 = arith.constant 0 : i32
    %dma_wait3A_2350 = tpu.memref_slice %arg3[%dma_wait3A_2348, %dma_wait3A_2349] : memref<800000x128xf32, #tpu.memory_space<hbm>> -> memref<800000x128xf32, #tpu.memory_space<hbm>>
    tpu.wait_indirect_dma semaphore(%arg9 : memref<!tpu.dma_semaphore, #tpu.memory_space<semaphore_mem>>) src(%dma_wait3A_2350 : memref<800000x128xf32, #tpu.memory_space<hbm>>) dst(%dma_wait3A_2344 : memref<128x128xf32, #tpu.memory_space<vmem>>)
    %add3A_2351 = arith.constant 1024 : i32
    %add3A_2352 = arith.addi %mul3A_2, %add3A_2351 : i32
    %dma_start3A_2353 = arith.constant 2 : i32
    %dma_start3A_2354 = arith.constant 0 : i32
    %dma_start3A_2355 = arith.constant 0 : i32
    %dma_start3A_2356 = tpu.memref_slice %arg6[%dma_start3A_2353, %dma_start3A_2354, %dma_start3A_2355] : memref<6x128x128xf32, #tpu.memory_space<vmem>> -> memref<1x128x128xf32, #tpu.memory_space<vmem>>
    %dma_start3A_2357 = tpu.memref_squeeze %dma_start3A_2356 : memref<1x128x128xf32, #tpu.memory_space<vmem>> -> memref<128x128xf32, #tpu.memory_space<vmem>>
    %dma_start3A_2358 = arith.constant 0 : i32
    %dma_start3A_2359 = tpu.memref_slice %arg4[%add3A_2352, %dma_start3A_2358] : memref<65536x128xf32, #tpu.memory_space<hbm>> -> memref<128x128xf32, #tpu.memory_space<hbm>>
    %dma_start3A_2360 = arith.constant 0 : i32
    %dma_start3A_2361 = tpu.memref_slice %arg4[%add3A_2352, %dma_start3A_2360] : memref<65536x128xf32, #tpu.memory_space<hbm>> -> memref<128x128xf32, #tpu.memory_space<hbm>>
    %dma_start3A_2362 = arith.constant 0 : i32
    %dma_start3A_2363 = arith.constant 0 : i32
    %dma_start3A_2364 = tpu.memref_slice %arg6[%dma_start3A_2353, %dma_start3A_2362, %dma_start3A_2363] : memref<6x128x128xf32, #tpu.memory_space<vmem>> -> memref<1x128x128xf32, #tpu.memory_space<vmem>>
    %dma_start3A_2365 = tpu.memref_squeeze %dma_start3A_2364 : memref<1x128x128xf32, #tpu.memory_space<vmem>> -> memref<128x128xf32, #tpu.memory_space<vmem>>
    tpu.enqueue_dma source(%dma_start3A_2365 : memref<128x128xf32, #tpu.memory_space<vmem>>) target(%dma_start3A_2361 : memref<128x128xf32, #tpu.memory_space<hbm>>) target_semaphore(%arg9 : memref<!tpu.dma_semaphore, #tpu.memory_space<semaphore_mem>>)
    %dma_wait3A_2366 = arith.constant 1 : i32
    %dma_wait3A_2367 = arith.constant 0 : i32
    %dma_wait3A_2368 = arith.constant 0 : i32
    %dma_wait3A_2369 = tpu.memref_slice %arg6[%dma_wait3A_2366, %dma_wait3A_2367, %dma_wait3A_2368] : memref<6x128x128xf32, #tpu.memory_space<vmem>> -> memref<1x128x128xf32, #tpu.memory_space<vmem>>
    %dma_wait3A_2370 = tpu.memref_squeeze %dma_wait3A_2369 : memref<1x128x128xf32, #tpu.memory_space<vmem>> -> memref<128x128xf32, #tpu.memory_space<vmem>>
    %dma_wait3A_2371 = arith.constant 0 : i32
    %dma_wait3A_2372 = tpu.memref_slice %arg4[%add3A_2156, %dma_wait3A_2371] : memref<65536x128xf32, #tpu.memory_space<hbm>> -> memref<128x128xf32, #tpu.memory_space<hbm>>
    %dma_wait3A_2373 = arith.constant 0 : i32
    %dma_wait3A_2374 = tpu.memref_slice %arg4[%add3A_2156, %dma_wait3A_2373] : memref<65536x128xf32, #tpu.memory_space<hbm>> -> memref<128x128xf32, #tpu.memory_space<hbm>>
    %dma_wait3A_2375 = arith.constant 0 : i32
    %dma_wait3A_2376 = arith.constant 0 : i32
    %dma_wait3A_2377 = tpu.memref_slice %arg6[%dma_wait3A_2366, %dma_wait3A_2375, %dma_wait3A_2376] : memref<6x128x128xf32, #tpu.memory_space<vmem>> -> memref<1x128x128xf32, #tpu.memory_space<vmem>>
    %dma_wait3A_2378 = tpu.memref_squeeze %dma_wait3A_2377 : memref<1x128x128xf32, #tpu.memory_space<vmem>> -> memref<128x128xf32, #tpu.memory_space<vmem>>
    tpu.wait_dma2 semaphore(%arg8 : memref<!tpu.dma_semaphore, #tpu.memory_space<semaphore_mem>>) src(%dma_wait3A_2378 : memref<128x128xf32, #tpu.memory_space<vmem>>) dst(%dma_wait3A_2374 : memref<128x128xf32, #tpu.memory_space<hbm>>)
    %get3A_2379 = arith.constant 13 : i32
    %get3A_2380 = arith.index_cast %get3A_2379 : i32 to index
    %get3A_2381 = arith.constant 0 : index
    %get3A_2382 = tpu.vector_load %arg5[%get3A_2380, %get3A_2381] {strides = array<i32>} : memref<16x128xi32, #tpu.memory_space<vmem>>, vector<1x16xi32>,
    %get3A_2383 = vector.shape_cast %get3A_2382 : vector<1x16xi32> to vector<16xi32>
    %add3A_2384 = arith.addi %get3A_2383, %mul3A_9 : vector<16xi32>
    %max3A_2385 = arith.constant 0 : i32
    %max3A_2386 = vector.broadcast %max3A_2385 : i32 to vector<16xi32>
    %max3A_2387 = arith.maxsi %add3A_2384, %max3A_2386 : vector<16xi32>
    %min3A_2388 = arith.constant 799999 : i32
    %min3A_2389 = vector.broadcast %min3A_2388 : i32 to vector<16xi32>
    %min3A_2390 = arith.minsi %max3A_2387, %min3A_2389 : vector<16xi32>
    %swap3A_2391 = arith.constant 13 : i32
    %swap3A_2392 = arith.index_cast %swap3A_2391 : i32 to index
    %swap3A_2393 = arith.constant 0 : index
    %swap3A_2394 = tpu.vector_load %arg5[%swap3A_2392, %swap3A_2393] {strides = array<i32>} : memref<16x128xi32, #tpu.memory_space<vmem>>, vector<1x16xi32>,
    %swap3A_2395 = vector.shape_cast %swap3A_2394 : vector<1x16xi32> to vector<16xi32>
    %swap3A_2396 = vector.shape_cast %min3A_2390 : vector<16xi32> to vector<1x16xi32>
    tpu.vector_store %arg5[%swap3A_2392, %swap3A_2393], %swap3A_2396 {strides = array<i32>} : memref<16x128xi32, #tpu.memory_space<vmem>>, vector<1x16xi32>,
    %get3A_2397 = arith.constant 13 : i32
    %get3A_2398 = arith.index_cast %get3A_2397 : i32 to index
    %get3A_2399 = arith.constant 16 : index
    %get3A_2400 = tpu.vector_load %arg5[%get3A_2398, %get3A_2399] {strides = array<i32>} : memref<16x128xi32, #tpu.memory_space<vmem>>, vector<1x16xi32>,
    %get3A_2401 = vector.shape_cast %get3A_2400 : vector<1x16xi32> to vector<16xi32>
    %add3A_2402 = arith.addi %get3A_2401, %mul3A_9 : vector<16xi32>
    %max3A_2403 = arith.constant 0 : i32
    %max3A_2404 = vector.broadcast %max3A_2403 : i32 to vector<16xi32>
    %max3A_2405 = arith.maxsi %add3A_2402, %max3A_2404 : vector<16xi32>
    %min3A_2406 = arith.constant 799999 : i32
    %min3A_2407 = vector.broadcast %min3A_2406 : i32 to vector<16xi32>
    %min3A_2408 = arith.minsi %max3A_2405, %min3A_2407 : vector<16xi32>
    %swap3A_2409 = arith.constant 13 : i32
    %swap3A_2410 = arith.index_cast %swap3A_2409 : i32 to index
    %swap3A_2411 = arith.constant 16 : index
    %swap3A_2412 = tpu.vector_load %arg5[%swap3A_2410, %swap3A_2411] {strides = array<i32>} : memref<16x128xi32, #tpu.memory_space<vmem>>, vector<1x16xi32>,
    %swap3A_2413 = vector.shape_cast %swap3A_2412 : vector<1x16xi32> to vector<16xi32>
    %swap3A_2414 = vector.shape_cast %min3A_2408 : vector<16xi32> to vector<1x16xi32>
    tpu.vector_store %arg5[%swap3A_2410, %swap3A_2411], %swap3A_2414 {strides = array<i32>} : memref<16x128xi32, #tpu.memory_space<vmem>>, vector<1x16xi32>,
    %get3A_2415 = arith.constant 13 : i32
    %get3A_2416 = arith.index_cast %get3A_2415 : i32 to index
    %get3A_2417 = arith.constant 32 : index
    %get3A_2418 = tpu.vector_load %arg5[%get3A_2416, %get3A_2417] {strides = array<i32>} : memref<16x128xi32, #tpu.memory_space<vmem>>, vector<1x16xi32>,
    %get3A_2419 = vector.shape_cast %get3A_2418 : vector<1x16xi32> to vector<16xi32>
    %add3A_2420 = arith.addi %get3A_2419, %mul3A_9 : vector<16xi32>
    %max3A_2421 = arith.constant 0 : i32
    %max3A_2422 = vector.broadcast %max3A_2421 : i32 to vector<16xi32>
    %max3A_2423 = arith.maxsi %add3A_2420, %max3A_2422 : vector<16xi32>
    %min3A_2424 = arith.constant 799999 : i32
    %min3A_2425 = vector.broadcast %min3A_2424 : i32 to vector<16xi32>
    %min3A_2426 = arith.minsi %max3A_2423, %min3A_2425 : vector<16xi32>
    %swap3A_2427 = arith.constant 13 : i32
    %swap3A_2428 = arith.index_cast %swap3A_2427 : i32 to index
    %swap3A_2429 = arith.constant 32 : index
    %swap3A_2430 = tpu.vector_load %arg5[%swap3A_2428, %swap3A_2429] {strides = array<i32>} : memref<16x128xi32, #tpu.memory_space<vmem>>, vector<1x16xi32>,
    %swap3A_2431 = vector.shape_cast %swap3A_2430 : vector<1x16xi32> to vector<16xi32>
    %swap3A_2432 = vector.shape_cast %min3A_2426 : vector<16xi32> to vector<1x16xi32>
    tpu.vector_store %arg5[%swap3A_2428, %swap3A_2429], %swap3A_2432 {strides = array<i32>} : memref<16x128xi32, #tpu.memory_space<vmem>>, vector<1x16xi32>,
    %get3A_2433 = arith.constant 13 : i32
    %get3A_2434 = arith.index_cast %get3A_2433 : i32 to index
    %get3A_2435 = arith.constant 48 : index
    %get3A_2436 = tpu.vector_load %arg5[%get3A_2434, %get3A_2435] {strides = array<i32>} : memref<16x128xi32, #tpu.memory_space<vmem>>, vector<1x16xi32>,
    %get3A_2437 = vector.shape_cast %get3A_2436 : vector<1x16xi32> to vector<16xi32>
    %add3A_2438 = arith.addi %get3A_2437, %mul3A_9 : vector<16xi32>
    %max3A_2439 = arith.constant 0 : i32
    %max3A_2440 = vector.broadcast %max3A_2439 : i32 to vector<16xi32>
    %max3A_2441 = arith.maxsi %add3A_2438, %max3A_2440 : vector<16xi32>
    %min3A_2442 = arith.constant 799999 : i32
    %min3A_2443 = vector.broadcast %min3A_2442 : i32 to vector<16xi32>
    %min3A_2444 = arith.minsi %max3A_2441, %min3A_2443 : vector<16xi32>
    %swap3A_2445 = arith.constant 13 : i32
    %swap3A_2446 = arith.index_cast %swap3A_2445 : i32 to index
    %swap3A_2447 = arith.constant 48 : index
    %swap3A_2448 = tpu.vector_load %arg5[%swap3A_2446, %swap3A_2447] {strides = array<i32>} : memref<16x128xi32, #tpu.memory_space<vmem>>, vector<1x16xi32>,
    %swap3A_2449 = vector.shape_cast %swap3A_2448 : vector<1x16xi32> to vector<16xi32>
    %swap3A_2450 = vector.shape_cast %min3A_2444 : vector<16xi32> to vector<1x16xi32>
    tpu.vector_store %arg5[%swap3A_2446, %swap3A_2447], %swap3A_2450 {strides = array<i32>} : memref<16x128xi32, #tpu.memory_space<vmem>>, vector<1x16xi32>,
    %get3A_2451 = arith.constant 13 : i32
    %get3A_2452 = arith.index_cast %get3A_2451 : i32 to index
    %get3A_2453 = arith.constant 64 : index
    %get3A_2454 = tpu.vector_load %arg5[%get3A_2452, %get3A_2453] {strides = array<i32>} : memref<16x128xi32, #tpu.memory_space<vmem>>, vector<1x16xi32>,
    %get3A_2455 = vector.shape_cast %get3A_2454 : vector<1x16xi32> to vector<16xi32>
    %add3A_2456 = arith.addi %get3A_2455, %mul3A_9 : vector<16xi32>
    %max3A_2457 = arith.constant 0 : i32
    %max3A_2458 = vector.broadcast %max3A_2457 : i32 to vector<16xi32>
    %max3A_2459 = arith.maxsi %add3A_2456, %max3A_2458 : vector<16xi32>
    %min3A_2460 = arith.constant 799999 : i32
    %min3A_2461 = vector.broadcast %min3A_2460 : i32 to vector<16xi32>
    %min3A_2462 = arith.minsi %max3A_2459, %min3A_2461 : vector<16xi32>
    %swap3A_2463 = arith.constant 13 : i32
    %swap3A_2464 = arith.index_cast %swap3A_2463 : i32 to index
    %swap3A_2465 = arith.constant 64 : index
    %swap3A_2466 = tpu.vector_load %arg5[%swap3A_2464, %swap3A_2465] {strides = array<i32>} : memref<16x128xi32, #tpu.memory_space<vmem>>, vector<1x16xi32>,
    %swap3A_2467 = vector.shape_cast %swap3A_2466 : vector<1x16xi32> to vector<16xi32>
    %swap3A_2468 = vector.shape_cast %min3A_2462 : vector<16xi32> to vector<1x16xi32>
    tpu.vector_store %arg5[%swap3A_2464, %swap3A_2465], %swap3A_2468 {strides = array<i32>} : memref<16x128xi32, #tpu.memory_space<vmem>>, vector<1x16xi32>,
    %get3A_2469 = arith.constant 13 : i32
    %get3A_2470 = arith.index_cast %get3A_2469 : i32 to index
    %get3A_2471 = arith.constant 80 : index
    %get3A_2472 = tpu.vector_load %arg5[%get3A_2470, %get3A_2471] {strides = array<i32>} : memref<16x128xi32, #tpu.memory_space<vmem>>, vector<1x16xi32>,
    %get3A_2473 = vector.shape_cast %get3A_2472 : vector<1x16xi32> to vector<16xi32>
    %add3A_2474 = arith.addi %get3A_2473, %mul3A_9 : vector<16xi32>
    %max3A_2475 = arith.constant 0 : i32
    %max3A_2476 = vector.broadcast %max3A_2475 : i32 to vector<16xi32>
    %max3A_2477 = arith.maxsi %add3A_2474, %max3A_2476 : vector<16xi32>
    %min3A_2478 = arith.constant 799999 : i32
    %min3A_2479 = vector.broadcast %min3A_2478 : i32 to vector<16xi32>
    %min3A_2480 = arith.minsi %max3A_2477, %min3A_2479 : vector<16xi32>
    %swap3A_2481 = arith.constant 13 : i32
    %swap3A_2482 = arith.index_cast %swap3A_2481 : i32 to index
    %swap3A_2483 = arith.constant 80 : index
    %swap3A_2484 = tpu.vector_load %arg5[%swap3A_2482, %swap3A_2483] {strides = array<i32>} : memref<16x128xi32, #tpu.memory_space<vmem>>, vector<1x16xi32>,
    %swap3A_2485 = vector.shape_cast %swap3A_2484 : vector<1x16xi32> to vector<16xi32>
    %swap3A_2486 = vector.shape_cast %min3A_2480 : vector<16xi32> to vector<1x16xi32>
    tpu.vector_store %arg5[%swap3A_2482, %swap3A_2483], %swap3A_2486 {strides = array<i32>} : memref<16x128xi32, #tpu.memory_space<vmem>>, vector<1x16xi32>,
    %get3A_2487 = arith.constant 13 : i32
    %get3A_2488 = arith.index_cast %get3A_2487 : i32 to index
    %get3A_2489 = arith.constant 96 : index
    %get3A_2490 = tpu.vector_load %arg5[%get3A_2488, %get3A_2489] {strides = array<i32>} : memref<16x128xi32, #tpu.memory_space<vmem>>, vector<1x16xi32>,
    %get3A_2491 = vector.shape_cast %get3A_2490 : vector<1x16xi32> to vector<16xi32>
    %add3A_2492 = arith.addi %get3A_2491, %mul3A_9 : vector<16xi32>
    %max3A_2493 = arith.constant 0 : i32
    %max3A_2494 = vector.broadcast %max3A_2493 : i32 to vector<16xi32>
    %max3A_2495 = arith.maxsi %add3A_2492, %max3A_2494 : vector<16xi32>
    %min3A_2496 = arith.constant 799999 : i32
    %min3A_2497 = vector.broadcast %min3A_2496 : i32 to vector<16xi32>
    %min3A_2498 = arith.minsi %max3A_2495, %min3A_2497 : vector<16xi32>
    %swap3A_2499 = arith.constant 13 : i32
    %swap3A_2500 = arith.index_cast %swap3A_2499 : i32 to index
    %swap3A_2501 = arith.constant 96 : index
    %swap3A_2502 = tpu.vector_load %arg5[%swap3A_2500, %swap3A_2501] {strides = array<i32>} : memref<16x128xi32, #tpu.memory_space<vmem>>, vector<1x16xi32>,
    %swap3A_2503 = vector.shape_cast %swap3A_2502 : vector<1x16xi32> to vector<16xi32>
    %swap3A_2504 = vector.shape_cast %min3A_2498 : vector<16xi32> to vector<1x16xi32>
    tpu.vector_store %arg5[%swap3A_2500, %swap3A_2501], %swap3A_2504 {strides = array<i32>} : memref<16x128xi32, #tpu.memory_space<vmem>>, vector<1x16xi32>,
    %get3A_2505 = arith.constant 13 : i32
    %get3A_2506 = arith.index_cast %get3A_2505 : i32 to index
    %get3A_2507 = arith.constant 112 : index
    %get3A_2508 = tpu.vector_load %arg5[%get3A_2506, %get3A_2507] {strides = array<i32>} : memref<16x128xi32, #tpu.memory_space<vmem>>, vector<1x16xi32>,
    %get3A_2509 = vector.shape_cast %get3A_2508 : vector<1x16xi32> to vector<16xi32>
    %add3A_2510 = arith.addi %get3A_2509, %mul3A_9 : vector<16xi32>
    %max3A_2511 = arith.constant 0 : i32
    %max3A_2512 = vector.broadcast %max3A_2511 : i32 to vector<16xi32>
    %max3A_2513 = arith.maxsi %add3A_2510, %max3A_2512 : vector<16xi32>
    %min3A_2514 = arith.constant 799999 : i32
    %min3A_2515 = vector.broadcast %min3A_2514 : i32 to vector<16xi32>
    %min3A_2516 = arith.minsi %max3A_2513, %min3A_2515 : vector<16xi32>
    %swap3A_2517 = arith.constant 13 : i32
    %swap3A_2518 = arith.index_cast %swap3A_2517 : i32 to index
    %swap3A_2519 = arith.constant 112 : index
    %swap3A_2520 = tpu.vector_load %arg5[%swap3A_2518, %swap3A_2519] {strides = array<i32>} : memref<16x128xi32, #tpu.memory_space<vmem>>, vector<1x16xi32>,
    %swap3A_2521 = vector.shape_cast %swap3A_2520 : vector<1x16xi32> to vector<16xi32>
    %swap3A_2522 = vector.shape_cast %min3A_2516 : vector<16xi32> to vector<1x16xi32>
    tpu.vector_store %arg5[%swap3A_2518, %swap3A_2519], %swap3A_2522 {strides = array<i32>} : memref<16x128xi32, #tpu.memory_space<vmem>>, vector<1x16xi32>,
    %dma_start3A_2523 = arith.constant 13 : i32
    %dma_start3A_2524 = arith.constant 1 : i32
    %dma_start3A_2525 = arith.constant 0 : i32
    %dma_start3A_2526 = arith.constant 0 : i32
    %dma_start3A_2527 = tpu.memref_slice %arg6[%dma_start3A_2524, %dma_start3A_2525, %dma_start3A_2526] : memref<6x128x128xf32, #tpu.memory_space<vmem>> -> memref<1x128x128xf32, #tpu.memory_space<vmem>>
    %dma_start3A_2528 = tpu.memref_squeeze %dma_start3A_2527 : memref<1x128x128xf32, #tpu.memory_space<vmem>> -> memref<128x128xf32, #tpu.memory_space<vmem>>
    %dma_start3A_2529 = arith.constant 0 : i32
    %dma_start3A_2530 = tpu.memref_slice %arg5[%dma_start3A_2523, %dma_start3A_2529] : memref<16x128xi32, #tpu.memory_space<vmem>> -> memref<1x128xi32, #tpu.memory_space<vmem>>
    %dma_start3A_2531 = tpu.memref_squeeze %dma_start3A_2530 : memref<1x128xi32, #tpu.memory_space<vmem>> -> memref<128xi32, #tpu.memory_space<vmem>>
    %dma_start3A_2532 = arith.constant 0 : i32
    %dma_start3A_2533 = arith.constant 0 : i32
    %dma_start3A_2534 = tpu.memref_slice %arg3[%dma_start3A_2532, %dma_start3A_2533] : memref<800000x128xf32, #tpu.memory_space<hbm>> -> memref<800000x128xf32, #tpu.memory_space<hbm>>
    tpu.enqueue_indirect_dma source(%dma_start3A_2534 : memref<800000x128xf32, #tpu.memory_space<hbm>>) target(%dma_start3A_2528 : memref<128x128xf32, #tpu.memory_space<vmem>>) offsets(%dma_start3A_2531 : memref<128xi32, #tpu.memory_space<vmem>>) semaphore(%arg8 : memref<!tpu.dma_semaphore, #tpu.memory_space<semaphore_mem>>)
    %dma_wait3A_2535 = arith.constant 9 : i32
    %dma_wait3A_2536 = arith.constant 3 : i32
    %dma_wait3A_2537 = arith.constant 0 : i32
    %dma_wait3A_2538 = arith.constant 0 : i32
    %dma_wait3A_2539 = tpu.memref_slice %arg6[%dma_wait3A_2536, %dma_wait3A_2537, %dma_wait3A_2538] : memref<6x128x128xf32, #tpu.memory_space<vmem>> -> memref<1x128x128xf32, #tpu.memory_space<vmem>>
    %dma_wait3A_2540 = tpu.memref_squeeze %dma_wait3A_2539 : memref<1x128x128xf32, #tpu.memory_space<vmem>> -> memref<128x128xf32, #tpu.memory_space<vmem>>
    %dma_wait3A_2541 = arith.constant 0 : i32
    %dma_wait3A_2542 = tpu.memref_slice %arg5[%dma_wait3A_2535, %dma_wait3A_2541] : memref<16x128xi32, #tpu.memory_space<vmem>> -> memref<1x128xi32, #tpu.memory_space<vmem>>
    %dma_wait3A_2543 = tpu.memref_squeeze %dma_wait3A_2542 : memref<1x128xi32, #tpu.memory_space<vmem>> -> memref<128xi32, #tpu.memory_space<vmem>>
    %dma_wait3A_2544 = arith.constant 0 : i32
    %dma_wait3A_2545 = arith.constant 0 : i32
    %dma_wait3A_2546 = tpu.memref_slice %arg3[%dma_wait3A_2544, %dma_wait3A_2545] : memref<800000x128xf32, #tpu.memory_space<hbm>> -> memref<800000x128xf32, #tpu.memory_space<hbm>>
    tpu.wait_indirect_dma semaphore(%arg10 : memref<!tpu.dma_semaphore, #tpu.memory_space<semaphore_mem>>) src(%dma_wait3A_2546 : memref<800000x128xf32, #tpu.memory_space<hbm>>) dst(%dma_wait3A_2540 : memref<128x128xf32, #tpu.memory_space<vmem>>)
    %add3A_2547 = arith.constant 1152 : i32
    %add3A_2548 = arith.addi %mul3A_2, %add3A_2547 : i32
    %dma_start3A_2549 = arith.constant 3 : i32
    %dma_start3A_2550 = arith.constant 0 : i32
    %dma_start3A_2551 = arith.constant 0 : i32
    %dma_start3A_2552 = tpu.memref_slice %arg6[%dma_start3A_2549, %dma_start3A_2550, %dma_start3A_2551] : memref<6x128x128xf32, #tpu.memory_space<vmem>> -> memref<1x128x128xf32, #tpu.memory_space<vmem>>
    %dma_start3A_2553 = tpu.memref_squeeze %dma_start3A_2552 : memref<1x128x128xf32, #tpu.memory_space<vmem>> -> memref<128x128xf32, #tpu.memory_space<vmem>>
    %dma_start3A_2554 = arith.constant 0 : i32
    %dma_start3A_2555 = tpu.memref_slice %arg4[%add3A_2548, %dma_start3A_2554] : memref<65536x128xf32, #tpu.memory_space<hbm>> -> memref<128x128xf32, #tpu.memory_space<hbm>>
    %dma_start3A_2556 = arith.constant 0 : i32
    %dma_start3A_2557 = tpu.memref_slice %arg4[%add3A_2548, %dma_start3A_2556] : memref<65536x128xf32, #tpu.memory_space<hbm>> -> memref<128x128xf32, #tpu.memory_space<hbm>>
    %dma_start3A_2558 = arith.constant 0 : i32
    %dma_start3A_2559 = arith.constant 0 : i32
    %dma_start3A_2560 = tpu.memref_slice %arg6[%dma_start3A_2549, %dma_start3A_2558, %dma_start3A_2559] : memref<6x128x128xf32, #tpu.memory_space<vmem>> -> memref<1x128x128xf32, #tpu.memory_space<vmem>>
    %dma_start3A_2561 = tpu.memref_squeeze %dma_start3A_2560 : memref<1x128x128xf32, #tpu.memory_space<vmem>> -> memref<128x128xf32, #tpu.memory_space<vmem>>
    tpu.enqueue_dma source(%dma_start3A_2561 : memref<128x128xf32, #tpu.memory_space<vmem>>) target(%dma_start3A_2557 : memref<128x128xf32, #tpu.memory_space<hbm>>) target_semaphore(%arg10 : memref<!tpu.dma_semaphore, #tpu.memory_space<semaphore_mem>>)
    %dma_wait3A_2562 = arith.constant 2 : i32
    %dma_wait3A_2563 = arith.constant 0 : i32
    %dma_wait3A_2564 = arith.constant 0 : i32
    %dma_wait3A_2565 = tpu.memref_slice %arg6[%dma_wait3A_2562, %dma_wait3A_2563, %dma_wait3A_2564] : memref<6x128x128xf32, #tpu.memory_space<vmem>> -> memref<1x128x128xf32, #tpu.memory_space<vmem>>
    %dma_wait3A_2566 = tpu.memref_squeeze %dma_wait3A_2565 : memref<1x128x128xf32, #tpu.memory_space<vmem>> -> memref<128x128xf32, #tpu.memory_space<vmem>>
    %dma_wait3A_2567 = arith.constant 0 : i32
    %dma_wait3A_2568 = tpu.memref_slice %arg4[%add3A_2352, %dma_wait3A_2567] : memref<65536x128xf32, #tpu.memory_space<hbm>> -> memref<128x128xf32, #tpu.memory_space<hbm>>
    %dma_wait3A_2569 = arith.constant 0 : i32
    %dma_wait3A_2570 = tpu.memref_slice %arg4[%add3A_2352, %dma_wait3A_2569] : memref<65536x128xf32, #tpu.memory_space<hbm>> -> memref<128x128xf32, #tpu.memory_space<hbm>>
    %dma_wait3A_2571 = arith.constant 0 : i32
    %dma_wait3A_2572 = arith.constant 0 : i32
    %dma_wait3A_2573 = tpu.memref_slice %arg6[%dma_wait3A_2562, %dma_wait3A_2571, %dma_wait3A_2572] : memref<6x128x128xf32, #tpu.memory_space<vmem>> -> memref<1x128x128xf32, #tpu.memory_space<vmem>>
    %dma_wait3A_2574 = tpu.memref_squeeze %dma_wait3A_2573 : memref<1x128x128xf32, #tpu.memory_space<vmem>> -> memref<128x128xf32, #tpu.memory_space<vmem>>
    tpu.wait_dma2 semaphore(%arg9 : memref<!tpu.dma_semaphore, #tpu.memory_space<semaphore_mem>>) src(%dma_wait3A_2574 : memref<128x128xf32, #tpu.memory_space<vmem>>) dst(%dma_wait3A_2570 : memref<128x128xf32, #tpu.memory_space<hbm>>)
    %get3A_2575 = arith.constant 14 : i32
    %get3A_2576 = arith.index_cast %get3A_2575 : i32 to index
    %get3A_2577 = arith.constant 0 : index
    %get3A_2578 = tpu.vector_load %arg5[%get3A_2576, %get3A_2577] {strides = array<i32>} : memref<16x128xi32, #tpu.memory_space<vmem>>, vector<1x16xi32>,
    %get3A_2579 = vector.shape_cast %get3A_2578 : vector<1x16xi32> to vector<16xi32>
    %add3A_2580 = arith.addi %get3A_2579, %mul3A_9 : vector<16xi32>
    %max3A_2581 = arith.constant 0 : i32
    %max3A_2582 = vector.broadcast %max3A_2581 : i32 to vector<16xi32>
    %max3A_2583 = arith.maxsi %add3A_2580, %max3A_2582 : vector<16xi32>
    %min3A_2584 = arith.constant 799999 : i32
    %min3A_2585 = vector.broadcast %min3A_2584 : i32 to vector<16xi32>
    %min3A_2586 = arith.minsi %max3A_2583, %min3A_2585 : vector<16xi32>
    %swap3A_2587 = arith.constant 14 : i32
    %swap3A_2588 = arith.index_cast %swap3A_2587 : i32 to index
    %swap3A_2589 = arith.constant 0 : index
    %swap3A_2590 = tpu.vector_load %arg5[%swap3A_2588, %swap3A_2589] {strides = array<i32>} : memref<16x128xi32, #tpu.memory_space<vmem>>, vector<1x16xi32>,
    %swap3A_2591 = vector.shape_cast %swap3A_2590 : vector<1x16xi32> to vector<16xi32>
    %swap3A_2592 = vector.shape_cast %min3A_2586 : vector<16xi32> to vector<1x16xi32>
    tpu.vector_store %arg5[%swap3A_2588, %swap3A_2589], %swap3A_2592 {strides = array<i32>} : memref<16x128xi32, #tpu.memory_space<vmem>>, vector<1x16xi32>,
    %get3A_2593 = arith.constant 14 : i32
    %get3A_2594 = arith.index_cast %get3A_2593 : i32 to index
    %get3A_2595 = arith.constant 16 : index
    %get3A_2596 = tpu.vector_load %arg5[%get3A_2594, %get3A_2595] {strides = array<i32>} : memref<16x128xi32, #tpu.memory_space<vmem>>, vector<1x16xi32>,
    %get3A_2597 = vector.shape_cast %get3A_2596 : vector<1x16xi32> to vector<16xi32>
    %add3A_2598 = arith.addi %get3A_2597, %mul3A_9 : vector<16xi32>
    %max3A_2599 = arith.constant 0 : i32
    %max3A_2600 = vector.broadcast %max3A_2599 : i32 to vector<16xi32>
    %max3A_2601 = arith.maxsi %add3A_2598, %max3A_2600 : vector<16xi32>
    %min3A_2602 = arith.constant 799999 : i32
    %min3A_2603 = vector.broadcast %min3A_2602 : i32 to vector<16xi32>
    %min3A_2604 = arith.minsi %max3A_2601, %min3A_2603 : vector<16xi32>
    %swap3A_2605 = arith.constant 14 : i32
    %swap3A_2606 = arith.index_cast %swap3A_2605 : i32 to index
    %swap3A_2607 = arith.constant 16 : index
    %swap3A_2608 = tpu.vector_load %arg5[%swap3A_2606, %swap3A_2607] {strides = array<i32>} : memref<16x128xi32, #tpu.memory_space<vmem>>, vector<1x16xi32>,
    %swap3A_2609 = vector.shape_cast %swap3A_2608 : vector<1x16xi32> to vector<16xi32>
    %swap3A_2610 = vector.shape_cast %min3A_2604 : vector<16xi32> to vector<1x16xi32>
    tpu.vector_store %arg5[%swap3A_2606, %swap3A_2607], %swap3A_2610 {strides = array<i32>} : memref<16x128xi32, #tpu.memory_space<vmem>>, vector<1x16xi32>,
    %get3A_2611 = arith.constant 14 : i32
    %get3A_2612 = arith.index_cast %get3A_2611 : i32 to index
    %get3A_2613 = arith.constant 32 : index
    %get3A_2614 = tpu.vector_load %arg5[%get3A_2612, %get3A_2613] {strides = array<i32>} : memref<16x128xi32, #tpu.memory_space<vmem>>, vector<1x16xi32>,
    %get3A_2615 = vector.shape_cast %get3A_2614 : vector<1x16xi32> to vector<16xi32>
    %add3A_2616 = arith.addi %get3A_2615, %mul3A_9 : vector<16xi32>
    %max3A_2617 = arith.constant 0 : i32
    %max3A_2618 = vector.broadcast %max3A_2617 : i32 to vector<16xi32>
    %max3A_2619 = arith.maxsi %add3A_2616, %max3A_2618 : vector<16xi32>
    %min3A_2620 = arith.constant 799999 : i32
    %min3A_2621 = vector.broadcast %min3A_2620 : i32 to vector<16xi32>
    %min3A_2622 = arith.minsi %max3A_2619, %min3A_2621 : vector<16xi32>
    %swap3A_2623 = arith.constant 14 : i32
    %swap3A_2624 = arith.index_cast %swap3A_2623 : i32 to index
    %swap3A_2625 = arith.constant 32 : index
    %swap3A_2626 = tpu.vector_load %arg5[%swap3A_2624, %swap3A_2625] {strides = array<i32>} : memref<16x128xi32, #tpu.memory_space<vmem>>, vector<1x16xi32>,
    %swap3A_2627 = vector.shape_cast %swap3A_2626 : vector<1x16xi32> to vector<16xi32>
    %swap3A_2628 = vector.shape_cast %min3A_2622 : vector<16xi32> to vector<1x16xi32>
    tpu.vector_store %arg5[%swap3A_2624, %swap3A_2625], %swap3A_2628 {strides = array<i32>} : memref<16x128xi32, #tpu.memory_space<vmem>>, vector<1x16xi32>,
    %get3A_2629 = arith.constant 14 : i32
    %get3A_2630 = arith.index_cast %get3A_2629 : i32 to index
    %get3A_2631 = arith.constant 48 : index
    %get3A_2632 = tpu.vector_load %arg5[%get3A_2630, %get3A_2631] {strides = array<i32>} : memref<16x128xi32, #tpu.memory_space<vmem>>, vector<1x16xi32>,
    %get3A_2633 = vector.shape_cast %get3A_2632 : vector<1x16xi32> to vector<16xi32>
    %add3A_2634 = arith.addi %get3A_2633, %mul3A_9 : vector<16xi32>
    %max3A_2635 = arith.constant 0 : i32
    %max3A_2636 = vector.broadcast %max3A_2635 : i32 to vector<16xi32>
    %max3A_2637 = arith.maxsi %add3A_2634, %max3A_2636 : vector<16xi32>
    %min3A_2638 = arith.constant 799999 : i32
    %min3A_2639 = vector.broadcast %min3A_2638 : i32 to vector<16xi32>
    %min3A_2640 = arith.minsi %max3A_2637, %min3A_2639 : vector<16xi32>
    %swap3A_2641 = arith.constant 14 : i32
    %swap3A_2642 = arith.index_cast %swap3A_2641 : i32 to index
    %swap3A_2643 = arith.constant 48 : index
    %swap3A_2644 = tpu.vector_load %arg5[%swap3A_2642, %swap3A_2643] {strides = array<i32>} : memref<16x128xi32, #tpu.memory_space<vmem>>, vector<1x16xi32>,
    %swap3A_2645 = vector.shape_cast %swap3A_2644 : vector<1x16xi32> to vector<16xi32>
    %swap3A_2646 = vector.shape_cast %min3A_2640 : vector<16xi32> to vector<1x16xi32>
    tpu.vector_store %arg5[%swap3A_2642, %swap3A_2643], %swap3A_2646 {strides = array<i32>} : memref<16x128xi32, #tpu.memory_space<vmem>>, vector<1x16xi32>,
    %get3A_2647 = arith.constant 14 : i32
    %get3A_2648 = arith.index_cast %get3A_2647 : i32 to index
    %get3A_2649 = arith.constant 64 : index
    %get3A_2650 = tpu.vector_load %arg5[%get3A_2648, %get3A_2649] {strides = array<i32>} : memref<16x128xi32, #tpu.memory_space<vmem>>, vector<1x16xi32>,
    %get3A_2651 = vector.shape_cast %get3A_2650 : vector<1x16xi32> to vector<16xi32>
    %add3A_2652 = arith.addi %get3A_2651, %mul3A_9 : vector<16xi32>
    %max3A_2653 = arith.constant 0 : i32
    %max3A_2654 = vector.broadcast %max3A_2653 : i32 to vector<16xi32>
    %max3A_2655 = arith.maxsi %add3A_2652, %max3A_2654 : vector<16xi32>
    %min3A_2656 = arith.constant 799999 : i32
    %min3A_2657 = vector.broadcast %min3A_2656 : i32 to vector<16xi32>
    %min3A_2658 = arith.minsi %max3A_2655, %min3A_2657 : vector<16xi32>
    %swap3A_2659 = arith.constant 14 : i32
    %swap3A_2660 = arith.index_cast %swap3A_2659 : i32 to index
    %swap3A_2661 = arith.constant 64 : index
    %swap3A_2662 = tpu.vector_load %arg5[%swap3A_2660, %swap3A_2661] {strides = array<i32>} : memref<16x128xi32, #tpu.memory_space<vmem>>, vector<1x16xi32>,
    %swap3A_2663 = vector.shape_cast %swap3A_2662 : vector<1x16xi32> to vector<16xi32>
    %swap3A_2664 = vector.shape_cast %min3A_2658 : vector<16xi32> to vector<1x16xi32>
    tpu.vector_store %arg5[%swap3A_2660, %swap3A_2661], %swap3A_2664 {strides = array<i32>} : memref<16x128xi32, #tpu.memory_space<vmem>>, vector<1x16xi32>,
    %get3A_2665 = arith.constant 14 : i32
    %get3A_2666 = arith.index_cast %get3A_2665 : i32 to index
    %get3A_2667 = arith.constant 80 : index
    %get3A_2668 = tpu.vector_load %arg5[%get3A_2666, %get3A_2667] {strides = array<i32>} : memref<16x128xi32, #tpu.memory_space<vmem>>, vector<1x16xi32>,
    %get3A_2669 = vector.shape_cast %get3A_2668 : vector<1x16xi32> to vector<16xi32>
    %add3A_2670 = arith.addi %get3A_2669, %mul3A_9 : vector<16xi32>
    %max3A_2671 = arith.constant 0 : i32
    %max3A_2672 = vector.broadcast %max3A_2671 : i32 to vector<16xi32>
    %max3A_2673 = arith.maxsi %add3A_2670, %max3A_2672 : vector<16xi32>
    %min3A_2674 = arith.constant 799999 : i32
    %min3A_2675 = vector.broadcast %min3A_2674 : i32 to vector<16xi32>
    %min3A_2676 = arith.minsi %max3A_2673, %min3A_2675 : vector<16xi32>
    %swap3A_2677 = arith.constant 14 : i32
    %swap3A_2678 = arith.index_cast %swap3A_2677 : i32 to index
    %swap3A_2679 = arith.constant 80 : index
    %swap3A_2680 = tpu.vector_load %arg5[%swap3A_2678, %swap3A_2679] {strides = array<i32>} : memref<16x128xi32, #tpu.memory_space<vmem>>, vector<1x16xi32>,
    %swap3A_2681 = vector.shape_cast %swap3A_2680 : vector<1x16xi32> to vector<16xi32>
    %swap3A_2682 = vector.shape_cast %min3A_2676 : vector<16xi32> to vector<1x16xi32>
    tpu.vector_store %arg5[%swap3A_2678, %swap3A_2679], %swap3A_2682 {strides = array<i32>} : memref<16x128xi32, #tpu.memory_space<vmem>>, vector<1x16xi32>,
    %get3A_2683 = arith.constant 14 : i32
    %get3A_2684 = arith.index_cast %get3A_2683 : i32 to index
    %get3A_2685 = arith.constant 96 : index
    %get3A_2686 = tpu.vector_load %arg5[%get3A_2684, %get3A_2685] {strides = array<i32>} : memref<16x128xi32, #tpu.memory_space<vmem>>, vector<1x16xi32>,
    %get3A_2687 = vector.shape_cast %get3A_2686 : vector<1x16xi32> to vector<16xi32>
    %add3A_2688 = arith.addi %get3A_2687, %mul3A_9 : vector<16xi32>
    %max3A_2689 = arith.constant 0 : i32
    %max3A_2690 = vector.broadcast %max3A_2689 : i32 to vector<16xi32>
    %max3A_2691 = arith.maxsi %add3A_2688, %max3A_2690 : vector<16xi32>
    %min3A_2692 = arith.constant 799999 : i32
    %min3A_2693 = vector.broadcast %min3A_2692 : i32 to vector<16xi32>
    %min3A_2694 = arith.minsi %max3A_2691, %min3A_2693 : vector<16xi32>
    %swap3A_2695 = arith.constant 14 : i32
    %swap3A_2696 = arith.index_cast %swap3A_2695 : i32 to index
    %swap3A_2697 = arith.constant 96 : index
    %swap3A_2698 = tpu.vector_load %arg5[%swap3A_2696, %swap3A_2697] {strides = array<i32>} : memref<16x128xi32, #tpu.memory_space<vmem>>, vector<1x16xi32>,
    %swap3A_2699 = vector.shape_cast %swap3A_2698 : vector<1x16xi32> to vector<16xi32>
    %swap3A_2700 = vector.shape_cast %min3A_2694 : vector<16xi32> to vector<1x16xi32>
    tpu.vector_store %arg5[%swap3A_2696, %swap3A_2697], %swap3A_2700 {strides = array<i32>} : memref<16x128xi32, #tpu.memory_space<vmem>>, vector<1x16xi32>,
    %get3A_2701 = arith.constant 14 : i32
    %get3A_2702 = arith.index_cast %get3A_2701 : i32 to index
    %get3A_2703 = arith.constant 112 : index
    %get3A_2704 = tpu.vector_load %arg5[%get3A_2702, %get3A_2703] {strides = array<i32>} : memref<16x128xi32, #tpu.memory_space<vmem>>, vector<1x16xi32>,
    %get3A_2705 = vector.shape_cast %get3A_2704 : vector<1x16xi32> to vector<16xi32>
    %add3A_2706 = arith.addi %get3A_2705, %mul3A_9 : vector<16xi32>
    %max3A_2707 = arith.constant 0 : i32
    %max3A_2708 = vector.broadcast %max3A_2707 : i32 to vector<16xi32>
    %max3A_2709 = arith.maxsi %add3A_2706, %max3A_2708 : vector<16xi32>
    %min3A_2710 = arith.constant 799999 : i32
    %min3A_2711 = vector.broadcast %min3A_2710 : i32 to vector<16xi32>
    %min3A_2712 = arith.minsi %max3A_2709, %min3A_2711 : vector<16xi32>
    %swap3A_2713 = arith.constant 14 : i32
    %swap3A_2714 = arith.index_cast %swap3A_2713 : i32 to index
    %swap3A_2715 = arith.constant 112 : index
    %swap3A_2716 = tpu.vector_load %arg5[%swap3A_2714, %swap3A_2715] {strides = array<i32>} : memref<16x128xi32, #tpu.memory_space<vmem>>, vector<1x16xi32>,
    %swap3A_2717 = vector.shape_cast %swap3A_2716 : vector<1x16xi32> to vector<16xi32>
    %swap3A_2718 = vector.shape_cast %min3A_2712 : vector<16xi32> to vector<1x16xi32>
    tpu.vector_store %arg5[%swap3A_2714, %swap3A_2715], %swap3A_2718 {strides = array<i32>} : memref<16x128xi32, #tpu.memory_space<vmem>>, vector<1x16xi32>,
    %dma_start3A_2719 = arith.constant 14 : i32
    %dma_start3A_2720 = arith.constant 2 : i32
    %dma_start3A_2721 = arith.constant 0 : i32
    %dma_start3A_2722 = arith.constant 0 : i32
    %dma_start3A_2723 = tpu.memref_slice %arg6[%dma_start3A_2720, %dma_start3A_2721, %dma_start3A_2722] : memref<6x128x128xf32, #tpu.memory_space<vmem>> -> memref<1x128x128xf32, #tpu.memory_space<vmem>>
    %dma_start3A_2724 = tpu.memref_squeeze %dma_start3A_2723 : memref<1x128x128xf32, #tpu.memory_space<vmem>> -> memref<128x128xf32, #tpu.memory_space<vmem>>
    %dma_start3A_2725 = arith.constant 0 : i32
    %dma_start3A_2726 = tpu.memref_slice %arg5[%dma_start3A_2719, %dma_start3A_2725] : memref<16x128xi32, #tpu.memory_space<vmem>> -> memref<1x128xi32, #tpu.memory_space<vmem>>
    %dma_start3A_2727 = tpu.memref_squeeze %dma_start3A_2726 : memref<1x128xi32, #tpu.memory_space<vmem>> -> memref<128xi32, #tpu.memory_space<vmem>>
    %dma_start3A_2728 = arith.constant 0 : i32
    %dma_start3A_2729 = arith.constant 0 : i32
    %dma_start3A_2730 = tpu.memref_slice %arg3[%dma_start3A_2728, %dma_start3A_2729] : memref<800000x128xf32, #tpu.memory_space<hbm>> -> memref<800000x128xf32, #tpu.memory_space<hbm>>
    tpu.enqueue_indirect_dma source(%dma_start3A_2730 : memref<800000x128xf32, #tpu.memory_space<hbm>>) target(%dma_start3A_2724 : memref<128x128xf32, #tpu.memory_space<vmem>>) offsets(%dma_start3A_2727 : memref<128xi32, #tpu.memory_space<vmem>>) semaphore(%arg9 : memref<!tpu.dma_semaphore, #tpu.memory_space<semaphore_mem>>)
    %dma_wait3A_2731 = arith.constant 10 : i32
    %dma_wait3A_2732 = arith.constant 4 : i32
    %dma_wait3A_2733 = arith.constant 0 : i32
    %dma_wait3A_2734 = arith.constant 0 : i32
    %dma_wait3A_2735 = tpu.memref_slice %arg6[%dma_wait3A_2732, %dma_wait3A_2733, %dma_wait3A_2734] : memref<6x128x128xf32, #tpu.memory_space<vmem>> -> memref<1x128x128xf32, #tpu.memory_space<vmem>>
    %dma_wait3A_2736 = tpu.memref_squeeze %dma_wait3A_2735 : memref<1x128x128xf32, #tpu.memory_space<vmem>> -> memref<128x128xf32, #tpu.memory_space<vmem>>
    %dma_wait3A_2737 = arith.constant 0 : i32
    %dma_wait3A_2738 = tpu.memref_slice %arg5[%dma_wait3A_2731, %dma_wait3A_2737] : memref<16x128xi32, #tpu.memory_space<vmem>> -> memref<1x128xi32, #tpu.memory_space<vmem>>
    %dma_wait3A_2739 = tpu.memref_squeeze %dma_wait3A_2738 : memref<1x128xi32, #tpu.memory_space<vmem>> -> memref<128xi32, #tpu.memory_space<vmem>>
    %dma_wait3A_2740 = arith.constant 0 : i32
    %dma_wait3A_2741 = arith.constant 0 : i32
    %dma_wait3A_2742 = tpu.memref_slice %arg3[%dma_wait3A_2740, %dma_wait3A_2741] : memref<800000x128xf32, #tpu.memory_space<hbm>> -> memref<800000x128xf32, #tpu.memory_space<hbm>>
    tpu.wait_indirect_dma semaphore(%arg11 : memref<!tpu.dma_semaphore, #tpu.memory_space<semaphore_mem>>) src(%dma_wait3A_2742 : memref<800000x128xf32, #tpu.memory_space<hbm>>) dst(%dma_wait3A_2736 : memref<128x128xf32, #tpu.memory_space<vmem>>)
    %add3A_2743 = arith.constant 1280 : i32
    %add3A_2744 = arith.addi %mul3A_2, %add3A_2743 : i32
    %dma_start3A_2745 = arith.constant 4 : i32
    %dma_start3A_2746 = arith.constant 0 : i32
    %dma_start3A_2747 = arith.constant 0 : i32
    %dma_start3A_2748 = tpu.memref_slice %arg6[%dma_start3A_2745, %dma_start3A_2746, %dma_start3A_2747] : memref<6x128x128xf32, #tpu.memory_space<vmem>> -> memref<1x128x128xf32, #tpu.memory_space<vmem>>
    %dma_start3A_2749 = tpu.memref_squeeze %dma_start3A_2748 : memref<1x128x128xf32, #tpu.memory_space<vmem>> -> memref<128x128xf32, #tpu.memory_space<vmem>>
    %dma_start3A_2750 = arith.constant 0 : i32
    %dma_start3A_2751 = tpu.memref_slice %arg4[%add3A_2744, %dma_start3A_2750] : memref<65536x128xf32, #tpu.memory_space<hbm>> -> memref<128x128xf32, #tpu.memory_space<hbm>>
    %dma_start3A_2752 = arith.constant 0 : i32
    %dma_start3A_2753 = tpu.memref_slice %arg4[%add3A_2744, %dma_start3A_2752] : memref<65536x128xf32, #tpu.memory_space<hbm>> -> memref<128x128xf32, #tpu.memory_space<hbm>>
    %dma_start3A_2754 = arith.constant 0 : i32
    %dma_start3A_2755 = arith.constant 0 : i32
    %dma_start3A_2756 = tpu.memref_slice %arg6[%dma_start3A_2745, %dma_start3A_2754, %dma_start3A_2755] : memref<6x128x128xf32, #tpu.memory_space<vmem>> -> memref<1x128x128xf32, #tpu.memory_space<vmem>>
    %dma_start3A_2757 = tpu.memref_squeeze %dma_start3A_2756 : memref<1x128x128xf32, #tpu.memory_space<vmem>> -> memref<128x128xf32, #tpu.memory_space<vmem>>
    tpu.enqueue_dma source(%dma_start3A_2757 : memref<128x128xf32, #tpu.memory_space<vmem>>) target(%dma_start3A_2753 : memref<128x128xf32, #tpu.memory_space<hbm>>) target_semaphore(%arg11 : memref<!tpu.dma_semaphore, #tpu.memory_space<semaphore_mem>>)
    %dma_wait3A_2758 = arith.constant 3 : i32
    %dma_wait3A_2759 = arith.constant 0 : i32
    %dma_wait3A_2760 = arith.constant 0 : i32
    %dma_wait3A_2761 = tpu.memref_slice %arg6[%dma_wait3A_2758, %dma_wait3A_2759, %dma_wait3A_2760] : memref<6x128x128xf32, #tpu.memory_space<vmem>> -> memref<1x128x128xf32, #tpu.memory_space<vmem>>
    %dma_wait3A_2762 = tpu.memref_squeeze %dma_wait3A_2761 : memref<1x128x128xf32, #tpu.memory_space<vmem>> -> memref<128x128xf32, #tpu.memory_space<vmem>>
    %dma_wait3A_2763 = arith.constant 0 : i32
    %dma_wait3A_2764 = tpu.memref_slice %arg4[%add3A_2548, %dma_wait3A_2763] : memref<65536x128xf32, #tpu.memory_space<hbm>> -> memref<128x128xf32, #tpu.memory_space<hbm>>
    %dma_wait3A_2765 = arith.constant 0 : i32
    %dma_wait3A_2766 = tpu.memref_slice %arg4[%add3A_2548, %dma_wait3A_2765] : memref<65536x128xf32, #tpu.memory_space<hbm>> -> memref<128x128xf32, #tpu.memory_space<hbm>>
    %dma_wait3A_2767 = arith.constant 0 : i32
    %dma_wait3A_2768 = arith.constant 0 : i32
    %dma_wait3A_2769 = tpu.memref_slice %arg6[%dma_wait3A_2758, %dma_wait3A_2767, %dma_wait3A_2768] : memref<6x128x128xf32, #tpu.memory_space<vmem>> -> memref<1x128x128xf32, #tpu.memory_space<vmem>>
    %dma_wait3A_2770 = tpu.memref_squeeze %dma_wait3A_2769 : memref<1x128x128xf32, #tpu.memory_space<vmem>> -> memref<128x128xf32, #tpu.memory_space<vmem>>
    tpu.wait_dma2 semaphore(%arg10 : memref<!tpu.dma_semaphore, #tpu.memory_space<semaphore_mem>>) src(%dma_wait3A_2770 : memref<128x128xf32, #tpu.memory_space<vmem>>) dst(%dma_wait3A_2766 : memref<128x128xf32, #tpu.memory_space<hbm>>)
    %get3A_2771 = arith.constant 15 : i32
    %get3A_2772 = arith.index_cast %get3A_2771 : i32 to index
    %get3A_2773 = arith.constant 0 : index
    %get3A_2774 = tpu.vector_load %arg5[%get3A_2772, %get3A_2773] {strides = array<i32>} : memref<16x128xi32, #tpu.memory_space<vmem>>, vector<1x16xi32>,
    %get3A_2775 = vector.shape_cast %get3A_2774 : vector<1x16xi32> to vector<16xi32>
    %add3A_2776 = arith.addi %get3A_2775, %mul3A_9 : vector<16xi32>
    %max3A_2777 = arith.constant 0 : i32
    %max3A_2778 = vector.broadcast %max3A_2777 : i32 to vector<16xi32>
    %max3A_2779 = arith.maxsi %add3A_2776, %max3A_2778 : vector<16xi32>
    %min3A_2780 = arith.constant 799999 : i32
    %min3A_2781 = vector.broadcast %min3A_2780 : i32 to vector<16xi32>
    %min3A_2782 = arith.minsi %max3A_2779, %min3A_2781 : vector<16xi32>
    %swap3A_2783 = arith.constant 15 : i32
    %swap3A_2784 = arith.index_cast %swap3A_2783 : i32 to index
    %swap3A_2785 = arith.constant 0 : index
    %swap3A_2786 = tpu.vector_load %arg5[%swap3A_2784, %swap3A_2785] {strides = array<i32>} : memref<16x128xi32, #tpu.memory_space<vmem>>, vector<1x16xi32>,
    %swap3A_2787 = vector.shape_cast %swap3A_2786 : vector<1x16xi32> to vector<16xi32>
    %swap3A_2788 = vector.shape_cast %min3A_2782 : vector<16xi32> to vector<1x16xi32>
    tpu.vector_store %arg5[%swap3A_2784, %swap3A_2785], %swap3A_2788 {strides = array<i32>} : memref<16x128xi32, #tpu.memory_space<vmem>>, vector<1x16xi32>,
    %get3A_2789 = arith.constant 15 : i32
    %get3A_2790 = arith.index_cast %get3A_2789 : i32 to index
    %get3A_2791 = arith.constant 16 : index
    %get3A_2792 = tpu.vector_load %arg5[%get3A_2790, %get3A_2791] {strides = array<i32>} : memref<16x128xi32, #tpu.memory_space<vmem>>, vector<1x16xi32>,
    %get3A_2793 = vector.shape_cast %get3A_2792 : vector<1x16xi32> to vector<16xi32>
    %add3A_2794 = arith.addi %get3A_2793, %mul3A_9 : vector<16xi32>
    %max3A_2795 = arith.constant 0 : i32
    %max3A_2796 = vector.broadcast %max3A_2795 : i32 to vector<16xi32>
    %max3A_2797 = arith.maxsi %add3A_2794, %max3A_2796 : vector<16xi32>
    %min3A_2798 = arith.constant 799999 : i32
    %min3A_2799 = vector.broadcast %min3A_2798 : i32 to vector<16xi32>
    %min3A_2800 = arith.minsi %max3A_2797, %min3A_2799 : vector<16xi32>
    %swap3A_2801 = arith.constant 15 : i32
    %swap3A_2802 = arith.index_cast %swap3A_2801 : i32 to index
    %swap3A_2803 = arith.constant 16 : index
    %swap3A_2804 = tpu.vector_load %arg5[%swap3A_2802, %swap3A_2803] {strides = array<i32>} : memref<16x128xi32, #tpu.memory_space<vmem>>, vector<1x16xi32>,
    %swap3A_2805 = vector.shape_cast %swap3A_2804 : vector<1x16xi32> to vector<16xi32>
    %swap3A_2806 = vector.shape_cast %min3A_2800 : vector<16xi32> to vector<1x16xi32>
    tpu.vector_store %arg5[%swap3A_2802, %swap3A_2803], %swap3A_2806 {strides = array<i32>} : memref<16x128xi32, #tpu.memory_space<vmem>>, vector<1x16xi32>,
    %get3A_2807 = arith.constant 15 : i32
    %get3A_2808 = arith.index_cast %get3A_2807 : i32 to index
    %get3A_2809 = arith.constant 32 : index
    %get3A_2810 = tpu.vector_load %arg5[%get3A_2808, %get3A_2809] {strides = array<i32>} : memref<16x128xi32, #tpu.memory_space<vmem>>, vector<1x16xi32>,
    %get3A_2811 = vector.shape_cast %get3A_2810 : vector<1x16xi32> to vector<16xi32>
    %add3A_2812 = arith.addi %get3A_2811, %mul3A_9 : vector<16xi32>
    %max3A_2813 = arith.constant 0 : i32
    %max3A_2814 = vector.broadcast %max3A_2813 : i32 to vector<16xi32>
    %max3A_2815 = arith.maxsi %add3A_2812, %max3A_2814 : vector<16xi32>
    %min3A_2816 = arith.constant 799999 : i32
    %min3A_2817 = vector.broadcast %min3A_2816 : i32 to vector<16xi32>
    %min3A_2818 = arith.minsi %max3A_2815, %min3A_2817 : vector<16xi32>
    %swap3A_2819 = arith.constant 15 : i32
    %swap3A_2820 = arith.index_cast %swap3A_2819 : i32 to index
    %swap3A_2821 = arith.constant 32 : index
    %swap3A_2822 = tpu.vector_load %arg5[%swap3A_2820, %swap3A_2821] {strides = array<i32>} : memref<16x128xi32, #tpu.memory_space<vmem>>, vector<1x16xi32>,
    %swap3A_2823 = vector.shape_cast %swap3A_2822 : vector<1x16xi32> to vector<16xi32>
    %swap3A_2824 = vector.shape_cast %min3A_2818 : vector<16xi32> to vector<1x16xi32>
    tpu.vector_store %arg5[%swap3A_2820, %swap3A_2821], %swap3A_2824 {strides = array<i32>} : memref<16x128xi32, #tpu.memory_space<vmem>>, vector<1x16xi32>,
    %get3A_2825 = arith.constant 15 : i32
    %get3A_2826 = arith.index_cast %get3A_2825 : i32 to index
    %get3A_2827 = arith.constant 48 : index
    %get3A_2828 = tpu.vector_load %arg5[%get3A_2826, %get3A_2827] {strides = array<i32>} : memref<16x128xi32, #tpu.memory_space<vmem>>, vector<1x16xi32>,
    %get3A_2829 = vector.shape_cast %get3A_2828 : vector<1x16xi32> to vector<16xi32>
    %add3A_2830 = arith.addi %get3A_2829, %mul3A_9 : vector<16xi32>
    %max3A_2831 = arith.constant 0 : i32
    %max3A_2832 = vector.broadcast %max3A_2831 : i32 to vector<16xi32>
    %max3A_2833 = arith.maxsi %add3A_2830, %max3A_2832 : vector<16xi32>
    %min3A_2834 = arith.constant 799999 : i32
    %min3A_2835 = vector.broadcast %min3A_2834 : i32 to vector<16xi32>
    %min3A_2836 = arith.minsi %max3A_2833, %min3A_2835 : vector<16xi32>
    %swap3A_2837 = arith.constant 15 : i32
    %swap3A_2838 = arith.index_cast %swap3A_2837 : i32 to index
    %swap3A_2839 = arith.constant 48 : index
    %swap3A_2840 = tpu.vector_load %arg5[%swap3A_2838, %swap3A_2839] {strides = array<i32>} : memref<16x128xi32, #tpu.memory_space<vmem>>, vector<1x16xi32>,
    %swap3A_2841 = vector.shape_cast %swap3A_2840 : vector<1x16xi32> to vector<16xi32>
    %swap3A_2842 = vector.shape_cast %min3A_2836 : vector<16xi32> to vector<1x16xi32>
    tpu.vector_store %arg5[%swap3A_2838, %swap3A_2839], %swap3A_2842 {strides = array<i32>} : memref<16x128xi32, #tpu.memory_space<vmem>>, vector<1x16xi32>,
    %get3A_2843 = arith.constant 15 : i32
    %get3A_2844 = arith.index_cast %get3A_2843 : i32 to index
    %get3A_2845 = arith.constant 64 : index
    %get3A_2846 = tpu.vector_load %arg5[%get3A_2844, %get3A_2845] {strides = array<i32>} : memref<16x128xi32, #tpu.memory_space<vmem>>, vector<1x16xi32>,
    %get3A_2847 = vector.shape_cast %get3A_2846 : vector<1x16xi32> to vector<16xi32>
    %add3A_2848 = arith.addi %get3A_2847, %mul3A_9 : vector<16xi32>
    %max3A_2849 = arith.constant 0 : i32
    %max3A_2850 = vector.broadcast %max3A_2849 : i32 to vector<16xi32>
    %max3A_2851 = arith.maxsi %add3A_2848, %max3A_2850 : vector<16xi32>
    %min3A_2852 = arith.constant 799999 : i32
    %min3A_2853 = vector.broadcast %min3A_2852 : i32 to vector<16xi32>
    %min3A_2854 = arith.minsi %max3A_2851, %min3A_2853 : vector<16xi32>
    %swap3A_2855 = arith.constant 15 : i32
    %swap3A_2856 = arith.index_cast %swap3A_2855 : i32 to index
    %swap3A_2857 = arith.constant 64 : index
    %swap3A_2858 = tpu.vector_load %arg5[%swap3A_2856, %swap3A_2857] {strides = array<i32>} : memref<16x128xi32, #tpu.memory_space<vmem>>, vector<1x16xi32>,
    %swap3A_2859 = vector.shape_cast %swap3A_2858 : vector<1x16xi32> to vector<16xi32>
    %swap3A_2860 = vector.shape_cast %min3A_2854 : vector<16xi32> to vector<1x16xi32>
    tpu.vector_store %arg5[%swap3A_2856, %swap3A_2857], %swap3A_2860 {strides = array<i32>} : memref<16x128xi32, #tpu.memory_space<vmem>>, vector<1x16xi32>,
    %get3A_2861 = arith.constant 15 : i32
    %get3A_2862 = arith.index_cast %get3A_2861 : i32 to index
    %get3A_2863 = arith.constant 80 : index
    %get3A_2864 = tpu.vector_load %arg5[%get3A_2862, %get3A_2863] {strides = array<i32>} : memref<16x128xi32, #tpu.memory_space<vmem>>, vector<1x16xi32>,
    %get3A_2865 = vector.shape_cast %get3A_2864 : vector<1x16xi32> to vector<16xi32>
    %add3A_2866 = arith.addi %get3A_2865, %mul3A_9 : vector<16xi32>
    %max3A_2867 = arith.constant 0 : i32
    %max3A_2868 = vector.broadcast %max3A_2867 : i32 to vector<16xi32>
    %max3A_2869 = arith.maxsi %add3A_2866, %max3A_2868 : vector<16xi32>
    %min3A_2870 = arith.constant 799999 : i32
    %min3A_2871 = vector.broadcast %min3A_2870 : i32 to vector<16xi32>
    %min3A_2872 = arith.minsi %max3A_2869, %min3A_2871 : vector<16xi32>
    %swap3A_2873 = arith.constant 15 : i32
    %swap3A_2874 = arith.index_cast %swap3A_2873 : i32 to index
    %swap3A_2875 = arith.constant 80 : index
    %swap3A_2876 = tpu.vector_load %arg5[%swap3A_2874, %swap3A_2875] {strides = array<i32>} : memref<16x128xi32, #tpu.memory_space<vmem>>, vector<1x16xi32>,
    %swap3A_2877 = vector.shape_cast %swap3A_2876 : vector<1x16xi32> to vector<16xi32>
    %swap3A_2878 = vector.shape_cast %min3A_2872 : vector<16xi32> to vector<1x16xi32>
    tpu.vector_store %arg5[%swap3A_2874, %swap3A_2875], %swap3A_2878 {strides = array<i32>} : memref<16x128xi32, #tpu.memory_space<vmem>>, vector<1x16xi32>,
    %get3A_2879 = arith.constant 15 : i32
    %get3A_2880 = arith.index_cast %get3A_2879 : i32 to index
    %get3A_2881 = arith.constant 96 : index
    %get3A_2882 = tpu.vector_load %arg5[%get3A_2880, %get3A_2881] {strides = array<i32>} : memref<16x128xi32, #tpu.memory_space<vmem>>, vector<1x16xi32>,
    %get3A_2883 = vector.shape_cast %get3A_2882 : vector<1x16xi32> to vector<16xi32>
    %add3A_2884 = arith.addi %get3A_2883, %mul3A_9 : vector<16xi32>
    %max3A_2885 = arith.constant 0 : i32
    %max3A_2886 = vector.broadcast %max3A_2885 : i32 to vector<16xi32>
    %max3A_2887 = arith.maxsi %add3A_2884, %max3A_2886 : vector<16xi32>
    %min3A_2888 = arith.constant 799999 : i32
    %min3A_2889 = vector.broadcast %min3A_2888 : i32 to vector<16xi32>
    %min3A_2890 = arith.minsi %max3A_2887, %min3A_2889 : vector<16xi32>
    %swap3A_2891 = arith.constant 15 : i32
    %swap3A_2892 = arith.index_cast %swap3A_2891 : i32 to index
    %swap3A_2893 = arith.constant 96 : index
    %swap3A_2894 = tpu.vector_load %arg5[%swap3A_2892, %swap3A_2893] {strides = array<i32>} : memref<16x128xi32, #tpu.memory_space<vmem>>, vector<1x16xi32>,
    %swap3A_2895 = vector.shape_cast %swap3A_2894 : vector<1x16xi32> to vector<16xi32>
    %swap3A_2896 = vector.shape_cast %min3A_2890 : vector<16xi32> to vector<1x16xi32>
    tpu.vector_store %arg5[%swap3A_2892, %swap3A_2893], %swap3A_2896 {strides = array<i32>} : memref<16x128xi32, #tpu.memory_space<vmem>>, vector<1x16xi32>,
    %get3A_2897 = arith.constant 15 : i32
    %get3A_2898 = arith.index_cast %get3A_2897 : i32 to index
    %get3A_2899 = arith.constant 112 : index
    %get3A_2900 = tpu.vector_load %arg5[%get3A_2898, %get3A_2899] {strides = array<i32>} : memref<16x128xi32, #tpu.memory_space<vmem>>, vector<1x16xi32>,
    %get3A_2901 = vector.shape_cast %get3A_2900 : vector<1x16xi32> to vector<16xi32>
    %add3A_2902 = arith.addi %get3A_2901, %mul3A_9 : vector<16xi32>
    %max3A_2903 = arith.constant 0 : i32
    %max3A_2904 = vector.broadcast %max3A_2903 : i32 to vector<16xi32>
    %max3A_2905 = arith.maxsi %add3A_2902, %max3A_2904 : vector<16xi32>
    %min3A_2906 = arith.constant 799999 : i32
    %min3A_2907 = vector.broadcast %min3A_2906 : i32 to vector<16xi32>
    %min3A_2908 = arith.minsi %max3A_2905, %min3A_2907 : vector<16xi32>
    %swap3A_2909 = arith.constant 15 : i32
    %swap3A_2910 = arith.index_cast %swap3A_2909 : i32 to index
    %swap3A_2911 = arith.constant 112 : index
    %swap3A_2912 = tpu.vector_load %arg5[%swap3A_2910, %swap3A_2911] {strides = array<i32>} : memref<16x128xi32, #tpu.memory_space<vmem>>, vector<1x16xi32>,
    %swap3A_2913 = vector.shape_cast %swap3A_2912 : vector<1x16xi32> to vector<16xi32>
    %swap3A_2914 = vector.shape_cast %min3A_2908 : vector<16xi32> to vector<1x16xi32>
    tpu.vector_store %arg5[%swap3A_2910, %swap3A_2911], %swap3A_2914 {strides = array<i32>} : memref<16x128xi32, #tpu.memory_space<vmem>>, vector<1x16xi32>,
    %dma_start3A_2915 = arith.constant 15 : i32
    %dma_start3A_2916 = arith.constant 3 : i32
    %dma_start3A_2917 = arith.constant 0 : i32
    %dma_start3A_2918 = arith.constant 0 : i32
    %dma_start3A_2919 = tpu.memref_slice %arg6[%dma_start3A_2916, %dma_start3A_2917, %dma_start3A_2918] : memref<6x128x128xf32, #tpu.memory_space<vmem>> -> memref<1x128x128xf32, #tpu.memory_space<vmem>>
    %dma_start3A_2920 = tpu.memref_squeeze %dma_start3A_2919 : memref<1x128x128xf32, #tpu.memory_space<vmem>> -> memref<128x128xf32, #tpu.memory_space<vmem>>
    %dma_start3A_2921 = arith.constant 0 : i32
    %dma_start3A_2922 = tpu.memref_slice %arg5[%dma_start3A_2915, %dma_start3A_2921] : memref<16x128xi32, #tpu.memory_space<vmem>> -> memref<1x128xi32, #tpu.memory_space<vmem>>
    %dma_start3A_2923 = tpu.memref_squeeze %dma_start3A_2922 : memref<1x128xi32, #tpu.memory_space<vmem>> -> memref<128xi32, #tpu.memory_space<vmem>>
    %dma_start3A_2924 = arith.constant 0 : i32
    %dma_start3A_2925 = arith.constant 0 : i32
    %dma_start3A_2926 = tpu.memref_slice %arg3[%dma_start3A_2924, %dma_start3A_2925] : memref<800000x128xf32, #tpu.memory_space<hbm>> -> memref<800000x128xf32, #tpu.memory_space<hbm>>
    tpu.enqueue_indirect_dma source(%dma_start3A_2926 : memref<800000x128xf32, #tpu.memory_space<hbm>>) target(%dma_start3A_2920 : memref<128x128xf32, #tpu.memory_space<vmem>>) offsets(%dma_start3A_2923 : memref<128xi32, #tpu.memory_space<vmem>>) semaphore(%arg10 : memref<!tpu.dma_semaphore, #tpu.memory_space<semaphore_mem>>)
    %dma_wait3A_2927 = arith.constant 11 : i32
    %dma_wait3A_2928 = arith.constant 5 : i32
    %dma_wait3A_2929 = arith.constant 0 : i32
    %dma_wait3A_2930 = arith.constant 0 : i32
    %dma_wait3A_2931 = tpu.memref_slice %arg6[%dma_wait3A_2928, %dma_wait3A_2929, %dma_wait3A_2930] : memref<6x128x128xf32, #tpu.memory_space<vmem>> -> memref<1x128x128xf32, #tpu.memory_space<vmem>>
    %dma_wait3A_2932 = tpu.memref_squeeze %dma_wait3A_2931 : memref<1x128x128xf32, #tpu.memory_space<vmem>> -> memref<128x128xf32, #tpu.memory_space<vmem>>
    %dma_wait3A_2933 = arith.constant 0 : i32
    %dma_wait3A_2934 = tpu.memref_slice %arg5[%dma_wait3A_2927, %dma_wait3A_2933] : memref<16x128xi32, #tpu.memory_space<vmem>> -> memref<1x128xi32, #tpu.memory_space<vmem>>
    %dma_wait3A_2935 = tpu.memref_squeeze %dma_wait3A_2934 : memref<1x128xi32, #tpu.memory_space<vmem>> -> memref<128xi32, #tpu.memory_space<vmem>>
    %dma_wait3A_2936 = arith.constant 0 : i32
    %dma_wait3A_2937 = arith.constant 0 : i32
    %dma_wait3A_2938 = tpu.memref_slice %arg3[%dma_wait3A_2936, %dma_wait3A_2937] : memref<800000x128xf32, #tpu.memory_space<hbm>> -> memref<800000x128xf32, #tpu.memory_space<hbm>>
    tpu.wait_indirect_dma semaphore(%arg12 : memref<!tpu.dma_semaphore, #tpu.memory_space<semaphore_mem>>) src(%dma_wait3A_2938 : memref<800000x128xf32, #tpu.memory_space<hbm>>) dst(%dma_wait3A_2932 : memref<128x128xf32, #tpu.memory_space<vmem>>)
    %add3A_2939 = arith.constant 1408 : i32
    %add3A_2940 = arith.addi %mul3A_2, %add3A_2939 : i32
    %dma_start3A_2941 = arith.constant 5 : i32
    %dma_start3A_2942 = arith.constant 0 : i32
    %dma_start3A_2943 = arith.constant 0 : i32
    %dma_start3A_2944 = tpu.memref_slice %arg6[%dma_start3A_2941, %dma_start3A_2942, %dma_start3A_2943] : memref<6x128x128xf32, #tpu.memory_space<vmem>> -> memref<1x128x128xf32, #tpu.memory_space<vmem>>
    %dma_start3A_2945 = tpu.memref_squeeze %dma_start3A_2944 : memref<1x128x128xf32, #tpu.memory_space<vmem>> -> memref<128x128xf32, #tpu.memory_space<vmem>>
    %dma_start3A_2946 = arith.constant 0 : i32
    %dma_start3A_2947 = tpu.memref_slice %arg4[%add3A_2940, %dma_start3A_2946] : memref<65536x128xf32, #tpu.memory_space<hbm>> -> memref<128x128xf32, #tpu.memory_space<hbm>>
    %dma_start3A_2948 = arith.constant 0 : i32
    %dma_start3A_2949 = tpu.memref_slice %arg4[%add3A_2940, %dma_start3A_2948] : memref<65536x128xf32, #tpu.memory_space<hbm>> -> memref<128x128xf32, #tpu.memory_space<hbm>>
    %dma_start3A_2950 = arith.constant 0 : i32
    %dma_start3A_2951 = arith.constant 0 : i32
    %dma_start3A_2952 = tpu.memref_slice %arg6[%dma_start3A_2941, %dma_start3A_2950, %dma_start3A_2951] : memref<6x128x128xf32, #tpu.memory_space<vmem>> -> memref<1x128x128xf32, #tpu.memory_space<vmem>>
    %dma_start3A_2953 = tpu.memref_squeeze %dma_start3A_2952 : memref<1x128x128xf32, #tpu.memory_space<vmem>> -> memref<128x128xf32, #tpu.memory_space<vmem>>
    tpu.enqueue_dma source(%dma_start3A_2953 : memref<128x128xf32, #tpu.memory_space<vmem>>) target(%dma_start3A_2949 : memref<128x128xf32, #tpu.memory_space<hbm>>) target_semaphore(%arg12 : memref<!tpu.dma_semaphore, #tpu.memory_space<semaphore_mem>>)
    %dma_wait3A_2954 = arith.constant 12 : i32
    %dma_wait3A_2955 = arith.constant 0 : i32
    %dma_wait3A_2956 = arith.constant 0 : i32
    %dma_wait3A_2957 = arith.constant 0 : i32
    %dma_wait3A_2958 = tpu.memref_slice %arg6[%dma_wait3A_2955, %dma_wait3A_2956, %dma_wait3A_2957] : memref<6x128x128xf32, #tpu.memory_space<vmem>> -> memref<1x128x128xf32, #tpu.memory_space<vmem>>
    %dma_wait3A_2959 = tpu.memref_squeeze %dma_wait3A_2958 : memref<1x128x128xf32, #tpu.memory_space<vmem>> -> memref<128x128xf32, #tpu.memory_space<vmem>>
    %dma_wait3A_2960 = arith.constant 0 : i32
    %dma_wait3A_2961 = tpu.memref_slice %arg5[%dma_wait3A_2954, %dma_wait3A_2960] : memref<16x128xi32, #tpu.memory_space<vmem>> -> memref<1x128xi32, #tpu.memory_space<vmem>>
    %dma_wait3A_2962 = tpu.memref_squeeze %dma_wait3A_2961 : memref<1x128xi32, #tpu.memory_space<vmem>> -> memref<128xi32, #tpu.memory_space<vmem>>
    %dma_wait3A_2963 = arith.constant 0 : i32
    %dma_wait3A_2964 = arith.constant 0 : i32
    %dma_wait3A_2965 = tpu.memref_slice %arg3[%dma_wait3A_2963, %dma_wait3A_2964] : memref<800000x128xf32, #tpu.memory_space<hbm>> -> memref<800000x128xf32, #tpu.memory_space<hbm>>
    tpu.wait_indirect_dma semaphore(%arg7 : memref<!tpu.dma_semaphore, #tpu.memory_space<semaphore_mem>>) src(%dma_wait3A_2965 : memref<800000x128xf32, #tpu.memory_space<hbm>>) dst(%dma_wait3A_2959 : memref<128x128xf32, #tpu.memory_space<vmem>>)
    %add3A_2966 = arith.constant 1536 : i32
    %add3A_2967 = arith.addi %mul3A_2, %add3A_2966 : i32
    %dma_start3A_2968 = arith.constant 0 : i32
    %dma_start3A_2969 = arith.constant 0 : i32
    %dma_start3A_2970 = arith.constant 0 : i32
    %dma_start3A_2971 = tpu.memref_slice %arg6[%dma_start3A_2968, %dma_start3A_2969, %dma_start3A_2970] : memref<6x128x128xf32, #tpu.memory_space<vmem>> -> memref<1x128x128xf32, #tpu.memory_space<vmem>>
    %dma_start3A_2972 = tpu.memref_squeeze %dma_start3A_2971 : memref<1x128x128xf32, #tpu.memory_space<vmem>> -> memref<128x128xf32, #tpu.memory_space<vmem>>
    %dma_start3A_2973 = arith.constant 0 : i32
    %dma_start3A_2974 = tpu.memref_slice %arg4[%add3A_2967, %dma_start3A_2973] : memref<65536x128xf32, #tpu.memory_space<hbm>> -> memref<128x128xf32, #tpu.memory_space<hbm>>
    %dma_start3A_2975 = arith.constant 0 : i32
    %dma_start3A_2976 = tpu.memref_slice %arg4[%add3A_2967, %dma_start3A_2975] : memref<65536x128xf32, #tpu.memory_space<hbm>> -> memref<128x128xf32, #tpu.memory_space<hbm>>
    %dma_start3A_2977 = arith.constant 0 : i32
    %dma_start3A_2978 = arith.constant 0 : i32
    %dma_start3A_2979 = tpu.memref_slice %arg6[%dma_start3A_2968, %dma_start3A_2977, %dma_start3A_2978] : memref<6x128x128xf32, #tpu.memory_space<vmem>> -> memref<1x128x128xf32, #tpu.memory_space<vmem>>
    %dma_start3A_2980 = tpu.memref_squeeze %dma_start3A_2979 : memref<1x128x128xf32, #tpu.memory_space<vmem>> -> memref<128x128xf32, #tpu.memory_space<vmem>>
    tpu.enqueue_dma source(%dma_start3A_2980 : memref<128x128xf32, #tpu.memory_space<vmem>>) target(%dma_start3A_2976 : memref<128x128xf32, #tpu.memory_space<hbm>>) target_semaphore(%arg7 : memref<!tpu.dma_semaphore, #tpu.memory_space<semaphore_mem>>)
    %dma_wait3A_2981 = arith.constant 13 : i32
    %dma_wait3A_2982 = arith.constant 1 : i32
    %dma_wait3A_2983 = arith.constant 0 : i32
    %dma_wait3A_2984 = arith.constant 0 : i32
    %dma_wait3A_2985 = tpu.memref_slice %arg6[%dma_wait3A_2982, %dma_wait3A_2983, %dma_wait3A_2984] : memref<6x128x128xf32, #tpu.memory_space<vmem>> -> memref<1x128x128xf32, #tpu.memory_space<vmem>>
    %dma_wait3A_2986 = tpu.memref_squeeze %dma_wait3A_2985 : memref<1x128x128xf32, #tpu.memory_space<vmem>> -> memref<128x128xf32, #tpu.memory_space<vmem>>
    %dma_wait3A_2987 = arith.constant 0 : i32
    %dma_wait3A_2988 = tpu.memref_slice %arg5[%dma_wait3A_2981, %dma_wait3A_2987] : memref<16x128xi32, #tpu.memory_space<vmem>> -> memref<1x128xi32, #tpu.memory_space<vmem>>
    %dma_wait3A_2989 = tpu.memref_squeeze %dma_wait3A_2988 : memref<1x128xi32, #tpu.memory_space<vmem>> -> memref<128xi32, #tpu.memory_space<vmem>>
    %dma_wait3A_2990 = arith.constant 0 : i32
    %dma_wait3A_2991 = arith.constant 0 : i32
    %dma_wait3A_2992 = tpu.memref_slice %arg3[%dma_wait3A_2990, %dma_wait3A_2991] : memref<800000x128xf32, #tpu.memory_space<hbm>> -> memref<800000x128xf32, #tpu.memory_space<hbm>>
    tpu.wait_indirect_dma semaphore(%arg8 : memref<!tpu.dma_semaphore, #tpu.memory_space<semaphore_mem>>) src(%dma_wait3A_2992 : memref<800000x128xf32, #tpu.memory_space<hbm>>) dst(%dma_wait3A_2986 : memref<128x128xf32, #tpu.memory_space<vmem>>)
    %add3A_2993 = arith.constant 1664 : i32
    %add3A_2994 = arith.addi %mul3A_2, %add3A_2993 : i32
    %dma_start3A_2995 = arith.constant 1 : i32
    %dma_start3A_2996 = arith.constant 0 : i32
    %dma_start3A_2997 = arith.constant 0 : i32
    %dma_start3A_2998 = tpu.memref_slice %arg6[%dma_start3A_2995, %dma_start3A_2996, %dma_start3A_2997] : memref<6x128x128xf32, #tpu.memory_space<vmem>> -> memref<1x128x128xf32, #tpu.memory_space<vmem>>
    %dma_start3A_2999 = tpu.memref_squeeze %dma_start3A_2998 : memref<1x128x128xf32, #tpu.memory_space<vmem>> -> memref<128x128xf32, #tpu.memory_space<vmem>>
    %dma_start3A_3000 = arith.constant 0 : i32
    %dma_start3A_3001 = tpu.memref_slice %arg4[%add3A_2994, %dma_start3A_3000] : memref<65536x128xf32, #tpu.memory_space<hbm>> -> memref<128x128xf32, #tpu.memory_space<hbm>>
    %dma_start3A_3002 = arith.constant 0 : i32
    %dma_start3A_3003 = tpu.memref_slice %arg4[%add3A_2994, %dma_start3A_3002] : memref<65536x128xf32, #tpu.memory_space<hbm>> -> memref<128x128xf32, #tpu.memory_space<hbm>>
    %dma_start3A_3004 = arith.constant 0 : i32
    %dma_start3A_3005 = arith.constant 0 : i32
    %dma_start3A_3006 = tpu.memref_slice %arg6[%dma_start3A_2995, %dma_start3A_3004, %dma_start3A_3005] : memref<6x128x128xf32, #tpu.memory_space<vmem>> -> memref<1x128x128xf32, #tpu.memory_space<vmem>>
    %dma_start3A_3007 = tpu.memref_squeeze %dma_start3A_3006 : memref<1x128x128xf32, #tpu.memory_space<vmem>> -> memref<128x128xf32, #tpu.memory_space<vmem>>
    tpu.enqueue_dma source(%dma_start3A_3007 : memref<128x128xf32, #tpu.memory_space<vmem>>) target(%dma_start3A_3003 : memref<128x128xf32, #tpu.memory_space<hbm>>) target_semaphore(%arg8 : memref<!tpu.dma_semaphore, #tpu.memory_space<semaphore_mem>>)
    %dma_wait3A_3008 = arith.constant 14 : i32
    %dma_wait3A_3009 = arith.constant 2 : i32
    %dma_wait3A_3010 = arith.constant 0 : i32
    %dma_wait3A_3011 = arith.constant 0 : i32
    %dma_wait3A_3012 = tpu.memref_slice %arg6[%dma_wait3A_3009, %dma_wait3A_3010, %dma_wait3A_3011] : memref<6x128x128xf32, #tpu.memory_space<vmem>> -> memref<1x128x128xf32, #tpu.memory_space<vmem>>
    %dma_wait3A_3013 = tpu.memref_squeeze %dma_wait3A_3012 : memref<1x128x128xf32, #tpu.memory_space<vmem>> -> memref<128x128xf32, #tpu.memory_space<vmem>>
    %dma_wait3A_3014 = arith.constant 0 : i32
    %dma_wait3A_3015 = tpu.memref_slice %arg5[%dma_wait3A_3008, %dma_wait3A_3014] : memref<16x128xi32, #tpu.memory_space<vmem>> -> memref<1x128xi32, #tpu.memory_space<vmem>>
    %dma_wait3A_3016 = tpu.memref_squeeze %dma_wait3A_3015 : memref<1x128xi32, #tpu.memory_space<vmem>> -> memref<128xi32, #tpu.memory_space<vmem>>
    %dma_wait3A_3017 = arith.constant 0 : i32
    %dma_wait3A_3018 = arith.constant 0 : i32
    %dma_wait3A_3019 = tpu.memref_slice %arg3[%dma_wait3A_3017, %dma_wait3A_3018] : memref<800000x128xf32, #tpu.memory_space<hbm>> -> memref<800000x128xf32, #tpu.memory_space<hbm>>
    tpu.wait_indirect_dma semaphore(%arg9 : memref<!tpu.dma_semaphore, #tpu.memory_space<semaphore_mem>>) src(%dma_wait3A_3019 : memref<800000x128xf32, #tpu.memory_space<hbm>>) dst(%dma_wait3A_3013 : memref<128x128xf32, #tpu.memory_space<vmem>>)
    %add3A_3020 = arith.constant 1792 : i32
    %add3A_3021 = arith.addi %mul3A_2, %add3A_3020 : i32
    %dma_start3A_3022 = arith.constant 2 : i32
    %dma_start3A_3023 = arith.constant 0 : i32
    %dma_start3A_3024 = arith.constant 0 : i32
    %dma_start3A_3025 = tpu.memref_slice %arg6[%dma_start3A_3022, %dma_start3A_3023, %dma_start3A_3024] : memref<6x128x128xf32, #tpu.memory_space<vmem>> -> memref<1x128x128xf32, #tpu.memory_space<vmem>>
    %dma_start3A_3026 = tpu.memref_squeeze %dma_start3A_3025 : memref<1x128x128xf32, #tpu.memory_space<vmem>> -> memref<128x128xf32, #tpu.memory_space<vmem>>
    %dma_start3A_3027 = arith.constant 0 : i32
    %dma_start3A_3028 = tpu.memref_slice %arg4[%add3A_3021, %dma_start3A_3027] : memref<65536x128xf32, #tpu.memory_space<hbm>> -> memref<128x128xf32, #tpu.memory_space<hbm>>
    %dma_start3A_3029 = arith.constant 0 : i32
    %dma_start3A_3030 = tpu.memref_slice %arg4[%add3A_3021, %dma_start3A_3029] : memref<65536x128xf32, #tpu.memory_space<hbm>> -> memref<128x128xf32, #tpu.memory_space<hbm>>
    %dma_start3A_3031 = arith.constant 0 : i32
    %dma_start3A_3032 = arith.constant 0 : i32
    %dma_start3A_3033 = tpu.memref_slice %arg6[%dma_start3A_3022, %dma_start3A_3031, %dma_start3A_3032] : memref<6x128x128xf32, #tpu.memory_space<vmem>> -> memref<1x128x128xf32, #tpu.memory_space<vmem>>
    %dma_start3A_3034 = tpu.memref_squeeze %dma_start3A_3033 : memref<1x128x128xf32, #tpu.memory_space<vmem>> -> memref<128x128xf32, #tpu.memory_space<vmem>>
    tpu.enqueue_dma source(%dma_start3A_3034 : memref<128x128xf32, #tpu.memory_space<vmem>>) target(%dma_start3A_3030 : memref<128x128xf32, #tpu.memory_space<hbm>>) target_semaphore(%arg9 : memref<!tpu.dma_semaphore, #tpu.memory_space<semaphore_mem>>)
    %dma_wait3A_3035 = arith.constant 15 : i32
    %dma_wait3A_3036 = arith.constant 3 : i32
    %dma_wait3A_3037 = arith.constant 0 : i32
    %dma_wait3A_3038 = arith.constant 0 : i32
    %dma_wait3A_3039 = tpu.memref_slice %arg6[%dma_wait3A_3036, %dma_wait3A_3037, %dma_wait3A_3038] : memref<6x128x128xf32, #tpu.memory_space<vmem>> -> memref<1x128x128xf32, #tpu.memory_space<vmem>>
    %dma_wait3A_3040 = tpu.memref_squeeze %dma_wait3A_3039 : memref<1x128x128xf32, #tpu.memory_space<vmem>> -> memref<128x128xf32, #tpu.memory_space<vmem>>
    %dma_wait3A_3041 = arith.constant 0 : i32
    %dma_wait3A_3042 = tpu.memref_slice %arg5[%dma_wait3A_3035, %dma_wait3A_3041] : memref<16x128xi32, #tpu.memory_space<vmem>> -> memref<1x128xi32, #tpu.memory_space<vmem>>
    %dma_wait3A_3043 = tpu.memref_squeeze %dma_wait3A_3042 : memref<1x128xi32, #tpu.memory_space<vmem>> -> memref<128xi32, #tpu.memory_space<vmem>>
    %dma_wait3A_3044 = arith.constant 0 : i32
    %dma_wait3A_3045 = arith.constant 0 : i32
    %dma_wait3A_3046 = tpu.memref_slice %arg3[%dma_wait3A_3044, %dma_wait3A_3045] : memref<800000x128xf32, #tpu.memory_space<hbm>> -> memref<800000x128xf32, #tpu.memory_space<hbm>>
    tpu.wait_indirect_dma semaphore(%arg10 : memref<!tpu.dma_semaphore, #tpu.memory_space<semaphore_mem>>) src(%dma_wait3A_3046 : memref<800000x128xf32, #tpu.memory_space<hbm>>) dst(%dma_wait3A_3040 : memref<128x128xf32, #tpu.memory_space<vmem>>)
    %add3A_3047 = arith.constant 1920 : i32
    %add3A_3048 = arith.addi %mul3A_2, %add3A_3047 : i32
    %dma_start3A_3049 = arith.constant 3 : i32
    %dma_start3A_3050 = arith.constant 0 : i32
    %dma_start3A_3051 = arith.constant 0 : i32
    %dma_start3A_3052 = tpu.memref_slice %arg6[%dma_start3A_3049, %dma_start3A_3050, %dma_start3A_3051] : memref<6x128x128xf32, #tpu.memory_space<vmem>> -> memref<1x128x128xf32, #tpu.memory_space<vmem>>
    %dma_start3A_3053 = tpu.memref_squeeze %dma_start3A_3052 : memref<1x128x128xf32, #tpu.memory_space<vmem>> -> memref<128x128xf32, #tpu.memory_space<vmem>>
    %dma_start3A_3054 = arith.constant 0 : i32
    %dma_start3A_3055 = tpu.memref_slice %arg4[%add3A_3048, %dma_start3A_3054] : memref<65536x128xf32, #tpu.memory_space<hbm>> -> memref<128x128xf32, #tpu.memory_space<hbm>>
    %dma_start3A_3056 = arith.constant 0 : i32
    %dma_start3A_3057 = tpu.memref_slice %arg4[%add3A_3048, %dma_start3A_3056] : memref<65536x128xf32, #tpu.memory_space<hbm>> -> memref<128x128xf32, #tpu.memory_space<hbm>>
    %dma_start3A_3058 = arith.constant 0 : i32
    %dma_start3A_3059 = arith.constant 0 : i32
    %dma_start3A_3060 = tpu.memref_slice %arg6[%dma_start3A_3049, %dma_start3A_3058, %dma_start3A_3059] : memref<6x128x128xf32, #tpu.memory_space<vmem>> -> memref<1x128x128xf32, #tpu.memory_space<vmem>>
    %dma_start3A_3061 = tpu.memref_squeeze %dma_start3A_3060 : memref<1x128x128xf32, #tpu.memory_space<vmem>> -> memref<128x128xf32, #tpu.memory_space<vmem>>
    tpu.enqueue_dma source(%dma_start3A_3061 : memref<128x128xf32, #tpu.memory_space<vmem>>) target(%dma_start3A_3057 : memref<128x128xf32, #tpu.memory_space<hbm>>) target_semaphore(%arg10 : memref<!tpu.dma_semaphore, #tpu.memory_space<semaphore_mem>>)
    %dma_wait3A_3062 = arith.constant 4 : i32
    %dma_wait3A_3063 = arith.constant 0 : i32
    %dma_wait3A_3064 = arith.constant 0 : i32
    %dma_wait3A_3065 = tpu.memref_slice %arg6[%dma_wait3A_3062, %dma_wait3A_3063, %dma_wait3A_3064] : memref<6x128x128xf32, #tpu.memory_space<vmem>> -> memref<1x128x128xf32, #tpu.memory_space<vmem>>
    %dma_wait3A_3066 = tpu.memref_squeeze %dma_wait3A_3065 : memref<1x128x128xf32, #tpu.memory_space<vmem>> -> memref<128x128xf32, #tpu.memory_space<vmem>>
    %dma_wait3A_3067 = arith.constant 0 : i32
    %dma_wait3A_3068 = tpu.memref_slice %arg4[%add3A_2744, %dma_wait3A_3067] : memref<65536x128xf32, #tpu.memory_space<hbm>> -> memref<128x128xf32, #tpu.memory_space<hbm>>
    %dma_wait3A_3069 = arith.constant 0 : i32
    %dma_wait3A_3070 = tpu.memref_slice %arg4[%add3A_2744, %dma_wait3A_3069] : memref<65536x128xf32, #tpu.memory_space<hbm>> -> memref<128x128xf32, #tpu.memory_space<hbm>>
    %dma_wait3A_3071 = arith.constant 0 : i32
    %dma_wait3A_3072 = arith.constant 0 : i32
    %dma_wait3A_3073 = tpu.memref_slice %arg6[%dma_wait3A_3062, %dma_wait3A_3071, %dma_wait3A_3072] : memref<6x128x128xf32, #tpu.memory_space<vmem>> -> memref<1x128x128xf32, #tpu.memory_space<vmem>>
    %dma_wait3A_3074 = tpu.memref_squeeze %dma_wait3A_3073 : memref<1x128x128xf32, #tpu.memory_space<vmem>> -> memref<128x128xf32, #tpu.memory_space<vmem>>
    tpu.wait_dma2 semaphore(%arg11 : memref<!tpu.dma_semaphore, #tpu.memory_space<semaphore_mem>>) src(%dma_wait3A_3074 : memref<128x128xf32, #tpu.memory_space<vmem>>) dst(%dma_wait3A_3070 : memref<128x128xf32, #tpu.memory_space<hbm>>)
    %dma_wait3A_3075 = arith.constant 5 : i32
    %dma_wait3A_3076 = arith.constant 0 : i32
    %dma_wait3A_3077 = arith.constant 0 : i32
    %dma_wait3A_3078 = tpu.memref_slice %arg6[%dma_wait3A_3075, %dma_wait3A_3076, %dma_wait3A_3077] : memref<6x128x128xf32, #tpu.memory_space<vmem>> -> memref<1x128x128xf32, #tpu.memory_space<vmem>>
    %dma_wait3A_3079 = tpu.memref_squeeze %dma_wait3A_3078 : memref<1x128x128xf32, #tpu.memory_space<vmem>> -> memref<128x128xf32, #tpu.memory_space<vmem>>
    %dma_wait3A_3080 = arith.constant 0 : i32
    %dma_wait3A_3081 = tpu.memref_slice %arg4[%add3A_2940, %dma_wait3A_3080] : memref<65536x128xf32, #tpu.memory_space<hbm>> -> memref<128x128xf32, #tpu.memory_space<hbm>>
    %dma_wait3A_3082 = arith.constant 0 : i32
    %dma_wait3A_3083 = tpu.memref_slice %arg4[%add3A_2940, %dma_wait3A_3082] : memref<65536x128xf32, #tpu.memory_space<hbm>> -> memref<128x128xf32, #tpu.memory_space<hbm>>
    %dma_wait3A_3084 = arith.constant 0 : i32
    %dma_wait3A_3085 = arith.constant 0 : i32
    %dma_wait3A_3086 = tpu.memref_slice %arg6[%dma_wait3A_3075, %dma_wait3A_3084, %dma_wait3A_3085] : memref<6x128x128xf32, #tpu.memory_space<vmem>> -> memref<1x128x128xf32, #tpu.memory_space<vmem>>
    %dma_wait3A_3087 = tpu.memref_squeeze %dma_wait3A_3086 : memref<1x128x128xf32, #tpu.memory_space<vmem>> -> memref<128x128xf32, #tpu.memory_space<vmem>>
    tpu.wait_dma2 semaphore(%arg12 : memref<!tpu.dma_semaphore, #tpu.memory_space<semaphore_mem>>) src(%dma_wait3A_3087 : memref<128x128xf32, #tpu.memory_space<vmem>>) dst(%dma_wait3A_3083 : memref<128x128xf32, #tpu.memory_space<hbm>>)
    %dma_wait3A_3088 = arith.constant 0 : i32
    %dma_wait3A_3089 = arith.constant 0 : i32
    %dma_wait3A_3090 = arith.constant 0 : i32
    %dma_wait3A_3091 = tpu.memref_slice %arg6[%dma_wait3A_3088, %dma_wait3A_3089, %dma_wait3A_3090] : memref<6x128x128xf32, #tpu.memory_space<vmem>> -> memref<1x128x128xf32, #tpu.memory_space<vmem>>
    %dma_wait3A_3092 = tpu.memref_squeeze %dma_wait3A_3091 : memref<1x128x128xf32, #tpu.memory_space<vmem>> -> memref<128x128xf32, #tpu.memory_space<vmem>>
    %dma_wait3A_3093 = arith.constant 0 : i32
    %dma_wait3A_3094 = tpu.memref_slice %arg4[%add3A_2967, %dma_wait3A_3093] : memref<65536x128xf32, #tpu.memory_space<hbm>> -> memref<128x128xf32, #tpu.memory_space<hbm>>
    %dma_wait3A_3095 = arith.constant 0 : i32
    %dma_wait3A_3096 = tpu.memref_slice %arg4[%add3A_2967, %dma_wait3A_3095] : memref<65536x128xf32, #tpu.memory_space<hbm>> -> memref<128x128xf32, #tpu.memory_space<hbm>>
    %dma_wait3A_3097 = arith.constant 0 : i32
    %dma_wait3A_3098 = arith.constant 0 : i32
    %dma_wait3A_3099 = tpu.memref_slice %arg6[%dma_wait3A_3088, %dma_wait3A_3097, %dma_wait3A_3098] : memref<6x128x128xf32, #tpu.memory_space<vmem>> -> memref<1x128x128xf32, #tpu.memory_space<vmem>>
    %dma_wait3A_3100 = tpu.memref_squeeze %dma_wait3A_3099 : memref<1x128x128xf32, #tpu.memory_space<vmem>> -> memref<128x128xf32, #tpu.memory_space<vmem>>
    tpu.wait_dma2 semaphore(%arg7 : memref<!tpu.dma_semaphore, #tpu.memory_space<semaphore_mem>>) src(%dma_wait3A_3100 : memref<128x128xf32, #tpu.memory_space<vmem>>) dst(%dma_wait3A_3096 : memref<128x128xf32, #tpu.memory_space<hbm>>)
    %dma_wait3A_3101 = arith.constant 1 : i32
    %dma_wait3A_3102 = arith.constant 0 : i32
    %dma_wait3A_3103 = arith.constant 0 : i32
    %dma_wait3A_3104 = tpu.memref_slice %arg6[%dma_wait3A_3101, %dma_wait3A_3102, %dma_wait3A_3103] : memref<6x128x128xf32, #tpu.memory_space<vmem>> -> memref<1x128x128xf32, #tpu.memory_space<vmem>>
    %dma_wait3A_3105 = tpu.memref_squeeze %dma_wait3A_3104 : memref<1x128x128xf32, #tpu.memory_space<vmem>> -> memref<128x128xf32, #tpu.memory_space<vmem>>
    %dma_wait3A_3106 = arith.constant 0 : i32
    %dma_wait3A_3107 = tpu.memref_slice %arg4[%add3A_2994, %dma_wait3A_3106] : memref<65536x128xf32, #tpu.memory_space<hbm>> -> memref<128x128xf32, #tpu.memory_space<hbm>>
    %dma_wait3A_3108 = arith.constant 0 : i32
    %dma_wait3A_3109 = tpu.memref_slice %arg4[%add3A_2994, %dma_wait3A_3108] : memref<65536x128xf32, #tpu.memory_space<hbm>> -> memref<128x128xf32, #tpu.memory_space<hbm>>
    %dma_wait3A_3110 = arith.constant 0 : i32
    %dma_wait3A_3111 = arith.constant 0 : i32
    %dma_wait3A_3112 = tpu.memref_slice %arg6[%dma_wait3A_3101, %dma_wait3A_3110, %dma_wait3A_3111] : memref<6x128x128xf32, #tpu.memory_space<vmem>> -> memref<1x128x128xf32, #tpu.memory_space<vmem>>
    %dma_wait3A_3113 = tpu.memref_squeeze %dma_wait3A_3112 : memref<1x128x128xf32, #tpu.memory_space<vmem>> -> memref<128x128xf32, #tpu.memory_space<vmem>>
    tpu.wait_dma2 semaphore(%arg8 : memref<!tpu.dma_semaphore, #tpu.memory_space<semaphore_mem>>) src(%dma_wait3A_3113 : memref<128x128xf32, #tpu.memory_space<vmem>>) dst(%dma_wait3A_3109 : memref<128x128xf32, #tpu.memory_space<hbm>>)
    %dma_wait3A_3114 = arith.constant 2 : i32
    %dma_wait3A_3115 = arith.constant 0 : i32
    %dma_wait3A_3116 = arith.constant 0 : i32
    %dma_wait3A_3117 = tpu.memref_slice %arg6[%dma_wait3A_3114, %dma_wait3A_3115, %dma_wait3A_3116] : memref<6x128x128xf32, #tpu.memory_space<vmem>> -> memref<1x128x128xf32, #tpu.memory_space<vmem>>
    %dma_wait3A_3118 = tpu.memref_squeeze %dma_wait3A_3117 : memref<1x128x128xf32, #tpu.memory_space<vmem>> -> memref<128x128xf32, #tpu.memory_space<vmem>>
    %dma_wait3A_3119 = arith.constant 0 : i32
    %dma_wait3A_3120 = tpu.memref_slice %arg4[%add3A_3021, %dma_wait3A_3119] : memref<65536x128xf32, #tpu.memory_space<hbm>> -> memref<128x128xf32, #tpu.memory_space<hbm>>
    %dma_wait3A_3121 = arith.constant 0 : i32
    %dma_wait3A_3122 = tpu.memref_slice %arg4[%add3A_3021, %dma_wait3A_3121] : memref<65536x128xf32, #tpu.memory_space<hbm>> -> memref<128x128xf32, #tpu.memory_space<hbm>>
    %dma_wait3A_3123 = arith.constant 0 : i32
    %dma_wait3A_3124 = arith.constant 0 : i32
    %dma_wait3A_3125 = tpu.memref_slice %arg6[%dma_wait3A_3114, %dma_wait3A_3123, %dma_wait3A_3124] : memref<6x128x128xf32, #tpu.memory_space<vmem>> -> memref<1x128x128xf32, #tpu.memory_space<vmem>>
    %dma_wait3A_3126 = tpu.memref_squeeze %dma_wait3A_3125 : memref<1x128x128xf32, #tpu.memory_space<vmem>> -> memref<128x128xf32, #tpu.memory_space<vmem>>
    tpu.wait_dma2 semaphore(%arg9 : memref<!tpu.dma_semaphore, #tpu.memory_space<semaphore_mem>>) src(%dma_wait3A_3126 : memref<128x128xf32, #tpu.memory_space<vmem>>) dst(%dma_wait3A_3122 : memref<128x128xf32, #tpu.memory_space<hbm>>)
    %dma_wait3A_3127 = arith.constant 3 : i32
    %dma_wait3A_3128 = arith.constant 0 : i32
    %dma_wait3A_3129 = arith.constant 0 : i32
    %dma_wait3A_3130 = tpu.memref_slice %arg6[%dma_wait3A_3127, %dma_wait3A_3128, %dma_wait3A_3129] : memref<6x128x128xf32, #tpu.memory_space<vmem>> -> memref<1x128x128xf32, #tpu.memory_space<vmem>>
    %dma_wait3A_3131 = tpu.memref_squeeze %dma_wait3A_3130 : memref<1x128x128xf32, #tpu.memory_space<vmem>> -> memref<128x128xf32, #tpu.memory_space<vmem>>
    %dma_wait3A_3132 = arith.constant 0 : i32
    %dma_wait3A_3133 = tpu.memref_slice %arg4[%add3A_3048, %dma_wait3A_3132] : memref<65536x128xf32, #tpu.memory_space<hbm>> -> memref<128x128xf32, #tpu.memory_space<hbm>>
    %dma_wait3A_3134 = arith.constant 0 : i32
    %dma_wait3A_3135 = tpu.memref_slice %arg4[%add3A_3048, %dma_wait3A_3134] : memref<65536x128xf32, #tpu.memory_space<hbm>> -> memref<128x128xf32, #tpu.memory_space<hbm>>
    %dma_wait3A_3136 = arith.constant 0 : i32
    %dma_wait3A_3137 = arith.constant 0 : i32
    %dma_wait3A_3138 = tpu.memref_slice %arg6[%dma_wait3A_3127, %dma_wait3A_3136, %dma_wait3A_3137] : memref<6x128x128xf32, #tpu.memory_space<vmem>> -> memref<1x128x128xf32, #tpu.memory_space<vmem>>
    %dma_wait3A_3139 = tpu.memref_squeeze %dma_wait3A_3138 : memref<1x128x128xf32, #tpu.memory_space<vmem>> -> memref<128x128xf32, #tpu.memory_space<vmem>>
    tpu.wait_dma2 semaphore(%arg10 : memref<!tpu.dma_semaphore, #tpu.memory_space<semaphore_mem>>) src(%dma_wait3A_3139 : memref<128x128xf32, #tpu.memory_space<vmem>>) dst(%dma_wait3A_3135 : memref<128x128xf32, #tpu.memory_space<hbm>>)
    return
  }
}

</mosaic_0001>

<sc_bundles>
// kernel: kernel.3.cloned.1.call-start
scs
__scs_entry_jumppad:
0x0: {  	(pc) =	sbr.rel $0x88, $3  }
0x1: {  	(tag) =	ssettag $0x0;
	lr =	simm.s32 $0x1  }
0x2: {  	[smem:$0x3F9F] =	sst lr;
	_ =	strace $0xD0000000  }
0x3: {  	_ = 	snop  }
0x4: {  	_ = 	snop  }
0x5: {  	_ = 	snop  }
0x6: {  	_ = 	snop  }
0x7: {  	_ = 	snop  }
__scs_overlays_trampoline_lowered:
0x8: {  	[smem:$0x3FAE] =	sst s0  }
0x9: {  	[smem:$0x3FAF] =	sst s1  }
0xa: {  	[smem:$0x3FB0] =	sst s2  }
0xb: {  	[smem:$0x3FB1] =	sst s3  }
0xc: {  	[smem:$0x3FB2] =	sst s4  }
0xd: {  	[smem:$0x3FB3] =	sst s5  }
0xe: {  	[smem:$0x3FB4] =	sst s6  }
0xf: {  	[smem:$0x3FB5] =	sst s7  }
0x10: {  	[smem:$0x3FB6] =	sst s8  }
0x11: {  	[smem:$0x3FB7] =	sst s9;
	s0 =	simm.s32 @!p0 $0x0  }
0x12: {  	s1 =	sld [smem:$0x3F9D];
	s0 =	simm.s32 @p0 $0x1  }
0x13: {  	[smem:$0x3FB8] =	sst s0;
	s0 =	simm.s32 @!p1 $0x0  }
0x14: {  	s2 =	sld [smem:$0x3F9C];
	s0 =	simm.s32 @p1 $0x1  }
0x15: {  	[smem:$0x3FB9] =	sst s0;
	s0 =	simm.s32 @!p2 $0x0  }
0x16: {  	s3 =	sld [smem:$0x3FDB];
	s0 =	simm.s32 @p2 $0x1  }
0x17: {  	s4 =	simm.s32 $0x1BF5;
	[smem:$0x3FBB] =	sst s0  }
0x18: {  	s0 =	sld [smem:$0x3F9E];
	_ =	swait.ge [sflag:s4], $0x0  }
0x19: {  	s7 =	sld [smem:$0x3F9F]  }
0x1a: {  	s8 =	sadd.s32 $0xFFFFE003, lr  }
0x1b: {  	s9 =	sadd.s32 $0xFFFFFEF7, lr;
	s5 =	simm.s32 $0xFFFFFFFF;
	p2 =	slt.u32 s8, $0xFFFFF086  }
0x1c: {  	p1 =	slt.u32 s9, $0xF7A;
	s5 =	simm.s32 @!p2 $0x0  }
0x1d: {  	s5 =	simm.s32 @p1 $0x1;
	p0 =	seq.s32 s7, s2  }
0x1e: {  	s7 =	smul.u32 @!p0 $0xF7A, s2;
	p2 =	seq.s32 @!p0 s5, $0x0  }
0x1f: {  	s9 =	smul.u32 $0xF7A, s1;
	s8 =	simm.s32 @!p0 $0x1BF5;
	p2 =	por !p2, p0  }
0x20: {  	[sflag:s8] =	ssyncset.s32 @!p0 $0xFFFFF086;
	s6 =	sadd.s32 @!p0 s3, s7;
	s7 =	simm.s32 @!p0 $0x108  }
0x21: {  	s3 =	sadd.s32 s3, s9;
	s6 =	sadd.s32 @!p0 $0x88, s6;
	s7 =	simm.s32 @p2 $0x1082  }
0x22: {  	[simem:s7], [sflag:s8] =	dma.local @!p0 [hbm:s6], $0xF7A  }
0x23: {  	s9 =	sor.u32 $0xD0000000, s2;
	s6 =	simm.s32 $0x108;
	_ =	swait.ge @!p0 [sflag:s8], $0x0  }
0x24: {  	s3 =	sadd.s32 $0x88, s3;
	s6 =	simm.s32 @!p1 $0x1082;
	[sflag:s4] =	ssyncset.s32 $0xFFFFF086  }
0x25: {  	[simem:s6], [sflag:s4] =	dma.local [hbm:s3], $0xF7A  }
0x26: {  	[smem:$0x3F9F] =	sst s1;
	(tag) =	ssettag s2;
	_ =	strace s9  }
0x27: {  	s1 =	sld [smem:$0x3FAF]  }
0x28: {  	s2 =	sld [smem:$0x3FB0]  }
0x29: {  	s4 =	sld [smem:$0x3FB2]  }
0x2a: {  	p0 =	seq.s32 s5, $0x0;
	s5 =	sld [smem:$0x3FB3]  }
0x2b: {  	s6 =	sld [smem:$0x3FB4]  }
0x2c: {  	s7 =	sld [smem:$0x3FB5]  }
0x2d: {  	s3 =	simm.s32 $0x108;
	s8 =	sld [smem:$0x3FB6]  }
0x2e: {  	s3 =	simm.s32 @!p0 $0x1082;
	s9 =	sld [smem:$0x3FB7]  }
0x2f: {  	lr =	sadd.s32 s0, s3;
	s0 =	sld [smem:$0x3FAE]  }
0x30: {  	s3 =	sld [smem:$0x3FB1]  }
0x31: {  	[smem:$0x3FBA] =	sst s10  }
0x32: {  	s10 =	sld [smem:$0x3FB8];
	_ =	sdelay $0x3  }
0x33: {  	p0 =	seq.s32 s10, $0x1;
	s10 =	sld [smem:$0x3FBA];
	_ =	sdelay $0x3  }
0x34: {  	[smem:$0x3FBA] =	sst s10  }
0x35: {  	s10 =	sld [smem:$0x3FB9];
	_ =	sdelay $0x3  }
0x36: {  	p1 =	seq.s32 s10, $0x1;
	s10 =	sld [smem:$0x3FBA];
	_ =	sdelay $0x3  }
0x37: {  	[smem:$0x3FBA] =	sst s10  }
0x38: {  	s10 =	sld [smem:$0x3FBB]  }
0x39: {  	_ = 	snop;
	(pc) =	sbr.ind lr, $3  }
0x3a: {  	_ = 	snop  }
0x3b: {  	_ = 	snop  }
0x3c: {  	p2 =	seq.s32 s10, $0x1;
	s10 =	sld [smem:$0x3FBA]  }
0x3d: {  	_ =	shalt  }
0x3e: {  	_ =	shalt  }
0x3f: {  	_ =	shalt  }
0x40: {  	_ =	shalt  }
0x41: {  	_ =	shalt  }
0x42: {  	_ =	shalt  }
0x43: {  	_ =	shalt  }
0x44: {  	_ =	shalt  }
0x45: {  	_ =	shalt  }
0x46: {  	_ =	shalt  }
0x47: {  	_ =	shalt  }
0x48: {  	_ =	shalt  }
0x49: {  	_ =	shalt  }
0x4a: {  	_ =	shalt  }
0x4b: {  	_ =	shalt  }
0x4c: {  	_ =	shalt  }
0x4d: {  	_ =	shalt  }
0x4e: {  	_ =	shalt  }
0x4f: {  	_ =	shalt  }
0x50: {  	_ =	shalt  }
0x51: {  	_ =	shalt  }
0x52: {  	_ =	shalt  }
0x53: {  	_ =	shalt  }
0x54: {  	_ =	shalt  }
0x55: {  	_ =	shalt  }
0x56: {  	_ =	shalt  }
0x57: {  	_ =	shalt  }
0x58: {  	_ =	shalt  }
0x59: {  	_ =	shalt  }
0x5a: {  	_ =	shalt  }
0x5b: {  	_ =	shalt  }
0x5c: {  	_ =	shalt  }
0x5d: {  	_ =	shalt  }
0x5e: {  	_ =	shalt  }
0x5f: {  	_ =	shalt  }
0x60: {  	_ =	shalt  }
0x61: {  	_ =	shalt  }
0x62: {  	_ =	shalt  }
0x63: {  	_ =	shalt  }
0x64: {  	_ =	shalt  }
0x65: {  	_ =	shalt  }
0x66: {  	_ =	shalt  }
0x67: {  	_ =	shalt  }
0x68: {  	_ =	shalt  }
0x69: {  	_ =	shalt  }
0x6a: {  	_ =	shalt  }
0x6b: {  	_ =	shalt  }
0x6c: {  	_ =	shalt  }
0x6d: {  	_ =	shalt  }
0x6e: {  	_ =	shalt  }
0x6f: {  	_ =	shalt  }
0x70: {  	_ =	shalt  }
0x71: {  	_ =	shalt  }
0x72: {  	_ =	shalt  }
0x73: {  	_ =	shalt  }
0x74: {  	_ =	shalt  }
0x75: {  	_ =	shalt  }
0x76: {  	_ =	shalt  }
0x77: {  	_ =	shalt  }
0x78: {  	_ =	shalt  }
0x79: {  	_ =	shalt  }
0x7a: {  	_ =	shalt  }
0x7b: {  	_ =	shalt  }
0x7c: {  	_ =	shalt  }
0x7d: {  	_ =	shalt  }
0x7e: {  	_ =	shalt  }
0x7f: {  	_ =	shalt  }
0x80: {  	_ =	shalt  }
0x81: {  	_ =	shalt  }
0x82: {  	_ =	shalt  }
0x83: {  	_ =	shalt  }
0x84: {  	_ =	shalt  }
0x85: {  	_ =	shalt  }
0x86: {  	_ =	shalt  }
0x87: {  	_ =	shalt  }
.Lfunc_end0:
.L_simem_size_0:
called_computation_lowered:
.L_overlay_start_0:
0x88: {  	s2 =	sld [smem:$0x3FD9]  }
0x89: {  	s3 =	sld [smem:$0x3FFE];
	_ =	sdelay $0x1  }
0x8a: {  	s1 =	srdreg.scid  }
0x8b: {  	s0 =	sand.u32 $0x1, s1  }
0x8c: {  	s17 =	sshll.u32 s0, $0xA;
	s2 =	sadd.s32 s3, s2  }
0x8d: {  	s2 =	sadd.s32 s2, s17  }
0x8e: {  	[smem:$0x3FC6] =	sst s2  }
0x8f: {  	_ = 	snop  }
0x90: {  	s2 =	sld [smem:$0x3FC8]  }
0x91: {  	s18 =	sld [smem:$0x3FD0];
	(tm) =	ssettm $0x1  }
0x92: {  	s4 =	sld [smem:$0x3FFB];
	_ =	sdelay $0x3  }
0x93: {  	_ =	strace s4  }
0x94: {  	s4 =	sld [smem:$0x3FFC];
	_ =	sdelay $0x3  }
0x95: {  	_ =	strace s4  }
0x96: {  	s4 =	sld [smem:$0x3FFD];
	_ =	sdelay $0x3  }
0x97: {  	_ =	strace s4  }
0x98: {  	_ =	strace $0x8FFFFFFF  }
0x99: {  	s19 =	sld [smem:$0x3FDB];
	_ =	sdelay $0x1  }
0x9a: {  	s5 =	simm.s32 $_scs_section_size  }
0x9b: {  	s6 =	simm.s32 $_size__tile_overlayer_lowered;
	s7 =	simm.s32 $_tile_overlayer_lowered  }
0x9c: {  	s22 =	simm.s32 $0x1BFF;
	s21 =	sshll.u32 s7, $0x1;
	s4 =	sadd.s32 s5, s19  }
0x9d: {  	s8 =	simm.s32 $0x0;
	s20 =	sshll.u32 s6, $0x1;
	s6 =	sadd.s32 s21, s4  }
0x9e: {  	[timem:s8], [sflag:s22] =	dma.local [hbm:s6], s20  }
0x9f: {  	_ =	swait.ge [sflag:s22], s20  }
0xa0: {  	s5 =	ssub.s32 $0x0, s20;
	[sflag:s22] =	ssyncset.done $0x0  }
0xa1: {  	[sflag:s22] =	ssyncadd.s32 s5;
	_ =	sdelay $0x1  }
0xa2: {  	s23 =	simm.s32 $0x1B8B  }
0xa3: {  	_ =	swait.ge [sflag:s23], $0x1  }
0xa4: {  	[sflag:s23] =	ssyncset.done $0x0  }
0xa5: {  	s25 =	simm.s32 $0x1B8E;
	s24 =	sld [smem:$0x3FFE];
	[sflag:s23] =	ssyncadd.s32 $0xFFFFFFFF  }
0xa6: {  	s26 =	simm.s32 $execute0_lowered;
	[smem:$0x3FD2] =	sst s25  }
0xa7: {  	s6 =	sshll.u32 s26, $0x1;
	_ =	strace $0x80000046;
	[dreg:$0x1] =	wrdreg $0xFFFFFFFF  }
0xa8: {  	s28 =	simm.s32 $_size_execute0_lowered;
	s4 =	sadd.s32 s4, s6;
	[dreg:$0x0] =	wrdreg $0x0  }
0xa9: {  	s6 =	sshll.u32 s28, $0x1;
	[dreg:$0x2] =	wrdreg s4  }
0xaa: {  	[dreg:$0x3] =	wrdreg s6  }
0xab: {  	[dreg:$0x4] =	wrdreg $0xC0  }
0xac: {  	_ =	task [dreg:s8], $0x5FFFF  }
0xad: {  	[dreg:$0x1] =	wrdreg $0xFFFFFFFF  }
0xae: {  	[dreg:$0x0] =	wrdreg $0x60  }
0xaf: {  	[dreg:$0x2] =	wrdreg s24  }
0xb0: {  	[dreg:$0x3] =	wrdreg s2  }
0xb1: {  	[dreg:$0x4] =	wrdreg s18  }
0xb2: {  	[dreg:$0x5] =	wrdreg $0x9  }
0xb3: {  	_ =	task.clear_ibuf [dreg:s8], $0x6FFFF;
	_ =	strace $0x90000046  }
0xb4: {  	s29 =	simm.s32 $0x9;
	_ =	strace $0x80000048  }
0xb5: {  	_ =	swait.ge [sflag:s29], $0x1  }
0xb6: {  	[sflag:s29] =	ssyncadd.s32 $0xFFFFFFFF  }
0xb7: {  	_ =	strace $0x90000048  }
0xb8: {  	_ =	sfence  }
0xb9: {  	s30 =	sld [smem:$0x0];
	_ =	sdelay $0x2  }
0xba: {  	s31 =	sshll.u32 s1, $0xD;
	s1 =	sshrl.u32 s1, $0x2  }
0xbb: {  	s3 =	sand.u32 $0x4000, s31;
	s1 =	sadd.s32 s1, s30  }
0xbc: {  	s0 =	sor.u32 s3, s0;
	s1 =	sshll.u32 s1, $0x11  }
0xbd: {  	s0 =	sor.u32 s1, s0  }
0xbe: {  	s0 =	sadd.s32 $0x8F2B, s0  }
0xbf: {  	[sflag:s0] =	ssyncadd.remote.s32 $0x1  }
0xc0: {  	_ =	sfence.sel $0xFFFF  }
0xc1: {  	[dreg:$0x0] =	wrdreg $0xFFFFFFFF;
	(pc) =	sbr.abs _section_cstart, $3  }
0xc2: {  	[dreg:$0x1] =	wrdreg $0xFFFFFFFF  }
0xc3: {  	_ =	task.clear_ibuf [dreg:s8], $0x2FFFF;
	_ =	strace $0x9FFFFFFF  }
0xc4: {  	(tm) =	ssettm $0x7FFFFFFF  }
0xc5: {  	_ =	shalt  }
tec
execute0_lowered:
.L_overlay_start_1:
0x0: {  	(tag) =	ssettag $0x1  }
0x1: {  	s1 =	rddreg [dreg:$0x0]  }
0x2: {  	s3 =	srdreg.scid;
	s2 =	rddreg [dreg:$0x1]  }
0x3: {  	s0 =	stileid.u32;
	s4 =	rddreg [dreg:$0x2]  }
0x4: {  	s25 =	simm.s32 $0x100;
	s5 =	sand.u32 $0x1, s3;
	s8 =	sshll.u32 s0, $0x1  }
0x5: {  	s26 =	simm.s32 $0x180;
	s3 =	simm.s32 $0x0;
	s6 =	sor.u32 s5, s8  }
0x6: {  	[smem:$0x7FF] =	sst s3;
	s7 =	sshll.u32 s6, $0x8;
	s6 =	sshll.u32 s6, $0xF  }
0x7: {  	_ =	strace $0x80000047;
	[dreg:$0x14] =	wrdreg s25;
	s1 =	sadd.s32 s7, s1  }
0x8: {  	[dreg:$0x15] =	wrdreg s26;
	s4 =	sadd.s32 s4, s6;
	s1 =	sadd.s32 $0x400, s1  }
0x9: {  	s9 =	sadd.s32 $0x800, s4;
	[dreg:$0x4] =	wrdreg s1  }
0xa: {  	s10 =	sadd.s32 $0x1000, s4;
	[dreg:$0x5] =	wrdreg s9  }
0xb: {  	s28 =	simm.s32 $0x580;
	s11 =	sadd.s32 $0x1800, s4;
	[dreg:$0x6] =	wrdreg s10  }
0xc: {  	s29 =	simm.s32 $0x600;
	s12 =	sadd.s32 $0x2000, s4;
	[dreg:$0x7] =	wrdreg s11  }
0xd: {  	s30 =	simm.s32 $0x680;
	s13 =	sadd.s32 $0x2800, s4;
	[dreg:$0x8] =	wrdreg s12  }
0xe: {  	s31 =	simm.s32 $0x700;
	s14 =	sadd.s32 $0x3000, s4;
	[dreg:$0x9] =	wrdreg s13  }
0xf: {  	s5 =	ssub.s32 $0x2, s5;
	s15 =	sadd.s32 $0x3800, s4;
	[dreg:$0xa] =	wrdreg s14  }
0x10: {  	s8 =	simm.s32 $0x800;
	s16 =	sadd.s32 $0x4000, s4;
	[dreg:$0xb] =	wrdreg s15  }
0x11: {  	s22 =	sshrl.u32 s5, $0x1;
	s17 =	sadd.s32 $0x4800, s4;
	[dreg:$0xc] =	wrdreg s16  }
0x12: {  	s25 =	simm.s32 $0x6;
	s18 =	sadd.s32 $0x5000, s4;
	[dreg:$0xd] =	wrdreg s17  }
0x13: {  	s26 =	simm.s32 $0x500;
	s19 =	sadd.s32 $0x5800, s4;
	[dreg:$0xe] =	wrdreg s18  }
0x14: {  	s5 =	ssub.s32 s5, s22;
	s20 =	sadd.s32 $0x6000, s4;
	[dreg:$0xf] =	wrdreg s19  }
0x15: {  	s6 =	simm.s32 $0x7;
	s21 =	sadd.s32 $0x6800, s4;
	[dreg:$0x10] =	wrdreg s20  }
0x16: {  	s7 =	simm.s32 $0x80;
	s23 =	sadd.s32 $0x7000, s4;
	[dreg:$0x11] =	wrdreg s21  }
0x17: {  	s22 =	simm.s32 $0x400;
	s24 =	sadd.s32 $0x7800, s4;
	[dreg:$0x12] =	wrdreg s23  }
0x18: {  	s5 =	smax.u32 s5, $0x1;
	[dreg:$0x13] =	wrdreg s24;
	s9 =	simm.s32 $0x4800  }
0x19: {  	s10 =	simm.s32 $0x8800;
	s11 =	simm.s32 $0xC800;
	s12 =	simm.s32 $0x200  }
0x1a: {  	s13 =	simm.s32 $0x10800;
	s14 =	simm.s32 $0x1;
	s15 =	simm.s32 $0x280  }
0x1b: {  	v0 =	vlaneseq.u32;
	s16 =	simm.s32 $0x14800;
	s17 =	simm.s32 $0x2;
	s18 =	simm.s32 $0x300  }
0x1c: {  	v0 =	vand.u32 $0x7, v0;
	s19 =	simm.s32 $0x3;
	s20 =	simm.s32 $0x380;
	s21 =	simm.s32 $0x4  }
0x1d: {  	v0 =	vmul.u32 $0x186A0, v0;
	s23 =	simm.s32 $0x5;
	s24 =	simm.s32 $0x480;
	s1 =	simm.s32 $0x780  }
.LBB2_1:
0x1e: {  	s0 =	rddreg [dreg:$0x4]  }
0x1f: {  	[tilespmem:s3], [sflag:$0x7] =	stream.linear.gather [hbm4b:s0+s3], $0x800, $0x38;
	[tilespmem:$0x18800] =	vst v63  }
0x20: {  	_ =	swait.ge [sflag:s6], $0x800  }
0x21: {  	[sflag:s6] =	ssyncset.done $0x0  }
0x22: {  	[sflag:s6] =	ssyncadd.s32 $0xFFFFF800  }
0x23: {  	v1 =	vld [tilespmem:$0x0]  }
0x24: {  	v2 =	vld [tilespmem:$0x10]  }
0x25: {  	v3 =	vld [tilespmem:$0x20]  }
0x26: {  	v4 =	vld [tilespmem:$0x30]  }
0x27: {  	v5 =	vld [tilespmem:$0x40];
	_ =	sdelay $0x3  }
0x28: {  	v1 =	vadd.s32 v0, v1;
	v2 =	vadd.s32 v0, v2  }
0x29: {  	v6 =	vld [tilespmem:$0x50];
	v3 =	vadd.s32 v0, v3;
	v4 =	vadd.s32 v0, v4;
	v5 =	vadd.s32 v0, v5  }
0x2a: {  	v7 =	vld [tilespmem:$0x60];
	vm0 =	vgt.s32 v1, $0x0;
	vm10 =	vgt.s32 v2, $0x0;
	vm11 =	vgt.s32 v3, $0x0  }
0x2b: {  	v8 =	vld [tilespmem:$0x70];
	vm12 =	vgt.s32 v4, $0x0;
	vm13 =	vgt.s32 v5, $0x0;
	v1 =	vnsel vm0, $0x0, v1  }
0x2c: {  	v2 =	vnsel vm10, $0x0, v2;
	v3 =	vnsel vm11, $0x0, v3;
	v1 =	vmin.u32 v1, $0xC34FF  }
0x2d: {  	v2 =	vmin.u32 v2, $0xC34FF;
	[tilespmem:$0x0] =	vst v1;
	v1 =	vmin.u32 v3, $0xC34FF;
	v3 =	vnsel vm12, $0x0, v4  }
0x2e: {  	v9 =	vadd.s32 v0, v6;
	[tilespmem:$0x10] =	vst v2;
	v2 =	vmin.u32 v3, $0xC34FF;
	v3 =	vnsel vm13, $0x0, v5  }
0x2f: {  	vm14 =	vgt.s32 v9, $0x0;
	[tilespmem:$0x20] =	vst v1;
	v1 =	vmin.u32 v3, $0xC34FF;
	v3 =	vadd.s32 v0, v7  }
0x30: {  	v10 =	vadd.s32 v0, v8;
	[tilespmem:$0x30] =	vst v2;
	v2 =	vnsel vm14, $0x0, v9;
	vm15 =	vgt.s32 v3, $0x0  }
0x31: {  	vm4 =	vgt.s32 v10, $0x0;
	[tilespmem:$0x40] =	vst v1;
	v1 =	vmin.u32 v2, $0xC34FF;
	v2 =	vnsel vm15, $0x0, v3  }
0x32: {  	[tilespmem:$0x50] =	vst v1;
	v1 =	vmin.u32 v2, $0xC34FF;
	v2 =	vnsel vm4, $0x0, v10  }
0x33: {  	[tilespmem:$0x60] =	vst v1;
	v1 =	vmin.u32 v2, $0xC34FF  }
0x34: {  	[tilespmem:$0x70] =	vst v1  }
0x35: {  	[tilespmem:s8], [sflag:$0x1] =	stream.indirect.gather [hbm4b:s2+s7], $0x80, s3, s7, $0xb8;
	[tilespmem:$0x18800] =	vst v63  }
0x36: {  	v1 =	vld [tilespmem:$0x80]  }
0x37: {  	v2 =	vld [tilespmem:$0x90]  }
0x38: {  	v3 =	vld [tilespmem:$0xA0]  }
0x39: {  	v11 =	vld [tilespmem:$0xB0]  }
0x3a: {  	v12 =	vld [tilespmem:$0xC0];
	_ =	sdelay $0x3  }
0x3b: {  	v1 =	vadd.s32 v0, v1;
	v2 =	vadd.s32 v0, v2  }
0x3c: {  	v13 =	vld [tilespmem:$0xD0];
	v3 =	vadd.s32 v0, v3;
	v4 =	vadd.s32 v0, v11;
	v5 =	vadd.s32 v0, v12  }
0x3d: {  	v14 =	vld [tilespmem:$0xE0];
	vm5 =	vgt.s32 v1, $0x0;
	vm6 =	vgt.s32 v2, $0x0;
	vm7 =	vgt.s32 v3, $0x0  }
0x3e: {  	v15 =	vld [tilespmem:$0xF0];
	vm8 =	vgt.s32 v4, $0x0;
	vm9 =	vgt.s32 v5, $0x0;
	v1 =	vnsel vm5, $0x0, v1  }
0x3f: {  	v2 =	vnsel vm6, $0x0, v2;
	v3 =	vnsel vm7, $0x0, v3;
	v1 =	vmin.u32 v1, $0xC34FF  }
0x40: {  	v2 =	vmin.u32 v2, $0xC34FF;
	[tilespmem:$0x80] =	vst v1;
	v1 =	vmin.u32 v3, $0xC34FF;
	v3 =	vnsel vm8, $0x0, v4  }
0x41: {  	v16 =	vadd.s32 v0, v13;
	[tilespmem:$0x90] =	vst v2;
	v2 =	vmin.u32 v3, $0xC34FF;
	v3 =	vnsel vm9, $0x0, v5  }
0x42: {  	vm10 =	vgt.s32 v16, $0x0;
	[tilespmem:$0xA0] =	vst v1;
	v1 =	vmin.u32 v3, $0xC34FF;
	v3 =	vadd.s32 v0, v14  }
0x43: {  	v17 =	vadd.s32 v0, v15;
	[tilespmem:$0xB0] =	vst v2;
	v2 =	vnsel vm10, $0x0, v16;
	vm11 =	vgt.s32 v3, $0x0  }
0x44: {  	vm12 =	vgt.s32 v17, $0x0;
	[tilespmem:$0xC0] =	vst v1;
	v1 =	vmin.u32 v2, $0xC34FF;
	v2 =	vnsel vm11, $0x0, v3  }
0x45: {  	[tilespmem:$0xD0] =	vst v1;
	v1 =	vmin.u32 v2, $0xC34FF;
	v2 =	vnsel vm12, $0x0, v17  }
0x46: {  	[tilespmem:$0xE0] =	vst v1;
	v1 =	vmin.u32 v2, $0xC34FF  }
0x47: {  	[tilespmem:$0xF0] =	vst v1  }
0x48: {  	[tilespmem:s9], [sflag:$0x2] =	stream.indirect.gather [hbm4b:s2+s7], $0x80, s7, s7, $0xb8;
	[tilespmem:$0x18800] =	vst v63  }
0x49: {  	v1 =	vld [tilespmem:$0x100]  }
0x4a: {  	v2 =	vld [tilespmem:$0x110]  }
0x4b: {  	v3 =	vld [tilespmem:$0x120]  }
0x4c: {  	v18 =	vld [tilespmem:$0x130]  }
0x4d: {  	v19 =	vld [tilespmem:$0x140];
	_ =	sdelay $0x3  }
0x4e: {  	v1 =	vadd.s32 v0, v1;
	v2 =	vadd.s32 v0, v2  }
0x4f: {  	v20 =	vld [tilespmem:$0x150];
	v3 =	vadd.s32 v0, v3;
	v4 =	vadd.s32 v0, v18;
	v5 =	vadd.s32 v0, v19  }
0x50: {  	v21 =	vld [tilespmem:$0x160];
	vm13 =	vgt.s32 v1, $0x0;
	vm14 =	vgt.s32 v2, $0x0;
	vm15 =	vgt.s32 v3, $0x0  }
0x51: {  	v22 =	vld [tilespmem:$0x170];
	vm4 =	vgt.s32 v4, $0x0;
	vm5 =	vgt.s32 v5, $0x0;
	v1 =	vnsel vm13, $0x0, v1  }
0x52: {  	v2 =	vnsel vm14, $0x0, v2;
	v3 =	vnsel vm15, $0x0, v3;
	v1 =	vmin.u32 v1, $0xC34FF  }
0x53: {  	v2 =	vmin.u32 v2, $0xC34FF;
	[tilespmem:$0x100] =	vst v1;
	v1 =	vmin.u32 v3, $0xC34FF;
	v3 =	vnsel vm4, $0x0, v4  }
0x54: {  	v23 =	vadd.s32 v0, v20;
	[tilespmem:$0x110] =	vst v2;
	v2 =	vmin.u32 v3, $0xC34FF;
	v3 =	vnsel vm5, $0x0, v5  }
0x55: {  	vm6 =	vgt.s32 v23, $0x0;
	[tilespmem:$0x120] =	vst v1;
	v1 =	vmin.u32 v3, $0xC34FF;
	v3 =	vadd.s32 v0, v21  }
0x56: {  	v24 =	vadd.s32 v0, v22;
	[tilespmem:$0x130] =	vst v2;
	v2 =	vnsel vm6, $0x0, v23;
	vm7 =	vgt.s32 v3, $0x0  }
0x57: {  	vm8 =	vgt.s32 v24, $0x0;
	[tilespmem:$0x140] =	vst v1;
	v1 =	vmin.u32 v2, $0xC34FF;
	v2 =	vnsel vm7, $0x0, v3  }
0x58: {  	[tilespmem:$0x150] =	vst v1;
	v1 =	vmin.u32 v2, $0xC34FF;
	v2 =	vnsel vm8, $0x0, v24  }
0x59: {  	[tilespmem:$0x160] =	vst v1;
	v1 =	vmin.u32 v2, $0xC34FF  }
0x5a: {  	s0 =	rddreg [dreg:$0x14];
	[tilespmem:$0x170] =	vst v1  }
0x5b: {  	[tilespmem:s10], [sflag:$0x3] =	stream.indirect.gather [hbm4b:s2+s7], $0x80, s0, s7, $0xb8;
	[tilespmem:$0x18800] =	vst v63  }
0x5c: {  	v1 =	vld [tilespmem:$0x180]  }
0x5d: {  	v2 =	vld [tilespmem:$0x190]  }
0x5e: {  	v3 =	vld [tilespmem:$0x1A0]  }
0x5f: {  	v25 =	vld [tilespmem:$0x1B0]  }
0x60: {  	v26 =	vld [tilespmem:$0x1C0];
	_ =	sdelay $0x3  }
0x61: {  	v1 =	vadd.s32 v0, v1;
	v2 =	vadd.s32 v0, v2  }
0x62: {  	v27 =	vld [tilespmem:$0x1D0];
	v3 =	vadd.s32 v0, v3;
	v4 =	vadd.s32 v0, v25;
	v5 =	vadd.s32 v0, v26  }
0x63: {  	v28 =	vld [tilespmem:$0x1E0];
	vm9 =	vgt.s32 v1, $0x0;
	vm10 =	vgt.s32 v2, $0x0;
	vm11 =	vgt.s32 v3, $0x0  }
0x64: {  	v29 =	vld [tilespmem:$0x1F0];
	vm12 =	vgt.s32 v4, $0x0;
	vm13 =	vgt.s32 v5, $0x0;
	v1 =	vnsel vm9, $0x0, v1  }
0x65: {  	v2 =	vnsel vm10, $0x0, v2;
	v3 =	vnsel vm11, $0x0, v3;
	v1 =	vmin.u32 v1, $0xC34FF  }
0x66: {  	v2 =	vmin.u32 v2, $0xC34FF;
	[tilespmem:$0x180] =	vst v1;
	v1 =	vmin.u32 v3, $0xC34FF;
	v3 =	vnsel vm12, $0x0, v4  }
0x67: {  	v30 =	vadd.s32 v0, v27;
	[tilespmem:$0x190] =	vst v2;
	v2 =	vmin.u32 v3, $0xC34FF;
	v3 =	vnsel vm13, $0x0, v5  }
0x68: {  	vm14 =	vgt.s32 v30, $0x0;
	[tilespmem:$0x1A0] =	vst v1;
	v1 =	vmin.u32 v3, $0xC34FF;
	v3 =	vadd.s32 v0, v28  }
0x69: {  	v31 =	vadd.s32 v0, v29;
	[tilespmem:$0x1B0] =	vst v2;
	v2 =	vnsel vm14, $0x0, v30;
	vm15 =	vgt.s32 v3, $0x0  }
0x6a: {  	vm4 =	vgt.s32 v31, $0x0;
	[tilespmem:$0x1C0] =	vst v1;
	v1 =	vmin.u32 v2, $0xC34FF;
	v2 =	vnsel vm15, $0x0, v3  }
0x6b: {  	[tilespmem:$0x1D0] =	vst v1;
	v1 =	vmin.u32 v2, $0xC34FF;
	v2 =	vnsel vm4, $0x0, v31  }
0x6c: {  	[tilespmem:$0x1E0] =	vst v1;
	v1 =	vmin.u32 v2, $0xC34FF  }
0x6d: {  	s0 =	rddreg [dreg:$0x15];
	[tilespmem:$0x1F0] =	vst v1  }
0x6e: {  	[tilespmem:s11], [sflag:$0x4] =	stream.indirect.gather [hbm4b:s2+s7], $0x80, s0, s7, $0xb8;
	[tilespmem:$0x18800] =	vst v63  }
0x6f: {  	v1 =	vld [tilespmem:$0x200]  }
0x70: {  	v2 =	vld [tilespmem:$0x210]  }
0x71: {  	v3 =	vld [tilespmem:$0x220]  }
0x72: {  	v32 =	vld [tilespmem:$0x230]  }
0x73: {  	v33 =	vld [tilespmem:$0x240];
	_ =	sdelay $0x3  }
0x74: {  	v1 =	vadd.s32 v0, v1;
	v2 =	vadd.s32 v0, v2  }
0x75: {  	v34 =	vld [tilespmem:$0x250];
	v3 =	vadd.s32 v0, v3;
	v4 =	vadd.s32 v0, v32;
	v5 =	vadd.s32 v0, v33  }
0x76: {  	v35 =	vld [tilespmem:$0x260];
	vm5 =	vgt.s32 v1, $0x0;
	vm6 =	vgt.s32 v2, $0x0;
	vm7 =	vgt.s32 v3, $0x0  }
0x77: {  	v36 =	vld [tilespmem:$0x270];
	vm8 =	vgt.s32 v4, $0x0;
	vm9 =	vgt.s32 v5, $0x0;
	v1 =	vnsel vm5, $0x0, v1  }
0x78: {  	v2 =	vnsel vm6, $0x0, v2;
	v3 =	vnsel vm7, $0x0, v3;
	v1 =	vmin.u32 v1, $0xC34FF  }
0x79: {  	v2 =	vmin.u32 v2, $0xC34FF;
	[tilespmem:$0x200] =	vst v1;
	v1 =	vmin.u32 v3, $0xC34FF;
	v3 =	vnsel vm8, $0x0, v4  }
0x7a: {  	v37 =	vadd.s32 v0, v34;
	[tilespmem:$0x210] =	vst v2;
	v2 =	vmin.u32 v3, $0xC34FF;
	v3 =	vnsel vm9, $0x0, v5  }
0x7b: {  	vm10 =	vgt.s32 v37, $0x0;
	[tilespmem:$0x220] =	vst v1;
	v1 =	vmin.u32 v3, $0xC34FF;
	v3 =	vadd.s32 v0, v35  }
0x7c: {  	v38 =	vadd.s32 v0, v36;
	[tilespmem:$0x230] =	vst v2;
	v2 =	vnsel vm10, $0x0, v37;
	vm11 =	vgt.s32 v3, $0x0  }
0x7d: {  	vm12 =	vgt.s32 v38, $0x0;
	[tilespmem:$0x240] =	vst v1;
	v1 =	vmin.u32 v2, $0xC34FF;
	v2 =	vnsel vm11, $0x0, v3  }
0x7e: {  	[tilespmem:$0x250] =	vst v1;
	v1 =	vmin.u32 v2, $0xC34FF;
	v2 =	vnsel vm12, $0x0, v38  }
0x7f: {  	[tilespmem:$0x260] =	vst v1;
	v1 =	vmin.u32 v2, $0xC34FF  }
0x80: {  	[tilespmem:$0x270] =	vst v1  }
0x81: {  	[tilespmem:s13], [sflag:$0x5] =	stream.indirect.gather [hbm4b:s2+s7], $0x80, s12, s7, $0xb8;
	[tilespmem:$0x18800] =	vst v63  }
0x82: {  	_ =	swait.ge [sflag:s14], $0x4000  }
0x83: {  	[sflag:s14] =	ssyncset.done $0x0  }
0x84: {  	[sflag:s14] =	ssyncadd.s32 $0xFFFFC000  }
0x85: {  	[hbm4b:s4+s3] =	stream.linear.scatter [tilespmem:s8], [sflag:$0x1], $0x4000, $0x38;
	[tilespmem:$0x18800] =	vst v63  }
0x86: {  	v1 =	vld [tilespmem:$0x280]  }
0x87: {  	v2 =	vld [tilespmem:$0x290]  }
0x88: {  	v3 =	vld [tilespmem:$0x2A0]  }
0x89: {  	v39 =	vld [tilespmem:$0x2B0]  }
0x8a: {  	v40 =	vld [tilespmem:$0x2C0];
	_ =	sdelay $0x3  }
0x8b: {  	v1 =	vadd.s32 v0, v1;
	v2 =	vadd.s32 v0, v2  }
0x8c: {  	v41 =	vld [tilespmem:$0x2D0];
	v3 =	vadd.s32 v0, v3;
	v4 =	vadd.s32 v0, v39;
	v5 =	vadd.s32 v0, v40  }
0x8d: {  	v42 =	vld [tilespmem:$0x2E0];
	vm13 =	vgt.s32 v1, $0x0;
	vm14 =	vgt.s32 v2, $0x0;
	vm15 =	vgt.s32 v3, $0x0  }
0x8e: {  	v43 =	vld [tilespmem:$0x2F0];
	vm4 =	vgt.s32 v4, $0x0;
	vm5 =	vgt.s32 v5, $0x0;
	v1 =	vnsel vm13, $0x0, v1  }
0x8f: {  	v2 =	vnsel vm14, $0x0, v2;
	v3 =	vnsel vm15, $0x0, v3;
	v1 =	vmin.u32 v1, $0xC34FF  }
0x90: {  	v2 =	vmin.u32 v2, $0xC34FF;
	[tilespmem:$0x280] =	vst v1;
	v1 =	vmin.u32 v3, $0xC34FF;
	v3 =	vnsel vm4, $0x0, v4  }
0x91: {  	v44 =	vadd.s32 v0, v41;
	[tilespmem:$0x290] =	vst v2;
	v2 =	vmin.u32 v3, $0xC34FF;
	v3 =	vnsel vm5, $0x0, v5  }
0x92: {  	vm6 =	vgt.s32 v44, $0x0;
	[tilespmem:$0x2A0] =	vst v1;
	v1 =	vmin.u32 v3, $0xC34FF;
	v3 =	vadd.s32 v0, v42  }
0x93: {  	v45 =	vadd.s32 v0, v43;
	[tilespmem:$0x2B0] =	vst v2;
	v2 =	vnsel vm6, $0x0, v44;
	vm7 =	vgt.s32 v3, $0x0  }
0x94: {  	vm8 =	vgt.s32 v45, $0x0;
	[tilespmem:$0x2C0] =	vst v1;
	v1 =	vmin.u32 v2, $0xC34FF;
	v2 =	vnsel vm7, $0x0, v3  }
0x95: {  	[tilespmem:$0x2D0] =	vst v1;
	v1 =	vmin.u32 v2, $0xC34FF;
	v2 =	vnsel vm8, $0x0, v45  }
0x96: {  	[tilespmem:$0x2E0] =	vst v1;
	v1 =	vmin.u32 v2, $0xC34FF  }
0x97: {  	[tilespmem:$0x2F0] =	vst v1  }
0x98: {  	[tilespmem:s16], [sflag:$0x6] =	stream.indirect.gather [hbm4b:s2+s7], $0x80, s15, s7, $0xb8;
	[tilespmem:$0x18800] =	vst v63  }
0x99: {  	_ =	swait.ge [sflag:s17], $0x4000  }
0x9a: {  	[sflag:s17] =	ssyncset.done $0x0  }
0x9b: {  	s0 =	rddreg [dreg:$0x5];
	[sflag:s17] =	ssyncadd.s32 $0xFFFFC000  }
0x9c: {  	[hbm4b:s0+s3] =	stream.linear.scatter [tilespmem:s9], [sflag:$0x2], $0x4000, $0x38;
	[tilespmem:$0x18800] =	vst v63  }
0x9d: {  	_ =	swait.ge [sflag:s14], $0x4000  }
0x9e: {  	[sflag:s14] =	ssyncset.done $0x0  }
0x9f: {  	[sflag:s14] =	ssyncadd.s32 $0xFFFFC000  }
0xa0: {  	v1 =	vld [tilespmem:$0x300]  }
0xa1: {  	v2 =	vld [tilespmem:$0x310]  }
0xa2: {  	v3 =	vld [tilespmem:$0x320]  }
0xa3: {  	v46 =	vld [tilespmem:$0x330]  }
0xa4: {  	v47 =	vld [tilespmem:$0x340];
	_ =	sdelay $0x3  }
0xa5: {  	v1 =	vadd.s32 v0, v1;
	v2 =	vadd.s32 v0, v2  }
0xa6: {  	v48 =	vld [tilespmem:$0x350];
	v3 =	vadd.s32 v0, v3;
	v4 =	vadd.s32 v0, v46;
	v5 =	vadd.s32 v0, v47  }
0xa7: {  	v49 =	vld [tilespmem:$0x360];
	vm9 =	vgt.s32 v1, $0x0;
	vm10 =	vgt.s32 v2, $0x0;
	vm11 =	vgt.s32 v3, $0x0  }
0xa8: {  	v50 =	vld [tilespmem:$0x370];
	vm12 =	vgt.s32 v4, $0x0;
	vm13 =	vgt.s32 v5, $0x0;
	v1 =	vnsel vm9, $0x0, v1  }
0xa9: {  	v2 =	vnsel vm10, $0x0, v2;
	v3 =	vnsel vm11, $0x0, v3;
	v1 =	vmin.u32 v1, $0xC34FF  }
0xaa: {  	v2 =	vmin.u32 v2, $0xC34FF;
	[tilespmem:$0x300] =	vst v1;
	v1 =	vmin.u32 v3, $0xC34FF;
	v3 =	vnsel vm12, $0x0, v4  }
0xab: {  	v51 =	vadd.s32 v0, v48;
	[tilespmem:$0x310] =	vst v2;
	v2 =	vmin.u32 v3, $0xC34FF;
	v3 =	vnsel vm13, $0x0, v5  }
0xac: {  	vm14 =	vgt.s32 v51, $0x0;
	[tilespmem:$0x320] =	vst v1;
	v1 =	vmin.u32 v3, $0xC34FF;
	v3 =	vadd.s32 v0, v49  }
0xad: {  	v52 =	vadd.s32 v0, v50;
	[tilespmem:$0x330] =	vst v2;
	v2 =	vnsel vm14, $0x0, v51;
	vm15 =	vgt.s32 v3, $0x0  }
0xae: {  	vm4 =	vgt.s32 v52, $0x0;
	[tilespmem:$0x340] =	vst v1;
	v1 =	vmin.u32 v2, $0xC34FF;
	v2 =	vnsel vm15, $0x0, v3  }
0xaf: {  	[tilespmem:$0x350] =	vst v1;
	v1 =	vmin.u32 v2, $0xC34FF;
	v2 =	vnsel vm4, $0x0, v52  }
0xb0: {  	[tilespmem:$0x360] =	vst v1;
	v1 =	vmin.u32 v2, $0xC34FF  }
0xb1: {  	[tilespmem:$0x370] =	vst v1  }
0xb2: {  	[tilespmem:s8], [sflag:$0x1] =	stream.indirect.gather [hbm4b:s2+s7], $0x80, s18, s7, $0xb8;
	[tilespmem:$0x18800] =	vst v63  }
0xb3: {  	_ =	swait.ge [sflag:s19], $0x4000  }
0xb4: {  	[sflag:s19] =	ssyncset.done $0x0  }
0xb5: {  	s0 =	rddreg [dreg:$0x6];
	[sflag:s19] =	ssyncadd.s32 $0xFFFFC000  }
0xb6: {  	[hbm4b:s0+s3] =	stream.linear.scatter [tilespmem:s10], [sflag:$0x3], $0x4000, $0x38;
	[tilespmem:$0x18800] =	vst v63  }
0xb7: {  	_ =	swait.ge [sflag:s17], $0x4000  }
0xb8: {  	[sflag:s17] =	ssyncset.done $0x0  }
0xb9: {  	[sflag:s17] =	ssyncadd.s32 $0xFFFFC000  }
0xba: {  	v1 =	vld [tilespmem:$0x380]  }
0xbb: {  	v2 =	vld [tilespmem:$0x390]  }
0xbc: {  	v3 =	vld [tilespmem:$0x3A0]  }
0xbd: {  	v53 =	vld [tilespmem:$0x3B0]  }
0xbe: {  	v54 =	vld [tilespmem:$0x3C0];
	_ =	sdelay $0x3  }
0xbf: {  	v1 =	vadd.s32 v0, v1;
	v2 =	vadd.s32 v0, v2  }
0xc0: {  	v55 =	vld [tilespmem:$0x3D0];
	v3 =	vadd.s32 v0, v3;
	v4 =	vadd.s32 v0, v53;
	v5 =	vadd.s32 v0, v54  }
0xc1: {  	v56 =	vld [tilespmem:$0x3E0];
	vm5 =	vgt.s32 v1, $0x0;
	vm6 =	vgt.s32 v2, $0x0;
	vm7 =	vgt.s32 v3, $0x0  }
0xc2: {  	v57 =	vld [tilespmem:$0x3F0];
	vm8 =	vgt.s32 v4, $0x0;
	vm9 =	vgt.s32 v5, $0x0;
	v1 =	vnsel vm5, $0x0, v1  }
0xc3: {  	v2 =	vnsel vm6, $0x0, v2;
	v3 =	vnsel vm7, $0x0, v3;
	v1 =	vmin.u32 v1, $0xC34FF  }
0xc4: {  	v2 =	vmin.u32 v2, $0xC34FF;
	[tilespmem:$0x380] =	vst v1;
	v1 =	vmin.u32 v3, $0xC34FF;
	v3 =	vnsel vm8, $0x0, v4  }
0xc5: {  	v58 =	vadd.s32 v0, v55;
	[tilespmem:$0x390] =	vst v2;
	v2 =	vmin.u32 v3, $0xC34FF;
	v3 =	vnsel vm9, $0x0, v5  }
0xc6: {  	vm10 =	vgt.s32 v58, $0x0;
	[tilespmem:$0x3A0] =	vst v1;
	v1 =	vmin.u32 v3, $0xC34FF;
	v3 =	vadd.s32 v0, v56  }
0xc7: {  	v59 =	vadd.s32 v0, v57;
	[tilespmem:$0x3B0] =	vst v2;
	v2 =	vnsel vm10, $0x0, v58;
	vm11 =	vgt.s32 v3, $0x0  }
0xc8: {  	vm12 =	vgt.s32 v59, $0x0;
	[tilespmem:$0x3C0] =	vst v1;
	v1 =	vmin.u32 v2, $0xC34FF;
	v2 =	vnsel vm11, $0x0, v3  }
0xc9: {  	[tilespmem:$0x3D0] =	vst v1;
	v1 =	vmin.u32 v2, $0xC34FF;
	v2 =	vnsel vm12, $0x0, v59  }
0xca: {  	[tilespmem:$0x3E0] =	vst v1;
	v1 =	vmin.u32 v2, $0xC34FF  }
0xcb: {  	[tilespmem:$0x3F0] =	vst v1  }
0xcc: {  	[tilespmem:s9], [sflag:$0x2] =	stream.indirect.gather [hbm4b:s2+s7], $0x80, s20, s7, $0xb8;
	[tilespmem:$0x18800] =	vst v63  }
0xcd: {  	_ =	swait.ge [sflag:s21], $0x4000  }
0xce: {  	[sflag:s21] =	ssyncset.done $0x0  }
0xcf: {  	s0 =	rddreg [dreg:$0x7];
	[sflag:s21] =	ssyncadd.s32 $0xFFFFC000  }
0xd0: {  	[hbm4b:s0+s3] =	stream.linear.scatter [tilespmem:s11], [sflag:$0x4], $0x4000, $0x38;
	[tilespmem:$0x18800] =	vst v63  }
0xd1: {  	_ =	swait.ge [sflag:s19], $0x4000  }
0xd2: {  	[sflag:s19] =	ssyncset.done $0x0  }
0xd3: {  	[sflag:s19] =	ssyncadd.s32 $0xFFFFC000  }
0xd4: {  	v1 =	vld [tilespmem:$0x400]  }
0xd5: {  	v2 =	vld [tilespmem:$0x410]  }
0xd6: {  	v3 =	vld [tilespmem:$0x420]  }
0xd7: {  	v60 =	vld [tilespmem:$0x430]  }
0xd8: {  	v61 =	vld [tilespmem:$0x440];
	_ =	sdelay $0x3  }
0xd9: {  	v1 =	vadd.s32 v0, v1;
	v2 =	vadd.s32 v0, v2  }
0xda: {  	v62 =	vld [tilespmem:$0x450];
	v3 =	vadd.s32 v0, v3;
	v4 =	vadd.s32 v0, v60;
	v5 =	vadd.s32 v0, v61  }
0xdb: {  	v63 =	vld [tilespmem:$0x460];
	vm13 =	vgt.s32 v1, $0x0;
	vm14 =	vgt.s32 v2, $0x0;
	vm15 =	vgt.s32 v3, $0x0  }
0xdc: {  	v12 =	vld [tilespmem:$0x470];
	vm4 =	vgt.s32 v4, $0x0;
	vm5 =	vgt.s32 v5, $0x0;
	v1 =	vnsel vm13, $0x0, v1  }
0xdd: {  	v2 =	vnsel vm14, $0x0, v2;
	v3 =	vnsel vm15, $0x0, v3;
	v1 =	vmin.u32 v1, $0xC34FF  }
0xde: {  	v2 =	vmin.u32 v2, $0xC34FF;
	[tilespmem:$0x400] =	vst v1;
	v1 =	vmin.u32 v3, $0xC34FF;
	v3 =	vnsel vm4, $0x0, v4  }
0xdf: {  	v13 =	vadd.s32 v0, v62;
	[tilespmem:$0x410] =	vst v2;
	v2 =	vmin.u32 v3, $0xC34FF;
	v3 =	vnsel vm5, $0x0, v5  }
0xe0: {  	vm6 =	vgt.s32 v13, $0x0;
	[tilespmem:$0x420] =	vst v1;
	v1 =	vmin.u32 v3, $0xC34FF;
	v3 =	vadd.s32 v0, v63  }
0xe1: {  	v14 =	vadd.s32 v0, v12;
	[tilespmem:$0x430] =	vst v2;
	v2 =	vnsel vm6, $0x0, v13;
	vm7 =	vgt.s32 v3, $0x0  }
0xe2: {  	vm8 =	vgt.s32 v14, $0x0;
	[tilespmem:$0x440] =	vst v1;
	v1 =	vmin.u32 v2, $0xC34FF;
	v2 =	vnsel vm7, $0x0, v3  }
0xe3: {  	[tilespmem:$0x450] =	vst v1;
	v1 =	vmin.u32 v2, $0xC34FF;
	v2 =	vnsel vm8, $0x0, v14  }
0xe4: {  	[tilespmem:$0x460] =	vst v1;
	v1 =	vmin.u32 v2, $0xC34FF  }
0xe5: {  	[tilespmem:$0x470] =	vst v1  }
0xe6: {  	[tilespmem:s10], [sflag:$0x3] =	stream.indirect.gather [hbm4b:s2+s7], $0x80, s22, s7, $0xb8;
	[tilespmem:$0x18800] =	vst v63  }
0xe7: {  	_ =	swait.ge [sflag:s23], $0x4000  }
0xe8: {  	[sflag:s23] =	ssyncset.done $0x0  }
0xe9: {  	s0 =	rddreg [dreg:$0x8];
	[sflag:s23] =	ssyncadd.s32 $0xFFFFC000  }
0xea: {  	[hbm4b:s0+s3] =	stream.linear.scatter [tilespmem:s13], [sflag:$0x5], $0x4000, $0x38;
	[tilespmem:$0x18800] =	vst v63  }
0xeb: {  	_ =	swait.ge [sflag:s21], $0x4000  }
0xec: {  	[sflag:s21] =	ssyncset.done $0x0  }
0xed: {  	[sflag:s21] =	ssyncadd.s32 $0xFFFFC000  }
0xee: {  	v1 =	vld [tilespmem:$0x480]  }
0xef: {  	v2 =	vld [tilespmem:$0x490]  }
0xf0: {  	v3 =	vld [tilespmem:$0x4A0]  }
0xf1: {  	v15 =	vld [tilespmem:$0x4B0]  }
0xf2: {  	v16 =	vld [tilespmem:$0x4C0];
	_ =	sdelay $0x3  }
0xf3: {  	v1 =	vadd.s32 v0, v1;
	v2 =	vadd.s32 v0, v2  }
0xf4: {  	v17 =	vld [tilespmem:$0x4D0];
	v3 =	vadd.s32 v0, v3;
	v4 =	vadd.s32 v0, v15;
	v5 =	vadd.s32 v0, v16  }
0xf5: {  	v18 =	vld [tilespmem:$0x4E0];
	vm9 =	vgt.s32 v1, $0x0;
	vm10 =	vgt.s32 v2, $0x0;
	vm11 =	vgt.s32 v3, $0x0  }
0xf6: {  	v19 =	vld [tilespmem:$0x4F0];
	vm12 =	vgt.s32 v4, $0x0;
	vm13 =	vgt.s32 v5, $0x0;
	v1 =	vnsel vm9, $0x0, v1  }
0xf7: {  	v2 =	vnsel vm10, $0x0, v2;
	v3 =	vnsel vm11, $0x0, v3;
	v1 =	vmin.u32 v1, $0xC34FF  }
0xf8: {  	v2 =	vmin.u32 v2, $0xC34FF;
	[tilespmem:$0x480] =	vst v1;
	v1 =	vmin.u32 v3, $0xC34FF;
	v3 =	vnsel vm12, $0x0, v4  }
0xf9: {  	v20 =	vadd.s32 v0, v17;
	[tilespmem:$0x490] =	vst v2;
	v2 =	vmin.u32 v3, $0xC34FF;
	v3 =	vnsel vm13, $0x0, v5  }
0xfa: {  	vm14 =	vgt.s32 v20, $0x0;
	[tilespmem:$0x4A0] =	vst v1;
	v1 =	vmin.u32 v3, $0xC34FF;
	v3 =	vadd.s32 v0, v18  }
0xfb: {  	v21 =	vadd.s32 v0, v19;
	[tilespmem:$0x4B0] =	vst v2;
	v2 =	vnsel vm14, $0x0, v20;
	vm15 =	vgt.s32 v3, $0x0  }
0xfc: {  	vm4 =	vgt.s32 v21, $0x0;
	[tilespmem:$0x4C0] =	vst v1;
	v1 =	vmin.u32 v2, $0xC34FF;
	v2 =	vnsel vm15, $0x0, v3  }
0xfd: {  	[tilespmem:$0x4D0] =	vst v1;
	v1 =	vmin.u32 v2, $0xC34FF;
	v2 =	vnsel vm4, $0x0, v21  }
0xfe: {  	[tilespmem:$0x4E0] =	vst v1;
	v1 =	vmin.u32 v2, $0xC34FF  }
0xff: {  	[tilespmem:$0x4F0] =	vst v1  }
0x100: {  	[tilespmem:s11], [sflag:$0x4] =	stream.indirect.gather [hbm4b:s2+s7], $0x80, s24, s7, $0xb8;
	[tilespmem:$0x18800] =	vst v63  }
0x101: {  	_ =	swait.ge [sflag:s25], $0x4000  }
0x102: {  	[sflag:s25] =	ssyncset.done $0x0  }
0x103: {  	s0 =	rddreg [dreg:$0x9];
	[sflag:s25] =	ssyncadd.s32 $0xFFFFC000  }
0x104: {  	[hbm4b:s0+s3] =	stream.linear.scatter [tilespmem:s16], [sflag:$0x6], $0x4000, $0x38;
	[tilespmem:$0x18800] =	vst v63  }
0x105: {  	_ =	swait.ge [sflag:s23], $0x4000  }
0x106: {  	[sflag:s23] =	ssyncset.done $0x0  }
0x107: {  	[sflag:s23] =	ssyncadd.s32 $0xFFFFC000  }
0x108: {  	v1 =	vld [tilespmem:$0x500]  }
0x109: {  	v2 =	vld [tilespmem:$0x510]  }
0x10a: {  	v3 =	vld [tilespmem:$0x520]  }
0x10b: {  	v22 =	vld [tilespmem:$0x530]  }
0x10c: {  	v23 =	vld [tilespmem:$0x540];
	_ =	sdelay $0x3  }
0x10d: {  	v1 =	vadd.s32 v0, v1;
	v2 =	vadd.s32 v0, v2  }
0x10e: {  	v24 =	vld [tilespmem:$0x550];
	v3 =	vadd.s32 v0, v3;
	v4 =	vadd.s32 v0, v22;
	v5 =	vadd.s32 v0, v23  }
0x10f: {  	v25 =	vld [tilespmem:$0x560];
	vm5 =	vgt.s32 v1, $0x0;
	vm6 =	vgt.s32 v2, $0x0;
	vm7 =	vgt.s32 v3, $0x0  }
0x110: {  	v26 =	vld [tilespmem:$0x570];
	vm8 =	vgt.s32 v4, $0x0;
	vm9 =	vgt.s32 v5, $0x0;
	v1 =	vnsel vm5, $0x0, v1  }
0x111: {  	v2 =	vnsel vm6, $0x0, v2;
	v3 =	vnsel vm7, $0x0, v3;
	v1 =	vmin.u32 v1, $0xC34FF  }
0x112: {  	v2 =	vmin.u32 v2, $0xC34FF;
	[tilespmem:$0x500] =	vst v1;
	v1 =	vmin.u32 v3, $0xC34FF;
	v3 =	vnsel vm8, $0x0, v4  }
0x113: {  	v27 =	vadd.s32 v0, v24;
	[tilespmem:$0x510] =	vst v2;
	v2 =	vmin.u32 v3, $0xC34FF;
	v3 =	vnsel vm9, $0x0, v5  }
0x114: {  	vm10 =	vgt.s32 v27, $0x0;
	[tilespmem:$0x520] =	vst v1;
	v1 =	vmin.u32 v3, $0xC34FF;
	v3 =	vadd.s32 v0, v25  }
0x115: {  	v28 =	vadd.s32 v0, v26;
	[tilespmem:$0x530] =	vst v2;
	v2 =	vnsel vm10, $0x0, v27;
	vm11 =	vgt.s32 v3, $0x0  }
0x116: {  	vm12 =	vgt.s32 v28, $0x0;
	[tilespmem:$0x540] =	vst v1;
	v1 =	vmin.u32 v2, $0xC34FF;
	v2 =	vnsel vm11, $0x0, v3  }
0x117: {  	[tilespmem:$0x550] =	vst v1;
	v1 =	vmin.u32 v2, $0xC34FF;
	v2 =	vnsel vm12, $0x0, v28  }
0x118: {  	[tilespmem:$0x560] =	vst v1;
	v1 =	vmin.u32 v2, $0xC34FF  }
0x119: {  	[tilespmem:$0x570] =	vst v1  }
0x11a: {  	[tilespmem:s13], [sflag:$0x5] =	stream.indirect.gather [hbm4b:s2+s7], $0x80, s26, s7, $0xb8;
	[tilespmem:$0x18800] =	vst v63  }
0x11b: {  	_ =	swait.ge [sflag:s14], $0x4000  }
0x11c: {  	[sflag:s14] =	ssyncset.done $0x0  }
0x11d: {  	s0 =	rddreg [dreg:$0xa];
	[sflag:s14] =	ssyncadd.s32 $0xFFFFC000  }
0x11e: {  	[hbm4b:s0+s3] =	stream.linear.scatter [tilespmem:s8], [sflag:$0x1], $0x4000, $0x38;
	[tilespmem:$0x18800] =	vst v63  }
0x11f: {  	_ =	swait.ge [sflag:s25], $0x4000  }
0x120: {  	[sflag:s25] =	ssyncset.done $0x0  }
0x121: {  	[sflag:s25] =	ssyncadd.s32 $0xFFFFC000  }
0x122: {  	v1 =	vld [tilespmem:$0x580]  }
0x123: {  	v2 =	vld [tilespmem:$0x590]  }
0x124: {  	v3 =	vld [tilespmem:$0x5A0]  }
0x125: {  	v29 =	vld [tilespmem:$0x5B0]  }
0x126: {  	v30 =	vld [tilespmem:$0x5C0];
	_ =	sdelay $0x3  }
0x127: {  	v1 =	vadd.s32 v0, v1;
	v2 =	vadd.s32 v0, v2  }
0x128: {  	v31 =	vld [tilespmem:$0x5D0];
	v3 =	vadd.s32 v0, v3;
	v4 =	vadd.s32 v0, v29;
	v5 =	vadd.s32 v0, v30  }
0x129: {  	v32 =	vld [tilespmem:$0x5E0];
	vm13 =	vgt.s32 v1, $0x0;
	vm14 =	vgt.s32 v2, $0x0;
	vm15 =	vgt.s32 v3, $0x0  }
0x12a: {  	v33 =	vld [tilespmem:$0x5F0];
	vm4 =	vgt.s32 v4, $0x0;
	vm5 =	vgt.s32 v5, $0x0;
	v1 =	vnsel vm13, $0x0, v1  }
0x12b: {  	v2 =	vnsel vm14, $0x0, v2;
	v3 =	vnsel vm15, $0x0, v3;
	v1 =	vmin.u32 v1, $0xC34FF  }
0x12c: {  	v2 =	vmin.u32 v2, $0xC34FF;
	[tilespmem:$0x580] =	vst v1;
	v1 =	vmin.u32 v3, $0xC34FF;
	v3 =	vnsel vm4, $0x0, v4  }
0x12d: {  	v34 =	vadd.s32 v0, v31;
	[tilespmem:$0x590] =	vst v2;
	v2 =	vmin.u32 v3, $0xC34FF;
	v3 =	vnsel vm5, $0x0, v5  }
0x12e: {  	vm6 =	vgt.s32 v34, $0x0;
	[tilespmem:$0x5A0] =	vst v1;
	v1 =	vmin.u32 v3, $0xC34FF;
	v3 =	vadd.s32 v0, v32  }
0x12f: {  	v35 =	vadd.s32 v0, v33;
	[tilespmem:$0x5B0] =	vst v2;
	v2 =	vnsel vm6, $0x0, v34;
	vm7 =	vgt.s32 v3, $0x0  }
0x130: {  	vm8 =	vgt.s32 v35, $0x0;
	[tilespmem:$0x5C0] =	vst v1;
	v1 =	vmin.u32 v2, $0xC34FF;
	v2 =	vnsel vm7, $0x0, v3  }
0x131: {  	[tilespmem:$0x5D0] =	vst v1;
	v1 =	vmin.u32 v2, $0xC34FF;
	v2 =	vnsel vm8, $0x0, v35  }
0x132: {  	[tilespmem:$0x5E0] =	vst v1;
	v1 =	vmin.u32 v2, $0xC34FF  }
0x133: {  	[tilespmem:$0x5F0] =	vst v1  }
0x134: {  	[tilespmem:s16], [sflag:$0x6] =	stream.indirect.gather [hbm4b:s2+s7], $0x80, s28, s7, $0xb8;
	[tilespmem:$0x18800] =	vst v63  }
0x135: {  	_ =	swait.ge [sflag:s17], $0x4000  }
0x136: {  	[sflag:s17] =	ssyncset.done $0x0  }
0x137: {  	s0 =	rddreg [dreg:$0xb];
	[sflag:s17] =	ssyncadd.s32 $0xFFFFC000  }
0x138: {  	[hbm4b:s0+s3] =	stream.linear.scatter [tilespmem:s9], [sflag:$0x2], $0x4000, $0x38;
	[tilespmem:$0x18800] =	vst v63  }
0x139: {  	_ =	swait.ge [sflag:s14], $0x4000  }
0x13a: {  	[sflag:s14] =	ssyncset.done $0x0  }
0x13b: {  	[sflag:s14] =	ssyncadd.s32 $0xFFFFC000  }
0x13c: {  	v1 =	vld [tilespmem:$0x600]  }
0x13d: {  	v2 =	vld [tilespmem:$0x610]  }
0x13e: {  	v3 =	vld [tilespmem:$0x620]  }
0x13f: {  	v36 =	vld [tilespmem:$0x630]  }
0x140: {  	v37 =	vld [tilespmem:$0x640];
	_ =	sdelay $0x3  }
0x141: {  	v1 =	vadd.s32 v0, v1;
	v2 =	vadd.s32 v0, v2  }
0x142: {  	v38 =	vld [tilespmem:$0x650];
	v3 =	vadd.s32 v0, v3;
	v4 =	vadd.s32 v0, v36;
	v5 =	vadd.s32 v0, v37  }
0x143: {  	v39 =	vld [tilespmem:$0x660];
	vm9 =	vgt.s32 v1, $0x0;
	vm10 =	vgt.s32 v2, $0x0;
	vm11 =	vgt.s32 v3, $0x0  }
0x144: {  	v40 =	vld [tilespmem:$0x670];
	vm12 =	vgt.s32 v4, $0x0;
	vm13 =	vgt.s32 v5, $0x0;
	v1 =	vnsel vm9, $0x0, v1  }
0x145: {  	v2 =	vnsel vm10, $0x0, v2;
	v3 =	vnsel vm11, $0x0, v3;
	v1 =	vmin.u32 v1, $0xC34FF  }
0x146: {  	v2 =	vmin.u32 v2, $0xC34FF;
	[tilespmem:$0x600] =	vst v1;
	v1 =	vmin.u32 v3, $0xC34FF;
	v3 =	vnsel vm12, $0x0, v4  }
0x147: {  	v41 =	vadd.s32 v0, v38;
	[tilespmem:$0x610] =	vst v2;
	v2 =	vmin.u32 v3, $0xC34FF;
	v3 =	vnsel vm13, $0x0, v5  }
0x148: {  	vm14 =	vgt.s32 v41, $0x0;
	[tilespmem:$0x620] =	vst v1;
	v1 =	vmin.u32 v3, $0xC34FF;
	v3 =	vadd.s32 v0, v39  }
0x149: {  	v42 =	vadd.s32 v0, v40;
	[tilespmem:$0x630] =	vst v2;
	v2 =	vnsel vm14, $0x0, v41;
	vm15 =	vgt.s32 v3, $0x0  }
0x14a: {  	vm4 =	vgt.s32 v42, $0x0;
	[tilespmem:$0x640] =	vst v1;
	v1 =	vmin.u32 v2, $0xC34FF;
	v2 =	vnsel vm15, $0x0, v3  }
0x14b: {  	[tilespmem:$0x650] =	vst v1;
	v1 =	vmin.u32 v2, $0xC34FF;
	v2 =	vnsel vm4, $0x0, v42  }
0x14c: {  	[tilespmem:$0x660] =	vst v1;
	v1 =	vmin.u32 v2, $0xC34FF  }
0x14d: {  	[tilespmem:$0x670] =	vst v1  }
0x14e: {  	[tilespmem:s8], [sflag:$0x1] =	stream.indirect.gather [hbm4b:s2+s7], $0x80, s29, s7, $0xb8;
	[tilespmem:$0x18800] =	vst v63  }
0x14f: {  	_ =	swait.ge [sflag:s19], $0x4000  }
0x150: {  	[sflag:s19] =	ssyncset.done $0x0  }
0x151: {  	s0 =	rddreg [dreg:$0xc];
	[sflag:s19] =	ssyncadd.s32 $0xFFFFC000  }
0x152: {  	[hbm4b:s0+s3] =	stream.linear.scatter [tilespmem:s10], [sflag:$0x3], $0x4000, $0x38;
	[tilespmem:$0x18800] =	vst v63  }
0x153: {  	_ =	swait.ge [sflag:s17], $0x4000  }
0x154: {  	[sflag:s17] =	ssyncset.done $0x0  }
0x155: {  	[sflag:s17] =	ssyncadd.s32 $0xFFFFC000  }
0x156: {  	v1 =	vld [tilespmem:$0x680]  }
0x157: {  	v2 =	vld [tilespmem:$0x690]  }
0x158: {  	v3 =	vld [tilespmem:$0x6A0]  }
0x159: {  	v43 =	vld [tilespmem:$0x6B0]  }
0x15a: {  	v44 =	vld [tilespmem:$0x6C0];
	_ =	sdelay $0x3  }
0x15b: {  	v1 =	vadd.s32 v0, v1;
	v2 =	vadd.s32 v0, v2  }
0x15c: {  	v45 =	vld [tilespmem:$0x6D0];
	v3 =	vadd.s32 v0, v3;
	v4 =	vadd.s32 v0, v43;
	v5 =	vadd.s32 v0, v44  }
0x15d: {  	v46 =	vld [tilespmem:$0x6E0];
	vm5 =	vgt.s32 v1, $0x0;
	vm6 =	vgt.s32 v2, $0x0;
	vm7 =	vgt.s32 v3, $0x0  }
0x15e: {  	v47 =	vld [tilespmem:$0x6F0];
	vm8 =	vgt.s32 v4, $0x0;
	vm9 =	vgt.s32 v5, $0x0;
	v1 =	vnsel vm5, $0x0, v1  }
0x15f: {  	v2 =	vnsel vm6, $0x0, v2;
	v3 =	vnsel vm7, $0x0, v3;
	v1 =	vmin.u32 v1, $0xC34FF  }
0x160: {  	v2 =	vmin.u32 v2, $0xC34FF;
	[tilespmem:$0x680] =	vst v1;
	v1 =	vmin.u32 v3, $0xC34FF;
	v3 =	vnsel vm8, $0x0, v4  }
0x161: {  	v48 =	vadd.s32 v0, v45;
	[tilespmem:$0x690] =	vst v2;
	v2 =	vmin.u32 v3, $0xC34FF;
	v3 =	vnsel vm9, $0x0, v5  }
0x162: {  	vm10 =	vgt.s32 v48, $0x0;
	[tilespmem:$0x6A0] =	vst v1;
	v1 =	vmin.u32 v3, $0xC34FF;
	v3 =	vadd.s32 v0, v46  }
0x163: {  	v49 =	vadd.s32 v0, v47;
	[tilespmem:$0x6B0] =	vst v2;
	v2 =	vnsel vm10, $0x0, v48;
	vm11 =	vgt.s32 v3, $0x0  }
0x164: {  	vm12 =	vgt.s32 v49, $0x0;
	[tilespmem:$0x6C0] =	vst v1;
	v1 =	vmin.u32 v2, $0xC34FF;
	v2 =	vnsel vm11, $0x0, v3  }
0x165: {  	[tilespmem:$0x6D0] =	vst v1;
	v1 =	vmin.u32 v2, $0xC34FF;
	v2 =	vnsel vm12, $0x0, v49  }
0x166: {  	[tilespmem:$0x6E0] =	vst v1;
	v1 =	vmin.u32 v2, $0xC34FF  }
0x167: {  	[tilespmem:$0x6F0] =	vst v1  }
0x168: {  	[tilespmem:s9], [sflag:$0x2] =	stream.indirect.gather [hbm4b:s2+s7], $0x80, s30, s7, $0xb8;
	[tilespmem:$0x18800] =	vst v63  }
0x169: {  	_ =	swait.ge [sflag:s21], $0x4000  }
0x16a: {  	[sflag:s21] =	ssyncset.done $0x0  }
0x16b: {  	s0 =	rddreg [dreg:$0xd];
	[sflag:s21] =	ssyncadd.s32 $0xFFFFC000  }
0x16c: {  	[hbm4b:s0+s3] =	stream.linear.scatter [tilespmem:s11], [sflag:$0x4], $0x4000, $0x38;
	[tilespmem:$0x18800] =	vst v63  }
0x16d: {  	_ =	swait.ge [sflag:s19], $0x4000  }
0x16e: {  	[sflag:s19] =	ssyncset.done $0x0  }
0x16f: {  	[sflag:s19] =	ssyncadd.s32 $0xFFFFC000  }
0x170: {  	v1 =	vld [tilespmem:$0x700]  }
0x171: {  	v2 =	vld [tilespmem:$0x710]  }
0x172: {  	v3 =	vld [tilespmem:$0x720]  }
0x173: {  	v50 =	vld [tilespmem:$0x730]  }
0x174: {  	v51 =	vld [tilespmem:$0x740];
	_ =	sdelay $0x3  }
0x175: {  	v1 =	vadd.s32 v0, v1;
	v2 =	vadd.s32 v0, v2  }
0x176: {  	v52 =	vld [tilespmem:$0x750];
	v3 =	vadd.s32 v0, v3;
	v4 =	vadd.s32 v0, v50;
	v5 =	vadd.s32 v0, v51  }
0x177: {  	v53 =	vld [tilespmem:$0x760];
	vm13 =	vgt.s32 v1, $0x0;
	vm14 =	vgt.s32 v2, $0x0;
	vm15 =	vgt.s32 v3, $0x0  }
0x178: {  	v54 =	vld [tilespmem:$0x770];
	vm4 =	vgt.s32 v4, $0x0;
	vm5 =	vgt.s32 v5, $0x0;
	v1 =	vnsel vm13, $0x0, v1  }
0x179: {  	v2 =	vnsel vm14, $0x0, v2;
	v3 =	vnsel vm15, $0x0, v3;
	v1 =	vmin.u32 v1, $0xC34FF  }
0x17a: {  	v2 =	vmin.u32 v2, $0xC34FF;
	[tilespmem:$0x700] =	vst v1;
	v1 =	vmin.u32 v3, $0xC34FF;
	v3 =	vnsel vm4, $0x0, v4  }
0x17b: {  	v55 =	vadd.s32 v0, v52;
	[tilespmem:$0x710] =	vst v2;
	v2 =	vmin.u32 v3, $0xC34FF;
	v3 =	vnsel vm5, $0x0, v5  }
0x17c: {  	vm6 =	vgt.s32 v55, $0x0;
	[tilespmem:$0x720] =	vst v1;
	v1 =	vmin.u32 v3, $0xC34FF;
	v3 =	vadd.s32 v0, v53  }
0x17d: {  	v56 =	vadd.s32 v0, v54;
	[tilespmem:$0x730] =	vst v2;
	v2 =	vnsel vm6, $0x0, v55;
	vm7 =	vgt.s32 v3, $0x0  }
0x17e: {  	vm8 =	vgt.s32 v56, $0x0;
	[tilespmem:$0x740] =	vst v1;
	v1 =	vmin.u32 v2, $0xC34FF;
	v2 =	vnsel vm7, $0x0, v3  }
0x17f: {  	[tilespmem:$0x750] =	vst v1;
	v1 =	vmin.u32 v2, $0xC34FF;
	v2 =	vnsel vm8, $0x0, v56  }
0x180: {  	[tilespmem:$0x760] =	vst v1;
	v1 =	vmin.u32 v2, $0xC34FF  }
0x181: {  	[tilespmem:$0x770] =	vst v1  }
0x182: {  	[tilespmem:s10], [sflag:$0x3] =	stream.indirect.gather [hbm4b:s2+s7], $0x80, s31, s7, $0xb8;
	[tilespmem:$0x18800] =	vst v63  }
0x183: {  	_ =	swait.ge [sflag:s23], $0x4000  }
0x184: {  	[sflag:s23] =	ssyncset.done $0x0  }
0x185: {  	s0 =	rddreg [dreg:$0xe];
	[sflag:s23] =	ssyncadd.s32 $0xFFFFC000  }
0x186: {  	[hbm4b:s0+s3] =	stream.linear.scatter [tilespmem:s13], [sflag:$0x5], $0x4000, $0x38;
	[tilespmem:$0x18800] =	vst v63  }
0x187: {  	_ =	swait.ge [sflag:s21], $0x4000  }
0x188: {  	[sflag:s21] =	ssyncset.done $0x0  }
0x189: {  	[sflag:s21] =	ssyncadd.s32 $0xFFFFC000  }
0x18a: {  	v1 =	vld [tilespmem:$0x780]  }
0x18b: {  	v2 =	vld [tilespmem:$0x790]  }
0x18c: {  	v3 =	vld [tilespmem:$0x7A0]  }
0x18d: {  	v57 =	vld [tilespmem:$0x7B0]  }
0x18e: {  	v58 =	vld [tilespmem:$0x7C0]  }
0x18f: {  	v59 =	vld [tilespmem:$0x7D0]  }
0x190: {  	v61 =	vld [tilespmem:$0x7F0];
	_ =	sdelay $0x2  }
0x191: {  	v1 =	vadd.s32 v0, v1;
	v2 =	vadd.s32 v0, v2  }
0x192: {  	v3 =	vadd.s32 v0, v3;
	v4 =	vadd.s32 v0, v57;
	v5 =	vadd.s32 v0, v58  }
0x193: {  	v60 =	vld [tilespmem:$0x7E0];
	v62 =	vadd.s32 v0, v59;
	v63 =	vadd.s32 v0, v61;
	vm9 =	vgt.s32 v1, $0x0  }
0x194: {  	vm10 =	vgt.s32 v2, $0x0;
	vm11 =	vgt.s32 v3, $0x0;
	v1 =	vnsel vm9, $0x0, v1  }
0x195: {  	vm12 =	vgt.s32 v4, $0x0;
	v2 =	vnsel vm10, $0x0, v2;
	v1 =	vmin.u32 v1, $0xC34FF  }
0x196: {  	vm1 =	vgt.s32 v5, $0x0;
	v3 =	vnsel vm11, $0x0, v3;
	v2 =	vmin.u32 v2, $0xC34FF;
	[tilespmem:$0x780] =	vst v1  }
0x197: {  	vm13 =	vgt.s32 v62, $0x0;
	v4 =	vnsel vm12, $0x0, v4;
	[tilespmem:$0x790] =	vst v2;
	v2 =	vmin.u32 v3, $0xC34FF  }
0x198: {  	v1 =	vnsel vm1, $0x0, v5;
	v3 =	vmin.u32 v4, $0xC34FF;
	[tilespmem:$0x7A0] =	vst v2;
	v2 =	vadd.s32 v0, v60  }
0x199: {  	v1 =	vmin.u32 v1, $0xC34FF;
	[tilespmem:$0x7B0] =	vst v3;
	v3 =	vnsel vm13, $0x0, v62;
	vm14 =	vgt.s32 v2, $0x0  }
0x19a: {  	vm15 =	vgt.s32 v63, $0x0;
	[tilespmem:$0x7C0] =	vst v1;
	v1 =	vmin.u32 v3, $0xC34FF;
	v2 =	vnsel vm14, $0x0, v2  }
0x19b: {  	[tilespmem:$0x7D0] =	vst v1;
	v1 =	vnsel vm15, $0x0, v63;
	v2 =	vmin.u32 v2, $0xC34FF  }
0x19c: {  	v1 =	vmin.u32 v1, $0xC34FF;
	[tilespmem:$0x7E0] =	vst v2  }
0x19d: {  	[tilespmem:$0x7F0] =	vst v1  }
0x19e: {  	[tilespmem:s11], [sflag:$0x4] =	stream.indirect.gather [hbm4b:s2+s7], $0x80, s1, s7, $0xb8;
	[tilespmem:$0x18800] =	vst v63  }
0x19f: {  	_ =	swait.ge [sflag:s25], $0x4000  }
0x1a0: {  	[sflag:s25] =	ssyncset.done $0x0  }
0x1a1: {  	s0 =	rddreg [dreg:$0xf];
	[sflag:s25] =	ssyncadd.s32 $0xFFFFC000  }
0x1a2: {  	[hbm4b:s0+s3] =	stream.linear.scatter [tilespmem:s16], [sflag:$0x6], $0x4000, $0x38;
	[tilespmem:$0x18800] =	vst v63  }
0x1a3: {  	_ =	swait.ge [sflag:s14], $0x4000  }
0x1a4: {  	[sflag:s14] =	ssyncset.done $0x0  }
0x1a5: {  	s0 =	rddreg [dreg:$0x10];
	[sflag:s14] =	ssyncadd.s32 $0xFFFFC000  }
0x1a6: {  	[hbm4b:s0+s3] =	stream.linear.scatter [tilespmem:s8], [sflag:$0x1], $0x4000, $0x38;
	[tilespmem:$0x18800] =	vst v63  }
0x1a7: {  	_ =	swait.ge [sflag:s17], $0x4000  }
0x1a8: {  	[sflag:s17] =	ssyncset.done $0x0  }
0x1a9: {  	s0 =	rddreg [dreg:$0x11];
	[sflag:s17] =	ssyncadd.s32 $0xFFFFC000  }
0x1aa: {  	[hbm4b:s0+s3] =	stream.linear.scatter [tilespmem:s9], [sflag:$0x2], $0x4000, $0x38;
	[tilespmem:$0x18800] =	vst v63  }
0x1ab: {  	_ =	swait.ge [sflag:s19], $0x4000  }
0x1ac: {  	[sflag:s19] =	ssyncset.done $0x0  }
0x1ad: {  	s0 =	rddreg [dreg:$0x12];
	[sflag:s19] =	ssyncadd.s32 $0xFFFFC000  }
0x1ae: {  	[hbm4b:s0+s3] =	stream.linear.scatter [tilespmem:s10], [sflag:$0x3], $0x4000, $0x38;
	[tilespmem:$0x18800] =	vst v63  }
0x1af: {  	_ =	swait.ge [sflag:s21], $0x4000  }
0x1b0: {  	[sflag:s21] =	ssyncset.done $0x0  }
0x1b1: {  	s0 =	rddreg [dreg:$0x13];
	[sflag:s21] =	ssyncadd.s32 $0xFFFFC000  }
0x1b2: {  	[hbm4b:s0+s3] =	stream.linear.scatter [tilespmem:s11], [sflag:$0x4], $0x4000, $0x38;
	[tilespmem:$0x18800] =	vst v63  }
0x1b3: {  	_ =	swait.ge [sflag:s23], $0x4000  }
0x1b4: {  	[sflag:s23] =	ssyncset.done $0x0  }
0x1b5: {  	[sflag:s23] =	ssyncadd.s32 $0xFFFFC000  }
0x1b6: {  	_ =	swait.ge [sflag:s25], $0x4000  }
0x1b7: {  	[sflag:s25] =	ssyncset.done $0x0  }
0x1b8: {  	[sflag:s25] =	ssyncadd.s32 $0xFFFFC000  }
0x1b9: {  	_ =	swait.ge [sflag:s14], $0x4000  }
0x1ba: {  	[sflag:s14] =	ssyncset.done $0x0  }
0x1bb: {  	[sflag:s14] =	ssyncadd.s32 $0xFFFFC000  }
0x1bc: {  	_ =	swait.ge [sflag:s17], $0x4000  }
0x1bd: {  	[sflag:s17] =	ssyncset.done $0x0  }
0x1be: {  	[sflag:s17] =	ssyncadd.s32 $0xFFFFC000  }
0x1bf: {  	p0 =	sne.s32 s5, $0x1;
	_ =	swait.ge [sflag:s19], $0x4000  }
.Ltmp0:
0x1c0: {  	[sflag:s19] =	ssyncset.done $0x0;
	(pc) =	sbr.rel @p0 .LBB2_1-.Ltmp0, $4  }
0x1c1: {  	[sflag:s19] =	ssyncadd.s32 $0xFFFFC000  }
0x1c2: {  	_ =	swait.ge [sflag:s21], $0x4000  }
0x1c3: {  	[sflag:s21] =	ssyncset.done $0x0  }
0x1c4: {  	s5 =	sadd.s32 $0xFFFFFFFF, s5;
	[sflag:s21] =	ssyncadd.s32 $0xFFFFC000  }
0x1c5: {  	_ =	sfence.sel $0x180000  }
0x1c6: {  	[bflag:$0x0] =	sbarrier.arrive $0xFFFF  }
0x1c7: {  	_ =	strace $0x90000047  }
0x1c8: {  	s0 =	stileid.u32;
	[bflag:$0x2] =	sbarrier.arrive $0xFFFF  }
0x1c9: {  	p0 =	sne.s32 s0, $0x0;
	s0 =	rddreg [dreg:$0x3]  }
0x1ca: {  	s0 =	sadd.s32 @!p0 $0x100000, s0  }
0x1cb: {  	[sflag:s0] =	ssyncadd.tile.s32 @!p0 $0x1;
	_ =	shalt  }
.Lfunc_end2:
_tile_overlayer_lowered:
.L_overlay_start_2:
0x1cc: {  	(tag) =	ssettag $0x2  }
0x1cd: {  	s0 =	rddreg [dreg:$0x0];
	s2 =	stileid.u32  }
0x1ce: {  	s1 =	rddreg [dreg:$0x1];
	p0 =	sne.s32 s2, $0x0  }
0x1cf: {  	s3 =	rddreg [dreg:$0x2];
	[bflag:$0x3] =	sbarrier.arrive $0xFFFF;
	s2 =	simm.s32 @!p0 $0x1C07  }
0x1d0: {  	[timem:s3], [sflag:s2] =	dma.local @!p0 [hbm:s0], s1  }
0x1d1: {  	s0 =	simm.s32 @!p0 $0x7  }
0x1d2: {  	_ =	swait.ge @!p0 [sflag:s0], s1  }
0x1d3: {  	s1 =	ssub.s32 @!p0 $0x0, s1;
	[sflag:s0] =	ssyncset.done @!p0 $0x0  }
0x1d4: {  	[sflag:s0] =	ssyncadd.s32 @!p0 s1  }
0x1d5: {  	[bflag:$0x3] =	sbarrier.arrive $0xFFFF  }
0x1d6: {  	_ =	shalt  }

</sc_bundles>
